<compile_context>
chip_gen: v7x
topology: tpu7x:2x2x1
jax: 0.10.2.dev20260603
libtpu: 0.0.44.dev20260713+nightly
codegen_flags: <defaults>
</compile_context>

<pallas_src>
import functools

import jax
import jax.numpy as jnp
from jax import lax
from jax.experimental import pallas as pl
from jax.experimental.pallas import tpu as pltpu
from jax.experimental.pallas import tpu_sc as plsc

_N = 10000
_E = 320000
_H = 128
_NP = 10240
_BLK_N = 512
_NB_N = _NP // _BLK_N
_BLK_E = 2000
_NB_E = _E // _BLK_E

_NC = 2
_NS = 16
_NW = _NC * _NS
_EPW = _E // _NW
_C = 80
_NCH = _EPW // _C
_RPT = _NP // _NS

_F32 = jnp.float32


def _sc_mesh():
    return plsc.VectorSubcoreMesh(
        core_axis_name="c", subcore_axis_name="s",
        num_cores=_NC, num_subcores=_NS)


def _make_gather_combine(d):

    @functools.partial(
        pl.kernel,
        out_type=jax.ShapeDtypeStruct((_E, d), _F32),
        mesh=_sc_mesh(),
        scratch_types=[
            pltpu.VMEM((_EPW,), jnp.int32),
            pltpu.VMEM((_EPW,), jnp.int32),
            pltpu.VMEM((2, _C, d), _F32),
            pltpu.VMEM((2, _C, d), _F32),
            pltpu.SemaphoreType.DMA, pltpu.SemaphoreType.DMA,
            pltpu.SemaphoreType.DMA, pltpu.SemaphoreType.DMA,
            pltpu.SemaphoreType.DMA, pltpu.SemaphoreType.DMA,
        ],
    )
    def k(a_hbm, b_hbm, ia_hbm, ib_hbm, out_hbm, ia_v, ib_v, ra_v, rb_v,
          sa0, sa1, sb0, sb1, sw0, sw1):
        sa = (sa0, sa1)
        sb = (sb0, sb1)
        sw = (sw0, sw1)
        wid = lax.axis_index("s") * _NC + lax.axis_index("c")
        base = wid * _EPW
        pltpu.sync_copy(ia_hbm.at[pl.ds(base, _EPW)], ia_v)
        pltpu.sync_copy(ib_hbm.at[pl.ds(base, _EPW)], ib_v)

        def g_args(j, b):
            return ((a_hbm.at[ia_v.at[pl.ds(j * _C, _C)]], ra_v.at[b], sa[b]),
                    (b_hbm.at[ib_v.at[pl.ds(j * _C, _C)]], rb_v.at[b], sb[b]))

        def fire_gather(j, b):
            for args in g_args(j, b):
                pltpu.async_copy(*args)

        def wait_gather(j, b):
            for args in g_args(j, b):
                pltpu.make_async_copy(*args).wait()

        def wb_args(j, b):
            return (ra_v.at[b], out_hbm.at[pl.ds(base + j * _C, _C)], sw[b])

        def step(j, b, bp):
            @pl.when(j < _NCH)
            def _():
                wait_gather(j, b)

                def row(r, cc):
                    for q in range(d // 16):
                        sl = pl.ds(q * 16, 16)
                        ra_v[b, r, sl] = ra_v[b, r, sl] + rb_v[b, r, sl]
                    return cc

                lax.fori_loop(0, _C, row, 0)
                pltpu.async_copy(*wb_args(j, b))

                @pl.when(j + 1 < _NCH)
                def _():
                    @pl.when(j >= 1)
                    def _():
                        pltpu.make_async_copy(*wb_args(j - 1, bp)).wait()

                    fire_gather(j + 1, bp)

        fire_gather(0, 0)

        def body(jj, carry):
            step(2 * jj, 0, 1)
            step(2 * jj + 1, 1, 0)
            return carry

        lax.fori_loop(0, (_NCH + 1) // 2, body, 0)
        pltpu.make_async_copy(*wb_args(_NCH - 2, (_NCH - 2) % 2)).wait()
        pltpu.make_async_copy(*wb_args(_NCH - 1, (_NCH - 1) % 2)).wait()

    return k


def _make_scatter_add():

    @functools.partial(
        pl.kernel,
        out_type=jax.ShapeDtypeStruct((_NC, _NP, _H), _F32),
        mesh=_sc_mesh(),
        scratch_types=[
            pltpu.VMEM((2, _C), jnp.int32),
            pltpu.VMEM((2, _C, _H), _F32),
            pltpu.VMEM_SHARED((_NP, _H), _F32),
            pltpu.SemaphoreType.DMA, pltpu.SemaphoreType.DMA,
            pltpu.SemaphoreType.DMA, pltpu.SemaphoreType.DMA,
        ],
    )
    def k(e_hbm, idx_hbm, out_hbm, ib_v, ev, agg_sh, si0, si1, se0, se1):
        si = (si0, si1)
        se = (se0, se1)
        cid = lax.axis_index("c")
        sid = lax.axis_index("s")
        wid = sid * _NC + cid

        def zrow(r, cc):
            for q in range(_H // 16):
                ev[0, r, pl.ds(q * 16, 16)] = jnp.zeros((16,), _F32)
            return cc

        lax.fori_loop(0, _C, zrow, 0)

        def zcp(q, cc):
            pltpu.sync_copy(ev.at[0], agg_sh.at[pl.ds(sid * _RPT + q * _C, _C)])
            return cc

        lax.fori_loop(0, _RPT // _C, zcp, 0)
        plsc.subcore_barrier()

        base = wid * _EPW

        def ld_args(j, b):
            off = base + j * _C
            return ((idx_hbm.at[pl.ds(off, _C)], ib_v.at[b], si[b]),
                    (e_hbm.at[pl.ds(off, _C)], ev.at[b], se[b]))

        def fire_loads(j, b):
            for args in ld_args(j, b):
                pltpu.async_copy(*args)

        def step(j, b):
            @pl.when(j < _NCH)
            def _():
                for args in ld_args(j, b):
                    pltpu.make_async_copy(*args).wait()
                pltpu.sync_copy(ev.at[b], agg_sh.at[ib_v.at[b]], add=True)

                @pl.when(j + 2 < _NCH)
                def _():
                    fire_loads(j + 2, b)

        fire_loads(0, 0)
        fire_loads(1, 1)

        def body(jj, carry):
            step(2 * jj, 0)
            step(2 * jj + 1, 1)
            return carry

        lax.fori_loop(0, (_NCH + 1) // 2, body, 0)
        plsc.subcore_barrier()
        pltpu.sync_copy(agg_sh.at[pl.ds(sid * _RPT, _RPT)],
                        out_hbm.at[cid, pl.ds(sid * _RPT, _RPT)])

    return k


def _ln(o, g, beta):
    mu = jnp.mean(o, axis=-1, keepdims=True)
    var = jnp.mean((o - mu) ** 2, axis=-1, keepdims=True)
    return (o - mu) * lax.rsqrt(var + 1e-5) * g + beta


def _full(shape):
    nd = len(shape)
    return pl.BlockSpec(shape, lambda i: (0,) * nd)


def _node_enc(F, PT3, W1vp, TE, b1n, W2n, b2n, gn, bn, Wxy, b1e, Wd, Ws, b11):
    def body(f_ref, pt_ref, w1_ref, te_ref, b1_ref, w2_ref, b2_ref, g_ref,
             be_ref, wxy_ref, b1e_ref, wd_ref, ws_ref, b11_ref,
             x_ref, aq_ref, bq_ref, a1_ref, b1o_ref):
        f = f_ref[...]
        pt = pt_ref[0, 0, :]
        oh = (pt[:, None] == lax.broadcasted_iota(jnp.int32, (_BLK_N, 8), 1)
              ).astype(_F32)
        x1 = f @ w1_ref[...] + oh @ te_ref[...] + b1_ref[...]
        h = jnp.maximum(x1, 0.0)
        x = _ln(h @ w2_ref[...] + b2_ref[...], g_ref[...], be_ref[...])
        x_ref[...] = x
        q = f[:, 10:12] @ wxy_ref[...]
        aq_ref[...] = q + b1e_ref[...]
        bq_ref[...] = -q
        a1_ref[...] = x @ wd_ref[...] + b11_ref[...]
        b1o_ref[...] = x @ ws_ref[...]

    row = pl.BlockSpec((_BLK_N, _H), lambda i: (i, 0))
    return pl.pallas_call(
        body,
        grid=(_NB_N,),
        in_specs=[
            pl.BlockSpec((_BLK_N, 12), lambda i: (i, 0)),
            pl.BlockSpec((1, 1, _BLK_N), lambda i: (i, 0, 0)),
            _full((12, _H)), _full((8, _H)), _full((1, _H)),
            _full((_H, _H)), _full((1, _H)), _full((1, _H)), _full((1, _H)),
            _full((2, _H)), _full((1, _H)),
            _full((_H, _H)), _full((_H, _H)), _full((1, _H)),
        ],
        out_specs=[row, row, row, row, row],
        out_shape=[jax.ShapeDtypeStruct((_NP, _H), _F32)] * 5,
    )(F, PT3, W1vp, TE, b1n, W2n, b2n, gn, bn, Wxy, b1e, Wd, Ws, b11)


def _edge_block0(G0, G1, Pinv, b1e, w1r2, W2e, b2e, ge, bee, We, W2, b2, g,
                 beta):
    def body(g0_ref, g1_ref, pi_ref, b1_ref, w1_ref, w2e_ref, b2e_ref, ge_ref,
             bee_ref, we_ref, w2_ref, b2_ref, g_ref, be_ref, out_ref):
        g0 = g0_ref[...]
        delta = (g0 - b1_ref[...]) @ pi_ref[...]
        dist = jnp.sqrt(jnp.sum(delta * delta, axis=-1, keepdims=True))
        h0 = jnp.maximum(g0 + dist * w1_ref[...], 0.0)
        e0 = _ln(h0 @ w2e_ref[...] + b2e_ref[...], ge_ref[...], bee_ref[...])
        h = jnp.maximum(g1_ref[...] + e0 @ we_ref[...], 0.0)
        out_ref[...] = _ln(h @ w2_ref[...] + b2_ref[...], g_ref[...], be_ref[...])

    row = pl.BlockSpec((_BLK_E, _H), lambda i: (i, 0))
    return pl.pallas_call(
        body,
        grid=(_NB_E,),
        in_specs=[
            row, row,
            _full((_H, 2)), _full((1, _H)), _full((1, _H)),
            _full((_H, _H)), _full((1, _H)), _full((1, _H)), _full((1, _H)),
            _full((_H, _H)), _full((_H, _H)),
            _full((1, _H)), _full((1, _H)), _full((1, _H)),
        ],
        out_specs=row,
        out_shape=jax.ShapeDtypeStruct((_E, _H), _F32),
    )(G0, G1, Pinv, b1e, w1r2, W2e, b2e, ge, bee, We, W2, b2, g, beta)


def _edge_block(G, e, W1e, W2, b2, g, beta):
    def body(g_ref, e_ref, w1_ref, w2_ref, b2_ref, g_ln, be_ref, out_ref):
        h = jnp.maximum(g_ref[...] + e_ref[...] @ w1_ref[...], 0.0)
        out_ref[...] = _ln(h @ w2_ref[...] + b2_ref[...], g_ln[...], be_ref[...])

    row = pl.BlockSpec((_BLK_E, _H), lambda i: (i, 0))
    return pl.pallas_call(
        body,
        grid=(_NB_E,),
        in_specs=[row, row, _full((_H, _H)), _full((_H, _H)),
                  _full((1, _H)), _full((1, _H)), _full((1, _H))],
        out_specs=row,
        out_shape=jax.ShapeDtypeStruct((_E, _H), _F32),
    )(G, e, W1e, W2, b2, g, beta)


def _node_update(x, agg2, W1x, W1a, b1, W2, b2, g, beta, Wd, Ws, b1n):
    def body(x_ref, a_ref, w1x_ref, w1a_ref, b1_ref, w2_ref, b2_ref, g_ref,
             be_ref, wd_ref, ws_ref, b1n_ref, xn_ref, an_ref, bn_ref):
        x0 = x_ref[...]
        agg = a_ref[0] + a_ref[1]
        h = jnp.maximum(x0 @ w1x_ref[...] + agg @ w1a_ref[...] + b1_ref[...], 0.0)
        xn = x0 + _ln(h @ w2_ref[...] + b2_ref[...], g_ref[...], be_ref[...])
        xn_ref[...] = xn
        an_ref[...] = xn @ wd_ref[...] + b1n_ref[...]
        bn_ref[...] = xn @ ws_ref[...]

    row = pl.BlockSpec((_BLK_N, _H), lambda i: (i, 0))
    return pl.pallas_call(
        body,
        grid=(_NB_N,),
        in_specs=[
            row, pl.BlockSpec((_NC, _BLK_N, _H), lambda i: (0, i, 0)),
            _full((_H, _H)), _full((_H, _H)), _full((1, _H)),
            _full((_H, _H)), _full((1, _H)), _full((1, _H)), _full((1, _H)),
            _full((_H, _H)), _full((_H, _H)), _full((1, _H)),
        ],
        out_specs=[row, row, row],
        out_shape=[jax.ShapeDtypeStruct((_NP, _H), _F32)] * 3,
    )(x, agg2, W1x, W1a, b1, W2, b2, g, beta, Wd, Ws, b1n)


def _node_final(x, agg2, W1x, W1a, b1, W2, b2, g, beta,
                W1m, b1m, W2m, b2m, W1v, b1v, W2v, b2v):
    def body(x_ref, a_ref, w1x_ref, w1a_ref, b1_ref, w2_ref, b2_ref, g_ref,
             be_ref, w1m_ref, b1m_ref, w2m_ref, b2m_ref,
             w1v_ref, b1v_ref, w2v_ref, b2v_ref, mu_ref, kl_ref):
        i = pl.program_id(0)
        x0 = x_ref[...]
        agg = a_ref[0] + a_ref[1]
        h = jnp.maximum(x0 @ w1x_ref[...] + agg @ w1a_ref[...] + b1_ref[...], 0.0)
        xn = x0 + _ln(h @ w2_ref[...] + b2_ref[...], g_ref[...], be_ref[...])
        hm = jnp.maximum(xn @ w1m_ref[...] + b1m_ref[...], 0.0)
        mu = hm @ w2m_ref[...] + b2m_ref[...]
        mu_ref[...] = mu
        hv = jnp.maximum(xn @ w1v_ref[...] + b1v_ref[...], 0.0)
        lv = jnp.clip(hv @ w2v_ref[...] + b2v_ref[...], -10.0, 4.0)
        sig2 = jnp.exp(lv)
        s = jnp.sum(0.5 * (mu * mu + sig2 - lv - 1.0), axis=-1, keepdims=True)
        gidx = i * _BLK_N + lax.broadcasted_iota(jnp.int32, (_BLK_N, 1), 0)
        mask = (gidx < _N).astype(_F32)
        part = jnp.sum(s * mask) * (1.0 / _N)

        @pl.when(i == 0)
        def _():
            kl_ref[...] = jnp.zeros((1, 1), _F32)

        kl_ref[...] = kl_ref[...] + part

    row = pl.BlockSpec((_BLK_N, _H), lambda i: (i, 0))
    return pl.pallas_call(
        body,
        grid=(_NB_N,),
        in_specs=[
            row, pl.BlockSpec((_NC, _BLK_N, _H), lambda i: (0, i, 0)),
            _full((_H, _H)), _full((_H, _H)), _full((1, _H)),
            _full((_H, _H)), _full((1, _H)), _full((1, _H)), _full((1, _H)),
            _full((_H, _H)), _full((1, _H)), _full((_H, 2)), _full((1, 2)),
            _full((_H, _H)), _full((1, _H)), _full((_H, 2)), _full((1, 2)),
        ],
        out_specs=[pl.BlockSpec((_BLK_N, 2), lambda i: (i, 0)),
                   pl.BlockSpec((1, 1), lambda i: (0, 0))],
        out_shape=[jax.ShapeDtypeStruct((_NP, 2), _F32),
                   jax.ShapeDtypeStruct((1, 1), _F32)],
    )(x, agg2, W1x, W1a, b1, W2, b2, g, beta,
      W1m, b1m, W2m, b2m, W1v, b1v, W2v, b2v)


_gather128 = _make_gather_combine(_H)
_scatter = _make_scatter_add()


def _r(v):
    return v.reshape(1, -1)


def kernel(pos, vel_history, particle_type, edge_index, params):
    p = params
    ne, ee = p["node_enc"], p["edge_enc"]
    blk0, blk1 = p["blocks"][0], p["blocks"][1]

    W1n = ne["W1"]
    W1vp = W1n[:12].at[8:10].add(W1n[12:14])
    TE = p["type_embed"] @ W1n[14:30]
    Wxy, w1r2 = ee["W1"][:2], _r(ee["W1"][2])
    gram = Wxy @ Wxy.T
    a, b, c = gram[0, 0], gram[0, 1], gram[1, 1]
    det = a * c - b * b
    gram_inv = jnp.stack([jnp.stack([c, -b]), jnp.stack([-b, a])]) / det
    Pinv = Wxy.T @ gram_inv

    def esplit(b):
        w = b["edge_mlp"]["W1"]
        return w[:_H], w[_H:2 * _H], w[2 * _H:]

    Wd0, Ws0, We0 = esplit(blk0)
    Wd1, Ws1, We1 = esplit(blk1)

    def nsplit(b):
        w = b["node_mlp"]["W1"]
        return w[:_H], w[_H:]

    Wx0, Wa0 = nsplit(blk0)
    Wx1, Wa1 = nsplit(blk1)

    vel_flat = vel_history.reshape(_N, -1)
    F = jnp.zeros((_NP, 12), _F32).at[:_N].set(
        jnp.concatenate([vel_flat, pos], axis=1))
    PT3 = jnp.zeros((_NP,), jnp.int32).at[:_N].set(
        particle_type.astype(jnp.int32)).reshape(_NB_N, 1, _BLK_N)
    src = edge_index[0].astype(jnp.int32)
    dst = edge_index[1].astype(jnp.int32)

    em0, nm0 = blk0["edge_mlp"], blk0["node_mlp"]
    x, Aq, Bq, A1, B1 = _node_enc(
        F, PT3, W1vp, TE, _r(ne["b1"]), ne["W2"], _r(ne["b2"]),
        _r(ne["g"]), _r(ne["beta"]), Wxy, _r(ee["b1"]), Wd0, Ws0,
        _r(blk0["edge_mlp"]["b1"]))
    G0 = _gather128(Aq, Bq, dst, src)
    G1 = _gather128(A1, B1, dst, src)
    e = _edge_block0(G0, G1, Pinv, _r(ee["b1"]), w1r2, ee["W2"], _r(ee["b2"]),
                     _r(ee["g"]), _r(ee["beta"]), We0, em0["W2"],
                     _r(em0["b2"]), _r(em0["g"]), _r(em0["beta"]))
    agg2 = _scatter(e, dst)
    x, A, B = _node_update(
        x, agg2, Wx0, Wa0, _r(nm0["b1"]), nm0["W2"], _r(nm0["b2"]),
        _r(nm0["g"]), _r(nm0["beta"]), Wd1, Ws1, _r(blk1["edge_mlp"]["b1"]))

    em1, nm1 = blk1["edge_mlp"], blk1["node_mlp"]
    G = _gather128(A, B, dst, src)
    e = _edge_block(G, e, We1, em1["W2"], _r(em1["b2"]), _r(em1["g"]),
                    _r(em1["beta"]))
    agg2 = _scatter(e, dst)
    mh, vh = p["mu_head"], p["logv_head"]
    mu, kl = _node_final(
        x, agg2, Wx1, Wa1, _r(nm1["b1"]), nm1["W2"], _r(nm1["b2"]),
        _r(nm1["g"]), _r(nm1["beta"]),
        mh["W1"], _r(mh["b1"]), mh["W2"], _r(mh["b2"]),
        vh["W1"], _r(vh["b1"]), vh["W2"], _r(vh["b2"]))

    return mu[:_N], kl.reshape(())

# --- scband reference (transcript-rebuilt; emitter-appended) ---
"""Pipeline reference for scband-lagrangian-gnn-55173149884912 (READ-ONLY COPY).

The authoritative reference and input builder live on the scoring server;
editing this copy changes nothing except your own understanding.
"""

import jax, jax.numpy as jnp
import numpy as np

N = 10000
E = 320000
D = 2
H = 128
T = 5
EMB = 16
NTYPES = 8
MP_STEPS = 2


def _init_linear(key, fan_in, fan_out):
    k1, k2 = jax.random.split(key)
    bound = 1.0 / np.sqrt(fan_in)
    W = jax.random.uniform(k1, (fan_in, fan_out), minval=-bound, maxval=bound, dtype=jnp.float32)
    b = jax.random.uniform(k2, (fan_out,), minval=-bound, maxval=bound, dtype=jnp.float32)
    return W, b


def _init_mlp(key, in_d, hid, out_d, ln=True):
    k1, k2 = jax.random.split(key)
    W1, b1 = _init_linear(k1, in_d, hid)
    W2, b2 = _init_linear(k2, hid, out_d)
    p = {"W1": W1, "b1": b1, "W2": W2, "b2": b2}
    if ln:
        p["g"] = jnp.ones((out_d,), jnp.float32)
        p["beta"] = jnp.zeros((out_d,), jnp.float32)
    return p


def _mlp_apply(p, x):
    # _mlp with layers=1: Linear -> ReLU -> Linear [-> LayerNorm]
    h = jax.nn.relu(x @ p["W1"] + p["b1"])
    o = h @ p["W2"] + p["b2"]
    if "g" in p:
        mu = o.mean(-1, keepdims=True)
        var = ((o - mu) ** 2).mean(-1, keepdims=True)
        o = (o - mu) / jnp.sqrt(var + 1e-5) * p["g"] + p["beta"]
    return o


def setup_inputs(seed: int = 0) -> dict:
    key = jax.random.key(seed)
    ks = jax.random.split(key, 16)
    pos = jax.random.normal(ks[0], (N, D), dtype=jnp.float32)
    vel_history = jax.random.normal(ks[1], (N, T, D), dtype=jnp.float32)
    particle_type = jax.random.randint(ks[2], (N,), 0, NTYPES)
    edge_index = jax.random.randint(ks[3], (2, E), 0, N)
    node_in = T * D + 2 * D + EMB  # vel history (flat) + pos + current vel + type embedding = 30
    edge_in = D + 1                # relative position + distance (use_equivariant_edges=False)
    params = {
        "type_embed": jax.random.normal(ks[4], (NTYPES, EMB), dtype=jnp.float32),
        "node_enc": _init_mlp(ks[5], node_in, H, H, ln=True),
        "edge_enc": _init_mlp(ks[6], edge_in, H, H, ln=True),
        "blocks": [
            {"edge_mlp": _init_mlp(jax.random.fold_in(ks[7], i), 3 * H, H, H, ln=True),
             "node_mlp": _init_mlp(jax.random.fold_in(ks[8], i), 2 * H, H, H, ln=True)}
            for i in range(MP_STEPS)
        ],
        "mu_head": _init_mlp(ks[9], H, H, D, ln=False),
        "logv_head": _init_mlp(ks[10], H, H, D, ln=False),
    }
    return {"pos": pos, "vel_history": vel_history, "particle_type": particle_type,
            "edge_index": edge_index, "params": params}


def reference(pos, vel_history, particle_type, edge_index, params):
    # ---- encode nodes ----
    emb = params["type_embed"][particle_type]                 # embedding gather
    vel_flat = vel_history.reshape(N, T * D)                  # no LSTM encoder
    vel_cur = vel_history[:, -1, :]
    node_feat = jnp.concatenate([vel_flat, pos, vel_cur, emb], axis=-1)
    x = _mlp_apply(params["node_enc"], node_feat)
    # ---- encode edges ----
    src = edge_index[0]
    dst = edge_index[1]
    delta = pos[dst] - pos[src]
    dist = jnp.linalg.norm(delta, axis=-1, keepdims=True)
    e = _mlp_apply(params["edge_enc"], jnp.concatenate([delta, dist], axis=-1))
    # ---- message passing (ParticleInteractionBlock) ----
    for blk in params["blocks"]:
        e = _mlp_apply(blk["edge_mlp"], jnp.concatenate([x[dst], x[src], e], axis=-1))
        agg = jnp.zeros((N, H), dtype=x.dtype).at[dst].add(e)  # scatter_add over dst
        x = x + _mlp_apply(blk["node_mlp"], jnp.concatenate([x, agg], axis=-1))
    # ---- stochastic decoder (eval mode -> deterministic mean) ----
    mu = _mlp_apply(params["mu_head"], x)
    logv = jnp.clip(_mlp_apply(params["logv_head"], x), -10.0, 4.0)
    sigma = jnp.exp(0.5 * logv)
    a_samp = mu
    kl = 0.5 * (mu ** 2 + sigma ** 2 - logv - 1.0).sum(axis=-1).mean()
    return a_samp, kl

if __name__ == "__main__":
    import jax
    _d = setup_inputs()
    print(jax.jit(kernel)(*tuple(_d.values())))

</pallas_src>

<mosaic_0001>
#map = affine_map<(d0, d1) -> (0, 0)>
#map1 = affine_map<(d0, d1) -> (0)>
module attributes {stable_mosaic.version = 14 : i64} {
  func.func @k(%arg0: i32, %arg1: i32, %arg2: memref<10240x128xf32, #tpu.memory_space<hbm>>, %arg3: memref<10240x128xf32, #tpu.memory_space<hbm>>, %arg4: memref<320000xi32, #tpu.memory_space<hbm>>, %arg5: memref<320000xi32, #tpu.memory_space<hbm>>, %arg6: memref<320000x128xf32, #tpu.memory_space<hbm>>, %arg7: memref<10000xi32, #tpu.memory_space<vmem>>, %arg8: memref<10000xi32, #tpu.memory_space<vmem>>, %arg9: memref<2x80x128xf32, #tpu.memory_space<vmem>>, %arg10: memref<2x80x128xf32, #tpu.memory_space<vmem>>, %arg11: memref<!tpu.dma_semaphore, #tpu.memory_space<semaphore_mem>>, %arg12: memref<!tpu.dma_semaphore, #tpu.memory_space<semaphore_mem>>, %arg13: memref<!tpu.dma_semaphore, #tpu.memory_space<semaphore_mem>>, %arg14: memref<!tpu.dma_semaphore, #tpu.memory_space<semaphore_mem>>, %arg15: memref<!tpu.dma_semaphore, #tpu.memory_space<semaphore_mem>>, %arg16: memref<!tpu.dma_semaphore, #tpu.memory_space<semaphore_mem>>) attributes {dimension_semantics = [#tpu.dimension_semantics<core_parallel>, #tpu.dimension_semantics<subcore_parallel>], iteration_bounds = array<i64: 2, 16>, scalar_prefetch = 0 : i64, scratch_operands = 10 : i64, tpu.core_type = #tpu.core_type<sc_vector_subcore>, window_params = [{transform_indices = #map}, {transform_indices = #map}, {transform_indices = #map1}, {transform_indices = #map1}, {transform_indices = #map}]} {
    %mul3A = arith.constant 2 : i32
    %mul3A_0 = arith.muli %arg1, %mul3A : i32
    %add3A = arith.addi %mul3A_0, %arg0 : i32
    %mul3A_1 = arith.constant 10000 : i32
    %mul3A_2 = arith.muli %add3A, %mul3A_1 : i32
    "tpu.region"() ({
      %run_scoped3A = tpu.sem_alloc : memref<!tpu.dma_semaphore, #tpu.memory_space<semaphore_mem>>
      %dma_start3A_56 = tpu.memref_slice %arg4[%mul3A_2] : memref<320000xi32, #tpu.memory_space<hbm>> -> memref<10000xi32, #tpu.memory_space<hbm>>
      %dma_start3A_57 = tpu.memref_slice %arg4[%mul3A_2] : memref<320000xi32, #tpu.memory_space<hbm>> -> memref<10000xi32, #tpu.memory_space<hbm>>
      tpu.enqueue_dma source(%dma_start3A_57 : memref<10000xi32, #tpu.memory_space<hbm>>) target(%arg7 : memref<10000xi32, #tpu.memory_space<vmem>>) target_semaphore(%run_scoped3A : memref<!tpu.dma_semaphore, #tpu.memory_space<semaphore_mem>>)
      %dma_wait3A_58 = tpu.memref_slice %arg4[%mul3A_2] : memref<320000xi32, #tpu.memory_space<hbm>> -> memref<10000xi32, #tpu.memory_space<hbm>>
      %dma_wait3A_59 = tpu.memref_slice %arg4[%mul3A_2] : memref<320000xi32, #tpu.memory_space<hbm>> -> memref<10000xi32, #tpu.memory_space<hbm>>
      tpu.wait_dma2 semaphore(%run_scoped3A : memref<!tpu.dma_semaphore, #tpu.memory_space<semaphore_mem>>) src(%dma_wait3A_59 : memref<10000xi32, #tpu.memory_space<hbm>>) dst(%arg7 : memref<10000xi32, #tpu.memory_space<vmem>>)
      tpu.yield
    }) : () -> ()
    "tpu.region"() ({
      %run_scoped3A = tpu.sem_alloc : memref<!tpu.dma_semaphore, #tpu.memory_space<semaphore_mem>>
      %dma_start3A_56 = tpu.memref_slice %arg5[%mul3A_2] : memref<320000xi32, #tpu.memory_space<hbm>> -> memref<10000xi32, #tpu.memory_space<hbm>>
      %dma_start3A_57 = tpu.memref_slice %arg5[%mul3A_2] : memref<320000xi32, #tpu.memory_space<hbm>> -> memref<10000xi32, #tpu.memory_space<hbm>>
      tpu.enqueue_dma source(%dma_start3A_57 : memref<10000xi32, #tpu.memory_space<hbm>>) target(%arg8 : memref<10000xi32, #tpu.memory_space<vmem>>) target_semaphore(%run_scoped3A : memref<!tpu.dma_semaphore, #tpu.memory_space<semaphore_mem>>)
      %dma_wait3A_58 = tpu.memref_slice %arg5[%mul3A_2] : memref<320000xi32, #tpu.memory_space<hbm>> -> memref<10000xi32, #tpu.memory_space<hbm>>
      %dma_wait3A_59 = tpu.memref_slice %arg5[%mul3A_2] : memref<320000xi32, #tpu.memory_space<hbm>> -> memref<10000xi32, #tpu.memory_space<hbm>>
      tpu.wait_dma2 semaphore(%run_scoped3A : memref<!tpu.dma_semaphore, #tpu.memory_space<semaphore_mem>>) src(%dma_wait3A_59 : memref<10000xi32, #tpu.memory_space<hbm>>) dst(%arg8 : memref<10000xi32, #tpu.memory_space<vmem>>)
      tpu.yield
    }) : () -> ()
    %dma_start3A = arith.constant 0 : i32
    %dma_start3A_3 = arith.constant 0 : i32
    %dma_start3A_4 = arith.constant 0 : i32
    %dma_start3A_5 = tpu.memref_slice %arg9[%dma_start3A, %dma_start3A_3, %dma_start3A_4] : memref<2x80x128xf32, #tpu.memory_space<vmem>> -> memref<1x80x128xf32, #tpu.memory_space<vmem>>
    %dma_start3A_6 = tpu.memref_squeeze %dma_start3A_5 : memref<1x80x128xf32, #tpu.memory_space<vmem>> -> memref<80x128xf32, #tpu.memory_space<vmem>>
    %dma_start3A_7 = arith.constant 0 : i32
    %dma_start3A_8 = tpu.memref_slice %arg7[%dma_start3A_7] : memref<10000xi32, #tpu.memory_space<vmem>> -> memref<80xi32, #tpu.memory_space<vmem>>
    %dma_start3A_9 = arith.constant 0 : i32
    %dma_start3A_10 = arith.constant 0 : i32
    %dma_start3A_11 = tpu.memref_slice %arg2[%dma_start3A_9, %dma_start3A_10] : memref<10240x128xf32, #tpu.memory_space<hbm>> -> memref<10240x128xf32, #tpu.memory_space<hbm>>
    tpu.enqueue_indirect_dma source(%dma_start3A_11 : memref<10240x128xf32, #tpu.memory_space<hbm>>) target(%dma_start3A_6 : memref<80x128xf32, #tpu.memory_space<vmem>>) offsets(%dma_start3A_8 : memref<80xi32, #tpu.memory_space<vmem>>) semaphore(%arg11 : memref<!tpu.dma_semaphore, #tpu.memory_space<semaphore_mem>>)
    %dma_start3A_12 = arith.constant 0 : i32
    %dma_start3A_13 = arith.constant 0 : i32
    %dma_start3A_14 = arith.constant 0 : i32
    %dma_start3A_15 = tpu.memref_slice %arg10[%dma_start3A_12, %dma_start3A_13, %dma_start3A_14] : memref<2x80x128xf32, #tpu.memory_space<vmem>> -> memref<1x80x128xf32, #tpu.memory_space<vmem>>
    %dma_start3A_16 = tpu.memref_squeeze %dma_start3A_15 : memref<1x80x128xf32, #tpu.memory_space<vmem>> -> memref<80x128xf32, #tpu.memory_space<vmem>>
    %dma_start3A_17 = arith.constant 0 : i32
    %dma_start3A_18 = tpu.memref_slice %arg8[%dma_start3A_17] : memref<10000xi32, #tpu.memory_space<vmem>> -> memref<80xi32, #tpu.memory_space<vmem>>
    %dma_start3A_19 = arith.constant 0 : i32
    %dma_start3A_20 = arith.constant 0 : i32
    %dma_start3A_21 = tpu.memref_slice %arg3[%dma_start3A_19, %dma_start3A_20] : memref<10240x128xf32, #tpu.memory_space<hbm>> -> memref<10240x128xf32, #tpu.memory_space<hbm>>
    tpu.enqueue_indirect_dma source(%dma_start3A_21 : memref<10240x128xf32, #tpu.memory_space<hbm>>) target(%dma_start3A_16 : memref<80x128xf32, #tpu.memory_space<vmem>>) offsets(%dma_start3A_18 : memref<80xi32, #tpu.memory_space<vmem>>) semaphore(%arg13 : memref<!tpu.dma_semaphore, #tpu.memory_space<semaphore_mem>>)
    %scan3A = arith.constant 0 : i32
    %scan3A_22 = arith.constant 0 : i32
    %scan3A_23 = arith.constant 63 : i32
    %scan3A_24 = arith.addi %scan3A_22, %scan3A_23 : i32
    %scan3A_25 = arith.constant 1 : i32
    scf.for %scan3A_56 = %scan3A_22 to %scan3A_24 step %scan3A_25  : i32 {
      %mul3A_57 = arith.constant 2 : i32
      %mul3A_58 = arith.muli %mul3A_57, %scan3A_56 : i32
      %lt3A = arith.constant 125 : i32
      %lt3A_59 = arith.cmpi slt, %mul3A_58, %lt3A : i32
      %convert_element_type3A = arith.extui %lt3A_59 : i1 to i32
      %cond3A = arith.constant 0 : i32
      %cond3A_60 = arith.cmpi ne, %convert_element_type3A, %cond3A : i32
      scf.if %cond3A_60 {
        %mul3A_70 = arith.constant 80 : i32
        %mul3A_71 = arith.muli %mul3A_58, %mul3A_70 : i32
        %mul3A_72 = arith.constant 80 : i32
        %mul3A_73 = arith.muli %mul3A_58, %mul3A_72 : i32
        %dma_wait3A_74 = arith.constant 0 : i32
        %dma_wait3A_75 = arith.constant 0 : i32
        %dma_wait3A_76 = arith.constant 0 : i32
        %dma_wait3A_77 = tpu.memref_slice %arg9[%dma_wait3A_74, %dma_wait3A_75, %dma_wait3A_76] : memref<2x80x128xf32, #tpu.memory_space<vmem>> -> memref<1x80x128xf32, #tpu.memory_space<vmem>>
        %dma_wait3A_78 = tpu.memref_squeeze %dma_wait3A_77 : memref<1x80x128xf32, #tpu.memory_space<vmem>> -> memref<80x128xf32, #tpu.memory_space<vmem>>
        %dma_wait3A_79 = tpu.memref_slice %arg7[%mul3A_71] : memref<10000xi32, #tpu.memory_space<vmem>> -> memref<80xi32, #tpu.memory_space<vmem>>
        %dma_wait3A_80 = arith.constant 0 : i32
        %dma_wait3A_81 = arith.constant 0 : i32
        %dma_wait3A_82 = tpu.memref_slice %arg2[%dma_wait3A_80, %dma_wait3A_81] : memref<10240x128xf32, #tpu.memory_space<hbm>> -> memref<10240x128xf32, #tpu.memory_space<hbm>>
        tpu.wait_indirect_dma semaphore(%arg11 : memref<!tpu.dma_semaphore, #tpu.memory_space<semaphore_mem>>) src(%dma_wait3A_82 : memref<10240x128xf32, #tpu.memory_space<hbm>>) dst(%dma_wait3A_78 : memref<80x128xf32, #tpu.memory_space<vmem>>)
        %dma_wait3A_83 = arith.constant 0 : i32
        %dma_wait3A_84 = arith.constant 0 : i32
        %dma_wait3A_85 = arith.constant 0 : i32
        %dma_wait3A_86 = tpu.memref_slice %arg10[%dma_wait3A_83, %dma_wait3A_84, %dma_wait3A_85] : memref<2x80x128xf32, #tpu.memory_space<vmem>> -> memref<1x80x128xf32, #tpu.memory_space<vmem>>
        %dma_wait3A_87 = tpu.memref_squeeze %dma_wait3A_86 : memref<1x80x128xf32, #tpu.memory_space<vmem>> -> memref<80x128xf32, #tpu.memory_space<vmem>>
        %dma_wait3A_88 = tpu.memref_slice %arg8[%mul3A_73] : memref<10000xi32, #tpu.memory_space<vmem>> -> memref<80xi32, #tpu.memory_space<vmem>>
        %dma_wait3A_89 = arith.constant 0 : i32
        %dma_wait3A_90 = arith.constant 0 : i32
        %dma_wait3A_91 = tpu.memref_slice %arg3[%dma_wait3A_89, %dma_wait3A_90] : memref<10240x128xf32, #tpu.memory_space<hbm>> -> memref<10240x128xf32, #tpu.memory_space<hbm>>
        tpu.wait_indirect_dma semaphore(%arg13 : memref<!tpu.dma_semaphore, #tpu.memory_space<semaphore_mem>>) src(%dma_wait3A_91 : memref<10240x128xf32, #tpu.memory_space<hbm>>) dst(%dma_wait3A_87 : memref<80x128xf32, #tpu.memory_space<vmem>>)
        %scan3A_92 = arith.constant 0 : i32
        %scan3A_93 = arith.constant 0 : i32
        %scan3A_94 = arith.constant 80 : i32
        %scan3A_95 = arith.addi %scan3A_93, %scan3A_94 : i32
        %scan3A_96 = arith.constant 1 : i32
        scf.for %scan3A_121 = %scan3A_93 to %scan3A_95 step %scan3A_96  : i32 {
          %get3A = arith.constant 0 : i32
          %get3A_122 = arith.index_cast %get3A : i32 to index
          %get3A_123 = arith.index_cast %scan3A_121 : i32 to index
          %get3A_124 = arith.constant 0 : index
          %get3A_125 = tpu.vector_load %arg9[%get3A_122, %get3A_123, %get3A_124] {strides = array<i32>} : memref<2x80x128xf32, #tpu.memory_space<vmem>>, vector<1x1x16xf32>,
          %get3A_126 = vector.shape_cast %get3A_125 : vector<1x1x16xf32> to vector<16xf32>
          %get3A_127 = arith.constant 0 : i32
          %get3A_128 = arith.index_cast %get3A_127 : i32 to index
          %get3A_129 = arith.index_cast %scan3A_121 : i32 to index
          %get3A_130 = arith.constant 0 : index
          %get3A_131 = tpu.vector_load %arg10[%get3A_128, %get3A_129, %get3A_130] {strides = array<i32>} : memref<2x80x128xf32, #tpu.memory_space<vmem>>, vector<1x1x16xf32>,
          %get3A_132 = vector.shape_cast %get3A_131 : vector<1x1x16xf32> to vector<16xf32>
          %add3A_133 = arith.addf %get3A_126, %get3A_132 : vector<16xf32>
          %swap3A = arith.constant 0 : i32
          %swap3A_134 = arith.index_cast %swap3A : i32 to index
          %swap3A_135 = arith.index_cast %scan3A_121 : i32 to index
          %swap3A_136 = arith.constant 0 : index
          %swap3A_137 = tpu.vector_load %arg9[%swap3A_134, %swap3A_135, %swap3A_136] {strides = array<i32>} : memref<2x80x128xf32, #tpu.memory_space<vmem>>, vector<1x1x16xf32>,
          %swap3A_138 = vector.shape_cast %swap3A_137 : vector<1x1x16xf32> to vector<16xf32>
          %swap3A_139 = vector.shape_cast %add3A_133 : vector<16xf32> to vector<1x1x16xf32>
          tpu.vector_store %arg9[%swap3A_134, %swap3A_135, %swap3A_136], %swap3A_139 {strides = array<i32>} : memref<2x80x128xf32, #tpu.memory_space<vmem>>, vector<1x1x16xf32>,
          %get3A_140 = arith.constant 0 : i32
          %get3A_141 = arith.index_cast %get3A_140 : i32 to index
          %get3A_142 = arith.index_cast %scan3A_121 : i32 to index
          %get3A_143 = arith.constant 16 : index
          %get3A_144 = tpu.vector_load %arg9[%get3A_141, %get3A_142, %get3A_143] {strides = array<i32>} : memref<2x80x128xf32, #tpu.memory_space<vmem>>, vector<1x1x16xf32>,
          %get3A_145 = vector.shape_cast %get3A_144 : vector<1x1x16xf32> to vector<16xf32>
          %get3A_146 = arith.constant 0 : i32
          %get3A_147 = arith.index_cast %get3A_146 : i32 to index
          %get3A_148 = arith.index_cast %scan3A_121 : i32 to index
          %get3A_149 = arith.constant 16 : index
          %get3A_150 = tpu.vector_load %arg10[%get3A_147, %get3A_148, %get3A_149] {strides = array<i32>} : memref<2x80x128xf32, #tpu.memory_space<vmem>>, vector<1x1x16xf32>,
          %get3A_151 = vector.shape_cast %get3A_150 : vector<1x1x16xf32> to vector<16xf32>
          %add3A_152 = arith.addf %get3A_145, %get3A_151 : vector<16xf32>
          %swap3A_153 = arith.constant 0 : i32
          %swap3A_154 = arith.index_cast %swap3A_153 : i32 to index
          %swap3A_155 = arith.index_cast %scan3A_121 : i32 to index
          %swap3A_156 = arith.constant 16 : index
          %swap3A_157 = tpu.vector_load %arg9[%swap3A_154, %swap3A_155, %swap3A_156] {strides = array<i32>} : memref<2x80x128xf32, #tpu.memory_space<vmem>>, vector<1x1x16xf32>,
          %swap3A_158 = vector.shape_cast %swap3A_157 : vector<1x1x16xf32> to vector<16xf32>
          %swap3A_159 = vector.shape_cast %add3A_152 : vector<16xf32> to vector<1x1x16xf32>
          tpu.vector_store %arg9[%swap3A_154, %swap3A_155, %swap3A_156], %swap3A_159 {strides = array<i32>} : memref<2x80x128xf32, #tpu.memory_space<vmem>>, vector<1x1x16xf32>,
          %get3A_160 = arith.constant 0 : i32
          %get3A_161 = arith.index_cast %get3A_160 : i32 to index
          %get3A_162 = arith.index_cast %scan3A_121 : i32 to index
          %get3A_163 = arith.constant 32 : index
          %get3A_164 = tpu.vector_load %arg9[%get3A_161, %get3A_162, %get3A_163] {strides = array<i32>} : memref<2x80x128xf32, #tpu.memory_space<vmem>>, vector<1x1x16xf32>,
          %get3A_165 = vector.shape_cast %get3A_164 : vector<1x1x16xf32> to vector<16xf32>
          %get3A_166 = arith.constant 0 : i32
          %get3A_167 = arith.index_cast %get3A_166 : i32 to index
          %get3A_168 = arith.index_cast %scan3A_121 : i32 to index
          %get3A_169 = arith.constant 32 : index
          %get3A_170 = tpu.vector_load %arg10[%get3A_167, %get3A_168, %get3A_169] {strides = array<i32>} : memref<2x80x128xf32, #tpu.memory_space<vmem>>, vector<1x1x16xf32>,
          %get3A_171 = vector.shape_cast %get3A_170 : vector<1x1x16xf32> to vector<16xf32>
          %add3A_172 = arith.addf %get3A_165, %get3A_171 : vector<16xf32>
          %swap3A_173 = arith.constant 0 : i32
          %swap3A_174 = arith.index_cast %swap3A_173 : i32 to index
          %swap3A_175 = arith.index_cast %scan3A_121 : i32 to index
          %swap3A_176 = arith.constant 32 : index
          %swap3A_177 = tpu.vector_load %arg9[%swap3A_174, %swap3A_175, %swap3A_176] {strides = array<i32>} : memref<2x80x128xf32, #tpu.memory_space<vmem>>, vector<1x1x16xf32>,
          %swap3A_178 = vector.shape_cast %swap3A_177 : vector<1x1x16xf32> to vector<16xf32>
          %swap3A_179 = vector.shape_cast %add3A_172 : vector<16xf32> to vector<1x1x16xf32>
          tpu.vector_store %arg9[%swap3A_174, %swap3A_175, %swap3A_176], %swap3A_179 {strides = array<i32>} : memref<2x80x128xf32, #tpu.memory_space<vmem>>, vector<1x1x16xf32>,
          %get3A_180 = arith.constant 0 : i32
          %get3A_181 = arith.index_cast %get3A_180 : i32 to index
          %get3A_182 = arith.index_cast %scan3A_121 : i32 to index
          %get3A_183 = arith.constant 48 : index
          %get3A_184 = tpu.vector_load %arg9[%get3A_181, %get3A_182, %get3A_183] {strides = array<i32>} : memref<2x80x128xf32, #tpu.memory_space<vmem>>, vector<1x1x16xf32>,
          %get3A_185 = vector.shape_cast %get3A_184 : vector<1x1x16xf32> to vector<16xf32>
          %get3A_186 = arith.constant 0 : i32
          %get3A_187 = arith.index_cast %get3A_186 : i32 to index
          %get3A_188 = arith.index_cast %scan3A_121 : i32 to index
          %get3A_189 = arith.constant 48 : index
          %get3A_190 = tpu.vector_load %arg10[%get3A_187, %get3A_188, %get3A_189] {strides = array<i32>} : memref<2x80x128xf32, #tpu.memory_space<vmem>>, vector<1x1x16xf32>,
          %get3A_191 = vector.shape_cast %get3A_190 : vector<1x1x16xf32> to vector<16xf32>
          %add3A_192 = arith.addf %get3A_185, %get3A_191 : vector<16xf32>
          %swap3A_193 = arith.constant 0 : i32
          %swap3A_194 = arith.index_cast %swap3A_193 : i32 to index
          %swap3A_195 = arith.index_cast %scan3A_121 : i32 to index
          %swap3A_196 = arith.constant 48 : index
          %swap3A_197 = tpu.vector_load %arg9[%swap3A_194, %swap3A_195, %swap3A_196] {strides = array<i32>} : memref<2x80x128xf32, #tpu.memory_space<vmem>>, vector<1x1x16xf32>,
          %swap3A_198 = vector.shape_cast %swap3A_197 : vector<1x1x16xf32> to vector<16xf32>
          %swap3A_199 = vector.shape_cast %add3A_192 : vector<16xf32> to vector<1x1x16xf32>
          tpu.vector_store %arg9[%swap3A_194, %swap3A_195, %swap3A_196], %swap3A_199 {strides = array<i32>} : memref<2x80x128xf32, #tpu.memory_space<vmem>>, vector<1x1x16xf32>,
          %get3A_200 = arith.constant 0 : i32
          %get3A_201 = arith.index_cast %get3A_200 : i32 to index
          %get3A_202 = arith.index_cast %scan3A_121 : i32 to index
          %get3A_203 = arith.constant 64 : index
          %get3A_204 = tpu.vector_load %arg9[%get3A_201, %get3A_202, %get3A_203] {strides = array<i32>} : memref<2x80x128xf32, #tpu.memory_space<vmem>>, vector<1x1x16xf32>,
          %get3A_205 = vector.shape_cast %get3A_204 : vector<1x1x16xf32> to vector<16xf32>
          %get3A_206 = arith.constant 0 : i32
          %get3A_207 = arith.index_cast %get3A_206 : i32 to index
          %get3A_208 = arith.index_cast %scan3A_121 : i32 to index
          %get3A_209 = arith.constant 64 : index
          %get3A_210 = tpu.vector_load %arg10[%get3A_207, %get3A_208, %get3A_209] {strides = array<i32>} : memref<2x80x128xf32, #tpu.memory_space<vmem>>, vector<1x1x16xf32>,
          %get3A_211 = vector.shape_cast %get3A_210 : vector<1x1x16xf32> to vector<16xf32>
          %add3A_212 = arith.addf %get3A_205, %get3A_211 : vector<16xf32>
          %swap3A_213 = arith.constant 0 : i32
          %swap3A_214 = arith.index_cast %swap3A_213 : i32 to index
          %swap3A_215 = arith.index_cast %scan3A_121 : i32 to index
          %swap3A_216 = arith.constant 64 : index
          %swap3A_217 = tpu.vector_load %arg9[%swap3A_214, %swap3A_215, %swap3A_216] {strides = array<i32>} : memref<2x80x128xf32, #tpu.memory_space<vmem>>, vector<1x1x16xf32>,
          %swap3A_218 = vector.shape_cast %swap3A_217 : vector<1x1x16xf32> to vector<16xf32>
          %swap3A_219 = vector.shape_cast %add3A_212 : vector<16xf32> to vector<1x1x16xf32>
          tpu.vector_store %arg9[%swap3A_214, %swap3A_215, %swap3A_216], %swap3A_219 {strides = array<i32>} : memref<2x80x128xf32, #tpu.memory_space<vmem>>, vector<1x1x16xf32>,
          %get3A_220 = arith.constant 0 : i32
          %get3A_221 = arith.index_cast %get3A_220 : i32 to index
          %get3A_222 = arith.index_cast %scan3A_121 : i32 to index
          %get3A_223 = arith.constant 80 : index
          %get3A_224 = tpu.vector_load %arg9[%get3A_221, %get3A_222, %get3A_223] {strides = array<i32>} : memref<2x80x128xf32, #tpu.memory_space<vmem>>, vector<1x1x16xf32>,
          %get3A_225 = vector.shape_cast %get3A_224 : vector<1x1x16xf32> to vector<16xf32>
          %get3A_226 = arith.constant 0 : i32
          %get3A_227 = arith.index_cast %get3A_226 : i32 to index
          %get3A_228 = arith.index_cast %scan3A_121 : i32 to index
          %get3A_229 = arith.constant 80 : index
          %get3A_230 = tpu.vector_load %arg10[%get3A_227, %get3A_228, %get3A_229] {strides = array<i32>} : memref<2x80x128xf32, #tpu.memory_space<vmem>>, vector<1x1x16xf32>,
          %get3A_231 = vector.shape_cast %get3A_230 : vector<1x1x16xf32> to vector<16xf32>
          %add3A_232 = arith.addf %get3A_225, %get3A_231 : vector<16xf32>
          %swap3A_233 = arith.constant 0 : i32
          %swap3A_234 = arith.index_cast %swap3A_233 : i32 to index
          %swap3A_235 = arith.index_cast %scan3A_121 : i32 to index
          %swap3A_236 = arith.constant 80 : index
          %swap3A_237 = tpu.vector_load %arg9[%swap3A_234, %swap3A_235, %swap3A_236] {strides = array<i32>} : memref<2x80x128xf32, #tpu.memory_space<vmem>>, vector<1x1x16xf32>,
          %swap3A_238 = vector.shape_cast %swap3A_237 : vector<1x1x16xf32> to vector<16xf32>
          %swap3A_239 = vector.shape_cast %add3A_232 : vector<16xf32> to vector<1x1x16xf32>
          tpu.vector_store %arg9[%swap3A_234, %swap3A_235, %swap3A_236], %swap3A_239 {strides = array<i32>} : memref<2x80x128xf32, #tpu.memory_space<vmem>>, vector<1x1x16xf32>,
          %get3A_240 = arith.constant 0 : i32
          %get3A_241 = arith.index_cast %get3A_240 : i32 to index
          %get3A_242 = arith.index_cast %scan3A_121 : i32 to index
          %get3A_243 = arith.constant 96 : index
          %get3A_244 = tpu.vector_load %arg9[%get3A_241, %get3A_242, %get3A_243] {strides = array<i32>} : memref<2x80x128xf32, #tpu.memory_space<vmem>>, vector<1x1x16xf32>,
          %get3A_245 = vector.shape_cast %get3A_244 : vector<1x1x16xf32> to vector<16xf32>
          %get3A_246 = arith.constant 0 : i32
          %get3A_247 = arith.index_cast %get3A_246 : i32 to index
          %get3A_248 = arith.index_cast %scan3A_121 : i32 to index
          %get3A_249 = arith.constant 96 : index
          %get3A_250 = tpu.vector_load %arg10[%get3A_247, %get3A_248, %get3A_249] {strides = array<i32>} : memref<2x80x128xf32, #tpu.memory_space<vmem>>, vector<1x1x16xf32>,
          %get3A_251 = vector.shape_cast %get3A_250 : vector<1x1x16xf32> to vector<16xf32>
          %add3A_252 = arith.addf %get3A_245, %get3A_251 : vector<16xf32>
          %swap3A_253 = arith.constant 0 : i32
          %swap3A_254 = arith.index_cast %swap3A_253 : i32 to index
          %swap3A_255 = arith.index_cast %scan3A_121 : i32 to index
          %swap3A_256 = arith.constant 96 : index
          %swap3A_257 = tpu.vector_load %arg9[%swap3A_254, %swap3A_255, %swap3A_256] {strides = array<i32>} : memref<2x80x128xf32, #tpu.memory_space<vmem>>, vector<1x1x16xf32>,
          %swap3A_258 = vector.shape_cast %swap3A_257 : vector<1x1x16xf32> to vector<16xf32>
          %swap3A_259 = vector.shape_cast %add3A_252 : vector<16xf32> to vector<1x1x16xf32>
          tpu.vector_store %arg9[%swap3A_254, %swap3A_255, %swap3A_256], %swap3A_259 {strides = array<i32>} : memref<2x80x128xf32, #tpu.memory_space<vmem>>, vector<1x1x16xf32>,
          %get3A_260 = arith.constant 0 : i32
          %get3A_261 = arith.index_cast %get3A_260 : i32 to index
          %get3A_262 = arith.index_cast %scan3A_121 : i32 to index
          %get3A_263 = arith.constant 112 : index
          %get3A_264 = tpu.vector_load %arg9[%get3A_261, %get3A_262, %get3A_263] {strides = array<i32>} : memref<2x80x128xf32, #tpu.memory_space<vmem>>, vector<1x1x16xf32>,
          %get3A_265 = vector.shape_cast %get3A_264 : vector<1x1x16xf32> to vector<16xf32>
          %get3A_266 = arith.constant 0 : i32
          %get3A_267 = arith.index_cast %get3A_266 : i32 to index
          %get3A_268 = arith.index_cast %scan3A_121 : i32 to index
          %get3A_269 = arith.constant 112 : index
          %get3A_270 = tpu.vector_load %arg10[%get3A_267, %get3A_268, %get3A_269] {strides = array<i32>} : memref<2x80x128xf32, #tpu.memory_space<vmem>>, vector<1x1x16xf32>,
          %get3A_271 = vector.shape_cast %get3A_270 : vector<1x1x16xf32> to vector<16xf32>
          %add3A_272 = arith.addf %get3A_265, %get3A_271 : vector<16xf32>
          %swap3A_273 = arith.constant 0 : i32
          %swap3A_274 = arith.index_cast %swap3A_273 : i32 to index
          %swap3A_275 = arith.index_cast %scan3A_121 : i32 to index
          %swap3A_276 = arith.constant 112 : index
          %swap3A_277 = tpu.vector_load %arg9[%swap3A_274, %swap3A_275, %swap3A_276] {strides = array<i32>} : memref<2x80x128xf32, #tpu.memory_space<vmem>>, vector<1x1x16xf32>,
          %swap3A_278 = vector.shape_cast %swap3A_277 : vector<1x1x16xf32> to vector<16xf32>
          %swap3A_279 = vector.shape_cast %add3A_272 : vector<16xf32> to vector<1x1x16xf32>
          tpu.vector_store %arg9[%swap3A_274, %swap3A_275, %swap3A_276], %swap3A_279 {strides = array<i32>} : memref<2x80x128xf32, #tpu.memory_space<vmem>>, vector<1x1x16xf32>,
        }
        %scan3A_97 = arith.constant 80 : i32
        %mul3A_98 = arith.constant 80 : i32
        %mul3A_99 = arith.muli %mul3A_58, %mul3A_98 : i32
        %add3A_100 = arith.addi %mul3A_2, %mul3A_99 : i32
        %dma_start3A_101 = arith.constant 0 : i32
        %dma_start3A_102 = arith.constant 0 : i32
        %dma_start3A_103 = arith.constant 0 : i32
        %dma_start3A_104 = tpu.memref_slice %arg9[%dma_start3A_101, %dma_start3A_102, %dma_start3A_103] : memref<2x80x128xf32, #tpu.memory_space<vmem>> -> memref<1x80x128xf32, #tpu.memory_space<vmem>>
        %dma_start3A_105 = tpu.memref_squeeze %dma_start3A_104 : memref<1x80x128xf32, #tpu.memory_space<vmem>> -> memref<80x128xf32, #tpu.memory_space<vmem>>
        %dma_start3A_106 = arith.constant 0 : i32
        %dma_start3A_107 = tpu.memref_slice %arg6[%add3A_100, %dma_start3A_106] : memref<320000x128xf32, #tpu.memory_space<hbm>> -> memref<80x128xf32, #tpu.memory_space<hbm>>
        %dma_start3A_108 = arith.constant 0 : i32
        %dma_start3A_109 = tpu.memref_slice %arg6[%add3A_100, %dma_start3A_108] : memref<320000x128xf32, #tpu.memory_space<hbm>> -> memref<80x128xf32, #tpu.memory_space<hbm>>
        %dma_start3A_110 = arith.constant 0 : i32
        %dma_start3A_111 = arith.constant 0 : i32
        %dma_start3A_112 = tpu.memref_slice %arg9[%dma_start3A_101, %dma_start3A_110, %dma_start3A_111] : memref<2x80x128xf32, #tpu.memory_space<vmem>> -> memref<1x80x128xf32, #tpu.memory_space<vmem>>
        %dma_start3A_113 = tpu.memref_squeeze %dma_start3A_112 : memref<1x80x128xf32, #tpu.memory_space<vmem>> -> memref<80x128xf32, #tpu.memory_space<vmem>>
        tpu.enqueue_dma source(%dma_start3A_113 : memref<80x128xf32, #tpu.memory_space<vmem>>) target(%dma_start3A_109 : memref<80x128xf32, #tpu.memory_space<hbm>>) target_semaphore(%arg15 : memref<!tpu.dma_semaphore, #tpu.memory_space<semaphore_mem>>)
        %add3A_114 = arith.constant 1 : i32
        %add3A_115 = arith.addi %mul3A_58, %add3A_114 : i32
        %lt3A_116 = arith.constant 125 : i32
        %lt3A_117 = arith.cmpi slt, %add3A_115, %lt3A_116 : i32
        %convert_element_type3A_118 = arith.extui %lt3A_117 : i1 to i32
        %cond3A_119 = arith.constant 0 : i32
        %cond3A_120 = arith.cmpi ne, %convert_element_type3A_118, %cond3A_119 : i32
        scf.if %cond3A_120 {
          %ge3A = arith.constant 1 : i32
          %ge3A_121 = arith.cmpi sge, %mul3A_58, %ge3A : i32
          %convert_element_type3A_122 = arith.extui %ge3A_121 : i1 to i32
          %cond3A_123 = arith.constant 0 : i32
          %cond3A_124 = arith.cmpi ne, %convert_element_type3A_122, %cond3A_123 : i32
          scf.if %cond3A_124 {
            %sub3A = arith.constant 1 : i32
            %sub3A_149 = arith.subi %mul3A_58, %sub3A : i32
            %mul3A_150 = arith.constant 80 : i32
            %mul3A_151 = arith.muli %sub3A_149, %mul3A_150 : i32
            %add3A_152 = arith.addi %mul3A_2, %mul3A_151 : i32
            %dma_wait3A_153 = arith.constant 1 : i32
            %dma_wait3A_154 = arith.constant 0 : i32
            %dma_wait3A_155 = arith.constant 0 : i32
            %dma_wait3A_156 = tpu.memref_slice %arg9[%dma_wait3A_153, %dma_wait3A_154, %dma_wait3A_155] : memref<2x80x128xf32, #tpu.memory_space<vmem>> -> memref<1x80x128xf32, #tpu.memory_space<vmem>>
            %dma_wait3A_157 = tpu.memref_squeeze %dma_wait3A_156 : memref<1x80x128xf32, #tpu.memory_space<vmem>> -> memref<80x128xf32, #tpu.memory_space<vmem>>
            %dma_wait3A_158 = arith.constant 0 : i32
            %dma_wait3A_159 = tpu.memref_slice %arg6[%add3A_152, %dma_wait3A_158] : memref<320000x128xf32, #tpu.memory_space<hbm>> -> memref<80x128xf32, #tpu.memory_space<hbm>>
            %dma_wait3A_160 = arith.constant 0 : i32
            %dma_wait3A_161 = tpu.memref_slice %arg6[%add3A_152, %dma_wait3A_160] : memref<320000x128xf32, #tpu.memory_space<hbm>> -> memref<80x128xf32, #tpu.memory_space<hbm>>
            %dma_wait3A_162 = arith.constant 0 : i32
            %dma_wait3A_163 = arith.constant 0 : i32
            %dma_wait3A_164 = tpu.memref_slice %arg9[%dma_wait3A_153, %dma_wait3A_162, %dma_wait3A_163] : memref<2x80x128xf32, #tpu.memory_space<vmem>> -> memref<1x80x128xf32, #tpu.memory_space<vmem>>
            %dma_wait3A_165 = tpu.memref_squeeze %dma_wait3A_164 : memref<1x80x128xf32, #tpu.memory_space<vmem>> -> memref<80x128xf32, #tpu.memory_space<vmem>>
            tpu.wait_dma2 semaphore(%arg16 : memref<!tpu.dma_semaphore, #tpu.memory_space<semaphore_mem>>) src(%dma_wait3A_165 : memref<80x128xf32, #tpu.memory_space<vmem>>) dst(%dma_wait3A_161 : memref<80x128xf32, #tpu.memory_space<hbm>>)
          } else {
          }
          %add3A_125 = arith.constant 1 : i32
          %add3A_126 = arith.addi %mul3A_58, %add3A_125 : i32
          %mul3A_127 = arith.constant 80 : i32
          %mul3A_128 = arith.muli %add3A_126, %mul3A_127 : i32
          %mul3A_129 = arith.constant 80 : i32
          %mul3A_130 = arith.muli %add3A_126, %mul3A_129 : i32
          %dma_start3A_131 = arith.constant 1 : i32
          %dma_start3A_132 = arith.constant 0 : i32
          %dma_start3A_133 = arith.constant 0 : i32
          %dma_start3A_134 = tpu.memref_slice %arg9[%dma_start3A_131, %dma_start3A_132, %dma_start3A_133] : memref<2x80x128xf32, #tpu.memory_space<vmem>> -> memref<1x80x128xf32, #tpu.memory_space<vmem>>
          %dma_start3A_135 = tpu.memref_squeeze %dma_start3A_134 : memref<1x80x128xf32, #tpu.memory_space<vmem>> -> memref<80x128xf32, #tpu.memory_space<vmem>>
          %dma_start3A_136 = tpu.memref_slice %arg7[%mul3A_128] : memref<10000xi32, #tpu.memory_space<vmem>> -> memref<80xi32, #tpu.memory_space<vmem>>
          %dma_start3A_137 = arith.constant 0 : i32
          %dma_start3A_138 = arith.constant 0 : i32
          %dma_start3A_139 = tpu.memref_slice %arg2[%dma_start3A_137, %dma_start3A_138] : memref<10240x128xf32, #tpu.memory_space<hbm>> -> memref<10240x128xf32, #tpu.memory_space<hbm>>
          tpu.enqueue_indirect_dma source(%dma_start3A_139 : memref<10240x128xf32, #tpu.memory_space<hbm>>) target(%dma_start3A_135 : memref<80x128xf32, #tpu.memory_space<vmem>>) offsets(%dma_start3A_136 : memref<80xi32, #tpu.memory_space<vmem>>) semaphore(%arg12 : memref<!tpu.dma_semaphore, #tpu.memory_space<semaphore_mem>>)
          %dma_start3A_140 = arith.constant 1 : i32
          %dma_start3A_141 = arith.constant 0 : i32
          %dma_start3A_142 = arith.constant 0 : i32
          %dma_start3A_143 = tpu.memref_slice %arg10[%dma_start3A_140, %dma_start3A_141, %dma_start3A_142] : memref<2x80x128xf32, #tpu.memory_space<vmem>> -> memref<1x80x128xf32, #tpu.memory_space<vmem>>
          %dma_start3A_144 = tpu.memref_squeeze %dma_start3A_143 : memref<1x80x128xf32, #tpu.memory_space<vmem>> -> memref<80x128xf32, #tpu.memory_space<vmem>>
          %dma_start3A_145 = tpu.memref_slice %arg8[%mul3A_130] : memref<10000xi32, #tpu.memory_space<vmem>> -> memref<80xi32, #tpu.memory_space<vmem>>
          %dma_start3A_146 = arith.constant 0 : i32
          %dma_start3A_147 = arith.constant 0 : i32
          %dma_start3A_148 = tpu.memref_slice %arg3[%dma_start3A_146, %dma_start3A_147] : memref<10240x128xf32, #tpu.memory_space<hbm>> -> memref<10240x128xf32, #tpu.memory_space<hbm>>
          tpu.enqueue_indirect_dma source(%dma_start3A_148 : memref<10240x128xf32, #tpu.memory_space<hbm>>) target(%dma_start3A_144 : memref<80x128xf32, #tpu.memory_space<vmem>>) offsets(%dma_start3A_145 : memref<80xi32, #tpu.memory_space<vmem>>) semaphore(%arg14 : memref<!tpu.dma_semaphore, #tpu.memory_space<semaphore_mem>>)
        } else {
        }
      } else {
      }
      %mul3A_61 = arith.constant 2 : i32
      %mul3A_62 = arith.muli %mul3A_61, %scan3A_56 : i32
      %add3A_63 = arith.constant 1 : i32
      %add3A_64 = arith.addi %mul3A_62, %add3A_63 : i32
      %lt3A_65 = arith.constant 125 : i32
      %lt3A_66 = arith.cmpi slt, %add3A_64, %lt3A_65 : i32
      %convert_element_type3A_67 = arith.extui %lt3A_66 : i1 to i32
      %cond3A_68 = arith.constant 0 : i32
      %cond3A_69 = arith.cmpi ne, %convert_element_type3A_67, %cond3A_68 : i32
      scf.if %cond3A_69 {
        %mul3A_70 = arith.constant 80 : i32
        %mul3A_71 = arith.muli %add3A_64, %mul3A_70 : i32
        %mul3A_72 = arith.constant 80 : i32
        %mul3A_73 = arith.muli %add3A_64, %mul3A_72 : i32
        %dma_wait3A_74 = arith.constant 1 : i32
        %dma_wait3A_75 = arith.constant 0 : i32
        %dma_wait3A_76 = arith.constant 0 : i32
        %dma_wait3A_77 = tpu.memref_slice %arg9[%dma_wait3A_74, %dma_wait3A_75, %dma_wait3A_76] : memref<2x80x128xf32, #tpu.memory_space<vmem>> -> memref<1x80x128xf32, #tpu.memory_space<vmem>>
        %dma_wait3A_78 = tpu.memref_squeeze %dma_wait3A_77 : memref<1x80x128xf32, #tpu.memory_space<vmem>> -> memref<80x128xf32, #tpu.memory_space<vmem>>
        %dma_wait3A_79 = tpu.memref_slice %arg7[%mul3A_71] : memref<10000xi32, #tpu.memory_space<vmem>> -> memref<80xi32, #tpu.memory_space<vmem>>
        %dma_wait3A_80 = arith.constant 0 : i32
        %dma_wait3A_81 = arith.constant 0 : i32
        %dma_wait3A_82 = tpu.memref_slice %arg2[%dma_wait3A_80, %dma_wait3A_81] : memref<10240x128xf32, #tpu.memory_space<hbm>> -> memref<10240x128xf32, #tpu.memory_space<hbm>>
        tpu.wait_indirect_dma semaphore(%arg12 : memref<!tpu.dma_semaphore, #tpu.memory_space<semaphore_mem>>) src(%dma_wait3A_82 : memref<10240x128xf32, #tpu.memory_space<hbm>>) dst(%dma_wait3A_78 : memref<80x128xf32, #tpu.memory_space<vmem>>)
        %dma_wait3A_83 = arith.constant 1 : i32
        %dma_wait3A_84 = arith.constant 0 : i32
        %dma_wait3A_85 = arith.constant 0 : i32
        %dma_wait3A_86 = tpu.memref_slice %arg10[%dma_wait3A_83, %dma_wait3A_84, %dma_wait3A_85] : memref<2x80x128xf32, #tpu.memory_space<vmem>> -> memref<1x80x128xf32, #tpu.memory_space<vmem>>
        %dma_wait3A_87 = tpu.memref_squeeze %dma_wait3A_86 : memref<1x80x128xf32, #tpu.memory_space<vmem>> -> memref<80x128xf32, #tpu.memory_space<vmem>>
        %dma_wait3A_88 = tpu.memref_slice %arg8[%mul3A_73] : memref<10000xi32, #tpu.memory_space<vmem>> -> memref<80xi32, #tpu.memory_space<vmem>>
        %dma_wait3A_89 = arith.constant 0 : i32
        %dma_wait3A_90 = arith.constant 0 : i32
        %dma_wait3A_91 = tpu.memref_slice %arg3[%dma_wait3A_89, %dma_wait3A_90] : memref<10240x128xf32, #tpu.memory_space<hbm>> -> memref<10240x128xf32, #tpu.memory_space<hbm>>
        tpu.wait_indirect_dma semaphore(%arg14 : memref<!tpu.dma_semaphore, #tpu.memory_space<semaphore_mem>>) src(%dma_wait3A_91 : memref<10240x128xf32, #tpu.memory_space<hbm>>) dst(%dma_wait3A_87 : memref<80x128xf32, #tpu.memory_space<vmem>>)
        %scan3A_92 = arith.constant 0 : i32
        %scan3A_93 = arith.constant 0 : i32
        %scan3A_94 = arith.constant 80 : i32
        %scan3A_95 = arith.addi %scan3A_93, %scan3A_94 : i32
        %scan3A_96 = arith.constant 1 : i32
        scf.for %scan3A_121 = %scan3A_93 to %scan3A_95 step %scan3A_96  : i32 {
          %get3A = arith.constant 1 : i32
          %get3A_122 = arith.index_cast %get3A : i32 to index
          %get3A_123 = arith.index_cast %scan3A_121 : i32 to index
          %get3A_124 = arith.constant 0 : index
          %get3A_125 = tpu.vector_load %arg9[%get3A_122, %get3A_123, %get3A_124] {strides = array<i32>} : memref<2x80x128xf32, #tpu.memory_space<vmem>>, vector<1x1x16xf32>,
          %get3A_126 = vector.shape_cast %get3A_125 : vector<1x1x16xf32> to vector<16xf32>
          %get3A_127 = arith.constant 1 : i32
          %get3A_128 = arith.index_cast %get3A_127 : i32 to index
          %get3A_129 = arith.index_cast %scan3A_121 : i32 to index
          %get3A_130 = arith.constant 0 : index
          %get3A_131 = tpu.vector_load %arg10[%get3A_128, %get3A_129, %get3A_130] {strides = array<i32>} : memref<2x80x128xf32, #tpu.memory_space<vmem>>, vector<1x1x16xf32>,
          %get3A_132 = vector.shape_cast %get3A_131 : vector<1x1x16xf32> to vector<16xf32>
          %add3A_133 = arith.addf %get3A_126, %get3A_132 : vector<16xf32>
          %swap3A = arith.constant 1 : i32
          %swap3A_134 = arith.index_cast %swap3A : i32 to index
          %swap3A_135 = arith.index_cast %scan3A_121 : i32 to index
          %swap3A_136 = arith.constant 0 : index
          %swap3A_137 = tpu.vector_load %arg9[%swap3A_134, %swap3A_135, %swap3A_136] {strides = array<i32>} : memref<2x80x128xf32, #tpu.memory_space<vmem>>, vector<1x1x16xf32>,
          %swap3A_138 = vector.shape_cast %swap3A_137 : vector<1x1x16xf32> to vector<16xf32>
          %swap3A_139 = vector.shape_cast %add3A_133 : vector<16xf32> to vector<1x1x16xf32>
          tpu.vector_store %arg9[%swap3A_134, %swap3A_135, %swap3A_136], %swap3A_139 {strides = array<i32>} : memref<2x80x128xf32, #tpu.memory_space<vmem>>, vector<1x1x16xf32>,
          %get3A_140 = arith.constant 1 : i32
          %get3A_141 = arith.index_cast %get3A_140 : i32 to index
          %get3A_142 = arith.index_cast %scan3A_121 : i32 to index
          %get3A_143 = arith.constant 16 : index
          %get3A_144 = tpu.vector_load %arg9[%get3A_141, %get3A_142, %get3A_143] {strides = array<i32>} : memref<2x80x128xf32, #tpu.memory_space<vmem>>, vector<1x1x16xf32>,
          %get3A_145 = vector.shape_cast %get3A_144 : vector<1x1x16xf32> to vector<16xf32>
          %get3A_146 = arith.constant 1 : i32
          %get3A_147 = arith.index_cast %get3A_146 : i32 to index
          %get3A_148 = arith.index_cast %scan3A_121 : i32 to index
          %get3A_149 = arith.constant 16 : index
          %get3A_150 = tpu.vector_load %arg10[%get3A_147, %get3A_148, %get3A_149] {strides = array<i32>} : memref<2x80x128xf32, #tpu.memory_space<vmem>>, vector<1x1x16xf32>,
          %get3A_151 = vector.shape_cast %get3A_150 : vector<1x1x16xf32> to vector<16xf32>
          %add3A_152 = arith.addf %get3A_145, %get3A_151 : vector<16xf32>
          %swap3A_153 = arith.constant 1 : i32
          %swap3A_154 = arith.index_cast %swap3A_153 : i32 to index
          %swap3A_155 = arith.index_cast %scan3A_121 : i32 to index
          %swap3A_156 = arith.constant 16 : index
          %swap3A_157 = tpu.vector_load %arg9[%swap3A_154, %swap3A_155, %swap3A_156] {strides = array<i32>} : memref<2x80x128xf32, #tpu.memory_space<vmem>>, vector<1x1x16xf32>,
          %swap3A_158 = vector.shape_cast %swap3A_157 : vector<1x1x16xf32> to vector<16xf32>
          %swap3A_159 = vector.shape_cast %add3A_152 : vector<16xf32> to vector<1x1x16xf32>
          tpu.vector_store %arg9[%swap3A_154, %swap3A_155, %swap3A_156], %swap3A_159 {strides = array<i32>} : memref<2x80x128xf32, #tpu.memory_space<vmem>>, vector<1x1x16xf32>,
          %get3A_160 = arith.constant 1 : i32
          %get3A_161 = arith.index_cast %get3A_160 : i32 to index
          %get3A_162 = arith.index_cast %scan3A_121 : i32 to index
          %get3A_163 = arith.constant 32 : index
          %get3A_164 = tpu.vector_load %arg9[%get3A_161, %get3A_162, %get3A_163] {strides = array<i32>} : memref<2x80x128xf32, #tpu.memory_space<vmem>>, vector<1x1x16xf32>,
          %get3A_165 = vector.shape_cast %get3A_164 : vector<1x1x16xf32> to vector<16xf32>
          %get3A_166 = arith.constant 1 : i32
          %get3A_167 = arith.index_cast %get3A_166 : i32 to index
          %get3A_168 = arith.index_cast %scan3A_121 : i32 to index
          %get3A_169 = arith.constant 32 : index
          %get3A_170 = tpu.vector_load %arg10[%get3A_167, %get3A_168, %get3A_169] {strides = array<i32>} : memref<2x80x128xf32, #tpu.memory_space<vmem>>, vector<1x1x16xf32>,
          %get3A_171 = vector.shape_cast %get3A_170 : vector<1x1x16xf32> to vector<16xf32>
          %add3A_172 = arith.addf %get3A_165, %get3A_171 : vector<16xf32>
          %swap3A_173 = arith.constant 1 : i32
          %swap3A_174 = arith.index_cast %swap3A_173 : i32 to index
          %swap3A_175 = arith.index_cast %scan3A_121 : i32 to index
          %swap3A_176 = arith.constant 32 : index
          %swap3A_177 = tpu.vector_load %arg9[%swap3A_174, %swap3A_175, %swap3A_176] {strides = array<i32>} : memref<2x80x128xf32, #tpu.memory_space<vmem>>, vector<1x1x16xf32>,
          %swap3A_178 = vector.shape_cast %swap3A_177 : vector<1x1x16xf32> to vector<16xf32>
          %swap3A_179 = vector.shape_cast %add3A_172 : vector<16xf32> to vector<1x1x16xf32>
          tpu.vector_store %arg9[%swap3A_174, %swap3A_175, %swap3A_176], %swap3A_179 {strides = array<i32>} : memref<2x80x128xf32, #tpu.memory_space<vmem>>, vector<1x1x16xf32>,
          %get3A_180 = arith.constant 1 : i32
          %get3A_181 = arith.index_cast %get3A_180 : i32 to index
          %get3A_182 = arith.index_cast %scan3A_121 : i32 to index
          %get3A_183 = arith.constant 48 : index
          %get3A_184 = tpu.vector_load %arg9[%get3A_181, %get3A_182, %get3A_183] {strides = array<i32>} : memref<2x80x128xf32, #tpu.memory_space<vmem>>, vector<1x1x16xf32>,
          %get3A_185 = vector.shape_cast %get3A_184 : vector<1x1x16xf32> to vector<16xf32>
          %get3A_186 = arith.constant 1 : i32
          %get3A_187 = arith.index_cast %get3A_186 : i32 to index
          %get3A_188 = arith.index_cast %scan3A_121 : i32 to index
          %get3A_189 = arith.constant 48 : index
          %get3A_190 = tpu.vector_load %arg10[%get3A_187, %get3A_188, %get3A_189] {strides = array<i32>} : memref<2x80x128xf32, #tpu.memory_space<vmem>>, vector<1x1x16xf32>,
          %get3A_191 = vector.shape_cast %get3A_190 : vector<1x1x16xf32> to vector<16xf32>
          %add3A_192 = arith.addf %get3A_185, %get3A_191 : vector<16xf32>
          %swap3A_193 = arith.constant 1 : i32
          %swap3A_194 = arith.index_cast %swap3A_193 : i32 to index
          %swap3A_195 = arith.index_cast %scan3A_121 : i32 to index
          %swap3A_196 = arith.constant 48 : index
          %swap3A_197 = tpu.vector_load %arg9[%swap3A_194, %swap3A_195, %swap3A_196] {strides = array<i32>} : memref<2x80x128xf32, #tpu.memory_space<vmem>>, vector<1x1x16xf32>,
          %swap3A_198 = vector.shape_cast %swap3A_197 : vector<1x1x16xf32> to vector<16xf32>
          %swap3A_199 = vector.shape_cast %add3A_192 : vector<16xf32> to vector<1x1x16xf32>
          tpu.vector_store %arg9[%swap3A_194, %swap3A_195, %swap3A_196], %swap3A_199 {strides = array<i32>} : memref<2x80x128xf32, #tpu.memory_space<vmem>>, vector<1x1x16xf32>,
          %get3A_200 = arith.constant 1 : i32
          %get3A_201 = arith.index_cast %get3A_200 : i32 to index
          %get3A_202 = arith.index_cast %scan3A_121 : i32 to index
          %get3A_203 = arith.constant 64 : index
          %get3A_204 = tpu.vector_load %arg9[%get3A_201, %get3A_202, %get3A_203] {strides = array<i32>} : memref<2x80x128xf32, #tpu.memory_space<vmem>>, vector<1x1x16xf32>,
          %get3A_205 = vector.shape_cast %get3A_204 : vector<1x1x16xf32> to vector<16xf32>
          %get3A_206 = arith.constant 1 : i32
          %get3A_207 = arith.index_cast %get3A_206 : i32 to index
          %get3A_208 = arith.index_cast %scan3A_121 : i32 to index
          %get3A_209 = arith.constant 64 : index
          %get3A_210 = tpu.vector_load %arg10[%get3A_207, %get3A_208, %get3A_209] {strides = array<i32>} : memref<2x80x128xf32, #tpu.memory_space<vmem>>, vector<1x1x16xf32>,
          %get3A_211 = vector.shape_cast %get3A_210 : vector<1x1x16xf32> to vector<16xf32>
          %add3A_212 = arith.addf %get3A_205, %get3A_211 : vector<16xf32>
          %swap3A_213 = arith.constant 1 : i32
          %swap3A_214 = arith.index_cast %swap3A_213 : i32 to index
          %swap3A_215 = arith.index_cast %scan3A_121 : i32 to index
          %swap3A_216 = arith.constant 64 : index
          %swap3A_217 = tpu.vector_load %arg9[%swap3A_214, %swap3A_215, %swap3A_216] {strides = array<i32>} : memref<2x80x128xf32, #tpu.memory_space<vmem>>, vector<1x1x16xf32>,
          %swap3A_218 = vector.shape_cast %swap3A_217 : vector<1x1x16xf32> to vector<16xf32>
          %swap3A_219 = vector.shape_cast %add3A_212 : vector<16xf32> to vector<1x1x16xf32>
          tpu.vector_store %arg9[%swap3A_214, %swap3A_215, %swap3A_216], %swap3A_219 {strides = array<i32>} : memref<2x80x128xf32, #tpu.memory_space<vmem>>, vector<1x1x16xf32>,
          %get3A_220 = arith.constant 1 : i32
          %get3A_221 = arith.index_cast %get3A_220 : i32 to index
          %get3A_222 = arith.index_cast %scan3A_121 : i32 to index
          %get3A_223 = arith.constant 80 : index
          %get3A_224 = tpu.vector_load %arg9[%get3A_221, %get3A_222, %get3A_223] {strides = array<i32>} : memref<2x80x128xf32, #tpu.memory_space<vmem>>, vector<1x1x16xf32>,
          %get3A_225 = vector.shape_cast %get3A_224 : vector<1x1x16xf32> to vector<16xf32>
          %get3A_226 = arith.constant 1 : i32
          %get3A_227 = arith.index_cast %get3A_226 : i32 to index
          %get3A_228 = arith.index_cast %scan3A_121 : i32 to index
          %get3A_229 = arith.constant 80 : index
          %get3A_230 = tpu.vector_load %arg10[%get3A_227, %get3A_228, %get3A_229] {strides = array<i32>} : memref<2x80x128xf32, #tpu.memory_space<vmem>>, vector<1x1x16xf32>,
          %get3A_231 = vector.shape_cast %get3A_230 : vector<1x1x16xf32> to vector<16xf32>
          %add3A_232 = arith.addf %get3A_225, %get3A_231 : vector<16xf32>
          %swap3A_233 = arith.constant 1 : i32
          %swap3A_234 = arith.index_cast %swap3A_233 : i32 to index
          %swap3A_235 = arith.index_cast %scan3A_121 : i32 to index
          %swap3A_236 = arith.constant 80 : index
          %swap3A_237 = tpu.vector_load %arg9[%swap3A_234, %swap3A_235, %swap3A_236] {strides = array<i32>} : memref<2x80x128xf32, #tpu.memory_space<vmem>>, vector<1x1x16xf32>,
          %swap3A_238 = vector.shape_cast %swap3A_237 : vector<1x1x16xf32> to vector<16xf32>
          %swap3A_239 = vector.shape_cast %add3A_232 : vector<16xf32> to vector<1x1x16xf32>
          tpu.vector_store %arg9[%swap3A_234, %swap3A_235, %swap3A_236], %swap3A_239 {strides = array<i32>} : memref<2x80x128xf32, #tpu.memory_space<vmem>>, vector<1x1x16xf32>,
          %get3A_240 = arith.constant 1 : i32
          %get3A_241 = arith.index_cast %get3A_240 : i32 to index
          %get3A_242 = arith.index_cast %scan3A_121 : i32 to index
          %get3A_243 = arith.constant 96 : index
          %get3A_244 = tpu.vector_load %arg9[%get3A_241, %get3A_242, %get3A_243] {strides = array<i32>} : memref<2x80x128xf32, #tpu.memory_space<vmem>>, vector<1x1x16xf32>,
          %get3A_245 = vector.shape_cast %get3A_244 : vector<1x1x16xf32> to vector<16xf32>
          %get3A_246 = arith.constant 1 : i32
          %get3A_247 = arith.index_cast %get3A_246 : i32 to index
          %get3A_248 = arith.index_cast %scan3A_121 : i32 to index
          %get3A_249 = arith.constant 96 : index
          %get3A_250 = tpu.vector_load %arg10[%get3A_247, %get3A_248, %get3A_249] {strides = array<i32>} : memref<2x80x128xf32, #tpu.memory_space<vmem>>, vector<1x1x16xf32>,
          %get3A_251 = vector.shape_cast %get3A_250 : vector<1x1x16xf32> to vector<16xf32>
          %add3A_252 = arith.addf %get3A_245, %get3A_251 : vector<16xf32>
          %swap3A_253 = arith.constant 1 : i32
          %swap3A_254 = arith.index_cast %swap3A_253 : i32 to index
          %swap3A_255 = arith.index_cast %scan3A_121 : i32 to index
          %swap3A_256 = arith.constant 96 : index
          %swap3A_257 = tpu.vector_load %arg9[%swap3A_254, %swap3A_255, %swap3A_256] {strides = array<i32>} : memref<2x80x128xf32, #tpu.memory_space<vmem>>, vector<1x1x16xf32>,
          %swap3A_258 = vector.shape_cast %swap3A_257 : vector<1x1x16xf32> to vector<16xf32>
          %swap3A_259 = vector.shape_cast %add3A_252 : vector<16xf32> to vector<1x1x16xf32>
          tpu.vector_store %arg9[%swap3A_254, %swap3A_255, %swap3A_256], %swap3A_259 {strides = array<i32>} : memref<2x80x128xf32, #tpu.memory_space<vmem>>, vector<1x1x16xf32>,
          %get3A_260 = arith.constant 1 : i32
          %get3A_261 = arith.index_cast %get3A_260 : i32 to index
          %get3A_262 = arith.index_cast %scan3A_121 : i32 to index
          %get3A_263 = arith.constant 112 : index
          %get3A_264 = tpu.vector_load %arg9[%get3A_261, %get3A_262, %get3A_263] {strides = array<i32>} : memref<2x80x128xf32, #tpu.memory_space<vmem>>, vector<1x1x16xf32>,
          %get3A_265 = vector.shape_cast %get3A_264 : vector<1x1x16xf32> to vector<16xf32>
          %get3A_266 = arith.constant 1 : i32
          %get3A_267 = arith.index_cast %get3A_266 : i32 to index
          %get3A_268 = arith.index_cast %scan3A_121 : i32 to index
          %get3A_269 = arith.constant 112 : index
          %get3A_270 = tpu.vector_load %arg10[%get3A_267, %get3A_268, %get3A_269] {strides = array<i32>} : memref<2x80x128xf32, #tpu.memory_space<vmem>>, vector<1x1x16xf32>,
          %get3A_271 = vector.shape_cast %get3A_270 : vector<1x1x16xf32> to vector<16xf32>
          %add3A_272 = arith.addf %get3A_265, %get3A_271 : vector<16xf32>
          %swap3A_273 = arith.constant 1 : i32
          %swap3A_274 = arith.index_cast %swap3A_273 : i32 to index
          %swap3A_275 = arith.index_cast %scan3A_121 : i32 to index
          %swap3A_276 = arith.constant 112 : index
          %swap3A_277 = tpu.vector_load %arg9[%swap3A_274, %swap3A_275, %swap3A_276] {strides = array<i32>} : memref<2x80x128xf32, #tpu.memory_space<vmem>>, vector<1x1x16xf32>,
          %swap3A_278 = vector.shape_cast %swap3A_277 : vector<1x1x16xf32> to vector<16xf32>
          %swap3A_279 = vector.shape_cast %add3A_272 : vector<16xf32> to vector<1x1x16xf32>
          tpu.vector_store %arg9[%swap3A_274, %swap3A_275, %swap3A_276], %swap3A_279 {strides = array<i32>} : memref<2x80x128xf32, #tpu.memory_space<vmem>>, vector<1x1x16xf32>,
        }
        %scan3A_97 = arith.constant 80 : i32
        %mul3A_98 = arith.constant 80 : i32
        %mul3A_99 = arith.muli %add3A_64, %mul3A_98 : i32
        %add3A_100 = arith.addi %mul3A_2, %mul3A_99 : i32
        %dma_start3A_101 = arith.constant 1 : i32
        %dma_start3A_102 = arith.constant 0 : i32
        %dma_start3A_103 = arith.constant 0 : i32
        %dma_start3A_104 = tpu.memref_slice %arg9[%dma_start3A_101, %dma_start3A_102, %dma_start3A_103] : memref<2x80x128xf32, #tpu.memory_space<vmem>> -> memref<1x80x128xf32, #tpu.memory_space<vmem>>
        %dma_start3A_105 = tpu.memref_squeeze %dma_start3A_104 : memref<1x80x128xf32, #tpu.memory_space<vmem>> -> memref<80x128xf32, #tpu.memory_space<vmem>>
        %dma_start3A_106 = arith.constant 0 : i32
        %dma_start3A_107 = tpu.memref_slice %arg6[%add3A_100, %dma_start3A_106] : memref<320000x128xf32, #tpu.memory_space<hbm>> -> memref<80x128xf32, #tpu.memory_space<hbm>>
        %dma_start3A_108 = arith.constant 0 : i32
        %dma_start3A_109 = tpu.memref_slice %arg6[%add3A_100, %dma_start3A_108] : memref<320000x128xf32, #tpu.memory_space<hbm>> -> memref<80x128xf32, #tpu.memory_space<hbm>>
        %dma_start3A_110 = arith.constant 0 : i32
        %dma_start3A_111 = arith.constant 0 : i32
        %dma_start3A_112 = tpu.memref_slice %arg9[%dma_start3A_101, %dma_start3A_110, %dma_start3A_111] : memref<2x80x128xf32, #tpu.memory_space<vmem>> -> memref<1x80x128xf32, #tpu.memory_space<vmem>>
        %dma_start3A_113 = tpu.memref_squeeze %dma_start3A_112 : memref<1x80x128xf32, #tpu.memory_space<vmem>> -> memref<80x128xf32, #tpu.memory_space<vmem>>
        tpu.enqueue_dma source(%dma_start3A_113 : memref<80x128xf32, #tpu.memory_space<vmem>>) target(%dma_start3A_109 : memref<80x128xf32, #tpu.memory_space<hbm>>) target_semaphore(%arg16 : memref<!tpu.dma_semaphore, #tpu.memory_space<semaphore_mem>>)
        %add3A_114 = arith.constant 1 : i32
        %add3A_115 = arith.addi %add3A_64, %add3A_114 : i32
        %lt3A_116 = arith.constant 125 : i32
        %lt3A_117 = arith.cmpi slt, %add3A_115, %lt3A_116 : i32
        %convert_element_type3A_118 = arith.extui %lt3A_117 : i1 to i32
        %cond3A_119 = arith.constant 0 : i32
        %cond3A_120 = arith.cmpi ne, %convert_element_type3A_118, %cond3A_119 : i32
        scf.if %cond3A_120 {
          %ge3A = arith.constant 1 : i32
          %ge3A_121 = arith.cmpi sge, %add3A_64, %ge3A : i32
          %convert_element_type3A_122 = arith.extui %ge3A_121 : i1 to i32
          %cond3A_123 = arith.constant 0 : i32
          %cond3A_124 = arith.cmpi ne, %convert_element_type3A_122, %cond3A_123 : i32
          scf.if %cond3A_124 {
            %sub3A = arith.constant 1 : i32
            %sub3A_149 = arith.subi %add3A_64, %sub3A : i32
            %mul3A_150 = arith.constant 80 : i32
            %mul3A_151 = arith.muli %sub3A_149, %mul3A_150 : i32
            %add3A_152 = arith.addi %mul3A_2, %mul3A_151 : i32
            %dma_wait3A_153 = arith.constant 0 : i32
            %dma_wait3A_154 = arith.constant 0 : i32
            %dma_wait3A_155 = arith.constant 0 : i32
            %dma_wait3A_156 = tpu.memref_slice %arg9[%dma_wait3A_153, %dma_wait3A_154, %dma_wait3A_155] : memref<2x80x128xf32, #tpu.memory_space<vmem>> -> memref<1x80x128xf32, #tpu.memory_space<vmem>>
            %dma_wait3A_157 = tpu.memref_squeeze %dma_wait3A_156 : memref<1x80x128xf32, #tpu.memory_space<vmem>> -> memref<80x128xf32, #tpu.memory_space<vmem>>
            %dma_wait3A_158 = arith.constant 0 : i32
            %dma_wait3A_159 = tpu.memref_slice %arg6[%add3A_152, %dma_wait3A_158] : memref<320000x128xf32, #tpu.memory_space<hbm>> -> memref<80x128xf32, #tpu.memory_space<hbm>>
            %dma_wait3A_160 = arith.constant 0 : i32
            %dma_wait3A_161 = tpu.memref_slice %arg6[%add3A_152, %dma_wait3A_160] : memref<320000x128xf32, #tpu.memory_space<hbm>> -> memref<80x128xf32, #tpu.memory_space<hbm>>
            %dma_wait3A_162 = arith.constant 0 : i32
            %dma_wait3A_163 = arith.constant 0 : i32
            %dma_wait3A_164 = tpu.memref_slice %arg9[%dma_wait3A_153, %dma_wait3A_162, %dma_wait3A_163] : memref<2x80x128xf32, #tpu.memory_space<vmem>> -> memref<1x80x128xf32, #tpu.memory_space<vmem>>
            %dma_wait3A_165 = tpu.memref_squeeze %dma_wait3A_164 : memref<1x80x128xf32, #tpu.memory_space<vmem>> -> memref<80x128xf32, #tpu.memory_space<vmem>>
            tpu.wait_dma2 semaphore(%arg15 : memref<!tpu.dma_semaphore, #tpu.memory_space<semaphore_mem>>) src(%dma_wait3A_165 : memref<80x128xf32, #tpu.memory_space<vmem>>) dst(%dma_wait3A_161 : memref<80x128xf32, #tpu.memory_space<hbm>>)
          } else {
          }
          %add3A_125 = arith.constant 1 : i32
          %add3A_126 = arith.addi %add3A_64, %add3A_125 : i32
          %mul3A_127 = arith.constant 80 : i32
          %mul3A_128 = arith.muli %add3A_126, %mul3A_127 : i32
          %mul3A_129 = arith.constant 80 : i32
          %mul3A_130 = arith.muli %add3A_126, %mul3A_129 : i32
          %dma_start3A_131 = arith.constant 0 : i32
          %dma_start3A_132 = arith.constant 0 : i32
          %dma_start3A_133 = arith.constant 0 : i32
          %dma_start3A_134 = tpu.memref_slice %arg9[%dma_start3A_131, %dma_start3A_132, %dma_start3A_133] : memref<2x80x128xf32, #tpu.memory_space<vmem>> -> memref<1x80x128xf32, #tpu.memory_space<vmem>>
          %dma_start3A_135 = tpu.memref_squeeze %dma_start3A_134 : memref<1x80x128xf32, #tpu.memory_space<vmem>> -> memref<80x128xf32, #tpu.memory_space<vmem>>
          %dma_start3A_136 = tpu.memref_slice %arg7[%mul3A_128] : memref<10000xi32, #tpu.memory_space<vmem>> -> memref<80xi32, #tpu.memory_space<vmem>>
          %dma_start3A_137 = arith.constant 0 : i32
          %dma_start3A_138 = arith.constant 0 : i32
          %dma_start3A_139 = tpu.memref_slice %arg2[%dma_start3A_137, %dma_start3A_138] : memref<10240x128xf32, #tpu.memory_space<hbm>> -> memref<10240x128xf32, #tpu.memory_space<hbm>>
          tpu.enqueue_indirect_dma source(%dma_start3A_139 : memref<10240x128xf32, #tpu.memory_space<hbm>>) target(%dma_start3A_135 : memref<80x128xf32, #tpu.memory_space<vmem>>) offsets(%dma_start3A_136 : memref<80xi32, #tpu.memory_space<vmem>>) semaphore(%arg11 : memref<!tpu.dma_semaphore, #tpu.memory_space<semaphore_mem>>)
          %dma_start3A_140 = arith.constant 0 : i32
          %dma_start3A_141 = arith.constant 0 : i32
          %dma_start3A_142 = arith.constant 0 : i32
          %dma_start3A_143 = tpu.memref_slice %arg10[%dma_start3A_140, %dma_start3A_141, %dma_start3A_142] : memref<2x80x128xf32, #tpu.memory_space<vmem>> -> memref<1x80x128xf32, #tpu.memory_space<vmem>>
          %dma_start3A_144 = tpu.memref_squeeze %dma_start3A_143 : memref<1x80x128xf32, #tpu.memory_space<vmem>> -> memref<80x128xf32, #tpu.memory_space<vmem>>
          %dma_start3A_145 = tpu.memref_slice %arg8[%mul3A_130] : memref<10000xi32, #tpu.memory_space<vmem>> -> memref<80xi32, #tpu.memory_space<vmem>>
          %dma_start3A_146 = arith.constant 0 : i32
          %dma_start3A_147 = arith.constant 0 : i32
          %dma_start3A_148 = tpu.memref_slice %arg3[%dma_start3A_146, %dma_start3A_147] : memref<10240x128xf32, #tpu.memory_space<hbm>> -> memref<10240x128xf32, #tpu.memory_space<hbm>>
          tpu.enqueue_indirect_dma source(%dma_start3A_148 : memref<10240x128xf32, #tpu.memory_space<hbm>>) target(%dma_start3A_144 : memref<80x128xf32, #tpu.memory_space<vmem>>) offsets(%dma_start3A_145 : memref<80xi32, #tpu.memory_space<vmem>>) semaphore(%arg13 : memref<!tpu.dma_semaphore, #tpu.memory_space<semaphore_mem>>)
        } else {
        }
      } else {
      }
    }
    %scan3A_26 = arith.constant 63 : i32
    %add3A_27 = arith.constant 9840 : i32
    %add3A_28 = arith.addi %mul3A_2, %add3A_27 : i32
    %dma_wait3A = arith.constant 1 : i32
    %dma_wait3A_29 = arith.constant 0 : i32
    %dma_wait3A_30 = arith.constant 0 : i32
    %dma_wait3A_31 = tpu.memref_slice %arg9[%dma_wait3A, %dma_wait3A_29, %dma_wait3A_30] : memref<2x80x128xf32, #tpu.memory_space<vmem>> -> memref<1x80x128xf32, #tpu.memory_space<vmem>>
    %dma_wait3A_32 = tpu.memref_squeeze %dma_wait3A_31 : memref<1x80x128xf32, #tpu.memory_space<vmem>> -> memref<80x128xf32, #tpu.memory_space<vmem>>
    %dma_wait3A_33 = arith.constant 0 : i32
    %dma_wait3A_34 = tpu.memref_slice %arg6[%add3A_28, %dma_wait3A_33] : memref<320000x128xf32, #tpu.memory_space<hbm>> -> memref<80x128xf32, #tpu.memory_space<hbm>>
    %dma_wait3A_35 = arith.constant 0 : i32
    %dma_wait3A_36 = tpu.memref_slice %arg6[%add3A_28, %dma_wait3A_35] : memref<320000x128xf32, #tpu.memory_space<hbm>> -> memref<80x128xf32, #tpu.memory_space<hbm>>
    %dma_wait3A_37 = arith.constant 0 : i32
    %dma_wait3A_38 = arith.constant 0 : i32
    %dma_wait3A_39 = tpu.memref_slice %arg9[%dma_wait3A, %dma_wait3A_37, %dma_wait3A_38] : memref<2x80x128xf32, #tpu.memory_space<vmem>> -> memref<1x80x128xf32, #tpu.memory_space<vmem>>
    %dma_wait3A_40 = tpu.memref_squeeze %dma_wait3A_39 : memref<1x80x128xf32, #tpu.memory_space<vmem>> -> memref<80x128xf32, #tpu.memory_space<vmem>>
    tpu.wait_dma2 semaphore(%arg16 : memref<!tpu.dma_semaphore, #tpu.memory_space<semaphore_mem>>) src(%dma_wait3A_40 : memref<80x128xf32, #tpu.memory_space<vmem>>) dst(%dma_wait3A_36 : memref<80x128xf32, #tpu.memory_space<hbm>>)
    %add3A_41 = arith.constant 9920 : i32
    %add3A_42 = arith.addi %mul3A_2, %add3A_41 : i32
    %dma_wait3A_43 = arith.constant 0 : i32
    %dma_wait3A_44 = arith.constant 0 : i32
    %dma_wait3A_45 = arith.constant 0 : i32
    %dma_wait3A_46 = tpu.memref_slice %arg9[%dma_wait3A_43, %dma_wait3A_44, %dma_wait3A_45] : memref<2x80x128xf32, #tpu.memory_space<vmem>> -> memref<1x80x128xf32, #tpu.memory_space<vmem>>
    %dma_wait3A_47 = tpu.memref_squeeze %dma_wait3A_46 : memref<1x80x128xf32, #tpu.memory_space<vmem>> -> memref<80x128xf32, #tpu.memory_space<vmem>>
    %dma_wait3A_48 = arith.constant 0 : i32
    %dma_wait3A_49 = tpu.memref_slice %arg6[%add3A_42, %dma_wait3A_48] : memref<320000x128xf32, #tpu.memory_space<hbm>> -> memref<80x128xf32, #tpu.memory_space<hbm>>
    %dma_wait3A_50 = arith.constant 0 : i32
    %dma_wait3A_51 = tpu.memref_slice %arg6[%add3A_42, %dma_wait3A_50] : memref<320000x128xf32, #tpu.memory_space<hbm>> -> memref<80x128xf32, #tpu.memory_space<hbm>>
    %dma_wait3A_52 = arith.constant 0 : i32
    %dma_wait3A_53 = arith.constant 0 : i32
    %dma_wait3A_54 = tpu.memref_slice %arg9[%dma_wait3A_43, %dma_wait3A_52, %dma_wait3A_53] : memref<2x80x128xf32, #tpu.memory_space<vmem>> -> memref<1x80x128xf32, #tpu.memory_space<vmem>>
    %dma_wait3A_55 = tpu.memref_squeeze %dma_wait3A_54 : memref<1x80x128xf32, #tpu.memory_space<vmem>> -> memref<80x128xf32, #tpu.memory_space<vmem>>
    tpu.wait_dma2 semaphore(%arg15 : memref<!tpu.dma_semaphore, #tpu.memory_space<semaphore_mem>>) src(%dma_wait3A_55 : memref<80x128xf32, #tpu.memory_space<vmem>>) dst(%dma_wait3A_51 : memref<80x128xf32, #tpu.memory_space<hbm>>)
    return
  }
}

#map = affine_map<(d0, d1) -> (0, 0)>
#map1 = affine_map<(d0, d1) -> (0)>
module attributes {stable_mosaic.version = 14 : i64} {
  func.func @k(%arg0: i32, %arg1: i32, %arg2: memref<10240x128xf32, #tpu.memory_space<hbm>>, %arg3: memref<10240x128xf32, #tpu.memory_space<hbm>>, %arg4: memref<320000xi32, #tpu.memory_space<hbm>>, %arg5: memref<320000xi32, #tpu.memory_space<hbm>>, %arg6: memref<320000x128xf32, #tpu.memory_space<hbm>>, %arg7: memref<10000xi32, #tpu.memory_space<vmem>>, %arg8: memref<10000xi32, #tpu.memory_space<vmem>>, %arg9: memref<2x80x128xf32, #tpu.memory_space<vmem>>, %arg10: memref<2x80x128xf32, #tpu.memory_space<vmem>>, %arg11: memref<!tpu.dma_semaphore, #tpu.memory_space<semaphore_mem>>, %arg12: memref<!tpu.dma_semaphore, #tpu.memory_space<semaphore_mem>>, %arg13: memref<!tpu.dma_semaphore, #tpu.memory_space<semaphore_mem>>, %arg14: memref<!tpu.dma_semaphore, #tpu.memory_space<semaphore_mem>>, %arg15: memref<!tpu.dma_semaphore, #tpu.memory_space<semaphore_mem>>, %arg16: memref<!tpu.dma_semaphore, #tpu.memory_space<semaphore_mem>>) attributes {dimension_semantics = [#tpu.dimension_semantics<core_parallel>, #tpu.dimension_semantics<subcore_parallel>], iteration_bounds = array<i64: 2, 16>, scalar_prefetch = 0 : i64, scratch_operands = 10 : i64, tpu.core_type = #tpu.core_type<sc_vector_subcore>, window_params = [{transform_indices = #map}, {transform_indices = #map}, {transform_indices = #map1}, {transform_indices = #map1}, {transform_indices = #map}]} {
    %mul3A = arith.constant 2 : i32
    %mul3A_0 = arith.muli %arg1, %mul3A : i32
    %add3A = arith.addi %mul3A_0, %arg0 : i32
    %mul3A_1 = arith.constant 10000 : i32
    %mul3A_2 = arith.muli %add3A, %mul3A_1 : i32
    "tpu.region"() ({
      %run_scoped3A = tpu.sem_alloc : memref<!tpu.dma_semaphore, #tpu.memory_space<semaphore_mem>>
      %dma_start3A_56 = tpu.memref_slice %arg4[%mul3A_2] : memref<320000xi32, #tpu.memory_space<hbm>> -> memref<10000xi32, #tpu.memory_space<hbm>>
      %dma_start3A_57 = tpu.memref_slice %arg4[%mul3A_2] : memref<320000xi32, #tpu.memory_space<hbm>> -> memref<10000xi32, #tpu.memory_space<hbm>>
      tpu.enqueue_dma source(%dma_start3A_57 : memref<10000xi32, #tpu.memory_space<hbm>>) target(%arg7 : memref<10000xi32, #tpu.memory_space<vmem>>) target_semaphore(%run_scoped3A : memref<!tpu.dma_semaphore, #tpu.memory_space<semaphore_mem>>)
      %dma_wait3A_58 = tpu.memref_slice %arg4[%mul3A_2] : memref<320000xi32, #tpu.memory_space<hbm>> -> memref<10000xi32, #tpu.memory_space<hbm>>
      %dma_wait3A_59 = tpu.memref_slice %arg4[%mul3A_2] : memref<320000xi32, #tpu.memory_space<hbm>> -> memref<10000xi32, #tpu.memory_space<hbm>>
      tpu.wait_dma2 semaphore(%run_scoped3A : memref<!tpu.dma_semaphore, #tpu.memory_space<semaphore_mem>>) src(%dma_wait3A_59 : memref<10000xi32, #tpu.memory_space<hbm>>) dst(%arg7 : memref<10000xi32, #tpu.memory_space<vmem>>)
      tpu.yield
    }) : () -> ()
    "tpu.region"() ({
      %run_scoped3A = tpu.sem_alloc : memref<!tpu.dma_semaphore, #tpu.memory_space<semaphore_mem>>
      %dma_start3A_56 = tpu.memref_slice %arg5[%mul3A_2] : memref<320000xi32, #tpu.memory_space<hbm>> -> memref<10000xi32, #tpu.memory_space<hbm>>
      %dma_start3A_57 = tpu.memref_slice %arg5[%mul3A_2] : memref<320000xi32, #tpu.memory_space<hbm>> -> memref<10000xi32, #tpu.memory_space<hbm>>
      tpu.enqueue_dma source(%dma_start3A_57 : memref<10000xi32, #tpu.memory_space<hbm>>) target(%arg8 : memref<10000xi32, #tpu.memory_space<vmem>>) target_semaphore(%run_scoped3A : memref<!tpu.dma_semaphore, #tpu.memory_space<semaphore_mem>>)
      %dma_wait3A_58 = tpu.memref_slice %arg5[%mul3A_2] : memref<320000xi32, #tpu.memory_space<hbm>> -> memref<10000xi32, #tpu.memory_space<hbm>>
      %dma_wait3A_59 = tpu.memref_slice %arg5[%mul3A_2] : memref<320000xi32, #tpu.memory_space<hbm>> -> memref<10000xi32, #tpu.memory_space<hbm>>
      tpu.wait_dma2 semaphore(%run_scoped3A : memref<!tpu.dma_semaphore, #tpu.memory_space<semaphore_mem>>) src(%dma_wait3A_59 : memref<10000xi32, #tpu.memory_space<hbm>>) dst(%arg8 : memref<10000xi32, #tpu.memory_space<vmem>>)
      tpu.yield
    }) : () -> ()
    %dma_start3A = arith.constant 0 : i32
    %dma_start3A_3 = arith.constant 0 : i32
    %dma_start3A_4 = arith.constant 0 : i32
    %dma_start3A_5 = tpu.memref_slice %arg9[%dma_start3A, %dma_start3A_3, %dma_start3A_4] : memref<2x80x128xf32, #tpu.memory_space<vmem>> -> memref<1x80x128xf32, #tpu.memory_space<vmem>>
    %dma_start3A_6 = tpu.memref_squeeze %dma_start3A_5 : memref<1x80x128xf32, #tpu.memory_space<vmem>> -> memref<80x128xf32, #tpu.memory_space<vmem>>
    %dma_start3A_7 = arith.constant 0 : i32
    %dma_start3A_8 = tpu.memref_slice %arg7[%dma_start3A_7] : memref<10000xi32, #tpu.memory_space<vmem>> -> memref<80xi32, #tpu.memory_space<vmem>>
    %dma_start3A_9 = arith.constant 0 : i32
    %dma_start3A_10 = arith.constant 0 : i32
    %dma_start3A_11 = tpu.memref_slice %arg2[%dma_start3A_9, %dma_start3A_10] : memref<10240x128xf32, #tpu.memory_space<hbm>> -> memref<10240x128xf32, #tpu.memory_space<hbm>>
    tpu.enqueue_indirect_dma source(%dma_start3A_11 : memref<10240x128xf32, #tpu.memory_space<hbm>>) target(%dma_start3A_6 : memref<80x128xf32, #tpu.memory_space<vmem>>) offsets(%dma_start3A_8 : memref<80xi32, #tpu.memory_space<vmem>>) semaphore(%arg11 : memref<!tpu.dma_semaphore, #tpu.memory_space<semaphore_mem>>)
    %dma_start3A_12 = arith.constant 0 : i32
    %dma_start3A_13 = arith.constant 0 : i32
    %dma_start3A_14 = arith.constant 0 : i32
    %dma_start3A_15 = tpu.memref_slice %arg10[%dma_start3A_12, %dma_start3A_13, %dma_start3A_14] : memref<2x80x128xf32, #tpu.memory_space<vmem>> -> memref<1x80x128xf32, #tpu.memory_space<vmem>>
    %dma_start3A_16 = tpu.memref_squeeze %dma_start3A_15 : memref<1x80x128xf32, #tpu.memory_space<vmem>> -> memref<80x128xf32, #tpu.memory_space<vmem>>
    %dma_start3A_17 = arith.constant 0 : i32
    %dma_start3A_18 = tpu.memref_slice %arg8[%dma_start3A_17] : memref<10000xi32, #tpu.memory_space<vmem>> -> memref<80xi32, #tpu.memory_space<vmem>>
    %dma_start3A_19 = arith.constant 0 : i32
    %dma_start3A_20 = arith.constant 0 : i32
    %dma_start3A_21 = tpu.memref_slice %arg3[%dma_start3A_19, %dma_start3A_20] : memref<10240x128xf32, #tpu.memory_space<hbm>> -> memref<10240x128xf32, #tpu.memory_space<hbm>>
    tpu.enqueue_indirect_dma source(%dma_start3A_21 : memref<10240x128xf32, #tpu.memory_space<hbm>>) target(%dma_start3A_16 : memref<80x128xf32, #tpu.memory_space<vmem>>) offsets(%dma_start3A_18 : memref<80xi32, #tpu.memory_space<vmem>>) semaphore(%arg13 : memref<!tpu.dma_semaphore, #tpu.memory_space<semaphore_mem>>)
    %scan3A = arith.constant 0 : i32
    %scan3A_22 = arith.constant 0 : i32
    %scan3A_23 = arith.constant 63 : i32
    %scan3A_24 = arith.addi %scan3A_22, %scan3A_23 : i32
    %scan3A_25 = arith.constant 1 : i32
    scf.for %scan3A_56 = %scan3A_22 to %scan3A_24 step %scan3A_25  : i32 {
      %mul3A_57 = arith.constant 2 : i32
      %mul3A_58 = arith.muli %mul3A_57, %scan3A_56 : i32
      %lt3A = arith.constant 125 : i32
      %lt3A_59 = arith.cmpi slt, %mul3A_58, %lt3A : i32
      %convert_element_type3A = arith.extui %lt3A_59 : i1 to i32
      %cond3A = arith.constant 0 : i32
      %cond3A_60 = arith.cmpi ne, %convert_element_type3A, %cond3A : i32
      scf.if %cond3A_60 {
        %mul3A_70 = arith.constant 80 : i32
        %mul3A_71 = arith.muli %mul3A_58, %mul3A_70 : i32
        %mul3A_72 = arith.constant 80 : i32
        %mul3A_73 = arith.muli %mul3A_58, %mul3A_72 : i32
        %dma_wait3A_74 = arith.constant 0 : i32
        %dma_wait3A_75 = arith.constant 0 : i32
        %dma_wait3A_76 = arith.constant 0 : i32
        %dma_wait3A_77 = tpu.memref_slice %arg9[%dma_wait3A_74, %dma_wait3A_75, %dma_wait3A_76] : memref<2x80x128xf32, #tpu.memory_space<vmem>> -> memref<1x80x128xf32, #tpu.memory_space<vmem>>
        %dma_wait3A_78 = tpu.memref_squeeze %dma_wait3A_77 : memref<1x80x128xf32, #tpu.memory_space<vmem>> -> memref<80x128xf32, #tpu.memory_space<vmem>>
        %dma_wait3A_79 = tpu.memref_slice %arg7[%mul3A_71] : memref<10000xi32, #tpu.memory_space<vmem>> -> memref<80xi32, #tpu.memory_space<vmem>>
        %dma_wait3A_80 = arith.constant 0 : i32
        %dma_wait3A_81 = arith.constant 0 : i32
        %dma_wait3A_82 = tpu.memref_slice %arg2[%dma_wait3A_80, %dma_wait3A_81] : memref<10240x128xf32, #tpu.memory_space<hbm>> -> memref<10240x128xf32, #tpu.memory_space<hbm>>
        tpu.wait_indirect_dma semaphore(%arg11 : memref<!tpu.dma_semaphore, #tpu.memory_space<semaphore_mem>>) src(%dma_wait3A_82 : memref<10240x128xf32, #tpu.memory_space<hbm>>) dst(%dma_wait3A_78 : memref<80x128xf32, #tpu.memory_space<vmem>>)
        %dma_wait3A_83 = arith.constant 0 : i32
        %dma_wait3A_84 = arith.constant 0 : i32
        %dma_wait3A_85 = arith.constant 0 : i32
        %dma_wait3A_86 = tpu.memref_slice %arg10[%dma_wait3A_83, %dma_wait3A_84, %dma_wait3A_85] : memref<2x80x128xf32, #tpu.memory_space<vmem>> -> memref<1x80x128xf32, #tpu.memory_space<vmem>>
        %dma_wait3A_87 = tpu.memref_squeeze %dma_wait3A_86 : memref<1x80x128xf32, #tpu.memory_space<vmem>> -> memref<80x128xf32, #tpu.memory_space<vmem>>
        %dma_wait3A_88 = tpu.memref_slice %arg8[%mul3A_73] : memref<10000xi32, #tpu.memory_space<vmem>> -> memref<80xi32, #tpu.memory_space<vmem>>
        %dma_wait3A_89 = arith.constant 0 : i32
        %dma_wait3A_90 = arith.constant 0 : i32
        %dma_wait3A_91 = tpu.memref_slice %arg3[%dma_wait3A_89, %dma_wait3A_90] : memref<10240x128xf32, #tpu.memory_space<hbm>> -> memref<10240x128xf32, #tpu.memory_space<hbm>>
        tpu.wait_indirect_dma semaphore(%arg13 : memref<!tpu.dma_semaphore, #tpu.memory_space<semaphore_mem>>) src(%dma_wait3A_91 : memref<10240x128xf32, #tpu.memory_space<hbm>>) dst(%dma_wait3A_87 : memref<80x128xf32, #tpu.memory_space<vmem>>)
        %scan3A_92 = arith.constant 0 : i32
        %scan3A_93 = arith.constant 0 : i32
        %scan3A_94 = arith.constant 80 : i32
        %scan3A_95 = arith.addi %scan3A_93, %scan3A_94 : i32
        %scan3A_96 = arith.constant 1 : i32
        scf.for %scan3A_121 = %scan3A_93 to %scan3A_95 step %scan3A_96  : i32 {
          %get3A = arith.constant 0 : i32
          %get3A_122 = arith.index_cast %get3A : i32 to index
          %get3A_123 = arith.index_cast %scan3A_121 : i32 to index
          %get3A_124 = arith.constant 0 : index
          %get3A_125 = tpu.vector_load %arg9[%get3A_122, %get3A_123, %get3A_124] {strides = array<i32>} : memref<2x80x128xf32, #tpu.memory_space<vmem>>, vector<1x1x16xf32>,
          %get3A_126 = vector.shape_cast %get3A_125 : vector<1x1x16xf32> to vector<16xf32>
          %get3A_127 = arith.constant 0 : i32
          %get3A_128 = arith.index_cast %get3A_127 : i32 to index
          %get3A_129 = arith.index_cast %scan3A_121 : i32 to index
          %get3A_130 = arith.constant 0 : index
          %get3A_131 = tpu.vector_load %arg10[%get3A_128, %get3A_129, %get3A_130] {strides = array<i32>} : memref<2x80x128xf32, #tpu.memory_space<vmem>>, vector<1x1x16xf32>,
          %get3A_132 = vector.shape_cast %get3A_131 : vector<1x1x16xf32> to vector<16xf32>
          %add3A_133 = arith.addf %get3A_126, %get3A_132 : vector<16xf32>
          %swap3A = arith.constant 0 : i32
          %swap3A_134 = arith.index_cast %swap3A : i32 to index
          %swap3A_135 = arith.index_cast %scan3A_121 : i32 to index
          %swap3A_136 = arith.constant 0 : index
          %swap3A_137 = tpu.vector_load %arg9[%swap3A_134, %swap3A_135, %swap3A_136] {strides = array<i32>} : memref<2x80x128xf32, #tpu.memory_space<vmem>>, vector<1x1x16xf32>,
          %swap3A_138 = vector.shape_cast %swap3A_137 : vector<1x1x16xf32> to vector<16xf32>
          %swap3A_139 = vector.shape_cast %add3A_133 : vector<16xf32> to vector<1x1x16xf32>
          tpu.vector_store %arg9[%swap3A_134, %swap3A_135, %swap3A_136], %swap3A_139 {strides = array<i32>} : memref<2x80x128xf32, #tpu.memory_space<vmem>>, vector<1x1x16xf32>,
          %get3A_140 = arith.constant 0 : i32
          %get3A_141 = arith.index_cast %get3A_140 : i32 to index
          %get3A_142 = arith.index_cast %scan3A_121 : i32 to index
          %get3A_143 = arith.constant 16 : index
          %get3A_144 = tpu.vector_load %arg9[%get3A_141, %get3A_142, %get3A_143] {strides = array<i32>} : memref<2x80x128xf32, #tpu.memory_space<vmem>>, vector<1x1x16xf32>,
          %get3A_145 = vector.shape_cast %get3A_144 : vector<1x1x16xf32> to vector<16xf32>
          %get3A_146 = arith.constant 0 : i32
          %get3A_147 = arith.index_cast %get3A_146 : i32 to index
          %get3A_148 = arith.index_cast %scan3A_121 : i32 to index
          %get3A_149 = arith.constant 16 : index
          %get3A_150 = tpu.vector_load %arg10[%get3A_147, %get3A_148, %get3A_149] {strides = array<i32>} : memref<2x80x128xf32, #tpu.memory_space<vmem>>, vector<1x1x16xf32>,
          %get3A_151 = vector.shape_cast %get3A_150 : vector<1x1x16xf32> to vector<16xf32>
          %add3A_152 = arith.addf %get3A_145, %get3A_151 : vector<16xf32>
          %swap3A_153 = arith.constant 0 : i32
          %swap3A_154 = arith.index_cast %swap3A_153 : i32 to index
          %swap3A_155 = arith.index_cast %scan3A_121 : i32 to index
          %swap3A_156 = arith.constant 16 : index
          %swap3A_157 = tpu.vector_load %arg9[%swap3A_154, %swap3A_155, %swap3A_156] {strides = array<i32>} : memref<2x80x128xf32, #tpu.memory_space<vmem>>, vector<1x1x16xf32>,
          %swap3A_158 = vector.shape_cast %swap3A_157 : vector<1x1x16xf32> to vector<16xf32>
          %swap3A_159 = vector.shape_cast %add3A_152 : vector<16xf32> to vector<1x1x16xf32>
          tpu.vector_store %arg9[%swap3A_154, %swap3A_155, %swap3A_156], %swap3A_159 {strides = array<i32>} : memref<2x80x128xf32, #tpu.memory_space<vmem>>, vector<1x1x16xf32>,
          %get3A_160 = arith.constant 0 : i32
          %get3A_161 = arith.index_cast %get3A_160 : i32 to index
          %get3A_162 = arith.index_cast %scan3A_121 : i32 to index
          %get3A_163 = arith.constant 32 : index
          %get3A_164 = tpu.vector_load %arg9[%get3A_161, %get3A_162, %get3A_163] {strides = array<i32>} : memref<2x80x128xf32, #tpu.memory_space<vmem>>, vector<1x1x16xf32>,
          %get3A_165 = vector.shape_cast %get3A_164 : vector<1x1x16xf32> to vector<16xf32>
          %get3A_166 = arith.constant 0 : i32
          %get3A_167 = arith.index_cast %get3A_166 : i32 to index
          %get3A_168 = arith.index_cast %scan3A_121 : i32 to index
          %get3A_169 = arith.constant 32 : index
          %get3A_170 = tpu.vector_load %arg10[%get3A_167, %get3A_168, %get3A_169] {strides = array<i32>} : memref<2x80x128xf32, #tpu.memory_space<vmem>>, vector<1x1x16xf32>,
          %get3A_171 = vector.shape_cast %get3A_170 : vector<1x1x16xf32> to vector<16xf32>
          %add3A_172 = arith.addf %get3A_165, %get3A_171 : vector<16xf32>
          %swap3A_173 = arith.constant 0 : i32
          %swap3A_174 = arith.index_cast %swap3A_173 : i32 to index
          %swap3A_175 = arith.index_cast %scan3A_121 : i32 to index
          %swap3A_176 = arith.constant 32 : index
          %swap3A_177 = tpu.vector_load %arg9[%swap3A_174, %swap3A_175, %swap3A_176] {strides = array<i32>} : memref<2x80x128xf32, #tpu.memory_space<vmem>>, vector<1x1x16xf32>,
          %swap3A_178 = vector.shape_cast %swap3A_177 : vector<1x1x16xf32> to vector<16xf32>
          %swap3A_179 = vector.shape_cast %add3A_172 : vector<16xf32> to vector<1x1x16xf32>
          tpu.vector_store %arg9[%swap3A_174, %swap3A_175, %swap3A_176], %swap3A_179 {strides = array<i32>} : memref<2x80x128xf32, #tpu.memory_space<vmem>>, vector<1x1x16xf32>,
          %get3A_180 = arith.constant 0 : i32
          %get3A_181 = arith.index_cast %get3A_180 : i32 to index
          %get3A_182 = arith.index_cast %scan3A_121 : i32 to index
          %get3A_183 = arith.constant 48 : index
          %get3A_184 = tpu.vector_load %arg9[%get3A_181, %get3A_182, %get3A_183] {strides = array<i32>} : memref<2x80x128xf32, #tpu.memory_space<vmem>>, vector<1x1x16xf32>,
          %get3A_185 = vector.shape_cast %get3A_184 : vector<1x1x16xf32> to vector<16xf32>
          %get3A_186 = arith.constant 0 : i32
          %get3A_187 = arith.index_cast %get3A_186 : i32 to index
          %get3A_188 = arith.index_cast %scan3A_121 : i32 to index
          %get3A_189 = arith.constant 48 : index
          %get3A_190 = tpu.vector_load %arg10[%get3A_187, %get3A_188, %get3A_189] {strides = array<i32>} : memref<2x80x128xf32, #tpu.memory_space<vmem>>, vector<1x1x16xf32>,
          %get3A_191 = vector.shape_cast %get3A_190 : vector<1x1x16xf32> to vector<16xf32>
          %add3A_192 = arith.addf %get3A_185, %get3A_191 : vector<16xf32>
          %swap3A_193 = arith.constant 0 : i32
          %swap3A_194 = arith.index_cast %swap3A_193 : i32 to index
          %swap3A_195 = arith.index_cast %scan3A_121 : i32 to index
          %swap3A_196 = arith.constant 48 : index
          %swap3A_197 = tpu.vector_load %arg9[%swap3A_194, %swap3A_195, %swap3A_196] {strides = array<i32>} : memref<2x80x128xf32, #tpu.memory_space<vmem>>, vector<1x1x16xf32>,
          %swap3A_198 = vector.shape_cast %swap3A_197 : vector<1x1x16xf32> to vector<16xf32>
          %swap3A_199 = vector.shape_cast %add3A_192 : vector<16xf32> to vector<1x1x16xf32>
          tpu.vector_store %arg9[%swap3A_194, %swap3A_195, %swap3A_196], %swap3A_199 {strides = array<i32>} : memref<2x80x128xf32, #tpu.memory_space<vmem>>, vector<1x1x16xf32>,
          %get3A_200 = arith.constant 0 : i32
          %get3A_201 = arith.index_cast %get3A_200 : i32 to index
          %get3A_202 = arith.index_cast %scan3A_121 : i32 to index
          %get3A_203 = arith.constant 64 : index
          %get3A_204 = tpu.vector_load %arg9[%get3A_201, %get3A_202, %get3A_203] {strides = array<i32>} : memref<2x80x128xf32, #tpu.memory_space<vmem>>, vector<1x1x16xf32>,
          %get3A_205 = vector.shape_cast %get3A_204 : vector<1x1x16xf32> to vector<16xf32>
          %get3A_206 = arith.constant 0 : i32
          %get3A_207 = arith.index_cast %get3A_206 : i32 to index
          %get3A_208 = arith.index_cast %scan3A_121 : i32 to index
          %get3A_209 = arith.constant 64 : index
          %get3A_210 = tpu.vector_load %arg10[%get3A_207, %get3A_208, %get3A_209] {strides = array<i32>} : memref<2x80x128xf32, #tpu.memory_space<vmem>>, vector<1x1x16xf32>,
          %get3A_211 = vector.shape_cast %get3A_210 : vector<1x1x16xf32> to vector<16xf32>
          %add3A_212 = arith.addf %get3A_205, %get3A_211 : vector<16xf32>
          %swap3A_213 = arith.constant 0 : i32
          %swap3A_214 = arith.index_cast %swap3A_213 : i32 to index
          %swap3A_215 = arith.index_cast %scan3A_121 : i32 to index
          %swap3A_216 = arith.constant 64 : index
          %swap3A_217 = tpu.vector_load %arg9[%swap3A_214, %swap3A_215, %swap3A_216] {strides = array<i32>} : memref<2x80x128xf32, #tpu.memory_space<vmem>>, vector<1x1x16xf32>,
          %swap3A_218 = vector.shape_cast %swap3A_217 : vector<1x1x16xf32> to vector<16xf32>
          %swap3A_219 = vector.shape_cast %add3A_212 : vector<16xf32> to vector<1x1x16xf32>
          tpu.vector_store %arg9[%swap3A_214, %swap3A_215, %swap3A_216], %swap3A_219 {strides = array<i32>} : memref<2x80x128xf32, #tpu.memory_space<vmem>>, vector<1x1x16xf32>,
          %get3A_220 = arith.constant 0 : i32
          %get3A_221 = arith.index_cast %get3A_220 : i32 to index
          %get3A_222 = arith.index_cast %scan3A_121 : i32 to index
          %get3A_223 = arith.constant 80 : index
          %get3A_224 = tpu.vector_load %arg9[%get3A_221, %get3A_222, %get3A_223] {strides = array<i32>} : memref<2x80x128xf32, #tpu.memory_space<vmem>>, vector<1x1x16xf32>,
          %get3A_225 = vector.shape_cast %get3A_224 : vector<1x1x16xf32> to vector<16xf32>
          %get3A_226 = arith.constant 0 : i32
          %get3A_227 = arith.index_cast %get3A_226 : i32 to index
          %get3A_228 = arith.index_cast %scan3A_121 : i32 to index
          %get3A_229 = arith.constant 80 : index
          %get3A_230 = tpu.vector_load %arg10[%get3A_227, %get3A_228, %get3A_229] {strides = array<i32>} : memref<2x80x128xf32, #tpu.memory_space<vmem>>, vector<1x1x16xf32>,
          %get3A_231 = vector.shape_cast %get3A_230 : vector<1x1x16xf32> to vector<16xf32>
          %add3A_232 = arith.addf %get3A_225, %get3A_231 : vector<16xf32>
          %swap3A_233 = arith.constant 0 : i32
          %swap3A_234 = arith.index_cast %swap3A_233 : i32 to index
          %swap3A_235 = arith.index_cast %scan3A_121 : i32 to index
          %swap3A_236 = arith.constant 80 : index
          %swap3A_237 = tpu.vector_load %arg9[%swap3A_234, %swap3A_235, %swap3A_236] {strides = array<i32>} : memref<2x80x128xf32, #tpu.memory_space<vmem>>, vector<1x1x16xf32>,
          %swap3A_238 = vector.shape_cast %swap3A_237 : vector<1x1x16xf32> to vector<16xf32>
          %swap3A_239 = vector.shape_cast %add3A_232 : vector<16xf32> to vector<1x1x16xf32>
          tpu.vector_store %arg9[%swap3A_234, %swap3A_235, %swap3A_236], %swap3A_239 {strides = array<i32>} : memref<2x80x128xf32, #tpu.memory_space<vmem>>, vector<1x1x16xf32>,
          %get3A_240 = arith.constant 0 : i32
          %get3A_241 = arith.index_cast %get3A_240 : i32 to index
          %get3A_242 = arith.index_cast %scan3A_121 : i32 to index
          %get3A_243 = arith.constant 96 : index
          %get3A_244 = tpu.vector_load %arg9[%get3A_241, %get3A_242, %get3A_243] {strides = array<i32>} : memref<2x80x128xf32, #tpu.memory_space<vmem>>, vector<1x1x16xf32>,
          %get3A_245 = vector.shape_cast %get3A_244 : vector<1x1x16xf32> to vector<16xf32>
          %get3A_246 = arith.constant 0 : i32
          %get3A_247 = arith.index_cast %get3A_246 : i32 to index
          %get3A_248 = arith.index_cast %scan3A_121 : i32 to index
          %get3A_249 = arith.constant 96 : index
          %get3A_250 = tpu.vector_load %arg10[%get3A_247, %get3A_248, %get3A_249] {strides = array<i32>} : memref<2x80x128xf32, #tpu.memory_space<vmem>>, vector<1x1x16xf32>,
          %get3A_251 = vector.shape_cast %get3A_250 : vector<1x1x16xf32> to vector<16xf32>
          %add3A_252 = arith.addf %get3A_245, %get3A_251 : vector<16xf32>
          %swap3A_253 = arith.constant 0 : i32
          %swap3A_254 = arith.index_cast %swap3A_253 : i32 to index
          %swap3A_255 = arith.index_cast %scan3A_121 : i32 to index
          %swap3A_256 = arith.constant 96 : index
          %swap3A_257 = tpu.vector_load %arg9[%swap3A_254, %swap3A_255, %swap3A_256] {strides = array<i32>} : memref<2x80x128xf32, #tpu.memory_space<vmem>>, vector<1x1x16xf32>,
          %swap3A_258 = vector.shape_cast %swap3A_257 : vector<1x1x16xf32> to vector<16xf32>
          %swap3A_259 = vector.shape_cast %add3A_252 : vector<16xf32> to vector<1x1x16xf32>
          tpu.vector_store %arg9[%swap3A_254, %swap3A_255, %swap3A_256], %swap3A_259 {strides = array<i32>} : memref<2x80x128xf32, #tpu.memory_space<vmem>>, vector<1x1x16xf32>,
          %get3A_260 = arith.constant 0 : i32
          %get3A_261 = arith.index_cast %get3A_260 : i32 to index
          %get3A_262 = arith.index_cast %scan3A_121 : i32 to index
          %get3A_263 = arith.constant 112 : index
          %get3A_264 = tpu.vector_load %arg9[%get3A_261, %get3A_262, %get3A_263] {strides = array<i32>} : memref<2x80x128xf32, #tpu.memory_space<vmem>>, vector<1x1x16xf32>,
          %get3A_265 = vector.shape_cast %get3A_264 : vector<1x1x16xf32> to vector<16xf32>
          %get3A_266 = arith.constant 0 : i32
          %get3A_267 = arith.index_cast %get3A_266 : i32 to index
          %get3A_268 = arith.index_cast %scan3A_121 : i32 to index
          %get3A_269 = arith.constant 112 : index
          %get3A_270 = tpu.vector_load %arg10[%get3A_267, %get3A_268, %get3A_269] {strides = array<i32>} : memref<2x80x128xf32, #tpu.memory_space<vmem>>, vector<1x1x16xf32>,
          %get3A_271 = vector.shape_cast %get3A_270 : vector<1x1x16xf32> to vector<16xf32>
          %add3A_272 = arith.addf %get3A_265, %get3A_271 : vector<16xf32>
          %swap3A_273 = arith.constant 0 : i32
          %swap3A_274 = arith.index_cast %swap3A_273 : i32 to index
          %swap3A_275 = arith.index_cast %scan3A_121 : i32 to index
          %swap3A_276 = arith.constant 112 : index
          %swap3A_277 = tpu.vector_load %arg9[%swap3A_274, %swap3A_275, %swap3A_276] {strides = array<i32>} : memref<2x80x128xf32, #tpu.memory_space<vmem>>, vector<1x1x16xf32>,
          %swap3A_278 = vector.shape_cast %swap3A_277 : vector<1x1x16xf32> to vector<16xf32>
          %swap3A_279 = vector.shape_cast %add3A_272 : vector<16xf32> to vector<1x1x16xf32>
          tpu.vector_store %arg9[%swap3A_274, %swap3A_275, %swap3A_276], %swap3A_279 {strides = array<i32>} : memref<2x80x128xf32, #tpu.memory_space<vmem>>, vector<1x1x16xf32>,
        }
        %scan3A_97 = arith.constant 80 : i32
        %mul3A_98 = arith.constant 80 : i32
        %mul3A_99 = arith.muli %mul3A_58, %mul3A_98 : i32
        %add3A_100 = arith.addi %mul3A_2, %mul3A_99 : i32
        %dma_start3A_101 = arith.constant 0 : i32
        %dma_start3A_102 = arith.constant 0 : i32
        %dma_start3A_103 = arith.constant 0 : i32
        %dma_start3A_104 = tpu.memref_slice %arg9[%dma_start3A_101, %dma_start3A_102, %dma_start3A_103] : memref<2x80x128xf32, #tpu.memory_space<vmem>> -> memref<1x80x128xf32, #tpu.memory_space<vmem>>
        %dma_start3A_105 = tpu.memref_squeeze %dma_start3A_104 : memref<1x80x128xf32, #tpu.memory_space<vmem>> -> memref<80x128xf32, #tpu.memory_space<vmem>>
        %dma_start3A_106 = arith.constant 0 : i32
        %dma_start3A_107 = tpu.memref_slice %arg6[%add3A_100, %dma_start3A_106] : memref<320000x128xf32, #tpu.memory_space<hbm>> -> memref<80x128xf32, #tpu.memory_space<hbm>>
        %dma_start3A_108 = arith.constant 0 : i32
        %dma_start3A_109 = tpu.memref_slice %arg6[%add3A_100, %dma_start3A_108] : memref<320000x128xf32, #tpu.memory_space<hbm>> -> memref<80x128xf32, #tpu.memory_space<hbm>>
        %dma_start3A_110 = arith.constant 0 : i32
        %dma_start3A_111 = arith.constant 0 : i32
        %dma_start3A_112 = tpu.memref_slice %arg9[%dma_start3A_101, %dma_start3A_110, %dma_start3A_111] : memref<2x80x128xf32, #tpu.memory_space<vmem>> -> memref<1x80x128xf32, #tpu.memory_space<vmem>>
        %dma_start3A_113 = tpu.memref_squeeze %dma_start3A_112 : memref<1x80x128xf32, #tpu.memory_space<vmem>> -> memref<80x128xf32, #tpu.memory_space<vmem>>
        tpu.enqueue_dma source(%dma_start3A_113 : memref<80x128xf32, #tpu.memory_space<vmem>>) target(%dma_start3A_109 : memref<80x128xf32, #tpu.memory_space<hbm>>) target_semaphore(%arg15 : memref<!tpu.dma_semaphore, #tpu.memory_space<semaphore_mem>>)
        %add3A_114 = arith.constant 1 : i32
        %add3A_115 = arith.addi %mul3A_58, %add3A_114 : i32
        %lt3A_116 = arith.constant 125 : i32
        %lt3A_117 = arith.cmpi slt, %add3A_115, %lt3A_116 : i32
        %convert_element_type3A_118 = arith.extui %lt3A_117 : i1 to i32
        %cond3A_119 = arith.constant 0 : i32
        %cond3A_120 = arith.cmpi ne, %convert_element_type3A_118, %cond3A_119 : i32
        scf.if %cond3A_120 {
          %ge3A = arith.constant 1 : i32
          %ge3A_121 = arith.cmpi sge, %mul3A_58, %ge3A : i32
          %convert_element_type3A_122 = arith.extui %ge3A_121 : i1 to i32
          %cond3A_123 = arith.constant 0 : i32
          %cond3A_124 = arith.cmpi ne, %convert_element_type3A_122, %cond3A_123 : i32
          scf.if %cond3A_124 {
            %sub3A = arith.constant 1 : i32
            %sub3A_149 = arith.subi %mul3A_58, %sub3A : i32
            %mul3A_150 = arith.constant 80 : i32
            %mul3A_151 = arith.muli %sub3A_149, %mul3A_150 : i32
            %add3A_152 = arith.addi %mul3A_2, %mul3A_151 : i32
            %dma_wait3A_153 = arith.constant 1 : i32
            %dma_wait3A_154 = arith.constant 0 : i32
            %dma_wait3A_155 = arith.constant 0 : i32
            %dma_wait3A_156 = tpu.memref_slice %arg9[%dma_wait3A_153, %dma_wait3A_154, %dma_wait3A_155] : memref<2x80x128xf32, #tpu.memory_space<vmem>> -> memref<1x80x128xf32, #tpu.memory_space<vmem>>
            %dma_wait3A_157 = tpu.memref_squeeze %dma_wait3A_156 : memref<1x80x128xf32, #tpu.memory_space<vmem>> -> memref<80x128xf32, #tpu.memory_space<vmem>>
            %dma_wait3A_158 = arith.constant 0 : i32
            %dma_wait3A_159 = tpu.memref_slice %arg6[%add3A_152, %dma_wait3A_158] : memref<320000x128xf32, #tpu.memory_space<hbm>> -> memref<80x128xf32, #tpu.memory_space<hbm>>
            %dma_wait3A_160 = arith.constant 0 : i32
            %dma_wait3A_161 = tpu.memref_slice %arg6[%add3A_152, %dma_wait3A_160] : memref<320000x128xf32, #tpu.memory_space<hbm>> -> memref<80x128xf32, #tpu.memory_space<hbm>>
            %dma_wait3A_162 = arith.constant 0 : i32
            %dma_wait3A_163 = arith.constant 0 : i32
            %dma_wait3A_164 = tpu.memref_slice %arg9[%dma_wait3A_153, %dma_wait3A_162, %dma_wait3A_163] : memref<2x80x128xf32, #tpu.memory_space<vmem>> -> memref<1x80x128xf32, #tpu.memory_space<vmem>>
            %dma_wait3A_165 = tpu.memref_squeeze %dma_wait3A_164 : memref<1x80x128xf32, #tpu.memory_space<vmem>> -> memref<80x128xf32, #tpu.memory_space<vmem>>
            tpu.wait_dma2 semaphore(%arg16 : memref<!tpu.dma_semaphore, #tpu.memory_space<semaphore_mem>>) src(%dma_wait3A_165 : memref<80x128xf32, #tpu.memory_space<vmem>>) dst(%dma_wait3A_161 : memref<80x128xf32, #tpu.memory_space<hbm>>)
          } else {
          }
          %add3A_125 = arith.constant 1 : i32
          %add3A_126 = arith.addi %mul3A_58, %add3A_125 : i32
          %mul3A_127 = arith.constant 80 : i32
          %mul3A_128 = arith.muli %add3A_126, %mul3A_127 : i32
          %mul3A_129 = arith.constant 80 : i32
          %mul3A_130 = arith.muli %add3A_126, %mul3A_129 : i32
          %dma_start3A_131 = arith.constant 1 : i32
          %dma_start3A_132 = arith.constant 0 : i32
          %dma_start3A_133 = arith.constant 0 : i32
          %dma_start3A_134 = tpu.memref_slice %arg9[%dma_start3A_131, %dma_start3A_132, %dma_start3A_133] : memref<2x80x128xf32, #tpu.memory_space<vmem>> -> memref<1x80x128xf32, #tpu.memory_space<vmem>>
          %dma_start3A_135 = tpu.memref_squeeze %dma_start3A_134 : memref<1x80x128xf32, #tpu.memory_space<vmem>> -> memref<80x128xf32, #tpu.memory_space<vmem>>
          %dma_start3A_136 = tpu.memref_slice %arg7[%mul3A_128] : memref<10000xi32, #tpu.memory_space<vmem>> -> memref<80xi32, #tpu.memory_space<vmem>>
          %dma_start3A_137 = arith.constant 0 : i32
          %dma_start3A_138 = arith.constant 0 : i32
          %dma_start3A_139 = tpu.memref_slice %arg2[%dma_start3A_137, %dma_start3A_138] : memref<10240x128xf32, #tpu.memory_space<hbm>> -> memref<10240x128xf32, #tpu.memory_space<hbm>>
          tpu.enqueue_indirect_dma source(%dma_start3A_139 : memref<10240x128xf32, #tpu.memory_space<hbm>>) target(%dma_start3A_135 : memref<80x128xf32, #tpu.memory_space<vmem>>) offsets(%dma_start3A_136 : memref<80xi32, #tpu.memory_space<vmem>>) semaphore(%arg12 : memref<!tpu.dma_semaphore, #tpu.memory_space<semaphore_mem>>)
          %dma_start3A_140 = arith.constant 1 : i32
          %dma_start3A_141 = arith.constant 0 : i32
          %dma_start3A_142 = arith.constant 0 : i32
          %dma_start3A_143 = tpu.memref_slice %arg10[%dma_start3A_140, %dma_start3A_141, %dma_start3A_142] : memref<2x80x128xf32, #tpu.memory_space<vmem>> -> memref<1x80x128xf32, #tpu.memory_space<vmem>>
          %dma_start3A_144 = tpu.memref_squeeze %dma_start3A_143 : memref<1x80x128xf32, #tpu.memory_space<vmem>> -> memref<80x128xf32, #tpu.memory_space<vmem>>
          %dma_start3A_145 = tpu.memref_slice %arg8[%mul3A_130] : memref<10000xi32, #tpu.memory_space<vmem>> -> memref<80xi32, #tpu.memory_space<vmem>>
          %dma_start3A_146 = arith.constant 0 : i32
          %dma_start3A_147 = arith.constant 0 : i32
          %dma_start3A_148 = tpu.memref_slice %arg3[%dma_start3A_146, %dma_start3A_147] : memref<10240x128xf32, #tpu.memory_space<hbm>> -> memref<10240x128xf32, #tpu.memory_space<hbm>>
          tpu.enqueue_indirect_dma source(%dma_start3A_148 : memref<10240x128xf32, #tpu.memory_space<hbm>>) target(%dma_start3A_144 : memref<80x128xf32, #tpu.memory_space<vmem>>) offsets(%dma_start3A_145 : memref<80xi32, #tpu.memory_space<vmem>>) semaphore(%arg14 : memref<!tpu.dma_semaphore, #tpu.memory_space<semaphore_mem>>)
        } else {
        }
      } else {
      }
      %mul3A_61 = arith.constant 2 : i32
      %mul3A_62 = arith.muli %mul3A_61, %scan3A_56 : i32
      %add3A_63 = arith.constant 1 : i32
      %add3A_64 = arith.addi %mul3A_62, %add3A_63 : i32
      %lt3A_65 = arith.constant 125 : i32
      %lt3A_66 = arith.cmpi slt, %add3A_64, %lt3A_65 : i32
      %convert_element_type3A_67 = arith.extui %lt3A_66 : i1 to i32
      %cond3A_68 = arith.constant 0 : i32
      %cond3A_69 = arith.cmpi ne, %convert_element_type3A_67, %cond3A_68 : i32
      scf.if %cond3A_69 {
        %mul3A_70 = arith.constant 80 : i32
        %mul3A_71 = arith.muli %add3A_64, %mul3A_70 : i32
        %mul3A_72 = arith.constant 80 : i32
        %mul3A_73 = arith.muli %add3A_64, %mul3A_72 : i32
        %dma_wait3A_74 = arith.constant 1 : i32
        %dma_wait3A_75 = arith.constant 0 : i32
        %dma_wait3A_76 = arith.constant 0 : i32
        %dma_wait3A_77 = tpu.memref_slice %arg9[%dma_wait3A_74, %dma_wait3A_75, %dma_wait3A_76] : memref<2x80x128xf32, #tpu.memory_space<vmem>> -> memref<1x80x128xf32, #tpu.memory_space<vmem>>
        %dma_wait3A_78 = tpu.memref_squeeze %dma_wait3A_77 : memref<1x80x128xf32, #tpu.memory_space<vmem>> -> memref<80x128xf32, #tpu.memory_space<vmem>>
        %dma_wait3A_79 = tpu.memref_slice %arg7[%mul3A_71] : memref<10000xi32, #tpu.memory_space<vmem>> -> memref<80xi32, #tpu.memory_space<vmem>>
        %dma_wait3A_80 = arith.constant 0 : i32
        %dma_wait3A_81 = arith.constant 0 : i32
        %dma_wait3A_82 = tpu.memref_slice %arg2[%dma_wait3A_80, %dma_wait3A_81] : memref<10240x128xf32, #tpu.memory_space<hbm>> -> memref<10240x128xf32, #tpu.memory_space<hbm>>
        tpu.wait_indirect_dma semaphore(%arg12 : memref<!tpu.dma_semaphore, #tpu.memory_space<semaphore_mem>>) src(%dma_wait3A_82 : memref<10240x128xf32, #tpu.memory_space<hbm>>) dst(%dma_wait3A_78 : memref<80x128xf32, #tpu.memory_space<vmem>>)
        %dma_wait3A_83 = arith.constant 1 : i32
        %dma_wait3A_84 = arith.constant 0 : i32
        %dma_wait3A_85 = arith.constant 0 : i32
        %dma_wait3A_86 = tpu.memref_slice %arg10[%dma_wait3A_83, %dma_wait3A_84, %dma_wait3A_85] : memref<2x80x128xf32, #tpu.memory_space<vmem>> -> memref<1x80x128xf32, #tpu.memory_space<vmem>>
        %dma_wait3A_87 = tpu.memref_squeeze %dma_wait3A_86 : memref<1x80x128xf32, #tpu.memory_space<vmem>> -> memref<80x128xf32, #tpu.memory_space<vmem>>
        %dma_wait3A_88 = tpu.memref_slice %arg8[%mul3A_73] : memref<10000xi32, #tpu.memory_space<vmem>> -> memref<80xi32, #tpu.memory_space<vmem>>
        %dma_wait3A_89 = arith.constant 0 : i32
        %dma_wait3A_90 = arith.constant 0 : i32
        %dma_wait3A_91 = tpu.memref_slice %arg3[%dma_wait3A_89, %dma_wait3A_90] : memref<10240x128xf32, #tpu.memory_space<hbm>> -> memref<10240x128xf32, #tpu.memory_space<hbm>>
        tpu.wait_indirect_dma semaphore(%arg14 : memref<!tpu.dma_semaphore, #tpu.memory_space<semaphore_mem>>) src(%dma_wait3A_91 : memref<10240x128xf32, #tpu.memory_space<hbm>>) dst(%dma_wait3A_87 : memref<80x128xf32, #tpu.memory_space<vmem>>)
        %scan3A_92 = arith.constant 0 : i32
        %scan3A_93 = arith.constant 0 : i32
        %scan3A_94 = arith.constant 80 : i32
        %scan3A_95 = arith.addi %scan3A_93, %scan3A_94 : i32
        %scan3A_96 = arith.constant 1 : i32
        scf.for %scan3A_121 = %scan3A_93 to %scan3A_95 step %scan3A_96  : i32 {
          %get3A = arith.constant 1 : i32
          %get3A_122 = arith.index_cast %get3A : i32 to index
          %get3A_123 = arith.index_cast %scan3A_121 : i32 to index
          %get3A_124 = arith.constant 0 : index
          %get3A_125 = tpu.vector_load %arg9[%get3A_122, %get3A_123, %get3A_124] {strides = array<i32>} : memref<2x80x128xf32, #tpu.memory_space<vmem>>, vector<1x1x16xf32>,
          %get3A_126 = vector.shape_cast %get3A_125 : vector<1x1x16xf32> to vector<16xf32>
          %get3A_127 = arith.constant 1 : i32
          %get3A_128 = arith.index_cast %get3A_127 : i32 to index
          %get3A_129 = arith.index_cast %scan3A_121 : i32 to index
          %get3A_130 = arith.constant 0 : index
          %get3A_131 = tpu.vector_load %arg10[%get3A_128, %get3A_129, %get3A_130] {strides = array<i32>} : memref<2x80x128xf32, #tpu.memory_space<vmem>>, vector<1x1x16xf32>,
          %get3A_132 = vector.shape_cast %get3A_131 : vector<1x1x16xf32> to vector<16xf32>
          %add3A_133 = arith.addf %get3A_126, %get3A_132 : vector<16xf32>
          %swap3A = arith.constant 1 : i32
          %swap3A_134 = arith.index_cast %swap3A : i32 to index
          %swap3A_135 = arith.index_cast %scan3A_121 : i32 to index
          %swap3A_136 = arith.constant 0 : index
          %swap3A_137 = tpu.vector_load %arg9[%swap3A_134, %swap3A_135, %swap3A_136] {strides = array<i32>} : memref<2x80x128xf32, #tpu.memory_space<vmem>>, vector<1x1x16xf32>,
          %swap3A_138 = vector.shape_cast %swap3A_137 : vector<1x1x16xf32> to vector<16xf32>
          %swap3A_139 = vector.shape_cast %add3A_133 : vector<16xf32> to vector<1x1x16xf32>
          tpu.vector_store %arg9[%swap3A_134, %swap3A_135, %swap3A_136], %swap3A_139 {strides = array<i32>} : memref<2x80x128xf32, #tpu.memory_space<vmem>>, vector<1x1x16xf32>,
          %get3A_140 = arith.constant 1 : i32
          %get3A_141 = arith.index_cast %get3A_140 : i32 to index
          %get3A_142 = arith.index_cast %scan3A_121 : i32 to index
          %get3A_143 = arith.constant 16 : index
          %get3A_144 = tpu.vector_load %arg9[%get3A_141, %get3A_142, %get3A_143] {strides = array<i32>} : memref<2x80x128xf32, #tpu.memory_space<vmem>>, vector<1x1x16xf32>,
          %get3A_145 = vector.shape_cast %get3A_144 : vector<1x1x16xf32> to vector<16xf32>
          %get3A_146 = arith.constant 1 : i32
          %get3A_147 = arith.index_cast %get3A_146 : i32 to index
          %get3A_148 = arith.index_cast %scan3A_121 : i32 to index
          %get3A_149 = arith.constant 16 : index
          %get3A_150 = tpu.vector_load %arg10[%get3A_147, %get3A_148, %get3A_149] {strides = array<i32>} : memref<2x80x128xf32, #tpu.memory_space<vmem>>, vector<1x1x16xf32>,
          %get3A_151 = vector.shape_cast %get3A_150 : vector<1x1x16xf32> to vector<16xf32>
          %add3A_152 = arith.addf %get3A_145, %get3A_151 : vector<16xf32>
          %swap3A_153 = arith.constant 1 : i32
          %swap3A_154 = arith.index_cast %swap3A_153 : i32 to index
          %swap3A_155 = arith.index_cast %scan3A_121 : i32 to index
          %swap3A_156 = arith.constant 16 : index
          %swap3A_157 = tpu.vector_load %arg9[%swap3A_154, %swap3A_155, %swap3A_156] {strides = array<i32>} : memref<2x80x128xf32, #tpu.memory_space<vmem>>, vector<1x1x16xf32>,
          %swap3A_158 = vector.shape_cast %swap3A_157 : vector<1x1x16xf32> to vector<16xf32>
          %swap3A_159 = vector.shape_cast %add3A_152 : vector<16xf32> to vector<1x1x16xf32>
          tpu.vector_store %arg9[%swap3A_154, %swap3A_155, %swap3A_156], %swap3A_159 {strides = array<i32>} : memref<2x80x128xf32, #tpu.memory_space<vmem>>, vector<1x1x16xf32>,
          %get3A_160 = arith.constant 1 : i32
          %get3A_161 = arith.index_cast %get3A_160 : i32 to index
          %get3A_162 = arith.index_cast %scan3A_121 : i32 to index
          %get3A_163 = arith.constant 32 : index
          %get3A_164 = tpu.vector_load %arg9[%get3A_161, %get3A_162, %get3A_163] {strides = array<i32>} : memref<2x80x128xf32, #tpu.memory_space<vmem>>, vector<1x1x16xf32>,
          %get3A_165 = vector.shape_cast %get3A_164 : vector<1x1x16xf32> to vector<16xf32>
          %get3A_166 = arith.constant 1 : i32
          %get3A_167 = arith.index_cast %get3A_166 : i32 to index
          %get3A_168 = arith.index_cast %scan3A_121 : i32 to index
          %get3A_169 = arith.constant 32 : index
          %get3A_170 = tpu.vector_load %arg10[%get3A_167, %get3A_168, %get3A_169] {strides = array<i32>} : memref<2x80x128xf32, #tpu.memory_space<vmem>>, vector<1x1x16xf32>,
          %get3A_171 = vector.shape_cast %get3A_170 : vector<1x1x16xf32> to vector<16xf32>
          %add3A_172 = arith.addf %get3A_165, %get3A_171 : vector<16xf32>
          %swap3A_173 = arith.constant 1 : i32
          %swap3A_174 = arith.index_cast %swap3A_173 : i32 to index
          %swap3A_175 = arith.index_cast %scan3A_121 : i32 to index
          %swap3A_176 = arith.constant 32 : index
          %swap3A_177 = tpu.vector_load %arg9[%swap3A_174, %swap3A_175, %swap3A_176] {strides = array<i32>} : memref<2x80x128xf32, #tpu.memory_space<vmem>>, vector<1x1x16xf32>,
          %swap3A_178 = vector.shape_cast %swap3A_177 : vector<1x1x16xf32> to vector<16xf32>
          %swap3A_179 = vector.shape_cast %add3A_172 : vector<16xf32> to vector<1x1x16xf32>
          tpu.vector_store %arg9[%swap3A_174, %swap3A_175, %swap3A_176], %swap3A_179 {strides = array<i32>} : memref<2x80x128xf32, #tpu.memory_space<vmem>>, vector<1x1x16xf32>,
          %get3A_180 = arith.constant 1 : i32
          %get3A_181 = arith.index_cast %get3A_180 : i32 to index
          %get3A_182 = arith.index_cast %scan3A_121 : i32 to index
          %get3A_183 = arith.constant 48 : index
          %get3A_184 = tpu.vector_load %arg9[%get3A_181, %get3A_182, %get3A_183] {strides = array<i32>} : memref<2x80x128xf32, #tpu.memory_space<vmem>>, vector<1x1x16xf32>,
          %get3A_185 = vector.shape_cast %get3A_184 : vector<1x1x16xf32> to vector<16xf32>
          %get3A_186 = arith.constant 1 : i32
          %get3A_187 = arith.index_cast %get3A_186 : i32 to index
          %get3A_188 = arith.index_cast %scan3A_121 : i32 to index
          %get3A_189 = arith.constant 48 : index
          %get3A_190 = tpu.vector_load %arg10[%get3A_187, %get3A_188, %get3A_189] {strides = array<i32>} : memref<2x80x128xf32, #tpu.memory_space<vmem>>, vector<1x1x16xf32>,
          %get3A_191 = vector.shape_cast %get3A_190 : vector<1x1x16xf32> to vector<16xf32>
          %add3A_192 = arith.addf %get3A_185, %get3A_191 : vector<16xf32>
          %swap3A_193 = arith.constant 1 : i32
          %swap3A_194 = arith.index_cast %swap3A_193 : i32 to index
          %swap3A_195 = arith.index_cast %scan3A_121 : i32 to index
          %swap3A_196 = arith.constant 48 : index
          %swap3A_197 = tpu.vector_load %arg9[%swap3A_194, %swap3A_195, %swap3A_196] {strides = array<i32>} : memref<2x80x128xf32, #tpu.memory_space<vmem>>, vector<1x1x16xf32>,
          %swap3A_198 = vector.shape_cast %swap3A_197 : vector<1x1x16xf32> to vector<16xf32>
          %swap3A_199 = vector.shape_cast %add3A_192 : vector<16xf32> to vector<1x1x16xf32>
          tpu.vector_store %arg9[%swap3A_194, %swap3A_195, %swap3A_196], %swap3A_199 {strides = array<i32>} : memref<2x80x128xf32, #tpu.memory_space<vmem>>, vector<1x1x16xf32>,
          %get3A_200 = arith.constant 1 : i32
          %get3A_201 = arith.index_cast %get3A_200 : i32 to index
          %get3A_202 = arith.index_cast %scan3A_121 : i32 to index
          %get3A_203 = arith.constant 64 : index
          %get3A_204 = tpu.vector_load %arg9[%get3A_201, %get3A_202, %get3A_203] {strides = array<i32>} : memref<2x80x128xf32, #tpu.memory_space<vmem>>, vector<1x1x16xf32>,
          %get3A_205 = vector.shape_cast %get3A_204 : vector<1x1x16xf32> to vector<16xf32>
          %get3A_206 = arith.constant 1 : i32
          %get3A_207 = arith.index_cast %get3A_206 : i32 to index
          %get3A_208 = arith.index_cast %scan3A_121 : i32 to index
          %get3A_209 = arith.constant 64 : index
          %get3A_210 = tpu.vector_load %arg10[%get3A_207, %get3A_208, %get3A_209] {strides = array<i32>} : memref<2x80x128xf32, #tpu.memory_space<vmem>>, vector<1x1x16xf32>,
          %get3A_211 = vector.shape_cast %get3A_210 : vector<1x1x16xf32> to vector<16xf32>
          %add3A_212 = arith.addf %get3A_205, %get3A_211 : vector<16xf32>
          %swap3A_213 = arith.constant 1 : i32
          %swap3A_214 = arith.index_cast %swap3A_213 : i32 to index
          %swap3A_215 = arith.index_cast %scan3A_121 : i32 to index
          %swap3A_216 = arith.constant 64 : index
          %swap3A_217 = tpu.vector_load %arg9[%swap3A_214, %swap3A_215, %swap3A_216] {strides = array<i32>} : memref<2x80x128xf32, #tpu.memory_space<vmem>>, vector<1x1x16xf32>,
          %swap3A_218 = vector.shape_cast %swap3A_217 : vector<1x1x16xf32> to vector<16xf32>
          %swap3A_219 = vector.shape_cast %add3A_212 : vector<16xf32> to vector<1x1x16xf32>
          tpu.vector_store %arg9[%swap3A_214, %swap3A_215, %swap3A_216], %swap3A_219 {strides = array<i32>} : memref<2x80x128xf32, #tpu.memory_space<vmem>>, vector<1x1x16xf32>,
          %get3A_220 = arith.constant 1 : i32
          %get3A_221 = arith.index_cast %get3A_220 : i32 to index
          %get3A_222 = arith.index_cast %scan3A_121 : i32 to index
          %get3A_223 = arith.constant 80 : index
          %get3A_224 = tpu.vector_load %arg9[%get3A_221, %get3A_222, %get3A_223] {strides = array<i32>} : memref<2x80x128xf32, #tpu.memory_space<vmem>>, vector<1x1x16xf32>,
          %get3A_225 = vector.shape_cast %get3A_224 : vector<1x1x16xf32> to vector<16xf32>
          %get3A_226 = arith.constant 1 : i32
          %get3A_227 = arith.index_cast %get3A_226 : i32 to index
          %get3A_228 = arith.index_cast %scan3A_121 : i32 to index
          %get3A_229 = arith.constant 80 : index
          %get3A_230 = tpu.vector_load %arg10[%get3A_227, %get3A_228, %get3A_229] {strides = array<i32>} : memref<2x80x128xf32, #tpu.memory_space<vmem>>, vector<1x1x16xf32>,
          %get3A_231 = vector.shape_cast %get3A_230 : vector<1x1x16xf32> to vector<16xf32>
          %add3A_232 = arith.addf %get3A_225, %get3A_231 : vector<16xf32>
          %swap3A_233 = arith.constant 1 : i32
          %swap3A_234 = arith.index_cast %swap3A_233 : i32 to index
          %swap3A_235 = arith.index_cast %scan3A_121 : i32 to index
          %swap3A_236 = arith.constant 80 : index
          %swap3A_237 = tpu.vector_load %arg9[%swap3A_234, %swap3A_235, %swap3A_236] {strides = array<i32>} : memref<2x80x128xf32, #tpu.memory_space<vmem>>, vector<1x1x16xf32>,
          %swap3A_238 = vector.shape_cast %swap3A_237 : vector<1x1x16xf32> to vector<16xf32>
          %swap3A_239 = vector.shape_cast %add3A_232 : vector<16xf32> to vector<1x1x16xf32>
          tpu.vector_store %arg9[%swap3A_234, %swap3A_235, %swap3A_236], %swap3A_239 {strides = array<i32>} : memref<2x80x128xf32, #tpu.memory_space<vmem>>, vector<1x1x16xf32>,
          %get3A_240 = arith.constant 1 : i32
          %get3A_241 = arith.index_cast %get3A_240 : i32 to index
          %get3A_242 = arith.index_cast %scan3A_121 : i32 to index
          %get3A_243 = arith.constant 96 : index
          %get3A_244 = tpu.vector_load %arg9[%get3A_241, %get3A_242, %get3A_243] {strides = array<i32>} : memref<2x80x128xf32, #tpu.memory_space<vmem>>, vector<1x1x16xf32>,
          %get3A_245 = vector.shape_cast %get3A_244 : vector<1x1x16xf32> to vector<16xf32>
          %get3A_246 = arith.constant 1 : i32
          %get3A_247 = arith.index_cast %get3A_246 : i32 to index
          %get3A_248 = arith.index_cast %scan3A_121 : i32 to index
          %get3A_249 = arith.constant 96 : index
          %get3A_250 = tpu.vector_load %arg10[%get3A_247, %get3A_248, %get3A_249] {strides = array<i32>} : memref<2x80x128xf32, #tpu.memory_space<vmem>>, vector<1x1x16xf32>,
          %get3A_251 = vector.shape_cast %get3A_250 : vector<1x1x16xf32> to vector<16xf32>
          %add3A_252 = arith.addf %get3A_245, %get3A_251 : vector<16xf32>
          %swap3A_253 = arith.constant 1 : i32
          %swap3A_254 = arith.index_cast %swap3A_253 : i32 to index
          %swap3A_255 = arith.index_cast %scan3A_121 : i32 to index
          %swap3A_256 = arith.constant 96 : index
          %swap3A_257 = tpu.vector_load %arg9[%swap3A_254, %swap3A_255, %swap3A_256] {strides = array<i32>} : memref<2x80x128xf32, #tpu.memory_space<vmem>>, vector<1x1x16xf32>,
          %swap3A_258 = vector.shape_cast %swap3A_257 : vector<1x1x16xf32> to vector<16xf32>
          %swap3A_259 = vector.shape_cast %add3A_252 : vector<16xf32> to vector<1x1x16xf32>
          tpu.vector_store %arg9[%swap3A_254, %swap3A_255, %swap3A_256], %swap3A_259 {strides = array<i32>} : memref<2x80x128xf32, #tpu.memory_space<vmem>>, vector<1x1x16xf32>,
          %get3A_260 = arith.constant 1 : i32
          %get3A_261 = arith.index_cast %get3A_260 : i32 to index
          %get3A_262 = arith.index_cast %scan3A_121 : i32 to index
          %get3A_263 = arith.constant 112 : index
          %get3A_264 = tpu.vector_load %arg9[%get3A_261, %get3A_262, %get3A_263] {strides = array<i32>} : memref<2x80x128xf32, #tpu.memory_space<vmem>>, vector<1x1x16xf32>,
          %get3A_265 = vector.shape_cast %get3A_264 : vector<1x1x16xf32> to vector<16xf32>
          %get3A_266 = arith.constant 1 : i32
          %get3A_267 = arith.index_cast %get3A_266 : i32 to index
          %get3A_268 = arith.index_cast %scan3A_121 : i32 to index
          %get3A_269 = arith.constant 112 : index
          %get3A_270 = tpu.vector_load %arg10[%get3A_267, %get3A_268, %get3A_269] {strides = array<i32>} : memref<2x80x128xf32, #tpu.memory_space<vmem>>, vector<1x1x16xf32>,
          %get3A_271 = vector.shape_cast %get3A_270 : vector<1x1x16xf32> to vector<16xf32>
          %add3A_272 = arith.addf %get3A_265, %get3A_271 : vector<16xf32>
          %swap3A_273 = arith.constant 1 : i32
          %swap3A_274 = arith.index_cast %swap3A_273 : i32 to index
          %swap3A_275 = arith.index_cast %scan3A_121 : i32 to index
          %swap3A_276 = arith.constant 112 : index
          %swap3A_277 = tpu.vector_load %arg9[%swap3A_274, %swap3A_275, %swap3A_276] {strides = array<i32>} : memref<2x80x128xf32, #tpu.memory_space<vmem>>, vector<1x1x16xf32>,
          %swap3A_278 = vector.shape_cast %swap3A_277 : vector<1x1x16xf32> to vector<16xf32>
          %swap3A_279 = vector.shape_cast %add3A_272 : vector<16xf32> to vector<1x1x16xf32>
          tpu.vector_store %arg9[%swap3A_274, %swap3A_275, %swap3A_276], %swap3A_279 {strides = array<i32>} : memref<2x80x128xf32, #tpu.memory_space<vmem>>, vector<1x1x16xf32>,
        }
        %scan3A_97 = arith.constant 80 : i32
        %mul3A_98 = arith.constant 80 : i32
        %mul3A_99 = arith.muli %add3A_64, %mul3A_98 : i32
        %add3A_100 = arith.addi %mul3A_2, %mul3A_99 : i32
        %dma_start3A_101 = arith.constant 1 : i32
        %dma_start3A_102 = arith.constant 0 : i32
        %dma_start3A_103 = arith.constant 0 : i32
        %dma_start3A_104 = tpu.memref_slice %arg9[%dma_start3A_101, %dma_start3A_102, %dma_start3A_103] : memref<2x80x128xf32, #tpu.memory_space<vmem>> -> memref<1x80x128xf32, #tpu.memory_space<vmem>>
        %dma_start3A_105 = tpu.memref_squeeze %dma_start3A_104 : memref<1x80x128xf32, #tpu.memory_space<vmem>> -> memref<80x128xf32, #tpu.memory_space<vmem>>
        %dma_start3A_106 = arith.constant 0 : i32
        %dma_start3A_107 = tpu.memref_slice %arg6[%add3A_100, %dma_start3A_106] : memref<320000x128xf32, #tpu.memory_space<hbm>> -> memref<80x128xf32, #tpu.memory_space<hbm>>
        %dma_start3A_108 = arith.constant 0 : i32
        %dma_start3A_109 = tpu.memref_slice %arg6[%add3A_100, %dma_start3A_108] : memref<320000x128xf32, #tpu.memory_space<hbm>> -> memref<80x128xf32, #tpu.memory_space<hbm>>
        %dma_start3A_110 = arith.constant 0 : i32
        %dma_start3A_111 = arith.constant 0 : i32
        %dma_start3A_112 = tpu.memref_slice %arg9[%dma_start3A_101, %dma_start3A_110, %dma_start3A_111] : memref<2x80x128xf32, #tpu.memory_space<vmem>> -> memref<1x80x128xf32, #tpu.memory_space<vmem>>
        %dma_start3A_113 = tpu.memref_squeeze %dma_start3A_112 : memref<1x80x128xf32, #tpu.memory_space<vmem>> -> memref<80x128xf32, #tpu.memory_space<vmem>>
        tpu.enqueue_dma source(%dma_start3A_113 : memref<80x128xf32, #tpu.memory_space<vmem>>) target(%dma_start3A_109 : memref<80x128xf32, #tpu.memory_space<hbm>>) target_semaphore(%arg16 : memref<!tpu.dma_semaphore, #tpu.memory_space<semaphore_mem>>)
        %add3A_114 = arith.constant 1 : i32
        %add3A_115 = arith.addi %add3A_64, %add3A_114 : i32
        %lt3A_116 = arith.constant 125 : i32
        %lt3A_117 = arith.cmpi slt, %add3A_115, %lt3A_116 : i32
        %convert_element_type3A_118 = arith.extui %lt3A_117 : i1 to i32
        %cond3A_119 = arith.constant 0 : i32
        %cond3A_120 = arith.cmpi ne, %convert_element_type3A_118, %cond3A_119 : i32
        scf.if %cond3A_120 {
          %ge3A = arith.constant 1 : i32
          %ge3A_121 = arith.cmpi sge, %add3A_64, %ge3A : i32
          %convert_element_type3A_122 = arith.extui %ge3A_121 : i1 to i32
          %cond3A_123 = arith.constant 0 : i32
          %cond3A_124 = arith.cmpi ne, %convert_element_type3A_122, %cond3A_123 : i32
          scf.if %cond3A_124 {
            %sub3A = arith.constant 1 : i32
            %sub3A_149 = arith.subi %add3A_64, %sub3A : i32
            %mul3A_150 = arith.constant 80 : i32
            %mul3A_151 = arith.muli %sub3A_149, %mul3A_150 : i32
            %add3A_152 = arith.addi %mul3A_2, %mul3A_151 : i32
            %dma_wait3A_153 = arith.constant 0 : i32
            %dma_wait3A_154 = arith.constant 0 : i32
            %dma_wait3A_155 = arith.constant 0 : i32
            %dma_wait3A_156 = tpu.memref_slice %arg9[%dma_wait3A_153, %dma_wait3A_154, %dma_wait3A_155] : memref<2x80x128xf32, #tpu.memory_space<vmem>> -> memref<1x80x128xf32, #tpu.memory_space<vmem>>
            %dma_wait3A_157 = tpu.memref_squeeze %dma_wait3A_156 : memref<1x80x128xf32, #tpu.memory_space<vmem>> -> memref<80x128xf32, #tpu.memory_space<vmem>>
            %dma_wait3A_158 = arith.constant 0 : i32
            %dma_wait3A_159 = tpu.memref_slice %arg6[%add3A_152, %dma_wait3A_158] : memref<320000x128xf32, #tpu.memory_space<hbm>> -> memref<80x128xf32, #tpu.memory_space<hbm>>
            %dma_wait3A_160 = arith.constant 0 : i32
            %dma_wait3A_161 = tpu.memref_slice %arg6[%add3A_152, %dma_wait3A_160] : memref<320000x128xf32, #tpu.memory_space<hbm>> -> memref<80x128xf32, #tpu.memory_space<hbm>>
            %dma_wait3A_162 = arith.constant 0 : i32
            %dma_wait3A_163 = arith.constant 0 : i32
            %dma_wait3A_164 = tpu.memref_slice %arg9[%dma_wait3A_153, %dma_wait3A_162, %dma_wait3A_163] : memref<2x80x128xf32, #tpu.memory_space<vmem>> -> memref<1x80x128xf32, #tpu.memory_space<vmem>>
            %dma_wait3A_165 = tpu.memref_squeeze %dma_wait3A_164 : memref<1x80x128xf32, #tpu.memory_space<vmem>> -> memref<80x128xf32, #tpu.memory_space<vmem>>
            tpu.wait_dma2 semaphore(%arg15 : memref<!tpu.dma_semaphore, #tpu.memory_space<semaphore_mem>>) src(%dma_wait3A_165 : memref<80x128xf32, #tpu.memory_space<vmem>>) dst(%dma_wait3A_161 : memref<80x128xf32, #tpu.memory_space<hbm>>)
          } else {
          }
          %add3A_125 = arith.constant 1 : i32
          %add3A_126 = arith.addi %add3A_64, %add3A_125 : i32
          %mul3A_127 = arith.constant 80 : i32
          %mul3A_128 = arith.muli %add3A_126, %mul3A_127 : i32
          %mul3A_129 = arith.constant 80 : i32
          %mul3A_130 = arith.muli %add3A_126, %mul3A_129 : i32
          %dma_start3A_131 = arith.constant 0 : i32
          %dma_start3A_132 = arith.constant 0 : i32
          %dma_start3A_133 = arith.constant 0 : i32
          %dma_start3A_134 = tpu.memref_slice %arg9[%dma_start3A_131, %dma_start3A_132, %dma_start3A_133] : memref<2x80x128xf32, #tpu.memory_space<vmem>> -> memref<1x80x128xf32, #tpu.memory_space<vmem>>
          %dma_start3A_135 = tpu.memref_squeeze %dma_start3A_134 : memref<1x80x128xf32, #tpu.memory_space<vmem>> -> memref<80x128xf32, #tpu.memory_space<vmem>>
          %dma_start3A_136 = tpu.memref_slice %arg7[%mul3A_128] : memref<10000xi32, #tpu.memory_space<vmem>> -> memref<80xi32, #tpu.memory_space<vmem>>
          %dma_start3A_137 = arith.constant 0 : i32
          %dma_start3A_138 = arith.constant 0 : i32
          %dma_start3A_139 = tpu.memref_slice %arg2[%dma_start3A_137, %dma_start3A_138] : memref<10240x128xf32, #tpu.memory_space<hbm>> -> memref<10240x128xf32, #tpu.memory_space<hbm>>
          tpu.enqueue_indirect_dma source(%dma_start3A_139 : memref<10240x128xf32, #tpu.memory_space<hbm>>) target(%dma_start3A_135 : memref<80x128xf32, #tpu.memory_space<vmem>>) offsets(%dma_start3A_136 : memref<80xi32, #tpu.memory_space<vmem>>) semaphore(%arg11 : memref<!tpu.dma_semaphore, #tpu.memory_space<semaphore_mem>>)
          %dma_start3A_140 = arith.constant 0 : i32
          %dma_start3A_141 = arith.constant 0 : i32
          %dma_start3A_142 = arith.constant 0 : i32
          %dma_start3A_143 = tpu.memref_slice %arg10[%dma_start3A_140, %dma_start3A_141, %dma_start3A_142] : memref<2x80x128xf32, #tpu.memory_space<vmem>> -> memref<1x80x128xf32, #tpu.memory_space<vmem>>
          %dma_start3A_144 = tpu.memref_squeeze %dma_start3A_143 : memref<1x80x128xf32, #tpu.memory_space<vmem>> -> memref<80x128xf32, #tpu.memory_space<vmem>>
          %dma_start3A_145 = tpu.memref_slice %arg8[%mul3A_130] : memref<10000xi32, #tpu.memory_space<vmem>> -> memref<80xi32, #tpu.memory_space<vmem>>
          %dma_start3A_146 = arith.constant 0 : i32
          %dma_start3A_147 = arith.constant 0 : i32
          %dma_start3A_148 = tpu.memref_slice %arg3[%dma_start3A_146, %dma_start3A_147] : memref<10240x128xf32, #tpu.memory_space<hbm>> -> memref<10240x128xf32, #tpu.memory_space<hbm>>
          tpu.enqueue_indirect_dma source(%dma_start3A_148 : memref<10240x128xf32, #tpu.memory_space<hbm>>) target(%dma_start3A_144 : memref<80x128xf32, #tpu.memory_space<vmem>>) offsets(%dma_start3A_145 : memref<80xi32, #tpu.memory_space<vmem>>) semaphore(%arg13 : memref<!tpu.dma_semaphore, #tpu.memory_space<semaphore_mem>>)
        } else {
        }
      } else {
      }
    }
    %scan3A_26 = arith.constant 63 : i32
    %add3A_27 = arith.constant 9840 : i32
    %add3A_28 = arith.addi %mul3A_2, %add3A_27 : i32
    %dma_wait3A = arith.constant 1 : i32
    %dma_wait3A_29 = arith.constant 0 : i32
    %dma_wait3A_30 = arith.constant 0 : i32
    %dma_wait3A_31 = tpu.memref_slice %arg9[%dma_wait3A, %dma_wait3A_29, %dma_wait3A_30] : memref<2x80x128xf32, #tpu.memory_space<vmem>> -> memref<1x80x128xf32, #tpu.memory_space<vmem>>
    %dma_wait3A_32 = tpu.memref_squeeze %dma_wait3A_31 : memref<1x80x128xf32, #tpu.memory_space<vmem>> -> memref<80x128xf32, #tpu.memory_space<vmem>>
    %dma_wait3A_33 = arith.constant 0 : i32
    %dma_wait3A_34 = tpu.memref_slice %arg6[%add3A_28, %dma_wait3A_33] : memref<320000x128xf32, #tpu.memory_space<hbm>> -> memref<80x128xf32, #tpu.memory_space<hbm>>
    %dma_wait3A_35 = arith.constant 0 : i32
    %dma_wait3A_36 = tpu.memref_slice %arg6[%add3A_28, %dma_wait3A_35] : memref<320000x128xf32, #tpu.memory_space<hbm>> -> memref<80x128xf32, #tpu.memory_space<hbm>>
    %dma_wait3A_37 = arith.constant 0 : i32
    %dma_wait3A_38 = arith.constant 0 : i32
    %dma_wait3A_39 = tpu.memref_slice %arg9[%dma_wait3A, %dma_wait3A_37, %dma_wait3A_38] : memref<2x80x128xf32, #tpu.memory_space<vmem>> -> memref<1x80x128xf32, #tpu.memory_space<vmem>>
    %dma_wait3A_40 = tpu.memref_squeeze %dma_wait3A_39 : memref<1x80x128xf32, #tpu.memory_space<vmem>> -> memref<80x128xf32, #tpu.memory_space<vmem>>
    tpu.wait_dma2 semaphore(%arg16 : memref<!tpu.dma_semaphore, #tpu.memory_space<semaphore_mem>>) src(%dma_wait3A_40 : memref<80x128xf32, #tpu.memory_space<vmem>>) dst(%dma_wait3A_36 : memref<80x128xf32, #tpu.memory_space<hbm>>)
    %add3A_41 = arith.constant 9920 : i32
    %add3A_42 = arith.addi %mul3A_2, %add3A_41 : i32
    %dma_wait3A_43 = arith.constant 0 : i32
    %dma_wait3A_44 = arith.constant 0 : i32
    %dma_wait3A_45 = arith.constant 0 : i32
    %dma_wait3A_46 = tpu.memref_slice %arg9[%dma_wait3A_43, %dma_wait3A_44, %dma_wait3A_45] : memref<2x80x128xf32, #tpu.memory_space<vmem>> -> memref<1x80x128xf32, #tpu.memory_space<vmem>>
    %dma_wait3A_47 = tpu.memref_squeeze %dma_wait3A_46 : memref<1x80x128xf32, #tpu.memory_space<vmem>> -> memref<80x128xf32, #tpu.memory_space<vmem>>
    %dma_wait3A_48 = arith.constant 0 : i32
    %dma_wait3A_49 = tpu.memref_slice %arg6[%add3A_42, %dma_wait3A_48] : memref<320000x128xf32, #tpu.memory_space<hbm>> -> memref<80x128xf32, #tpu.memory_space<hbm>>
    %dma_wait3A_50 = arith.constant 0 : i32
    %dma_wait3A_51 = tpu.memref_slice %arg6[%add3A_42, %dma_wait3A_50] : memref<320000x128xf32, #tpu.memory_space<hbm>> -> memref<80x128xf32, #tpu.memory_space<hbm>>
    %dma_wait3A_52 = arith.constant 0 : i32
    %dma_wait3A_53 = arith.constant 0 : i32
    %dma_wait3A_54 = tpu.memref_slice %arg9[%dma_wait3A_43, %dma_wait3A_52, %dma_wait3A_53] : memref<2x80x128xf32, #tpu.memory_space<vmem>> -> memref<1x80x128xf32, #tpu.memory_space<vmem>>
    %dma_wait3A_55 = tpu.memref_squeeze %dma_wait3A_54 : memref<1x80x128xf32, #tpu.memory_space<vmem>> -> memref<80x128xf32, #tpu.memory_space<vmem>>
    tpu.wait_dma2 semaphore(%arg15 : memref<!tpu.dma_semaphore, #tpu.memory_space<semaphore_mem>>) src(%dma_wait3A_55 : memref<80x128xf32, #tpu.memory_space<vmem>>) dst(%dma_wait3A_51 : memref<80x128xf32, #tpu.memory_space<hbm>>)
    return
  }
}

#map = affine_map<(d0, d1) -> (0, 0)>
#map1 = affine_map<(d0, d1) -> (0)>
module attributes {stable_mosaic.version = 14 : i64} {
  func.func @k(%arg0: i32, %arg1: i32, %arg2: memref<10240x128xf32, #tpu.memory_space<hbm>>, %arg3: memref<10240x128xf32, #tpu.memory_space<hbm>>, %arg4: memref<320000xi32, #tpu.memory_space<hbm>>, %arg5: memref<320000xi32, #tpu.memory_space<hbm>>, %arg6: memref<320000x128xf32, #tpu.memory_space<hbm>>, %arg7: memref<10000xi32, #tpu.memory_space<vmem>>, %arg8: memref<10000xi32, #tpu.memory_space<vmem>>, %arg9: memref<2x80x128xf32, #tpu.memory_space<vmem>>, %arg10: memref<2x80x128xf32, #tpu.memory_space<vmem>>, %arg11: memref<!tpu.dma_semaphore, #tpu.memory_space<semaphore_mem>>, %arg12: memref<!tpu.dma_semaphore, #tpu.memory_space<semaphore_mem>>, %arg13: memref<!tpu.dma_semaphore, #tpu.memory_space<semaphore_mem>>, %arg14: memref<!tpu.dma_semaphore, #tpu.memory_space<semaphore_mem>>, %arg15: memref<!tpu.dma_semaphore, #tpu.memory_space<semaphore_mem>>, %arg16: memref<!tpu.dma_semaphore, #tpu.memory_space<semaphore_mem>>) attributes {dimension_semantics = [#tpu.dimension_semantics<core_parallel>, #tpu.dimension_semantics<subcore_parallel>], iteration_bounds = array<i64: 2, 16>, scalar_prefetch = 0 : i64, scratch_operands = 10 : i64, tpu.core_type = #tpu.core_type<sc_vector_subcore>, window_params = [{transform_indices = #map}, {transform_indices = #map}, {transform_indices = #map1}, {transform_indices = #map1}, {transform_indices = #map}]} {
    %mul3A = arith.constant 2 : i32
    %mul3A_0 = arith.muli %arg1, %mul3A : i32
    %add3A = arith.addi %mul3A_0, %arg0 : i32
    %mul3A_1 = arith.constant 10000 : i32
    %mul3A_2 = arith.muli %add3A, %mul3A_1 : i32
    "tpu.region"() ({
      %run_scoped3A = tpu.sem_alloc : memref<!tpu.dma_semaphore, #tpu.memory_space<semaphore_mem>>
      %dma_start3A_56 = tpu.memref_slice %arg4[%mul3A_2] : memref<320000xi32, #tpu.memory_space<hbm>> -> memref<10000xi32, #tpu.memory_space<hbm>>
      %dma_start3A_57 = tpu.memref_slice %arg4[%mul3A_2] : memref<320000xi32, #tpu.memory_space<hbm>> -> memref<10000xi32, #tpu.memory_space<hbm>>
      tpu.enqueue_dma source(%dma_start3A_57 : memref<10000xi32, #tpu.memory_space<hbm>>) target(%arg7 : memref<10000xi32, #tpu.memory_space<vmem>>) target_semaphore(%run_scoped3A : memref<!tpu.dma_semaphore, #tpu.memory_space<semaphore_mem>>)
      %dma_wait3A_58 = tpu.memref_slice %arg4[%mul3A_2] : memref<320000xi32, #tpu.memory_space<hbm>> -> memref<10000xi32, #tpu.memory_space<hbm>>
      %dma_wait3A_59 = tpu.memref_slice %arg4[%mul3A_2] : memref<320000xi32, #tpu.memory_space<hbm>> -> memref<10000xi32, #tpu.memory_space<hbm>>
      tpu.wait_dma2 semaphore(%run_scoped3A : memref<!tpu.dma_semaphore, #tpu.memory_space<semaphore_mem>>) src(%dma_wait3A_59 : memref<10000xi32, #tpu.memory_space<hbm>>) dst(%arg7 : memref<10000xi32, #tpu.memory_space<vmem>>)
      tpu.yield
    }) : () -> ()
    "tpu.region"() ({
      %run_scoped3A = tpu.sem_alloc : memref<!tpu.dma_semaphore, #tpu.memory_space<semaphore_mem>>
      %dma_start3A_56 = tpu.memref_slice %arg5[%mul3A_2] : memref<320000xi32, #tpu.memory_space<hbm>> -> memref<10000xi32, #tpu.memory_space<hbm>>
      %dma_start3A_57 = tpu.memref_slice %arg5[%mul3A_2] : memref<320000xi32, #tpu.memory_space<hbm>> -> memref<10000xi32, #tpu.memory_space<hbm>>
      tpu.enqueue_dma source(%dma_start3A_57 : memref<10000xi32, #tpu.memory_space<hbm>>) target(%arg8 : memref<10000xi32, #tpu.memory_space<vmem>>) target_semaphore(%run_scoped3A : memref<!tpu.dma_semaphore, #tpu.memory_space<semaphore_mem>>)
      %dma_wait3A_58 = tpu.memref_slice %arg5[%mul3A_2] : memref<320000xi32, #tpu.memory_space<hbm>> -> memref<10000xi32, #tpu.memory_space<hbm>>
      %dma_wait3A_59 = tpu.memref_slice %arg5[%mul3A_2] : memref<320000xi32, #tpu.memory_space<hbm>> -> memref<10000xi32, #tpu.memory_space<hbm>>
      tpu.wait_dma2 semaphore(%run_scoped3A : memref<!tpu.dma_semaphore, #tpu.memory_space<semaphore_mem>>) src(%dma_wait3A_59 : memref<10000xi32, #tpu.memory_space<hbm>>) dst(%arg8 : memref<10000xi32, #tpu.memory_space<vmem>>)
      tpu.yield
    }) : () -> ()
    %dma_start3A = arith.constant 0 : i32
    %dma_start3A_3 = arith.constant 0 : i32
    %dma_start3A_4 = arith.constant 0 : i32
    %dma_start3A_5 = tpu.memref_slice %arg9[%dma_start3A, %dma_start3A_3, %dma_start3A_4] : memref<2x80x128xf32, #tpu.memory_space<vmem>> -> memref<1x80x128xf32, #tpu.memory_space<vmem>>
    %dma_start3A_6 = tpu.memref_squeeze %dma_start3A_5 : memref<1x80x128xf32, #tpu.memory_space<vmem>> -> memref<80x128xf32, #tpu.memory_space<vmem>>
    %dma_start3A_7 = arith.constant 0 : i32
    %dma_start3A_8 = tpu.memref_slice %arg7[%dma_start3A_7] : memref<10000xi32, #tpu.memory_space<vmem>> -> memref<80xi32, #tpu.memory_space<vmem>>
    %dma_start3A_9 = arith.constant 0 : i32
    %dma_start3A_10 = arith.constant 0 : i32
    %dma_start3A_11 = tpu.memref_slice %arg2[%dma_start3A_9, %dma_start3A_10] : memref<10240x128xf32, #tpu.memory_space<hbm>> -> memref<10240x128xf32, #tpu.memory_space<hbm>>
    tpu.enqueue_indirect_dma source(%dma_start3A_11 : memref<10240x128xf32, #tpu.memory_space<hbm>>) target(%dma_start3A_6 : memref<80x128xf32, #tpu.memory_space<vmem>>) offsets(%dma_start3A_8 : memref<80xi32, #tpu.memory_space<vmem>>) semaphore(%arg11 : memref<!tpu.dma_semaphore, #tpu.memory_space<semaphore_mem>>)
    %dma_start3A_12 = arith.constant 0 : i32
    %dma_start3A_13 = arith.constant 0 : i32
    %dma_start3A_14 = arith.constant 0 : i32
    %dma_start3A_15 = tpu.memref_slice %arg10[%dma_start3A_12, %dma_start3A_13, %dma_start3A_14] : memref<2x80x128xf32, #tpu.memory_space<vmem>> -> memref<1x80x128xf32, #tpu.memory_space<vmem>>
    %dma_start3A_16 = tpu.memref_squeeze %dma_start3A_15 : memref<1x80x128xf32, #tpu.memory_space<vmem>> -> memref<80x128xf32, #tpu.memory_space<vmem>>
    %dma_start3A_17 = arith.constant 0 : i32
    %dma_start3A_18 = tpu.memref_slice %arg8[%dma_start3A_17] : memref<10000xi32, #tpu.memory_space<vmem>> -> memref<80xi32, #tpu.memory_space<vmem>>
    %dma_start3A_19 = arith.constant 0 : i32
    %dma_start3A_20 = arith.constant 0 : i32
    %dma_start3A_21 = tpu.memref_slice %arg3[%dma_start3A_19, %dma_start3A_20] : memref<10240x128xf32, #tpu.memory_space<hbm>> -> memref<10240x128xf32, #tpu.memory_space<hbm>>
    tpu.enqueue_indirect_dma source(%dma_start3A_21 : memref<10240x128xf32, #tpu.memory_space<hbm>>) target(%dma_start3A_16 : memref<80x128xf32, #tpu.memory_space<vmem>>) offsets(%dma_start3A_18 : memref<80xi32, #tpu.memory_space<vmem>>) semaphore(%arg13 : memref<!tpu.dma_semaphore, #tpu.memory_space<semaphore_mem>>)
    %scan3A = arith.constant 0 : i32
    %scan3A_22 = arith.constant 0 : i32
    %scan3A_23 = arith.constant 63 : i32
    %scan3A_24 = arith.addi %scan3A_22, %scan3A_23 : i32
    %scan3A_25 = arith.constant 1 : i32
    scf.for %scan3A_56 = %scan3A_22 to %scan3A_24 step %scan3A_25  : i32 {
      %mul3A_57 = arith.constant 2 : i32
      %mul3A_58 = arith.muli %mul3A_57, %scan3A_56 : i32
      %lt3A = arith.constant 125 : i32
      %lt3A_59 = arith.cmpi slt, %mul3A_58, %lt3A : i32
      %convert_element_type3A = arith.extui %lt3A_59 : i1 to i32
      %cond3A = arith.constant 0 : i32
      %cond3A_60 = arith.cmpi ne, %convert_element_type3A, %cond3A : i32
      scf.if %cond3A_60 {
        %mul3A_70 = arith.constant 80 : i32
        %mul3A_71 = arith.muli %mul3A_58, %mul3A_70 : i32
        %mul3A_72 = arith.constant 80 : i32
        %mul3A_73 = arith.muli %mul3A_58, %mul3A_72 : i32
        %dma_wait3A_74 = arith.constant 0 : i32
        %dma_wait3A_75 = arith.constant 0 : i32
        %dma_wait3A_76 = arith.constant 0 : i32
        %dma_wait3A_77 = tpu.memref_slice %arg9[%dma_wait3A_74, %dma_wait3A_75, %dma_wait3A_76] : memref<2x80x128xf32, #tpu.memory_space<vmem>> -> memref<1x80x128xf32, #tpu.memory_space<vmem>>
        %dma_wait3A_78 = tpu.memref_squeeze %dma_wait3A_77 : memref<1x80x128xf32, #tpu.memory_space<vmem>> -> memref<80x128xf32, #tpu.memory_space<vmem>>
        %dma_wait3A_79 = tpu.memref_slice %arg7[%mul3A_71] : memref<10000xi32, #tpu.memory_space<vmem>> -> memref<80xi32, #tpu.memory_space<vmem>>
        %dma_wait3A_80 = arith.constant 0 : i32
        %dma_wait3A_81 = arith.constant 0 : i32
        %dma_wait3A_82 = tpu.memref_slice %arg2[%dma_wait3A_80, %dma_wait3A_81] : memref<10240x128xf32, #tpu.memory_space<hbm>> -> memref<10240x128xf32, #tpu.memory_space<hbm>>
        tpu.wait_indirect_dma semaphore(%arg11 : memref<!tpu.dma_semaphore, #tpu.memory_space<semaphore_mem>>) src(%dma_wait3A_82 : memref<10240x128xf32, #tpu.memory_space<hbm>>) dst(%dma_wait3A_78 : memref<80x128xf32, #tpu.memory_space<vmem>>)
        %dma_wait3A_83 = arith.constant 0 : i32
        %dma_wait3A_84 = arith.constant 0 : i32
        %dma_wait3A_85 = arith.constant 0 : i32
        %dma_wait3A_86 = tpu.memref_slice %arg10[%dma_wait3A_83, %dma_wait3A_84, %dma_wait3A_85] : memref<2x80x128xf32, #tpu.memory_space<vmem>> -> memref<1x80x128xf32, #tpu.memory_space<vmem>>
        %dma_wait3A_87 = tpu.memref_squeeze %dma_wait3A_86 : memref<1x80x128xf32, #tpu.memory_space<vmem>> -> memref<80x128xf32, #tpu.memory_space<vmem>>
        %dma_wait3A_88 = tpu.memref_slice %arg8[%mul3A_73] : memref<10000xi32, #tpu.memory_space<vmem>> -> memref<80xi32, #tpu.memory_space<vmem>>
        %dma_wait3A_89 = arith.constant 0 : i32
        %dma_wait3A_90 = arith.constant 0 : i32
        %dma_wait3A_91 = tpu.memref_slice %arg3[%dma_wait3A_89, %dma_wait3A_90] : memref<10240x128xf32, #tpu.memory_space<hbm>> -> memref<10240x128xf32, #tpu.memory_space<hbm>>
        tpu.wait_indirect_dma semaphore(%arg13 : memref<!tpu.dma_semaphore, #tpu.memory_space<semaphore_mem>>) src(%dma_wait3A_91 : memref<10240x128xf32, #tpu.memory_space<hbm>>) dst(%dma_wait3A_87 : memref<80x128xf32, #tpu.memory_space<vmem>>)
        %scan3A_92 = arith.constant 0 : i32
        %scan3A_93 = arith.constant 0 : i32
        %scan3A_94 = arith.constant 80 : i32
        %scan3A_95 = arith.addi %scan3A_93, %scan3A_94 : i32
        %scan3A_96 = arith.constant 1 : i32
        scf.for %scan3A_121 = %scan3A_93 to %scan3A_95 step %scan3A_96  : i32 {
          %get3A = arith.constant 0 : i32
          %get3A_122 = arith.index_cast %get3A : i32 to index
          %get3A_123 = arith.index_cast %scan3A_121 : i32 to index
          %get3A_124 = arith.constant 0 : index
          %get3A_125 = tpu.vector_load %arg9[%get3A_122, %get3A_123, %get3A_124] {strides = array<i32>} : memref<2x80x128xf32, #tpu.memory_space<vmem>>, vector<1x1x16xf32>,
          %get3A_126 = vector.shape_cast %get3A_125 : vector<1x1x16xf32> to vector<16xf32>
          %get3A_127 = arith.constant 0 : i32
          %get3A_128 = arith.index_cast %get3A_127 : i32 to index
          %get3A_129 = arith.index_cast %scan3A_121 : i32 to index
          %get3A_130 = arith.constant 0 : index
          %get3A_131 = tpu.vector_load %arg10[%get3A_128, %get3A_129, %get3A_130] {strides = array<i32>} : memref<2x80x128xf32, #tpu.memory_space<vmem>>, vector<1x1x16xf32>,
          %get3A_132 = vector.shape_cast %get3A_131 : vector<1x1x16xf32> to vector<16xf32>
          %add3A_133 = arith.addf %get3A_126, %get3A_132 : vector<16xf32>
          %swap3A = arith.constant 0 : i32
          %swap3A_134 = arith.index_cast %swap3A : i32 to index
          %swap3A_135 = arith.index_cast %scan3A_121 : i32 to index
          %swap3A_136 = arith.constant 0 : index
          %swap3A_137 = tpu.vector_load %arg9[%swap3A_134, %swap3A_135, %swap3A_136] {strides = array<i32>} : memref<2x80x128xf32, #tpu.memory_space<vmem>>, vector<1x1x16xf32>,
          %swap3A_138 = vector.shape_cast %swap3A_137 : vector<1x1x16xf32> to vector<16xf32>
          %swap3A_139 = vector.shape_cast %add3A_133 : vector<16xf32> to vector<1x1x16xf32>
          tpu.vector_store %arg9[%swap3A_134, %swap3A_135, %swap3A_136], %swap3A_139 {strides = array<i32>} : memref<2x80x128xf32, #tpu.memory_space<vmem>>, vector<1x1x16xf32>,
          %get3A_140 = arith.constant 0 : i32
          %get3A_141 = arith.index_cast %get3A_140 : i32 to index
          %get3A_142 = arith.index_cast %scan3A_121 : i32 to index
          %get3A_143 = arith.constant 16 : index
          %get3A_144 = tpu.vector_load %arg9[%get3A_141, %get3A_142, %get3A_143] {strides = array<i32>} : memref<2x80x128xf32, #tpu.memory_space<vmem>>, vector<1x1x16xf32>,
          %get3A_145 = vector.shape_cast %get3A_144 : vector<1x1x16xf32> to vector<16xf32>
          %get3A_146 = arith.constant 0 : i32
          %get3A_147 = arith.index_cast %get3A_146 : i32 to index
          %get3A_148 = arith.index_cast %scan3A_121 : i32 to index
          %get3A_149 = arith.constant 16 : index
          %get3A_150 = tpu.vector_load %arg10[%get3A_147, %get3A_148, %get3A_149] {strides = array<i32>} : memref<2x80x128xf32, #tpu.memory_space<vmem>>, vector<1x1x16xf32>,
          %get3A_151 = vector.shape_cast %get3A_150 : vector<1x1x16xf32> to vector<16xf32>
          %add3A_152 = arith.addf %get3A_145, %get3A_151 : vector<16xf32>
          %swap3A_153 = arith.constant 0 : i32
          %swap3A_154 = arith.index_cast %swap3A_153 : i32 to index
          %swap3A_155 = arith.index_cast %scan3A_121 : i32 to index
          %swap3A_156 = arith.constant 16 : index
          %swap3A_157 = tpu.vector_load %arg9[%swap3A_154, %swap3A_155, %swap3A_156] {strides = array<i32>} : memref<2x80x128xf32, #tpu.memory_space<vmem>>, vector<1x1x16xf32>,
          %swap3A_158 = vector.shape_cast %swap3A_157 : vector<1x1x16xf32> to vector<16xf32>
          %swap3A_159 = vector.shape_cast %add3A_152 : vector<16xf32> to vector<1x1x16xf32>
          tpu.vector_store %arg9[%swap3A_154, %swap3A_155, %swap3A_156], %swap3A_159 {strides = array<i32>} : memref<2x80x128xf32, #tpu.memory_space<vmem>>, vector<1x1x16xf32>,
          %get3A_160 = arith.constant 0 : i32
          %get3A_161 = arith.index_cast %get3A_160 : i32 to index
          %get3A_162 = arith.index_cast %scan3A_121 : i32 to index
          %get3A_163 = arith.constant 32 : index
          %get3A_164 = tpu.vector_load %arg9[%get3A_161, %get3A_162, %get3A_163] {strides = array<i32>} : memref<2x80x128xf32, #tpu.memory_space<vmem>>, vector<1x1x16xf32>,
          %get3A_165 = vector.shape_cast %get3A_164 : vector<1x1x16xf32> to vector<16xf32>
          %get3A_166 = arith.constant 0 : i32
          %get3A_167 = arith.index_cast %get3A_166 : i32 to index
          %get3A_168 = arith.index_cast %scan3A_121 : i32 to index
          %get3A_169 = arith.constant 32 : index
          %get3A_170 = tpu.vector_load %arg10[%get3A_167, %get3A_168, %get3A_169] {strides = array<i32>} : memref<2x80x128xf32, #tpu.memory_space<vmem>>, vector<1x1x16xf32>,
          %get3A_171 = vector.shape_cast %get3A_170 : vector<1x1x16xf32> to vector<16xf32>
          %add3A_172 = arith.addf %get3A_165, %get3A_171 : vector<16xf32>
          %swap3A_173 = arith.constant 0 : i32
          %swap3A_174 = arith.index_cast %swap3A_173 : i32 to index
          %swap3A_175 = arith.index_cast %scan3A_121 : i32 to index
          %swap3A_176 = arith.constant 32 : index
          %swap3A_177 = tpu.vector_load %arg9[%swap3A_174, %swap3A_175, %swap3A_176] {strides = array<i32>} : memref<2x80x128xf32, #tpu.memory_space<vmem>>, vector<1x1x16xf32>,
          %swap3A_178 = vector.shape_cast %swap3A_177 : vector<1x1x16xf32> to vector<16xf32>
          %swap3A_179 = vector.shape_cast %add3A_172 : vector<16xf32> to vector<1x1x16xf32>
          tpu.vector_store %arg9[%swap3A_174, %swap3A_175, %swap3A_176], %swap3A_179 {strides = array<i32>} : memref<2x80x128xf32, #tpu.memory_space<vmem>>, vector<1x1x16xf32>,
          %get3A_180 = arith.constant 0 : i32
          %get3A_181 = arith.index_cast %get3A_180 : i32 to index
          %get3A_182 = arith.index_cast %scan3A_121 : i32 to index
          %get3A_183 = arith.constant 48 : index
          %get3A_184 = tpu.vector_load %arg9[%get3A_181, %get3A_182, %get3A_183] {strides = array<i32>} : memref<2x80x128xf32, #tpu.memory_space<vmem>>, vector<1x1x16xf32>,
          %get3A_185 = vector.shape_cast %get3A_184 : vector<1x1x16xf32> to vector<16xf32>
          %get3A_186 = arith.constant 0 : i32
          %get3A_187 = arith.index_cast %get3A_186 : i32 to index
          %get3A_188 = arith.index_cast %scan3A_121 : i32 to index
          %get3A_189 = arith.constant 48 : index
          %get3A_190 = tpu.vector_load %arg10[%get3A_187, %get3A_188, %get3A_189] {strides = array<i32>} : memref<2x80x128xf32, #tpu.memory_space<vmem>>, vector<1x1x16xf32>,
          %get3A_191 = vector.shape_cast %get3A_190 : vector<1x1x16xf32> to vector<16xf32>
          %add3A_192 = arith.addf %get3A_185, %get3A_191 : vector<16xf32>
          %swap3A_193 = arith.constant 0 : i32
          %swap3A_194 = arith.index_cast %swap3A_193 : i32 to index
          %swap3A_195 = arith.index_cast %scan3A_121 : i32 to index
          %swap3A_196 = arith.constant 48 : index
          %swap3A_197 = tpu.vector_load %arg9[%swap3A_194, %swap3A_195, %swap3A_196] {strides = array<i32>} : memref<2x80x128xf32, #tpu.memory_space<vmem>>, vector<1x1x16xf32>,
          %swap3A_198 = vector.shape_cast %swap3A_197 : vector<1x1x16xf32> to vector<16xf32>
          %swap3A_199 = vector.shape_cast %add3A_192 : vector<16xf32> to vector<1x1x16xf32>
          tpu.vector_store %arg9[%swap3A_194, %swap3A_195, %swap3A_196], %swap3A_199 {strides = array<i32>} : memref<2x80x128xf32, #tpu.memory_space<vmem>>, vector<1x1x16xf32>,
          %get3A_200 = arith.constant 0 : i32
          %get3A_201 = arith.index_cast %get3A_200 : i32 to index
          %get3A_202 = arith.index_cast %scan3A_121 : i32 to index
          %get3A_203 = arith.constant 64 : index
          %get3A_204 = tpu.vector_load %arg9[%get3A_201, %get3A_202, %get3A_203] {strides = array<i32>} : memref<2x80x128xf32, #tpu.memory_space<vmem>>, vector<1x1x16xf32>,
          %get3A_205 = vector.shape_cast %get3A_204 : vector<1x1x16xf32> to vector<16xf32>
          %get3A_206 = arith.constant 0 : i32
          %get3A_207 = arith.index_cast %get3A_206 : i32 to index
          %get3A_208 = arith.index_cast %scan3A_121 : i32 to index
          %get3A_209 = arith.constant 64 : index
          %get3A_210 = tpu.vector_load %arg10[%get3A_207, %get3A_208, %get3A_209] {strides = array<i32>} : memref<2x80x128xf32, #tpu.memory_space<vmem>>, vector<1x1x16xf32>,
          %get3A_211 = vector.shape_cast %get3A_210 : vector<1x1x16xf32> to vector<16xf32>
          %add3A_212 = arith.addf %get3A_205, %get3A_211 : vector<16xf32>
          %swap3A_213 = arith.constant 0 : i32
          %swap3A_214 = arith.index_cast %swap3A_213 : i32 to index
          %swap3A_215 = arith.index_cast %scan3A_121 : i32 to index
          %swap3A_216 = arith.constant 64 : index
          %swap3A_217 = tpu.vector_load %arg9[%swap3A_214, %swap3A_215, %swap3A_216] {strides = array<i32>} : memref<2x80x128xf32, #tpu.memory_space<vmem>>, vector<1x1x16xf32>,
          %swap3A_218 = vector.shape_cast %swap3A_217 : vector<1x1x16xf32> to vector<16xf32>
          %swap3A_219 = vector.shape_cast %add3A_212 : vector<16xf32> to vector<1x1x16xf32>
          tpu.vector_store %arg9[%swap3A_214, %swap3A_215, %swap3A_216], %swap3A_219 {strides = array<i32>} : memref<2x80x128xf32, #tpu.memory_space<vmem>>, vector<1x1x16xf32>,
          %get3A_220 = arith.constant 0 : i32
          %get3A_221 = arith.index_cast %get3A_220 : i32 to index
          %get3A_222 = arith.index_cast %scan3A_121 : i32 to index
          %get3A_223 = arith.constant 80 : index
          %get3A_224 = tpu.vector_load %arg9[%get3A_221, %get3A_222, %get3A_223] {strides = array<i32>} : memref<2x80x128xf32, #tpu.memory_space<vmem>>, vector<1x1x16xf32>,
          %get3A_225 = vector.shape_cast %get3A_224 : vector<1x1x16xf32> to vector<16xf32>
          %get3A_226 = arith.constant 0 : i32
          %get3A_227 = arith.index_cast %get3A_226 : i32 to index
          %get3A_228 = arith.index_cast %scan3A_121 : i32 to index
          %get3A_229 = arith.constant 80 : index
          %get3A_230 = tpu.vector_load %arg10[%get3A_227, %get3A_228, %get3A_229] {strides = array<i32>} : memref<2x80x128xf32, #tpu.memory_space<vmem>>, vector<1x1x16xf32>,
          %get3A_231 = vector.shape_cast %get3A_230 : vector<1x1x16xf32> to vector<16xf32>
          %add3A_232 = arith.addf %get3A_225, %get3A_231 : vector<16xf32>
          %swap3A_233 = arith.constant 0 : i32
          %swap3A_234 = arith.index_cast %swap3A_233 : i32 to index
          %swap3A_235 = arith.index_cast %scan3A_121 : i32 to index
          %swap3A_236 = arith.constant 80 : index
          %swap3A_237 = tpu.vector_load %arg9[%swap3A_234, %swap3A_235, %swap3A_236] {strides = array<i32>} : memref<2x80x128xf32, #tpu.memory_space<vmem>>, vector<1x1x16xf32>,
          %swap3A_238 = vector.shape_cast %swap3A_237 : vector<1x1x16xf32> to vector<16xf32>
          %swap3A_239 = vector.shape_cast %add3A_232 : vector<16xf32> to vector<1x1x16xf32>
          tpu.vector_store %arg9[%swap3A_234, %swap3A_235, %swap3A_236], %swap3A_239 {strides = array<i32>} : memref<2x80x128xf32, #tpu.memory_space<vmem>>, vector<1x1x16xf32>,
          %get3A_240 = arith.constant 0 : i32
          %get3A_241 = arith.index_cast %get3A_240 : i32 to index
          %get3A_242 = arith.index_cast %scan3A_121 : i32 to index
          %get3A_243 = arith.constant 96 : index
          %get3A_244 = tpu.vector_load %arg9[%get3A_241, %get3A_242, %get3A_243] {strides = array<i32>} : memref<2x80x128xf32, #tpu.memory_space<vmem>>, vector<1x1x16xf32>,
          %get3A_245 = vector.shape_cast %get3A_244 : vector<1x1x16xf32> to vector<16xf32>
          %get3A_246 = arith.constant 0 : i32
          %get3A_247 = arith.index_cast %get3A_246 : i32 to index
          %get3A_248 = arith.index_cast %scan3A_121 : i32 to index
          %get3A_249 = arith.constant 96 : index
          %get3A_250 = tpu.vector_load %arg10[%get3A_247, %get3A_248, %get3A_249] {strides = array<i32>} : memref<2x80x128xf32, #tpu.memory_space<vmem>>, vector<1x1x16xf32>,
          %get3A_251 = vector.shape_cast %get3A_250 : vector<1x1x16xf32> to vector<16xf32>
          %add3A_252 = arith.addf %get3A_245, %get3A_251 : vector<16xf32>
          %swap3A_253 = arith.constant 0 : i32
          %swap3A_254 = arith.index_cast %swap3A_253 : i32 to index
          %swap3A_255 = arith.index_cast %scan3A_121 : i32 to index
          %swap3A_256 = arith.constant 96 : index
          %swap3A_257 = tpu.vector_load %arg9[%swap3A_254, %swap3A_255, %swap3A_256] {strides = array<i32>} : memref<2x80x128xf32, #tpu.memory_space<vmem>>, vector<1x1x16xf32>,
          %swap3A_258 = vector.shape_cast %swap3A_257 : vector<1x1x16xf32> to vector<16xf32>
          %swap3A_259 = vector.shape_cast %add3A_252 : vector<16xf32> to vector<1x1x16xf32>
          tpu.vector_store %arg9[%swap3A_254, %swap3A_255, %swap3A_256], %swap3A_259 {strides = array<i32>} : memref<2x80x128xf32, #tpu.memory_space<vmem>>, vector<1x1x16xf32>,
          %get3A_260 = arith.constant 0 : i32
          %get3A_261 = arith.index_cast %get3A_260 : i32 to index
          %get3A_262 = arith.index_cast %scan3A_121 : i32 to index
          %get3A_263 = arith.constant 112 : index
          %get3A_264 = tpu.vector_load %arg9[%get3A_261, %get3A_262, %get3A_263] {strides = array<i32>} : memref<2x80x128xf32, #tpu.memory_space<vmem>>, vector<1x1x16xf32>,
          %get3A_265 = vector.shape_cast %get3A_264 : vector<1x1x16xf32> to vector<16xf32>
          %get3A_266 = arith.constant 0 : i32
          %get3A_267 = arith.index_cast %get3A_266 : i32 to index
          %get3A_268 = arith.index_cast %scan3A_121 : i32 to index
          %get3A_269 = arith.constant 112 : index
          %get3A_270 = tpu.vector_load %arg10[%get3A_267, %get3A_268, %get3A_269] {strides = array<i32>} : memref<2x80x128xf32, #tpu.memory_space<vmem>>, vector<1x1x16xf32>,
          %get3A_271 = vector.shape_cast %get3A_270 : vector<1x1x16xf32> to vector<16xf32>
          %add3A_272 = arith.addf %get3A_265, %get3A_271 : vector<16xf32>
          %swap3A_273 = arith.constant 0 : i32
          %swap3A_274 = arith.index_cast %swap3A_273 : i32 to index
          %swap3A_275 = arith.index_cast %scan3A_121 : i32 to index
          %swap3A_276 = arith.constant 112 : index
          %swap3A_277 = tpu.vector_load %arg9[%swap3A_274, %swap3A_275, %swap3A_276] {strides = array<i32>} : memref<2x80x128xf32, #tpu.memory_space<vmem>>, vector<1x1x16xf32>,
          %swap3A_278 = vector.shape_cast %swap3A_277 : vector<1x1x16xf32> to vector<16xf32>
          %swap3A_279 = vector.shape_cast %add3A_272 : vector<16xf32> to vector<1x1x16xf32>
          tpu.vector_store %arg9[%swap3A_274, %swap3A_275, %swap3A_276], %swap3A_279 {strides = array<i32>} : memref<2x80x128xf32, #tpu.memory_space<vmem>>, vector<1x1x16xf32>,
        }
        %scan3A_97 = arith.constant 80 : i32
        %mul3A_98 = arith.constant 80 : i32
        %mul3A_99 = arith.muli %mul3A_58, %mul3A_98 : i32
        %add3A_100 = arith.addi %mul3A_2, %mul3A_99 : i32
        %dma_start3A_101 = arith.constant 0 : i32
        %dma_start3A_102 = arith.constant 0 : i32
        %dma_start3A_103 = arith.constant 0 : i32
        %dma_start3A_104 = tpu.memref_slice %arg9[%dma_start3A_101, %dma_start3A_102, %dma_start3A_103] : memref<2x80x128xf32, #tpu.memory_space<vmem>> -> memref<1x80x128xf32, #tpu.memory_space<vmem>>
        %dma_start3A_105 = tpu.memref_squeeze %dma_start3A_104 : memref<1x80x128xf32, #tpu.memory_space<vmem>> -> memref<80x128xf32, #tpu.memory_space<vmem>>
        %dma_start3A_106 = arith.constant 0 : i32
        %dma_start3A_107 = tpu.memref_slice %arg6[%add3A_100, %dma_start3A_106] : memref<320000x128xf32, #tpu.memory_space<hbm>> -> memref<80x128xf32, #tpu.memory_space<hbm>>
        %dma_start3A_108 = arith.constant 0 : i32
        %dma_start3A_109 = tpu.memref_slice %arg6[%add3A_100, %dma_start3A_108] : memref<320000x128xf32, #tpu.memory_space<hbm>> -> memref<80x128xf32, #tpu.memory_space<hbm>>
        %dma_start3A_110 = arith.constant 0 : i32
        %dma_start3A_111 = arith.constant 0 : i32
        %dma_start3A_112 = tpu.memref_slice %arg9[%dma_start3A_101, %dma_start3A_110, %dma_start3A_111] : memref<2x80x128xf32, #tpu.memory_space<vmem>> -> memref<1x80x128xf32, #tpu.memory_space<vmem>>
        %dma_start3A_113 = tpu.memref_squeeze %dma_start3A_112 : memref<1x80x128xf32, #tpu.memory_space<vmem>> -> memref<80x128xf32, #tpu.memory_space<vmem>>
        tpu.enqueue_dma source(%dma_start3A_113 : memref<80x128xf32, #tpu.memory_space<vmem>>) target(%dma_start3A_109 : memref<80x128xf32, #tpu.memory_space<hbm>>) target_semaphore(%arg15 : memref<!tpu.dma_semaphore, #tpu.memory_space<semaphore_mem>>)
        %add3A_114 = arith.constant 1 : i32
        %add3A_115 = arith.addi %mul3A_58, %add3A_114 : i32
        %lt3A_116 = arith.constant 125 : i32
        %lt3A_117 = arith.cmpi slt, %add3A_115, %lt3A_116 : i32
        %convert_element_type3A_118 = arith.extui %lt3A_117 : i1 to i32
        %cond3A_119 = arith.constant 0 : i32
        %cond3A_120 = arith.cmpi ne, %convert_element_type3A_118, %cond3A_119 : i32
        scf.if %cond3A_120 {
          %ge3A = arith.constant 1 : i32
          %ge3A_121 = arith.cmpi sge, %mul3A_58, %ge3A : i32
          %convert_element_type3A_122 = arith.extui %ge3A_121 : i1 to i32
          %cond3A_123 = arith.constant 0 : i32
          %cond3A_124 = arith.cmpi ne, %convert_element_type3A_122, %cond3A_123 : i32
          scf.if %cond3A_124 {
            %sub3A = arith.constant 1 : i32
            %sub3A_149 = arith.subi %mul3A_58, %sub3A : i32
            %mul3A_150 = arith.constant 80 : i32
            %mul3A_151 = arith.muli %sub3A_149, %mul3A_150 : i32
            %add3A_152 = arith.addi %mul3A_2, %mul3A_151 : i32
            %dma_wait3A_153 = arith.constant 1 : i32
            %dma_wait3A_154 = arith.constant 0 : i32
            %dma_wait3A_155 = arith.constant 0 : i32
            %dma_wait3A_156 = tpu.memref_slice %arg9[%dma_wait3A_153, %dma_wait3A_154, %dma_wait3A_155] : memref<2x80x128xf32, #tpu.memory_space<vmem>> -> memref<1x80x128xf32, #tpu.memory_space<vmem>>
            %dma_wait3A_157 = tpu.memref_squeeze %dma_wait3A_156 : memref<1x80x128xf32, #tpu.memory_space<vmem>> -> memref<80x128xf32, #tpu.memory_space<vmem>>
            %dma_wait3A_158 = arith.constant 0 : i32
            %dma_wait3A_159 = tpu.memref_slice %arg6[%add3A_152, %dma_wait3A_158] : memref<320000x128xf32, #tpu.memory_space<hbm>> -> memref<80x128xf32, #tpu.memory_space<hbm>>
            %dma_wait3A_160 = arith.constant 0 : i32
            %dma_wait3A_161 = tpu.memref_slice %arg6[%add3A_152, %dma_wait3A_160] : memref<320000x128xf32, #tpu.memory_space<hbm>> -> memref<80x128xf32, #tpu.memory_space<hbm>>
            %dma_wait3A_162 = arith.constant 0 : i32
            %dma_wait3A_163 = arith.constant 0 : i32
            %dma_wait3A_164 = tpu.memref_slice %arg9[%dma_wait3A_153, %dma_wait3A_162, %dma_wait3A_163] : memref<2x80x128xf32, #tpu.memory_space<vmem>> -> memref<1x80x128xf32, #tpu.memory_space<vmem>>
            %dma_wait3A_165 = tpu.memref_squeeze %dma_wait3A_164 : memref<1x80x128xf32, #tpu.memory_space<vmem>> -> memref<80x128xf32, #tpu.memory_space<vmem>>
            tpu.wait_dma2 semaphore(%arg16 : memref<!tpu.dma_semaphore, #tpu.memory_space<semaphore_mem>>) src(%dma_wait3A_165 : memref<80x128xf32, #tpu.memory_space<vmem>>) dst(%dma_wait3A_161 : memref<80x128xf32, #tpu.memory_space<hbm>>)
          } else {
          }
          %add3A_125 = arith.constant 1 : i32
          %add3A_126 = arith.addi %mul3A_58, %add3A_125 : i32
          %mul3A_127 = arith.constant 80 : i32
          %mul3A_128 = arith.muli %add3A_126, %mul3A_127 : i32
          %mul3A_129 = arith.constant 80 : i32
          %mul3A_130 = arith.muli %add3A_126, %mul3A_129 : i32
          %dma_start3A_131 = arith.constant 1 : i32
          %dma_start3A_132 = arith.constant 0 : i32
          %dma_start3A_133 = arith.constant 0 : i32
          %dma_start3A_134 = tpu.memref_slice %arg9[%dma_start3A_131, %dma_start3A_132, %dma_start3A_133] : memref<2x80x128xf32, #tpu.memory_space<vmem>> -> memref<1x80x128xf32, #tpu.memory_space<vmem>>
          %dma_start3A_135 = tpu.memref_squeeze %dma_start3A_134 : memref<1x80x128xf32, #tpu.memory_space<vmem>> -> memref<80x128xf32, #tpu.memory_space<vmem>>
          %dma_start3A_136 = tpu.memref_slice %arg7[%mul3A_128] : memref<10000xi32, #tpu.memory_space<vmem>> -> memref<80xi32, #tpu.memory_space<vmem>>
          %dma_start3A_137 = arith.constant 0 : i32
          %dma_start3A_138 = arith.constant 0 : i32
          %dma_start3A_139 = tpu.memref_slice %arg2[%dma_start3A_137, %dma_start3A_138] : memref<10240x128xf32, #tpu.memory_space<hbm>> -> memref<10240x128xf32, #tpu.memory_space<hbm>>
          tpu.enqueue_indirect_dma source(%dma_start3A_139 : memref<10240x128xf32, #tpu.memory_space<hbm>>) target(%dma_start3A_135 : memref<80x128xf32, #tpu.memory_space<vmem>>) offsets(%dma_start3A_136 : memref<80xi32, #tpu.memory_space<vmem>>) semaphore(%arg12 : memref<!tpu.dma_semaphore, #tpu.memory_space<semaphore_mem>>)
          %dma_start3A_140 = arith.constant 1 : i32
          %dma_start3A_141 = arith.constant 0 : i32
          %dma_start3A_142 = arith.constant 0 : i32
          %dma_start3A_143 = tpu.memref_slice %arg10[%dma_start3A_140, %dma_start3A_141, %dma_start3A_142] : memref<2x80x128xf32, #tpu.memory_space<vmem>> -> memref<1x80x128xf32, #tpu.memory_space<vmem>>
          %dma_start3A_144 = tpu.memref_squeeze %dma_start3A_143 : memref<1x80x128xf32, #tpu.memory_space<vmem>> -> memref<80x128xf32, #tpu.memory_space<vmem>>
          %dma_start3A_145 = tpu.memref_slice %arg8[%mul3A_130] : memref<10000xi32, #tpu.memory_space<vmem>> -> memref<80xi32, #tpu.memory_space<vmem>>
          %dma_start3A_146 = arith.constant 0 : i32
          %dma_start3A_147 = arith.constant 0 : i32
          %dma_start3A_148 = tpu.memref_slice %arg3[%dma_start3A_146, %dma_start3A_147] : memref<10240x128xf32, #tpu.memory_space<hbm>> -> memref<10240x128xf32, #tpu.memory_space<hbm>>
          tpu.enqueue_indirect_dma source(%dma_start3A_148 : memref<10240x128xf32, #tpu.memory_space<hbm>>) target(%dma_start3A_144 : memref<80x128xf32, #tpu.memory_space<vmem>>) offsets(%dma_start3A_145 : memref<80xi32, #tpu.memory_space<vmem>>) semaphore(%arg14 : memref<!tpu.dma_semaphore, #tpu.memory_space<semaphore_mem>>)
        } else {
        }
      } else {
      }
      %mul3A_61 = arith.constant 2 : i32
      %mul3A_62 = arith.muli %mul3A_61, %scan3A_56 : i32
      %add3A_63 = arith.constant 1 : i32
      %add3A_64 = arith.addi %mul3A_62, %add3A_63 : i32
      %lt3A_65 = arith.constant 125 : i32
      %lt3A_66 = arith.cmpi slt, %add3A_64, %lt3A_65 : i32
      %convert_element_type3A_67 = arith.extui %lt3A_66 : i1 to i32
      %cond3A_68 = arith.constant 0 : i32
      %cond3A_69 = arith.cmpi ne, %convert_element_type3A_67, %cond3A_68 : i32
      scf.if %cond3A_69 {
        %mul3A_70 = arith.constant 80 : i32
        %mul3A_71 = arith.muli %add3A_64, %mul3A_70 : i32
        %mul3A_72 = arith.constant 80 : i32
        %mul3A_73 = arith.muli %add3A_64, %mul3A_72 : i32
        %dma_wait3A_74 = arith.constant 1 : i32
        %dma_wait3A_75 = arith.constant 0 : i32
        %dma_wait3A_76 = arith.constant 0 : i32
        %dma_wait3A_77 = tpu.memref_slice %arg9[%dma_wait3A_74, %dma_wait3A_75, %dma_wait3A_76] : memref<2x80x128xf32, #tpu.memory_space<vmem>> -> memref<1x80x128xf32, #tpu.memory_space<vmem>>
        %dma_wait3A_78 = tpu.memref_squeeze %dma_wait3A_77 : memref<1x80x128xf32, #tpu.memory_space<vmem>> -> memref<80x128xf32, #tpu.memory_space<vmem>>
        %dma_wait3A_79 = tpu.memref_slice %arg7[%mul3A_71] : memref<10000xi32, #tpu.memory_space<vmem>> -> memref<80xi32, #tpu.memory_space<vmem>>
        %dma_wait3A_80 = arith.constant 0 : i32
        %dma_wait3A_81 = arith.constant 0 : i32
        %dma_wait3A_82 = tpu.memref_slice %arg2[%dma_wait3A_80, %dma_wait3A_81] : memref<10240x128xf32, #tpu.memory_space<hbm>> -> memref<10240x128xf32, #tpu.memory_space<hbm>>
        tpu.wait_indirect_dma semaphore(%arg12 : memref<!tpu.dma_semaphore, #tpu.memory_space<semaphore_mem>>) src(%dma_wait3A_82 : memref<10240x128xf32, #tpu.memory_space<hbm>>) dst(%dma_wait3A_78 : memref<80x128xf32, #tpu.memory_space<vmem>>)
        %dma_wait3A_83 = arith.constant 1 : i32
        %dma_wait3A_84 = arith.constant 0 : i32
        %dma_wait3A_85 = arith.constant 0 : i32
        %dma_wait3A_86 = tpu.memref_slice %arg10[%dma_wait3A_83, %dma_wait3A_84, %dma_wait3A_85] : memref<2x80x128xf32, #tpu.memory_space<vmem>> -> memref<1x80x128xf32, #tpu.memory_space<vmem>>
        %dma_wait3A_87 = tpu.memref_squeeze %dma_wait3A_86 : memref<1x80x128xf32, #tpu.memory_space<vmem>> -> memref<80x128xf32, #tpu.memory_space<vmem>>
        %dma_wait3A_88 = tpu.memref_slice %arg8[%mul3A_73] : memref<10000xi32, #tpu.memory_space<vmem>> -> memref<80xi32, #tpu.memory_space<vmem>>
        %dma_wait3A_89 = arith.constant 0 : i32
        %dma_wait3A_90 = arith.constant 0 : i32
        %dma_wait3A_91 = tpu.memref_slice %arg3[%dma_wait3A_89, %dma_wait3A_90] : memref<10240x128xf32, #tpu.memory_space<hbm>> -> memref<10240x128xf32, #tpu.memory_space<hbm>>
        tpu.wait_indirect_dma semaphore(%arg14 : memref<!tpu.dma_semaphore, #tpu.memory_space<semaphore_mem>>) src(%dma_wait3A_91 : memref<10240x128xf32, #tpu.memory_space<hbm>>) dst(%dma_wait3A_87 : memref<80x128xf32, #tpu.memory_space<vmem>>)
        %scan3A_92 = arith.constant 0 : i32
        %scan3A_93 = arith.constant 0 : i32
        %scan3A_94 = arith.constant 80 : i32
        %scan3A_95 = arith.addi %scan3A_93, %scan3A_94 : i32
        %scan3A_96 = arith.constant 1 : i32
        scf.for %scan3A_121 = %scan3A_93 to %scan3A_95 step %scan3A_96  : i32 {
          %get3A = arith.constant 1 : i32
          %get3A_122 = arith.index_cast %get3A : i32 to index
          %get3A_123 = arith.index_cast %scan3A_121 : i32 to index
          %get3A_124 = arith.constant 0 : index
          %get3A_125 = tpu.vector_load %arg9[%get3A_122, %get3A_123, %get3A_124] {strides = array<i32>} : memref<2x80x128xf32, #tpu.memory_space<vmem>>, vector<1x1x16xf32>,
          %get3A_126 = vector.shape_cast %get3A_125 : vector<1x1x16xf32> to vector<16xf32>
          %get3A_127 = arith.constant 1 : i32
          %get3A_128 = arith.index_cast %get3A_127 : i32 to index
          %get3A_129 = arith.index_cast %scan3A_121 : i32 to index
          %get3A_130 = arith.constant 0 : index
          %get3A_131 = tpu.vector_load %arg10[%get3A_128, %get3A_129, %get3A_130] {strides = array<i32>} : memref<2x80x128xf32, #tpu.memory_space<vmem>>, vector<1x1x16xf32>,
          %get3A_132 = vector.shape_cast %get3A_131 : vector<1x1x16xf32> to vector<16xf32>
          %add3A_133 = arith.addf %get3A_126, %get3A_132 : vector<16xf32>
          %swap3A = arith.constant 1 : i32
          %swap3A_134 = arith.index_cast %swap3A : i32 to index
          %swap3A_135 = arith.index_cast %scan3A_121 : i32 to index
          %swap3A_136 = arith.constant 0 : index
          %swap3A_137 = tpu.vector_load %arg9[%swap3A_134, %swap3A_135, %swap3A_136] {strides = array<i32>} : memref<2x80x128xf32, #tpu.memory_space<vmem>>, vector<1x1x16xf32>,
          %swap3A_138 = vector.shape_cast %swap3A_137 : vector<1x1x16xf32> to vector<16xf32>
          %swap3A_139 = vector.shape_cast %add3A_133 : vector<16xf32> to vector<1x1x16xf32>
          tpu.vector_store %arg9[%swap3A_134, %swap3A_135, %swap3A_136], %swap3A_139 {strides = array<i32>} : memref<2x80x128xf32, #tpu.memory_space<vmem>>, vector<1x1x16xf32>,
          %get3A_140 = arith.constant 1 : i32
          %get3A_141 = arith.index_cast %get3A_140 : i32 to index
          %get3A_142 = arith.index_cast %scan3A_121 : i32 to index
          %get3A_143 = arith.constant 16 : index
          %get3A_144 = tpu.vector_load %arg9[%get3A_141, %get3A_142, %get3A_143] {strides = array<i32>} : memref<2x80x128xf32, #tpu.memory_space<vmem>>, vector<1x1x16xf32>,
          %get3A_145 = vector.shape_cast %get3A_144 : vector<1x1x16xf32> to vector<16xf32>
          %get3A_146 = arith.constant 1 : i32
          %get3A_147 = arith.index_cast %get3A_146 : i32 to index
          %get3A_148 = arith.index_cast %scan3A_121 : i32 to index
          %get3A_149 = arith.constant 16 : index
          %get3A_150 = tpu.vector_load %arg10[%get3A_147, %get3A_148, %get3A_149] {strides = array<i32>} : memref<2x80x128xf32, #tpu.memory_space<vmem>>, vector<1x1x16xf32>,
          %get3A_151 = vector.shape_cast %get3A_150 : vector<1x1x16xf32> to vector<16xf32>
          %add3A_152 = arith.addf %get3A_145, %get3A_151 : vector<16xf32>
          %swap3A_153 = arith.constant 1 : i32
          %swap3A_154 = arith.index_cast %swap3A_153 : i32 to index
          %swap3A_155 = arith.index_cast %scan3A_121 : i32 to index
          %swap3A_156 = arith.constant 16 : index
          %swap3A_157 = tpu.vector_load %arg9[%swap3A_154, %swap3A_155, %swap3A_156] {strides = array<i32>} : memref<2x80x128xf32, #tpu.memory_space<vmem>>, vector<1x1x16xf32>,
          %swap3A_158 = vector.shape_cast %swap3A_157 : vector<1x1x16xf32> to vector<16xf32>
          %swap3A_159 = vector.shape_cast %add3A_152 : vector<16xf32> to vector<1x1x16xf32>
          tpu.vector_store %arg9[%swap3A_154, %swap3A_155, %swap3A_156], %swap3A_159 {strides = array<i32>} : memref<2x80x128xf32, #tpu.memory_space<vmem>>, vector<1x1x16xf32>,
          %get3A_160 = arith.constant 1 : i32
          %get3A_161 = arith.index_cast %get3A_160 : i32 to index
          %get3A_162 = arith.index_cast %scan3A_121 : i32 to index
          %get3A_163 = arith.constant 32 : index
          %get3A_164 = tpu.vector_load %arg9[%get3A_161, %get3A_162, %get3A_163] {strides = array<i32>} : memref<2x80x128xf32, #tpu.memory_space<vmem>>, vector<1x1x16xf32>,
          %get3A_165 = vector.shape_cast %get3A_164 : vector<1x1x16xf32> to vector<16xf32>
          %get3A_166 = arith.constant 1 : i32
          %get3A_167 = arith.index_cast %get3A_166 : i32 to index
          %get3A_168 = arith.index_cast %scan3A_121 : i32 to index
          %get3A_169 = arith.constant 32 : index
          %get3A_170 = tpu.vector_load %arg10[%get3A_167, %get3A_168, %get3A_169] {strides = array<i32>} : memref<2x80x128xf32, #tpu.memory_space<vmem>>, vector<1x1x16xf32>,
          %get3A_171 = vector.shape_cast %get3A_170 : vector<1x1x16xf32> to vector<16xf32>
          %add3A_172 = arith.addf %get3A_165, %get3A_171 : vector<16xf32>
          %swap3A_173 = arith.constant 1 : i32
          %swap3A_174 = arith.index_cast %swap3A_173 : i32 to index
          %swap3A_175 = arith.index_cast %scan3A_121 : i32 to index
          %swap3A_176 = arith.constant 32 : index
          %swap3A_177 = tpu.vector_load %arg9[%swap3A_174, %swap3A_175, %swap3A_176] {strides = array<i32>} : memref<2x80x128xf32, #tpu.memory_space<vmem>>, vector<1x1x16xf32>,
          %swap3A_178 = vector.shape_cast %swap3A_177 : vector<1x1x16xf32> to vector<16xf32>
          %swap3A_179 = vector.shape_cast %add3A_172 : vector<16xf32> to vector<1x1x16xf32>
          tpu.vector_store %arg9[%swap3A_174, %swap3A_175, %swap3A_176], %swap3A_179 {strides = array<i32>} : memref<2x80x128xf32, #tpu.memory_space<vmem>>, vector<1x1x16xf32>,
          %get3A_180 = arith.constant 1 : i32
          %get3A_181 = arith.index_cast %get3A_180 : i32 to index
          %get3A_182 = arith.index_cast %scan3A_121 : i32 to index
          %get3A_183 = arith.constant 48 : index
          %get3A_184 = tpu.vector_load %arg9[%get3A_181, %get3A_182, %get3A_183] {strides = array<i32>} : memref<2x80x128xf32, #tpu.memory_space<vmem>>, vector<1x1x16xf32>,
          %get3A_185 = vector.shape_cast %get3A_184 : vector<1x1x16xf32> to vector<16xf32>
          %get3A_186 = arith.constant 1 : i32
          %get3A_187 = arith.index_cast %get3A_186 : i32 to index
          %get3A_188 = arith.index_cast %scan3A_121 : i32 to index
          %get3A_189 = arith.constant 48 : index
          %get3A_190 = tpu.vector_load %arg10[%get3A_187, %get3A_188, %get3A_189] {strides = array<i32>} : memref<2x80x128xf32, #tpu.memory_space<vmem>>, vector<1x1x16xf32>,
          %get3A_191 = vector.shape_cast %get3A_190 : vector<1x1x16xf32> to vector<16xf32>
          %add3A_192 = arith.addf %get3A_185, %get3A_191 : vector<16xf32>
          %swap3A_193 = arith.constant 1 : i32
          %swap3A_194 = arith.index_cast %swap3A_193 : i32 to index
          %swap3A_195 = arith.index_cast %scan3A_121 : i32 to index
          %swap3A_196 = arith.constant 48 : index
          %swap3A_197 = tpu.vector_load %arg9[%swap3A_194, %swap3A_195, %swap3A_196] {strides = array<i32>} : memref<2x80x128xf32, #tpu.memory_space<vmem>>, vector<1x1x16xf32>,
          %swap3A_198 = vector.shape_cast %swap3A_197 : vector<1x1x16xf32> to vector<16xf32>
          %swap3A_199 = vector.shape_cast %add3A_192 : vector<16xf32> to vector<1x1x16xf32>
          tpu.vector_store %arg9[%swap3A_194, %swap3A_195, %swap3A_196], %swap3A_199 {strides = array<i32>} : memref<2x80x128xf32, #tpu.memory_space<vmem>>, vector<1x1x16xf32>,
          %get3A_200 = arith.constant 1 : i32
          %get3A_201 = arith.index_cast %get3A_200 : i32 to index
          %get3A_202 = arith.index_cast %scan3A_121 : i32 to index
          %get3A_203 = arith.constant 64 : index
          %get3A_204 = tpu.vector_load %arg9[%get3A_201, %get3A_202, %get3A_203] {strides = array<i32>} : memref<2x80x128xf32, #tpu.memory_space<vmem>>, vector<1x1x16xf32>,
          %get3A_205 = vector.shape_cast %get3A_204 : vector<1x1x16xf32> to vector<16xf32>
          %get3A_206 = arith.constant 1 : i32
          %get3A_207 = arith.index_cast %get3A_206 : i32 to index
          %get3A_208 = arith.index_cast %scan3A_121 : i32 to index
          %get3A_209 = arith.constant 64 : index
          %get3A_210 = tpu.vector_load %arg10[%get3A_207, %get3A_208, %get3A_209] {strides = array<i32>} : memref<2x80x128xf32, #tpu.memory_space<vmem>>, vector<1x1x16xf32>,
          %get3A_211 = vector.shape_cast %get3A_210 : vector<1x1x16xf32> to vector<16xf32>
          %add3A_212 = arith.addf %get3A_205, %get3A_211 : vector<16xf32>
          %swap3A_213 = arith.constant 1 : i32
          %swap3A_214 = arith.index_cast %swap3A_213 : i32 to index
          %swap3A_215 = arith.index_cast %scan3A_121 : i32 to index
          %swap3A_216 = arith.constant 64 : index
          %swap3A_217 = tpu.vector_load %arg9[%swap3A_214, %swap3A_215, %swap3A_216] {strides = array<i32>} : memref<2x80x128xf32, #tpu.memory_space<vmem>>, vector<1x1x16xf32>,
          %swap3A_218 = vector.shape_cast %swap3A_217 : vector<1x1x16xf32> to vector<16xf32>
          %swap3A_219 = vector.shape_cast %add3A_212 : vector<16xf32> to vector<1x1x16xf32>
          tpu.vector_store %arg9[%swap3A_214, %swap3A_215, %swap3A_216], %swap3A_219 {strides = array<i32>} : memref<2x80x128xf32, #tpu.memory_space<vmem>>, vector<1x1x16xf32>,
          %get3A_220 = arith.constant 1 : i32
          %get3A_221 = arith.index_cast %get3A_220 : i32 to index
          %get3A_222 = arith.index_cast %scan3A_121 : i32 to index
          %get3A_223 = arith.constant 80 : index
          %get3A_224 = tpu.vector_load %arg9[%get3A_221, %get3A_222, %get3A_223] {strides = array<i32>} : memref<2x80x128xf32, #tpu.memory_space<vmem>>, vector<1x1x16xf32>,
          %get3A_225 = vector.shape_cast %get3A_224 : vector<1x1x16xf32> to vector<16xf32>
          %get3A_226 = arith.constant 1 : i32
          %get3A_227 = arith.index_cast %get3A_226 : i32 to index
          %get3A_228 = arith.index_cast %scan3A_121 : i32 to index
          %get3A_229 = arith.constant 80 : index
          %get3A_230 = tpu.vector_load %arg10[%get3A_227, %get3A_228, %get3A_229] {strides = array<i32>} : memref<2x80x128xf32, #tpu.memory_space<vmem>>, vector<1x1x16xf32>,
          %get3A_231 = vector.shape_cast %get3A_230 : vector<1x1x16xf32> to vector<16xf32>
          %add3A_232 = arith.addf %get3A_225, %get3A_231 : vector<16xf32>
          %swap3A_233 = arith.constant 1 : i32
          %swap3A_234 = arith.index_cast %swap3A_233 : i32 to index
          %swap3A_235 = arith.index_cast %scan3A_121 : i32 to index
          %swap3A_236 = arith.constant 80 : index
          %swap3A_237 = tpu.vector_load %arg9[%swap3A_234, %swap3A_235, %swap3A_236] {strides = array<i32>} : memref<2x80x128xf32, #tpu.memory_space<vmem>>, vector<1x1x16xf32>,
          %swap3A_238 = vector.shape_cast %swap3A_237 : vector<1x1x16xf32> to vector<16xf32>
          %swap3A_239 = vector.shape_cast %add3A_232 : vector<16xf32> to vector<1x1x16xf32>
          tpu.vector_store %arg9[%swap3A_234, %swap3A_235, %swap3A_236], %swap3A_239 {strides = array<i32>} : memref<2x80x128xf32, #tpu.memory_space<vmem>>, vector<1x1x16xf32>,
          %get3A_240 = arith.constant 1 : i32
          %get3A_241 = arith.index_cast %get3A_240 : i32 to index
          %get3A_242 = arith.index_cast %scan3A_121 : i32 to index
          %get3A_243 = arith.constant 96 : index
          %get3A_244 = tpu.vector_load %arg9[%get3A_241, %get3A_242, %get3A_243] {strides = array<i32>} : memref<2x80x128xf32, #tpu.memory_space<vmem>>, vector<1x1x16xf32>,
          %get3A_245 = vector.shape_cast %get3A_244 : vector<1x1x16xf32> to vector<16xf32>
          %get3A_246 = arith.constant 1 : i32
          %get3A_247 = arith.index_cast %get3A_246 : i32 to index
          %get3A_248 = arith.index_cast %scan3A_121 : i32 to index
          %get3A_249 = arith.constant 96 : index
          %get3A_250 = tpu.vector_load %arg10[%get3A_247, %get3A_248, %get3A_249] {strides = array<i32>} : memref<2x80x128xf32, #tpu.memory_space<vmem>>, vector<1x1x16xf32>,
          %get3A_251 = vector.shape_cast %get3A_250 : vector<1x1x16xf32> to vector<16xf32>
          %add3A_252 = arith.addf %get3A_245, %get3A_251 : vector<16xf32>
          %swap3A_253 = arith.constant 1 : i32
          %swap3A_254 = arith.index_cast %swap3A_253 : i32 to index
          %swap3A_255 = arith.index_cast %scan3A_121 : i32 to index
          %swap3A_256 = arith.constant 96 : index
          %swap3A_257 = tpu.vector_load %arg9[%swap3A_254, %swap3A_255, %swap3A_256] {strides = array<i32>} : memref<2x80x128xf32, #tpu.memory_space<vmem>>, vector<1x1x16xf32>,
          %swap3A_258 = vector.shape_cast %swap3A_257 : vector<1x1x16xf32> to vector<16xf32>
          %swap3A_259 = vector.shape_cast %add3A_252 : vector<16xf32> to vector<1x1x16xf32>
          tpu.vector_store %arg9[%swap3A_254, %swap3A_255, %swap3A_256], %swap3A_259 {strides = array<i32>} : memref<2x80x128xf32, #tpu.memory_space<vmem>>, vector<1x1x16xf32>,
          %get3A_260 = arith.constant 1 : i32
          %get3A_261 = arith.index_cast %get3A_260 : i32 to index
          %get3A_262 = arith.index_cast %scan3A_121 : i32 to index
          %get3A_263 = arith.constant 112 : index
          %get3A_264 = tpu.vector_load %arg9[%get3A_261, %get3A_262, %get3A_263] {strides = array<i32>} : memref<2x80x128xf32, #tpu.memory_space<vmem>>, vector<1x1x16xf32>,
          %get3A_265 = vector.shape_cast %get3A_264 : vector<1x1x16xf32> to vector<16xf32>
          %get3A_266 = arith.constant 1 : i32
          %get3A_267 = arith.index_cast %get3A_266 : i32 to index
          %get3A_268 = arith.index_cast %scan3A_121 : i32 to index
          %get3A_269 = arith.constant 112 : index
          %get3A_270 = tpu.vector_load %arg10[%get3A_267, %get3A_268, %get3A_269] {strides = array<i32>} : memref<2x80x128xf32, #tpu.memory_space<vmem>>, vector<1x1x16xf32>,
          %get3A_271 = vector.shape_cast %get3A_270 : vector<1x1x16xf32> to vector<16xf32>
          %add3A_272 = arith.addf %get3A_265, %get3A_271 : vector<16xf32>
          %swap3A_273 = arith.constant 1 : i32
          %swap3A_274 = arith.index_cast %swap3A_273 : i32 to index
          %swap3A_275 = arith.index_cast %scan3A_121 : i32 to index
          %swap3A_276 = arith.constant 112 : index
          %swap3A_277 = tpu.vector_load %arg9[%swap3A_274, %swap3A_275, %swap3A_276] {strides = array<i32>} : memref<2x80x128xf32, #tpu.memory_space<vmem>>, vector<1x1x16xf32>,
          %swap3A_278 = vector.shape_cast %swap3A_277 : vector<1x1x16xf32> to vector<16xf32>
          %swap3A_279 = vector.shape_cast %add3A_272 : vector<16xf32> to vector<1x1x16xf32>
          tpu.vector_store %arg9[%swap3A_274, %swap3A_275, %swap3A_276], %swap3A_279 {strides = array<i32>} : memref<2x80x128xf32, #tpu.memory_space<vmem>>, vector<1x1x16xf32>,
        }
        %scan3A_97 = arith.constant 80 : i32
        %mul3A_98 = arith.constant 80 : i32
        %mul3A_99 = arith.muli %add3A_64, %mul3A_98 : i32
        %add3A_100 = arith.addi %mul3A_2, %mul3A_99 : i32
        %dma_start3A_101 = arith.constant 1 : i32
        %dma_start3A_102 = arith.constant 0 : i32
        %dma_start3A_103 = arith.constant 0 : i32
        %dma_start3A_104 = tpu.memref_slice %arg9[%dma_start3A_101, %dma_start3A_102, %dma_start3A_103] : memref<2x80x128xf32, #tpu.memory_space<vmem>> -> memref<1x80x128xf32, #tpu.memory_space<vmem>>
        %dma_start3A_105 = tpu.memref_squeeze %dma_start3A_104 : memref<1x80x128xf32, #tpu.memory_space<vmem>> -> memref<80x128xf32, #tpu.memory_space<vmem>>
        %dma_start3A_106 = arith.constant 0 : i32
        %dma_start3A_107 = tpu.memref_slice %arg6[%add3A_100, %dma_start3A_106] : memref<320000x128xf32, #tpu.memory_space<hbm>> -> memref<80x128xf32, #tpu.memory_space<hbm>>
        %dma_start3A_108 = arith.constant 0 : i32
        %dma_start3A_109 = tpu.memref_slice %arg6[%add3A_100, %dma_start3A_108] : memref<320000x128xf32, #tpu.memory_space<hbm>> -> memref<80x128xf32, #tpu.memory_space<hbm>>
        %dma_start3A_110 = arith.constant 0 : i32
        %dma_start3A_111 = arith.constant 0 : i32
        %dma_start3A_112 = tpu.memref_slice %arg9[%dma_start3A_101, %dma_start3A_110, %dma_start3A_111] : memref<2x80x128xf32, #tpu.memory_space<vmem>> -> memref<1x80x128xf32, #tpu.memory_space<vmem>>
        %dma_start3A_113 = tpu.memref_squeeze %dma_start3A_112 : memref<1x80x128xf32, #tpu.memory_space<vmem>> -> memref<80x128xf32, #tpu.memory_space<vmem>>
        tpu.enqueue_dma source(%dma_start3A_113 : memref<80x128xf32, #tpu.memory_space<vmem>>) target(%dma_start3A_109 : memref<80x128xf32, #tpu.memory_space<hbm>>) target_semaphore(%arg16 : memref<!tpu.dma_semaphore, #tpu.memory_space<semaphore_mem>>)
        %add3A_114 = arith.constant 1 : i32
        %add3A_115 = arith.addi %add3A_64, %add3A_114 : i32
        %lt3A_116 = arith.constant 125 : i32
        %lt3A_117 = arith.cmpi slt, %add3A_115, %lt3A_116 : i32
        %convert_element_type3A_118 = arith.extui %lt3A_117 : i1 to i32
        %cond3A_119 = arith.constant 0 : i32
        %cond3A_120 = arith.cmpi ne, %convert_element_type3A_118, %cond3A_119 : i32
        scf.if %cond3A_120 {
          %ge3A = arith.constant 1 : i32
          %ge3A_121 = arith.cmpi sge, %add3A_64, %ge3A : i32
          %convert_element_type3A_122 = arith.extui %ge3A_121 : i1 to i32
          %cond3A_123 = arith.constant 0 : i32
          %cond3A_124 = arith.cmpi ne, %convert_element_type3A_122, %cond3A_123 : i32
          scf.if %cond3A_124 {
            %sub3A = arith.constant 1 : i32
            %sub3A_149 = arith.subi %add3A_64, %sub3A : i32
            %mul3A_150 = arith.constant 80 : i32
            %mul3A_151 = arith.muli %sub3A_149, %mul3A_150 : i32
            %add3A_152 = arith.addi %mul3A_2, %mul3A_151 : i32
            %dma_wait3A_153 = arith.constant 0 : i32
            %dma_wait3A_154 = arith.constant 0 : i32
            %dma_wait3A_155 = arith.constant 0 : i32
            %dma_wait3A_156 = tpu.memref_slice %arg9[%dma_wait3A_153, %dma_wait3A_154, %dma_wait3A_155] : memref<2x80x128xf32, #tpu.memory_space<vmem>> -> memref<1x80x128xf32, #tpu.memory_space<vmem>>
            %dma_wait3A_157 = tpu.memref_squeeze %dma_wait3A_156 : memref<1x80x128xf32, #tpu.memory_space<vmem>> -> memref<80x128xf32, #tpu.memory_space<vmem>>
            %dma_wait3A_158 = arith.constant 0 : i32
            %dma_wait3A_159 = tpu.memref_slice %arg6[%add3A_152, %dma_wait3A_158] : memref<320000x128xf32, #tpu.memory_space<hbm>> -> memref<80x128xf32, #tpu.memory_space<hbm>>
            %dma_wait3A_160 = arith.constant 0 : i32
            %dma_wait3A_161 = tpu.memref_slice %arg6[%add3A_152, %dma_wait3A_160] : memref<320000x128xf32, #tpu.memory_space<hbm>> -> memref<80x128xf32, #tpu.memory_space<hbm>>
            %dma_wait3A_162 = arith.constant 0 : i32
            %dma_wait3A_163 = arith.constant 0 : i32
            %dma_wait3A_164 = tpu.memref_slice %arg9[%dma_wait3A_153, %dma_wait3A_162, %dma_wait3A_163] : memref<2x80x128xf32, #tpu.memory_space<vmem>> -> memref<1x80x128xf32, #tpu.memory_space<vmem>>
            %dma_wait3A_165 = tpu.memref_squeeze %dma_wait3A_164 : memref<1x80x128xf32, #tpu.memory_space<vmem>> -> memref<80x128xf32, #tpu.memory_space<vmem>>
            tpu.wait_dma2 semaphore(%arg15 : memref<!tpu.dma_semaphore, #tpu.memory_space<semaphore_mem>>) src(%dma_wait3A_165 : memref<80x128xf32, #tpu.memory_space<vmem>>) dst(%dma_wait3A_161 : memref<80x128xf32, #tpu.memory_space<hbm>>)
          } else {
          }
          %add3A_125 = arith.constant 1 : i32
          %add3A_126 = arith.addi %add3A_64, %add3A_125 : i32
          %mul3A_127 = arith.constant 80 : i32
          %mul3A_128 = arith.muli %add3A_126, %mul3A_127 : i32
          %mul3A_129 = arith.constant 80 : i32
          %mul3A_130 = arith.muli %add3A_126, %mul3A_129 : i32
          %dma_start3A_131 = arith.constant 0 : i32
          %dma_start3A_132 = arith.constant 0 : i32
          %dma_start3A_133 = arith.constant 0 : i32
          %dma_start3A_134 = tpu.memref_slice %arg9[%dma_start3A_131, %dma_start3A_132, %dma_start3A_133] : memref<2x80x128xf32, #tpu.memory_space<vmem>> -> memref<1x80x128xf32, #tpu.memory_space<vmem>>
          %dma_start3A_135 = tpu.memref_squeeze %dma_start3A_134 : memref<1x80x128xf32, #tpu.memory_space<vmem>> -> memref<80x128xf32, #tpu.memory_space<vmem>>
          %dma_start3A_136 = tpu.memref_slice %arg7[%mul3A_128] : memref<10000xi32, #tpu.memory_space<vmem>> -> memref<80xi32, #tpu.memory_space<vmem>>
          %dma_start3A_137 = arith.constant 0 : i32
          %dma_start3A_138 = arith.constant 0 : i32
          %dma_start3A_139 = tpu.memref_slice %arg2[%dma_start3A_137, %dma_start3A_138] : memref<10240x128xf32, #tpu.memory_space<hbm>> -> memref<10240x128xf32, #tpu.memory_space<hbm>>
          tpu.enqueue_indirect_dma source(%dma_start3A_139 : memref<10240x128xf32, #tpu.memory_space<hbm>>) target(%dma_start3A_135 : memref<80x128xf32, #tpu.memory_space<vmem>>) offsets(%dma_start3A_136 : memref<80xi32, #tpu.memory_space<vmem>>) semaphore(%arg11 : memref<!tpu.dma_semaphore, #tpu.memory_space<semaphore_mem>>)
          %dma_start3A_140 = arith.constant 0 : i32
          %dma_start3A_141 = arith.constant 0 : i32
          %dma_start3A_142 = arith.constant 0 : i32
          %dma_start3A_143 = tpu.memref_slice %arg10[%dma_start3A_140, %dma_start3A_141, %dma_start3A_142] : memref<2x80x128xf32, #tpu.memory_space<vmem>> -> memref<1x80x128xf32, #tpu.memory_space<vmem>>
          %dma_start3A_144 = tpu.memref_squeeze %dma_start3A_143 : memref<1x80x128xf32, #tpu.memory_space<vmem>> -> memref<80x128xf32, #tpu.memory_space<vmem>>
          %dma_start3A_145 = tpu.memref_slice %arg8[%mul3A_130] : memref<10000xi32, #tpu.memory_space<vmem>> -> memref<80xi32, #tpu.memory_space<vmem>>
          %dma_start3A_146 = arith.constant 0 : i32
          %dma_start3A_147 = arith.constant 0 : i32
          %dma_start3A_148 = tpu.memref_slice %arg3[%dma_start3A_146, %dma_start3A_147] : memref<10240x128xf32, #tpu.memory_space<hbm>> -> memref<10240x128xf32, #tpu.memory_space<hbm>>
          tpu.enqueue_indirect_dma source(%dma_start3A_148 : memref<10240x128xf32, #tpu.memory_space<hbm>>) target(%dma_start3A_144 : memref<80x128xf32, #tpu.memory_space<vmem>>) offsets(%dma_start3A_145 : memref<80xi32, #tpu.memory_space<vmem>>) semaphore(%arg13 : memref<!tpu.dma_semaphore, #tpu.memory_space<semaphore_mem>>)
        } else {
        }
      } else {
      }
    }
    %scan3A_26 = arith.constant 63 : i32
    %add3A_27 = arith.constant 9840 : i32
    %add3A_28 = arith.addi %mul3A_2, %add3A_27 : i32
    %dma_wait3A = arith.constant 1 : i32
    %dma_wait3A_29 = arith.constant 0 : i32
    %dma_wait3A_30 = arith.constant 0 : i32
    %dma_wait3A_31 = tpu.memref_slice %arg9[%dma_wait3A, %dma_wait3A_29, %dma_wait3A_30] : memref<2x80x128xf32, #tpu.memory_space<vmem>> -> memref<1x80x128xf32, #tpu.memory_space<vmem>>
    %dma_wait3A_32 = tpu.memref_squeeze %dma_wait3A_31 : memref<1x80x128xf32, #tpu.memory_space<vmem>> -> memref<80x128xf32, #tpu.memory_space<vmem>>
    %dma_wait3A_33 = arith.constant 0 : i32
    %dma_wait3A_34 = tpu.memref_slice %arg6[%add3A_28, %dma_wait3A_33] : memref<320000x128xf32, #tpu.memory_space<hbm>> -> memref<80x128xf32, #tpu.memory_space<hbm>>
    %dma_wait3A_35 = arith.constant 0 : i32
    %dma_wait3A_36 = tpu.memref_slice %arg6[%add3A_28, %dma_wait3A_35] : memref<320000x128xf32, #tpu.memory_space<hbm>> -> memref<80x128xf32, #tpu.memory_space<hbm>>
    %dma_wait3A_37 = arith.constant 0 : i32
    %dma_wait3A_38 = arith.constant 0 : i32
    %dma_wait3A_39 = tpu.memref_slice %arg9[%dma_wait3A, %dma_wait3A_37, %dma_wait3A_38] : memref<2x80x128xf32, #tpu.memory_space<vmem>> -> memref<1x80x128xf32, #tpu.memory_space<vmem>>
    %dma_wait3A_40 = tpu.memref_squeeze %dma_wait3A_39 : memref<1x80x128xf32, #tpu.memory_space<vmem>> -> memref<80x128xf32, #tpu.memory_space<vmem>>
    tpu.wait_dma2 semaphore(%arg16 : memref<!tpu.dma_semaphore, #tpu.memory_space<semaphore_mem>>) src(%dma_wait3A_40 : memref<80x128xf32, #tpu.memory_space<vmem>>) dst(%dma_wait3A_36 : memref<80x128xf32, #tpu.memory_space<hbm>>)
    %add3A_41 = arith.constant 9920 : i32
    %add3A_42 = arith.addi %mul3A_2, %add3A_41 : i32
    %dma_wait3A_43 = arith.constant 0 : i32
    %dma_wait3A_44 = arith.constant 0 : i32
    %dma_wait3A_45 = arith.constant 0 : i32
    %dma_wait3A_46 = tpu.memref_slice %arg9[%dma_wait3A_43, %dma_wait3A_44, %dma_wait3A_45] : memref<2x80x128xf32, #tpu.memory_space<vmem>> -> memref<1x80x128xf32, #tpu.memory_space<vmem>>
    %dma_wait3A_47 = tpu.memref_squeeze %dma_wait3A_46 : memref<1x80x128xf32, #tpu.memory_space<vmem>> -> memref<80x128xf32, #tpu.memory_space<vmem>>
    %dma_wait3A_48 = arith.constant 0 : i32
    %dma_wait3A_49 = tpu.memref_slice %arg6[%add3A_42, %dma_wait3A_48] : memref<320000x128xf32, #tpu.memory_space<hbm>> -> memref<80x128xf32, #tpu.memory_space<hbm>>
    %dma_wait3A_50 = arith.constant 0 : i32
    %dma_wait3A_51 = tpu.memref_slice %arg6[%add3A_42, %dma_wait3A_50] : memref<320000x128xf32, #tpu.memory_space<hbm>> -> memref<80x128xf32, #tpu.memory_space<hbm>>
    %dma_wait3A_52 = arith.constant 0 : i32
    %dma_wait3A_53 = arith.constant 0 : i32
    %dma_wait3A_54 = tpu.memref_slice %arg9[%dma_wait3A_43, %dma_wait3A_52, %dma_wait3A_53] : memref<2x80x128xf32, #tpu.memory_space<vmem>> -> memref<1x80x128xf32, #tpu.memory_space<vmem>>
    %dma_wait3A_55 = tpu.memref_squeeze %dma_wait3A_54 : memref<1x80x128xf32, #tpu.memory_space<vmem>> -> memref<80x128xf32, #tpu.memory_space<vmem>>
    tpu.wait_dma2 semaphore(%arg15 : memref<!tpu.dma_semaphore, #tpu.memory_space<semaphore_mem>>) src(%dma_wait3A_55 : memref<80x128xf32, #tpu.memory_space<vmem>>) dst(%dma_wait3A_51 : memref<80x128xf32, #tpu.memory_space<hbm>>)
    return
  }
}

#map = affine_map<(d0, d1) -> (0, 0)>
#map1 = affine_map<(d0, d1) -> (0)>
#map2 = affine_map<(d0, d1) -> (0, 0, 0)>
module attributes {stable_mosaic.version = 14 : i64} {
  func.func @k(%arg0: i32, %arg1: i32, %arg2: memref<320000x128xf32, #tpu.memory_space<hbm>>, %arg3: memref<320000xi32, #tpu.memory_space<hbm>>, %arg4: memref<2x10240x128xf32, #tpu.memory_space<hbm>>, %arg5: memref<2x80xi32, #tpu.memory_space<vmem>>, %arg6: memref<2x80x128xf32, #tpu.memory_space<vmem>>, %arg7: memref<10240x128xf32, #tpu.memory_space<vmem_shared>>, %arg8: memref<!tpu.dma_semaphore, #tpu.memory_space<semaphore_mem>>, %arg9: memref<!tpu.dma_semaphore, #tpu.memory_space<semaphore_mem>>, %arg10: memref<!tpu.dma_semaphore, #tpu.memory_space<semaphore_mem>>, %arg11: memref<!tpu.dma_semaphore, #tpu.memory_space<semaphore_mem>>) attributes {dimension_semantics = [#tpu.dimension_semantics<core_parallel>, #tpu.dimension_semantics<subcore_parallel>], iteration_bounds = array<i64: 2, 16>, scalar_prefetch = 0 : i64, scratch_operands = 7 : i64, tpu.core_type = #tpu.core_type<sc_vector_subcore>, window_params = [{transform_indices = #map}, {transform_indices = #map1}, {transform_indices = #map2}]} {
    %mul3A = arith.constant 2 : i32
    %mul3A_0 = arith.muli %arg1, %mul3A : i32
    %add3A = arith.addi %mul3A_0, %arg0 : i32
    %scan3A = arith.constant 0 : i32
    %scan3A_1 = arith.constant 0 : i32
    %scan3A_2 = arith.constant 80 : i32
    %scan3A_3 = arith.addi %scan3A_1, %scan3A_2 : i32
    %scan3A_4 = arith.constant 1 : i32
    scf.for %scan3A_72 = %scan3A_1 to %scan3A_3 step %scan3A_4  : i32 {
      %broadcast_in_dim3A = arith.constant 0.000000e+00 : f32
      %broadcast_in_dim3A_73 = vector.broadcast %broadcast_in_dim3A : f32 to vector<16xf32>
      %swap3A = arith.constant 0 : i32
      %swap3A_74 = arith.index_cast %swap3A : i32 to index
      %swap3A_75 = arith.index_cast %scan3A_72 : i32 to index
      %swap3A_76 = arith.constant 0 : index
      %swap3A_77 = tpu.vector_load %arg6[%swap3A_74, %swap3A_75, %swap3A_76] {strides = array<i32>} : memref<2x80x128xf32, #tpu.memory_space<vmem>>, vector<1x1x16xf32>,
      %swap3A_78 = vector.shape_cast %swap3A_77 : vector<1x1x16xf32> to vector<16xf32>
      %swap3A_79 = vector.shape_cast %broadcast_in_dim3A_73 : vector<16xf32> to vector<1x1x16xf32>
      tpu.vector_store %arg6[%swap3A_74, %swap3A_75, %swap3A_76], %swap3A_79 {strides = array<i32>} : memref<2x80x128xf32, #tpu.memory_space<vmem>>, vector<1x1x16xf32>,
      %broadcast_in_dim3A_80 = arith.constant 0.000000e+00 : f32
      %broadcast_in_dim3A_81 = vector.broadcast %broadcast_in_dim3A_80 : f32 to vector<16xf32>
      %swap3A_82 = arith.constant 0 : i32
      %swap3A_83 = arith.index_cast %swap3A_82 : i32 to index
      %swap3A_84 = arith.index_cast %scan3A_72 : i32 to index
      %swap3A_85 = arith.constant 16 : index
      %swap3A_86 = tpu.vector_load %arg6[%swap3A_83, %swap3A_84, %swap3A_85] {strides = array<i32>} : memref<2x80x128xf32, #tpu.memory_space<vmem>>, vector<1x1x16xf32>,
      %swap3A_87 = vector.shape_cast %swap3A_86 : vector<1x1x16xf32> to vector<16xf32>
      %swap3A_88 = vector.shape_cast %broadcast_in_dim3A_81 : vector<16xf32> to vector<1x1x16xf32>
      tpu.vector_store %arg6[%swap3A_83, %swap3A_84, %swap3A_85], %swap3A_88 {strides = array<i32>} : memref<2x80x128xf32, #tpu.memory_space<vmem>>, vector<1x1x16xf32>,
      %broadcast_in_dim3A_89 = arith.constant 0.000000e+00 : f32
      %broadcast_in_dim3A_90 = vector.broadcast %broadcast_in_dim3A_89 : f32 to vector<16xf32>
      %swap3A_91 = arith.constant 0 : i32
      %swap3A_92 = arith.index_cast %swap3A_91 : i32 to index
      %swap3A_93 = arith.index_cast %scan3A_72 : i32 to index
      %swap3A_94 = arith.constant 32 : index
      %swap3A_95 = tpu.vector_load %arg6[%swap3A_92, %swap3A_93, %swap3A_94] {strides = array<i32>} : memref<2x80x128xf32, #tpu.memory_space<vmem>>, vector<1x1x16xf32>,
      %swap3A_96 = vector.shape_cast %swap3A_95 : vector<1x1x16xf32> to vector<16xf32>
      %swap3A_97 = vector.shape_cast %broadcast_in_dim3A_90 : vector<16xf32> to vector<1x1x16xf32>
      tpu.vector_store %arg6[%swap3A_92, %swap3A_93, %swap3A_94], %swap3A_97 {strides = array<i32>} : memref<2x80x128xf32, #tpu.memory_space<vmem>>, vector<1x1x16xf32>,
      %broadcast_in_dim3A_98 = arith.constant 0.000000e+00 : f32
      %broadcast_in_dim3A_99 = vector.broadcast %broadcast_in_dim3A_98 : f32 to vector<16xf32>
      %swap3A_100 = arith.constant 0 : i32
      %swap3A_101 = arith.index_cast %swap3A_100 : i32 to index
      %swap3A_102 = arith.index_cast %scan3A_72 : i32 to index
      %swap3A_103 = arith.constant 48 : index
      %swap3A_104 = tpu.vector_load %arg6[%swap3A_101, %swap3A_102, %swap3A_103] {strides = array<i32>} : memref<2x80x128xf32, #tpu.memory_space<vmem>>, vector<1x1x16xf32>,
      %swap3A_105 = vector.shape_cast %swap3A_104 : vector<1x1x16xf32> to vector<16xf32>
      %swap3A_106 = vector.shape_cast %broadcast_in_dim3A_99 : vector<16xf32> to vector<1x1x16xf32>
      tpu.vector_store %arg6[%swap3A_101, %swap3A_102, %swap3A_103], %swap3A_106 {strides = array<i32>} : memref<2x80x128xf32, #tpu.memory_space<vmem>>, vector<1x1x16xf32>,
      %broadcast_in_dim3A_107 = arith.constant 0.000000e+00 : f32
      %broadcast_in_dim3A_108 = vector.broadcast %broadcast_in_dim3A_107 : f32 to vector<16xf32>
      %swap3A_109 = arith.constant 0 : i32
      %swap3A_110 = arith.index_cast %swap3A_109 : i32 to index
      %swap3A_111 = arith.index_cast %scan3A_72 : i32 to index
      %swap3A_112 = arith.constant 64 : index
      %swap3A_113 = tpu.vector_load %arg6[%swap3A_110, %swap3A_111, %swap3A_112] {strides = array<i32>} : memref<2x80x128xf32, #tpu.memory_space<vmem>>, vector<1x1x16xf32>,
      %swap3A_114 = vector.shape_cast %swap3A_113 : vector<1x1x16xf32> to vector<16xf32>
      %swap3A_115 = vector.shape_cast %broadcast_in_dim3A_108 : vector<16xf32> to vector<1x1x16xf32>
      tpu.vector_store %arg6[%swap3A_110, %swap3A_111, %swap3A_112], %swap3A_115 {strides = array<i32>} : memref<2x80x128xf32, #tpu.memory_space<vmem>>, vector<1x1x16xf32>,
      %broadcast_in_dim3A_116 = arith.constant 0.000000e+00 : f32
      %broadcast_in_dim3A_117 = vector.broadcast %broadcast_in_dim3A_116 : f32 to vector<16xf32>
      %swap3A_118 = arith.constant 0 : i32
      %swap3A_119 = arith.index_cast %swap3A_118 : i32 to index
      %swap3A_120 = arith.index_cast %scan3A_72 : i32 to index
      %swap3A_121 = arith.constant 80 : index
      %swap3A_122 = tpu.vector_load %arg6[%swap3A_119, %swap3A_120, %swap3A_121] {strides = array<i32>} : memref<2x80x128xf32, #tpu.memory_space<vmem>>, vector<1x1x16xf32>,
      %swap3A_123 = vector.shape_cast %swap3A_122 : vector<1x1x16xf32> to vector<16xf32>
      %swap3A_124 = vector.shape_cast %broadcast_in_dim3A_117 : vector<16xf32> to vector<1x1x16xf32>
      tpu.vector_store %arg6[%swap3A_119, %swap3A_120, %swap3A_121], %swap3A_124 {strides = array<i32>} : memref<2x80x128xf32, #tpu.memory_space<vmem>>, vector<1x1x16xf32>,
      %broadcast_in_dim3A_125 = arith.constant 0.000000e+00 : f32
      %broadcast_in_dim3A_126 = vector.broadcast %broadcast_in_dim3A_125 : f32 to vector<16xf32>
      %swap3A_127 = arith.constant 0 : i32
      %swap3A_128 = arith.index_cast %swap3A_127 : i32 to index
      %swap3A_129 = arith.index_cast %scan3A_72 : i32 to index
      %swap3A_130 = arith.constant 96 : index
      %swap3A_131 = tpu.vector_load %arg6[%swap3A_128, %swap3A_129, %swap3A_130] {strides = array<i32>} : memref<2x80x128xf32, #tpu.memory_space<vmem>>, vector<1x1x16xf32>,
      %swap3A_132 = vector.shape_cast %swap3A_131 : vector<1x1x16xf32> to vector<16xf32>
      %swap3A_133 = vector.shape_cast %broadcast_in_dim3A_126 : vector<16xf32> to vector<1x1x16xf32>
      tpu.vector_store %arg6[%swap3A_128, %swap3A_129, %swap3A_130], %swap3A_133 {strides = array<i32>} : memref<2x80x128xf32, #tpu.memory_space<vmem>>, vector<1x1x16xf32>,
      %broadcast_in_dim3A_134 = arith.constant 0.000000e+00 : f32
      %broadcast_in_dim3A_135 = vector.broadcast %broadcast_in_dim3A_134 : f32 to vector<16xf32>
      %swap3A_136 = arith.constant 0 : i32
      %swap3A_137 = arith.index_cast %swap3A_136 : i32 to index
      %swap3A_138 = arith.index_cast %scan3A_72 : i32 to index
      %swap3A_139 = arith.constant 112 : index
      %swap3A_140 = tpu.vector_load %arg6[%swap3A_137, %swap3A_138, %swap3A_139] {strides = array<i32>} : memref<2x80x128xf32, #tpu.memory_space<vmem>>, vector<1x1x16xf32>,
      %swap3A_141 = vector.shape_cast %swap3A_140 : vector<1x1x16xf32> to vector<16xf32>
      %swap3A_142 = vector.shape_cast %broadcast_in_dim3A_135 : vector<16xf32> to vector<1x1x16xf32>
      tpu.vector_store %arg6[%swap3A_137, %swap3A_138, %swap3A_139], %swap3A_142 {strides = array<i32>} : memref<2x80x128xf32, #tpu.memory_space<vmem>>, vector<1x1x16xf32>,
    }
    %scan3A_5 = arith.constant 80 : i32
    %scan3A_6 = arith.constant 0 : i32
    %scan3A_7 = arith.constant 0 : i32
    %scan3A_8 = arith.constant 8 : i32
    %scan3A_9 = arith.addi %scan3A_7, %scan3A_8 : i32
    %scan3A_10 = arith.constant 1 : i32
    scf.for %scan3A_72 = %scan3A_7 to %scan3A_9 step %scan3A_10  : i32 {
      %mul3A_73 = arith.constant 640 : i32
      %mul3A_74 = arith.muli %arg1, %mul3A_73 : i32
      %mul3A_75 = arith.constant 80 : i32
      %mul3A_76 = arith.muli %scan3A_72, %mul3A_75 : i32
      %add3A_77 = arith.addi %mul3A_74, %mul3A_76 : i32
      %run_scoped3A = arith.constant 0 : i32
      "tpu.region"() ({
        %run_scoped3A_78 = tpu.sem_alloc : memref<!tpu.dma_semaphore, #tpu.memory_space<semaphore_mem>>
        %dma_start3A_79 = arith.constant 0 : i32
        %dma_start3A_80 = arith.constant 0 : i32
        %dma_start3A_81 = tpu.memref_slice %arg6[%run_scoped3A, %dma_start3A_79, %dma_start3A_80] : memref<2x80x128xf32, #tpu.memory_space<vmem>> -> memref<1x80x128xf32, #tpu.memory_space<vmem>>
        %dma_start3A_82 = tpu.memref_squeeze %dma_start3A_81 : memref<1x80x128xf32, #tpu.memory_space<vmem>> -> memref<80x128xf32, #tpu.memory_space<vmem>>
        %dma_start3A_83 = arith.constant 0 : i32
        %dma_start3A_84 = tpu.memref_slice %arg7[%add3A_77, %dma_start3A_83] : memref<10240x128xf32, #tpu.memory_space<vmem_shared>> -> memref<80x128xf32, #tpu.memory_space<vmem_shared>>
        %dma_start3A_85 = arith.constant 0 : i32
        %dma_start3A_86 = tpu.memref_slice %arg7[%add3A_77, %dma_start3A_85] : memref<10240x128xf32, #tpu.memory_space<vmem_shared>> -> memref<80x128xf32, #tpu.memory_space<vmem_shared>>
        %dma_start3A_87 = arith.constant 0 : i32
        %dma_start3A_88 = arith.constant 0 : i32
        %dma_start3A_89 = tpu.memref_slice %arg6[%run_scoped3A, %dma_start3A_87, %dma_start3A_88] : memref<2x80x128xf32, #tpu.memory_space<vmem>> -> memref<1x80x128xf32, #tpu.memory_space<vmem>>
        %dma_start3A_90 = tpu.memref_squeeze %dma_start3A_89 : memref<1x80x128xf32, #tpu.memory_space<vmem>> -> memref<80x128xf32, #tpu.memory_space<vmem>>
        tpu.enqueue_dma source(%dma_start3A_90 : memref<80x128xf32, #tpu.memory_space<vmem>>) target(%dma_start3A_86 : memref<80x128xf32, #tpu.memory_space<vmem_shared>>) target_semaphore(%run_scoped3A_78 : memref<!tpu.dma_semaphore, #tpu.memory_space<semaphore_mem>>)
        %dma_wait3A = arith.constant 0 : i32
        %dma_wait3A_91 = arith.constant 0 : i32
        %dma_wait3A_92 = tpu.memref_slice %arg6[%run_scoped3A, %dma_wait3A, %dma_wait3A_91] : memref<2x80x128xf32, #tpu.memory_space<vmem>> -> memref<1x80x128xf32, #tpu.memory_space<vmem>>
        %dma_wait3A_93 = tpu.memref_squeeze %dma_wait3A_92 : memref<1x80x128xf32, #tpu.memory_space<vmem>> -> memref<80x128xf32, #tpu.memory_space<vmem>>
        %dma_wait3A_94 = arith.constant 0 : i32
        %dma_wait3A_95 = tpu.memref_slice %arg7[%add3A_77, %dma_wait3A_94] : memref<10240x128xf32, #tpu.memory_space<vmem_shared>> -> memref<80x128xf32, #tpu.memory_space<vmem_shared>>
        %dma_wait3A_96 = arith.constant 0 : i32
        %dma_wait3A_97 = tpu.memref_slice %arg7[%add3A_77, %dma_wait3A_96] : memref<10240x128xf32, #tpu.memory_space<vmem_shared>> -> memref<80x128xf32, #tpu.memory_space<vmem_shared>>
        %dma_wait3A_98 = arith.constant 0 : i32
        %dma_wait3A_99 = arith.constant 0 : i32
        %dma_wait3A_100 = tpu.memref_slice %arg6[%run_scoped3A, %dma_wait3A_98, %dma_wait3A_99] : memref<2x80x128xf32, #tpu.memory_space<vmem>> -> memref<1x80x128xf32, #tpu.memory_space<vmem>>
        %dma_wait3A_101 = tpu.memref_squeeze %dma_wait3A_100 : memref<1x80x128xf32, #tpu.memory_space<vmem>> -> memref<80x128xf32, #tpu.memory_space<vmem>>
        tpu.wait_dma2 semaphore(%run_scoped3A_78 : memref<!tpu.dma_semaphore, #tpu.memory_space<semaphore_mem>>) src(%dma_wait3A_101 : memref<80x128xf32, #tpu.memory_space<vmem>>) dst(%dma_wait3A_97 : memref<80x128xf32, #tpu.memory_space<vmem_shared>>)
        tpu.yield
      }) : () -> ()
    }
    %scan3A_11 = arith.constant 8 : i32
    %barrier3A = arith.constant 0 : index
    tpu.barrier barrier_id(%barrier3A)
    %mul3A_12 = arith.constant 10000 : i32
    %mul3A_13 = arith.muli %add3A, %mul3A_12 : i32
    %add3A_14 = arith.constant 0 : i32
    %add3A_15 = arith.addi %mul3A_13, %add3A_14 : i32
    %dma_start3A = arith.constant 0 : i32
    %dma_start3A_16 = arith.constant 0 : i32
    %dma_start3A_17 = tpu.memref_slice %arg5[%dma_start3A, %dma_start3A_16] : memref<2x80xi32, #tpu.memory_space<vmem>> -> memref<1x80xi32, #tpu.memory_space<vmem>>
    %dma_start3A_18 = tpu.memref_squeeze %dma_start3A_17 : memref<1x80xi32, #tpu.memory_space<vmem>> -> memref<80xi32, #tpu.memory_space<vmem>>
    %dma_start3A_19 = tpu.memref_slice %arg3[%add3A_15] : memref<320000xi32, #tpu.memory_space<hbm>> -> memref<80xi32, #tpu.memory_space<hbm>>
    %dma_start3A_20 = arith.constant 0 : i32
    %dma_start3A_21 = tpu.memref_slice %arg5[%dma_start3A, %dma_start3A_20] : memref<2x80xi32, #tpu.memory_space<vmem>> -> memref<1x80xi32, #tpu.memory_space<vmem>>
    %dma_start3A_22 = tpu.memref_squeeze %dma_start3A_21 : memref<1x80xi32, #tpu.memory_space<vmem>> -> memref<80xi32, #tpu.memory_space<vmem>>
    %dma_start3A_23 = tpu.memref_slice %arg3[%add3A_15] : memref<320000xi32, #tpu.memory_space<hbm>> -> memref<80xi32, #tpu.memory_space<hbm>>
    tpu.enqueue_dma source(%dma_start3A_23 : memref<80xi32, #tpu.memory_space<hbm>>) target(%dma_start3A_22 : memref<80xi32, #tpu.memory_space<vmem>>) target_semaphore(%arg8 : memref<!tpu.dma_semaphore, #tpu.memory_space<semaphore_mem>>)
    %dma_start3A_24 = arith.constant 0 : i32
    %dma_start3A_25 = arith.constant 0 : i32
    %dma_start3A_26 = arith.constant 0 : i32
    %dma_start3A_27 = tpu.memref_slice %arg6[%dma_start3A_24, %dma_start3A_25, %dma_start3A_26] : memref<2x80x128xf32, #tpu.memory_space<vmem>> -> memref<1x80x128xf32, #tpu.memory_space<vmem>>
    %dma_start3A_28 = tpu.memref_squeeze %dma_start3A_27 : memref<1x80x128xf32, #tpu.memory_space<vmem>> -> memref<80x128xf32, #tpu.memory_space<vmem>>
    %dma_start3A_29 = arith.constant 0 : i32
    %dma_start3A_30 = tpu.memref_slice %arg2[%add3A_15, %dma_start3A_29] : memref<320000x128xf32, #tpu.memory_space<hbm>> -> memref<80x128xf32, #tpu.memory_space<hbm>>
    %dma_start3A_31 = arith.constant 0 : i32
    %dma_start3A_32 = arith.constant 0 : i32
    %dma_start3A_33 = tpu.memref_slice %arg6[%dma_start3A_24, %dma_start3A_31, %dma_start3A_32] : memref<2x80x128xf32, #tpu.memory_space<vmem>> -> memref<1x80x128xf32, #tpu.memory_space<vmem>>
    %dma_start3A_34 = tpu.memref_squeeze %dma_start3A_33 : memref<1x80x128xf32, #tpu.memory_space<vmem>> -> memref<80x128xf32, #tpu.memory_space<vmem>>
    %dma_start3A_35 = arith.constant 0 : i32
    %dma_start3A_36 = tpu.memref_slice %arg2[%add3A_15, %dma_start3A_35] : memref<320000x128xf32, #tpu.memory_space<hbm>> -> memref<80x128xf32, #tpu.memory_space<hbm>>
    tpu.enqueue_dma source(%dma_start3A_36 : memref<80x128xf32, #tpu.memory_space<hbm>>) target(%dma_start3A_34 : memref<80x128xf32, #tpu.memory_space<vmem>>) target_semaphore(%arg10 : memref<!tpu.dma_semaphore, #tpu.memory_space<semaphore_mem>>)
    %add3A_37 = arith.constant 80 : i32
    %add3A_38 = arith.addi %mul3A_13, %add3A_37 : i32
    %dma_start3A_39 = arith.constant 1 : i32
    %dma_start3A_40 = arith.constant 0 : i32
    %dma_start3A_41 = tpu.memref_slice %arg5[%dma_start3A_39, %dma_start3A_40] : memref<2x80xi32, #tpu.memory_space<vmem>> -> memref<1x80xi32, #tpu.memory_space<vmem>>
    %dma_start3A_42 = tpu.memref_squeeze %dma_start3A_41 : memref<1x80xi32, #tpu.memory_space<vmem>> -> memref<80xi32, #tpu.memory_space<vmem>>
    %dma_start3A_43 = tpu.memref_slice %arg3[%add3A_38] : memref<320000xi32, #tpu.memory_space<hbm>> -> memref<80xi32, #tpu.memory_space<hbm>>
    %dma_start3A_44 = arith.constant 0 : i32
    %dma_start3A_45 = tpu.memref_slice %arg5[%dma_start3A_39, %dma_start3A_44] : memref<2x80xi32, #tpu.memory_space<vmem>> -> memref<1x80xi32, #tpu.memory_space<vmem>>
    %dma_start3A_46 = tpu.memref_squeeze %dma_start3A_45 : memref<1x80xi32, #tpu.memory_space<vmem>> -> memref<80xi32, #tpu.memory_space<vmem>>
    %dma_start3A_47 = tpu.memref_slice %arg3[%add3A_38] : memref<320000xi32, #tpu.memory_space<hbm>> -> memref<80xi32, #tpu.memory_space<hbm>>
    tpu.enqueue_dma source(%dma_start3A_47 : memref<80xi32, #tpu.memory_space<hbm>>) target(%dma_start3A_46 : memref<80xi32, #tpu.memory_space<vmem>>) target_semaphore(%arg9 : memref<!tpu.dma_semaphore, #tpu.memory_space<semaphore_mem>>)
    %dma_start3A_48 = arith.constant 1 : i32
    %dma_start3A_49 = arith.constant 0 : i32
    %dma_start3A_50 = arith.constant 0 : i32
    %dma_start3A_51 = tpu.memref_slice %arg6[%dma_start3A_48, %dma_start3A_49, %dma_start3A_50] : memref<2x80x128xf32, #tpu.memory_space<vmem>> -> memref<1x80x128xf32, #tpu.memory_space<vmem>>
    %dma_start3A_52 = tpu.memref_squeeze %dma_start3A_51 : memref<1x80x128xf32, #tpu.memory_space<vmem>> -> memref<80x128xf32, #tpu.memory_space<vmem>>
    %dma_start3A_53 = arith.constant 0 : i32
    %dma_start3A_54 = tpu.memref_slice %arg2[%add3A_38, %dma_start3A_53] : memref<320000x128xf32, #tpu.memory_space<hbm>> -> memref<80x128xf32, #tpu.memory_space<hbm>>
    %dma_start3A_55 = arith.constant 0 : i32
    %dma_start3A_56 = arith.constant 0 : i32
    %dma_start3A_57 = tpu.memref_slice %arg6[%dma_start3A_48, %dma_start3A_55, %dma_start3A_56] : memref<2x80x128xf32, #tpu.memory_space<vmem>> -> memref<1x80x128xf32, #tpu.memory_space<vmem>>
    %dma_start3A_58 = tpu.memref_squeeze %dma_start3A_57 : memref<1x80x128xf32, #tpu.memory_space<vmem>> -> memref<80x128xf32, #tpu.memory_space<vmem>>
    %dma_start3A_59 = arith.constant 0 : i32
    %dma_start3A_60 = tpu.memref_slice %arg2[%add3A_38, %dma_start3A_59] : memref<320000x128xf32, #tpu.memory_space<hbm>> -> memref<80x128xf32, #tpu.memory_space<hbm>>
    tpu.enqueue_dma source(%dma_start3A_60 : memref<80x128xf32, #tpu.memory_space<hbm>>) target(%dma_start3A_58 : memref<80x128xf32, #tpu.memory_space<vmem>>) target_semaphore(%arg11 : memref<!tpu.dma_semaphore, #tpu.memory_space<semaphore_mem>>)
    %scan3A_61 = arith.constant 0 : i32
    %scan3A_62 = arith.constant 0 : i32
    %scan3A_63 = arith.constant 63 : i32
    %scan3A_64 = arith.addi %scan3A_62, %scan3A_63 : i32
    %scan3A_65 = arith.constant 1 : i32
    scf.for %scan3A_72 = %scan3A_62 to %scan3A_64 step %scan3A_65  : i32 {
      %mul3A_73 = arith.constant 2 : i32
      %mul3A_74 = arith.muli %mul3A_73, %scan3A_72 : i32
      %lt3A = arith.constant 125 : i32
      %lt3A_75 = arith.cmpi slt, %mul3A_74, %lt3A : i32
      %convert_element_type3A = arith.extui %lt3A_75 : i1 to i32
      %cond3A = arith.constant 0 : i32
      %cond3A_76 = arith.cmpi ne, %convert_element_type3A, %cond3A : i32
      scf.if %cond3A_76 {
        %mul3A_86 = arith.constant 80 : i32
        %mul3A_87 = arith.muli %mul3A_74, %mul3A_86 : i32
        %add3A_88 = arith.addi %mul3A_13, %mul3A_87 : i32
        %dma_wait3A = arith.constant 0 : i32
        %dma_wait3A_89 = arith.constant 0 : i32
        %dma_wait3A_90 = tpu.memref_slice %arg5[%dma_wait3A, %dma_wait3A_89] : memref<2x80xi32, #tpu.memory_space<vmem>> -> memref<1x80xi32, #tpu.memory_space<vmem>>
        %dma_wait3A_91 = tpu.memref_squeeze %dma_wait3A_90 : memref<1x80xi32, #tpu.memory_space<vmem>> -> memref<80xi32, #tpu.memory_space<vmem>>
        %dma_wait3A_92 = tpu.memref_slice %arg3[%add3A_88] : memref<320000xi32, #tpu.memory_space<hbm>> -> memref<80xi32, #tpu.memory_space<hbm>>
        %dma_wait3A_93 = arith.constant 0 : i32
        %dma_wait3A_94 = tpu.memref_slice %arg5[%dma_wait3A, %dma_wait3A_93] : memref<2x80xi32, #tpu.memory_space<vmem>> -> memref<1x80xi32, #tpu.memory_space<vmem>>
        %dma_wait3A_95 = tpu.memref_squeeze %dma_wait3A_94 : memref<1x80xi32, #tpu.memory_space<vmem>> -> memref<80xi32, #tpu.memory_space<vmem>>
        %dma_wait3A_96 = tpu.memref_slice %arg3[%add3A_88] : memref<320000xi32, #tpu.memory_space<hbm>> -> memref<80xi32, #tpu.memory_space<hbm>>
        tpu.wait_dma2 semaphore(%arg8 : memref<!tpu.dma_semaphore, #tpu.memory_space<semaphore_mem>>) src(%dma_wait3A_96 : memref<80xi32, #tpu.memory_space<hbm>>) dst(%dma_wait3A_95 : memref<80xi32, #tpu.memory_space<vmem>>)
        %dma_wait3A_97 = arith.constant 0 : i32
        %dma_wait3A_98 = arith.constant 0 : i32
        %dma_wait3A_99 = arith.constant 0 : i32
        %dma_wait3A_100 = tpu.memref_slice %arg6[%dma_wait3A_97, %dma_wait3A_98, %dma_wait3A_99] : memref<2x80x128xf32, #tpu.memory_space<vmem>> -> memref<1x80x128xf32, #tpu.memory_space<vmem>>
        %dma_wait3A_101 = tpu.memref_squeeze %dma_wait3A_100 : memref<1x80x128xf32, #tpu.memory_space<vmem>> -> memref<80x128xf32, #tpu.memory_space<vmem>>
        %dma_wait3A_102 = arith.constant 0 : i32
        %dma_wait3A_103 = tpu.memref_slice %arg2[%add3A_88, %dma_wait3A_102] : memref<320000x128xf32, #tpu.memory_space<hbm>> -> memref<80x128xf32, #tpu.memory_space<hbm>>
        %dma_wait3A_104 = arith.constant 0 : i32
        %dma_wait3A_105 = arith.constant 0 : i32
        %dma_wait3A_106 = tpu.memref_slice %arg6[%dma_wait3A_97, %dma_wait3A_104, %dma_wait3A_105] : memref<2x80x128xf32, #tpu.memory_space<vmem>> -> memref<1x80x128xf32, #tpu.memory_space<vmem>>
        %dma_wait3A_107 = tpu.memref_squeeze %dma_wait3A_106 : memref<1x80x128xf32, #tpu.memory_space<vmem>> -> memref<80x128xf32, #tpu.memory_space<vmem>>
        %dma_wait3A_108 = arith.constant 0 : i32
        %dma_wait3A_109 = tpu.memref_slice %arg2[%add3A_88, %dma_wait3A_108] : memref<320000x128xf32, #tpu.memory_space<hbm>> -> memref<80x128xf32, #tpu.memory_space<hbm>>
        tpu.wait_dma2 semaphore(%arg10 : memref<!tpu.dma_semaphore, #tpu.memory_space<semaphore_mem>>) src(%dma_wait3A_109 : memref<80x128xf32, #tpu.memory_space<hbm>>) dst(%dma_wait3A_107 : memref<80x128xf32, #tpu.memory_space<vmem>>)
        %run_scoped3A = arith.constant 0 : i32
        %run_scoped3A_110 = arith.constant 0 : i32
        "tpu.region"() ({
          %run_scoped3A_118 = tpu.sem_alloc : memref<!tpu.dma_semaphore, #tpu.memory_space<semaphore_mem>>
          %dma_start3A_119 = arith.constant 0 : i32
          %dma_start3A_120 = arith.constant 0 : i32
          %dma_start3A_121 = tpu.memref_slice %arg6[%run_scoped3A, %dma_start3A_119, %dma_start3A_120] : memref<2x80x128xf32, #tpu.memory_space<vmem>> -> memref<1x80x128xf32, #tpu.memory_space<vmem>>
          %dma_start3A_122 = tpu.memref_squeeze %dma_start3A_121 : memref<1x80x128xf32, #tpu.memory_space<vmem>> -> memref<80x128xf32, #tpu.memory_space<vmem>>
          %dma_start3A_123 = arith.constant 0 : i32
          %dma_start3A_124 = tpu.memref_slice %arg5[%run_scoped3A_110, %dma_start3A_123] : memref<2x80xi32, #tpu.memory_space<vmem>> -> memref<1x80xi32, #tpu.memory_space<vmem>>
          %dma_start3A_125 = tpu.memref_squeeze %dma_start3A_124 : memref<1x80xi32, #tpu.memory_space<vmem>> -> memref<80xi32, #tpu.memory_space<vmem>>
          %dma_start3A_126 = arith.constant 0 : i32
          %dma_start3A_127 = arith.constant 0 : i32
          %dma_start3A_128 = tpu.memref_slice %arg7[%dma_start3A_126, %dma_start3A_127] : memref<10240x128xf32, #tpu.memory_space<vmem_shared>> -> memref<10240x128xf32, #tpu.memory_space<vmem_shared>>
          tpu.enqueue_indirect_dma source(%dma_start3A_122 : memref<80x128xf32, #tpu.memory_space<vmem>>) target(%dma_start3A_128 : memref<10240x128xf32, #tpu.memory_space<vmem_shared>>) offsets(%dma_start3A_125 : memref<80xi32, #tpu.memory_space<vmem>>) semaphore(%run_scoped3A_118 : memref<!tpu.dma_semaphore, #tpu.memory_space<semaphore_mem>>) {add = true}
          %dma_wait3A_129 = arith.constant 0 : i32
          %dma_wait3A_130 = arith.constant 0 : i32
          %dma_wait3A_131 = tpu.memref_slice %arg6[%run_scoped3A, %dma_wait3A_129, %dma_wait3A_130] : memref<2x80x128xf32, #tpu.memory_space<vmem>> -> memref<1x80x128xf32, #tpu.memory_space<vmem>>
          %dma_wait3A_132 = tpu.memref_squeeze %dma_wait3A_131 : memref<1x80x128xf32, #tpu.memory_space<vmem>> -> memref<80x128xf32, #tpu.memory_space<vmem>>
          %dma_wait3A_133 = arith.constant 0 : i32
          %dma_wait3A_134 = tpu.memref_slice %arg5[%run_scoped3A_110, %dma_wait3A_133] : memref<2x80xi32, #tpu.memory_space<vmem>> -> memref<1x80xi32, #tpu.memory_space<vmem>>
          %dma_wait3A_135 = tpu.memref_squeeze %dma_wait3A_134 : memref<1x80xi32, #tpu.memory_space<vmem>> -> memref<80xi32, #tpu.memory_space<vmem>>
          %dma_wait3A_136 = arith.constant 0 : i32
          %dma_wait3A_137 = arith.constant 0 : i32
          %dma_wait3A_138 = tpu.memref_slice %arg7[%dma_wait3A_136, %dma_wait3A_137] : memref<10240x128xf32, #tpu.memory_space<vmem_shared>> -> memref<10240x128xf32, #tpu.memory_space<vmem_shared>>
          tpu.wait_indirect_dma semaphore(%run_scoped3A_118 : memref<!tpu.dma_semaphore, #tpu.memory_space<semaphore_mem>>) src(%dma_wait3A_132 : memref<80x128xf32, #tpu.memory_space<vmem>>) dst(%dma_wait3A_138 : memref<10240x128xf32, #tpu.memory_space<vmem_shared>>)
          tpu.yield
        }) : () -> ()
        %add3A_111 = arith.constant 2 : i32
        %add3A_112 = arith.addi %mul3A_74, %add3A_111 : i32
        %lt3A_113 = arith.constant 125 : i32
        %lt3A_114 = arith.cmpi slt, %add3A_112, %lt3A_113 : i32
        %convert_element_type3A_115 = arith.extui %lt3A_114 : i1 to i32
        %cond3A_116 = arith.constant 0 : i32
        %cond3A_117 = arith.cmpi ne, %convert_element_type3A_115, %cond3A_116 : i32
        scf.if %cond3A_117 {
          %add3A_118 = arith.constant 2 : i32
          %add3A_119 = arith.addi %mul3A_74, %add3A_118 : i32
          %mul3A_120 = arith.constant 80 : i32
          %mul3A_121 = arith.muli %add3A_119, %mul3A_120 : i32
          %add3A_122 = arith.addi %mul3A_13, %mul3A_121 : i32
          %dma_start3A_123 = arith.constant 0 : i32
          %dma_start3A_124 = arith.constant 0 : i32
          %dma_start3A_125 = tpu.memref_slice %arg5[%dma_start3A_123, %dma_start3A_124] : memref<2x80xi32, #tpu.memory_space<vmem>> -> memref<1x80xi32, #tpu.memory_space<vmem>>
          %dma_start3A_126 = tpu.memref_squeeze %dma_start3A_125 : memref<1x80xi32, #tpu.memory_space<vmem>> -> memref<80xi32, #tpu.memory_space<vmem>>
          %dma_start3A_127 = tpu.memref_slice %arg3[%add3A_122] : memref<320000xi32, #tpu.memory_space<hbm>> -> memref<80xi32, #tpu.memory_space<hbm>>
          %dma_start3A_128 = arith.constant 0 : i32
          %dma_start3A_129 = tpu.memref_slice %arg5[%dma_start3A_123, %dma_start3A_128] : memref<2x80xi32, #tpu.memory_space<vmem>> -> memref<1x80xi32, #tpu.memory_space<vmem>>
          %dma_start3A_130 = tpu.memref_squeeze %dma_start3A_129 : memref<1x80xi32, #tpu.memory_space<vmem>> -> memref<80xi32, #tpu.memory_space<vmem>>
          %dma_start3A_131 = tpu.memref_slice %arg3[%add3A_122] : memref<320000xi32, #tpu.memory_space<hbm>> -> memref<80xi32, #tpu.memory_space<hbm>>
          tpu.enqueue_dma source(%dma_start3A_131 : memref<80xi32, #tpu.memory_space<hbm>>) target(%dma_start3A_130 : memref<80xi32, #tpu.memory_space<vmem>>) target_semaphore(%arg8 : memref<!tpu.dma_semaphore, #tpu.memory_space<semaphore_mem>>)
          %dma_start3A_132 = arith.constant 0 : i32
          %dma_start3A_133 = arith.constant 0 : i32
          %dma_start3A_134 = arith.constant 0 : i32
          %dma_start3A_135 = tpu.memref_slice %arg6[%dma_start3A_132, %dma_start3A_133, %dma_start3A_134] : memref<2x80x128xf32, #tpu.memory_space<vmem>> -> memref<1x80x128xf32, #tpu.memory_space<vmem>>
          %dma_start3A_136 = tpu.memref_squeeze %dma_start3A_135 : memref<1x80x128xf32, #tpu.memory_space<vmem>> -> memref<80x128xf32, #tpu.memory_space<vmem>>
          %dma_start3A_137 = arith.constant 0 : i32
          %dma_start3A_138 = tpu.memref_slice %arg2[%add3A_122, %dma_start3A_137] : memref<320000x128xf32, #tpu.memory_space<hbm>> -> memref<80x128xf32, #tpu.memory_space<hbm>>
          %dma_start3A_139 = arith.constant 0 : i32
          %dma_start3A_140 = arith.constant 0 : i32
          %dma_start3A_141 = tpu.memref_slice %arg6[%dma_start3A_132, %dma_start3A_139, %dma_start3A_140] : memref<2x80x128xf32, #tpu.memory_space<vmem>> -> memref<1x80x128xf32, #tpu.memory_space<vmem>>
          %dma_start3A_142 = tpu.memref_squeeze %dma_start3A_141 : memref<1x80x128xf32, #tpu.memory_space<vmem>> -> memref<80x128xf32, #tpu.memory_space<vmem>>
          %dma_start3A_143 = arith.constant 0 : i32
          %dma_start3A_144 = tpu.memref_slice %arg2[%add3A_122, %dma_start3A_143] : memref<320000x128xf32, #tpu.memory_space<hbm>> -> memref<80x128xf32, #tpu.memory_space<hbm>>
          tpu.enqueue_dma source(%dma_start3A_144 : memref<80x128xf32, #tpu.memory_space<hbm>>) target(%dma_start3A_142 : memref<80x128xf32, #tpu.memory_space<vmem>>) target_semaphore(%arg10 : memref<!tpu.dma_semaphore, #tpu.memory_space<semaphore_mem>>)
        } else {
        }
      } else {
      }
      %mul3A_77 = arith.constant 2 : i32
      %mul3A_78 = arith.muli %mul3A_77, %scan3A_72 : i32
      %add3A_79 = arith.constant 1 : i32
      %add3A_80 = arith.addi %mul3A_78, %add3A_79 : i32
      %lt3A_81 = arith.constant 125 : i32
      %lt3A_82 = arith.cmpi slt, %add3A_80, %lt3A_81 : i32
      %convert_element_type3A_83 = arith.extui %lt3A_82 : i1 to i32
      %cond3A_84 = arith.constant 0 : i32
      %cond3A_85 = arith.cmpi ne, %convert_element_type3A_83, %cond3A_84 : i32
      scf.if %cond3A_85 {
        %mul3A_86 = arith.constant 80 : i32
        %mul3A_87 = arith.muli %add3A_80, %mul3A_86 : i32
        %add3A_88 = arith.addi %mul3A_13, %mul3A_87 : i32
        %dma_wait3A = arith.constant 1 : i32
        %dma_wait3A_89 = arith.constant 0 : i32
        %dma_wait3A_90 = tpu.memref_slice %arg5[%dma_wait3A, %dma_wait3A_89] : memref<2x80xi32, #tpu.memory_space<vmem>> -> memref<1x80xi32, #tpu.memory_space<vmem>>
        %dma_wait3A_91 = tpu.memref_squeeze %dma_wait3A_90 : memref<1x80xi32, #tpu.memory_space<vmem>> -> memref<80xi32, #tpu.memory_space<vmem>>
        %dma_wait3A_92 = tpu.memref_slice %arg3[%add3A_88] : memref<320000xi32, #tpu.memory_space<hbm>> -> memref<80xi32, #tpu.memory_space<hbm>>
        %dma_wait3A_93 = arith.constant 0 : i32
        %dma_wait3A_94 = tpu.memref_slice %arg5[%dma_wait3A, %dma_wait3A_93] : memref<2x80xi32, #tpu.memory_space<vmem>> -> memref<1x80xi32, #tpu.memory_space<vmem>>
        %dma_wait3A_95 = tpu.memref_squeeze %dma_wait3A_94 : memref<1x80xi32, #tpu.memory_space<vmem>> -> memref<80xi32, #tpu.memory_space<vmem>>
        %dma_wait3A_96 = tpu.memref_slice %arg3[%add3A_88] : memref<320000xi32, #tpu.memory_space<hbm>> -> memref<80xi32, #tpu.memory_space<hbm>>
        tpu.wait_dma2 semaphore(%arg9 : memref<!tpu.dma_semaphore, #tpu.memory_space<semaphore_mem>>) src(%dma_wait3A_96 : memref<80xi32, #tpu.memory_space<hbm>>) dst(%dma_wait3A_95 : memref<80xi32, #tpu.memory_space<vmem>>)
        %dma_wait3A_97 = arith.constant 1 : i32
        %dma_wait3A_98 = arith.constant 0 : i32
        %dma_wait3A_99 = arith.constant 0 : i32
        %dma_wait3A_100 = tpu.memref_slice %arg6[%dma_wait3A_97, %dma_wait3A_98, %dma_wait3A_99] : memref<2x80x128xf32, #tpu.memory_space<vmem>> -> memref<1x80x128xf32, #tpu.memory_space<vmem>>
        %dma_wait3A_101 = tpu.memref_squeeze %dma_wait3A_100 : memref<1x80x128xf32, #tpu.memory_space<vmem>> -> memref<80x128xf32, #tpu.memory_space<vmem>>
        %dma_wait3A_102 = arith.constant 0 : i32
        %dma_wait3A_103 = tpu.memref_slice %arg2[%add3A_88, %dma_wait3A_102] : memref<320000x128xf32, #tpu.memory_space<hbm>> -> memref<80x128xf32, #tpu.memory_space<hbm>>
        %dma_wait3A_104 = arith.constant 0 : i32
        %dma_wait3A_105 = arith.constant 0 : i32
        %dma_wait3A_106 = tpu.memref_slice %arg6[%dma_wait3A_97, %dma_wait3A_104, %dma_wait3A_105] : memref<2x80x128xf32, #tpu.memory_space<vmem>> -> memref<1x80x128xf32, #tpu.memory_space<vmem>>
        %dma_wait3A_107 = tpu.memref_squeeze %dma_wait3A_106 : memref<1x80x128xf32, #tpu.memory_space<vmem>> -> memref<80x128xf32, #tpu.memory_space<vmem>>
        %dma_wait3A_108 = arith.constant 0 : i32
        %dma_wait3A_109 = tpu.memref_slice %arg2[%add3A_88, %dma_wait3A_108] : memref<320000x128xf32, #tpu.memory_space<hbm>> -> memref<80x128xf32, #tpu.memory_space<hbm>>
        tpu.wait_dma2 semaphore(%arg11 : memref<!tpu.dma_semaphore, #tpu.memory_space<semaphore_mem>>) src(%dma_wait3A_109 : memref<80x128xf32, #tpu.memory_space<hbm>>) dst(%dma_wait3A_107 : memref<80x128xf32, #tpu.memory_space<vmem>>)
        %run_scoped3A = arith.constant 1 : i32
        %run_scoped3A_110 = arith.constant 1 : i32
        "tpu.region"() ({
          %run_scoped3A_118 = tpu.sem_alloc : memref<!tpu.dma_semaphore, #tpu.memory_space<semaphore_mem>>
          %dma_start3A_119 = arith.constant 0 : i32
          %dma_start3A_120 = arith.constant 0 : i32
          %dma_start3A_121 = tpu.memref_slice %arg6[%run_scoped3A, %dma_start3A_119, %dma_start3A_120] : memref<2x80x128xf32, #tpu.memory_space<vmem>> -> memref<1x80x128xf32, #tpu.memory_space<vmem>>
          %dma_start3A_122 = tpu.memref_squeeze %dma_start3A_121 : memref<1x80x128xf32, #tpu.memory_space<vmem>> -> memref<80x128xf32, #tpu.memory_space<vmem>>
          %dma_start3A_123 = arith.constant 0 : i32
          %dma_start3A_124 = tpu.memref_slice %arg5[%run_scoped3A_110, %dma_start3A_123] : memref<2x80xi32, #tpu.memory_space<vmem>> -> memref<1x80xi32, #tpu.memory_space<vmem>>
          %dma_start3A_125 = tpu.memref_squeeze %dma_start3A_124 : memref<1x80xi32, #tpu.memory_space<vmem>> -> memref<80xi32, #tpu.memory_space<vmem>>
          %dma_start3A_126 = arith.constant 0 : i32
          %dma_start3A_127 = arith.constant 0 : i32
          %dma_start3A_128 = tpu.memref_slice %arg7[%dma_start3A_126, %dma_start3A_127] : memref<10240x128xf32, #tpu.memory_space<vmem_shared>> -> memref<10240x128xf32, #tpu.memory_space<vmem_shared>>
          tpu.enqueue_indirect_dma source(%dma_start3A_122 : memref<80x128xf32, #tpu.memory_space<vmem>>) target(%dma_start3A_128 : memref<10240x128xf32, #tpu.memory_space<vmem_shared>>) offsets(%dma_start3A_125 : memref<80xi32, #tpu.memory_space<vmem>>) semaphore(%run_scoped3A_118 : memref<!tpu.dma_semaphore, #tpu.memory_space<semaphore_mem>>) {add = true}
          %dma_wait3A_129 = arith.constant 0 : i32
          %dma_wait3A_130 = arith.constant 0 : i32
          %dma_wait3A_131 = tpu.memref_slice %arg6[%run_scoped3A, %dma_wait3A_129, %dma_wait3A_130] : memref<2x80x128xf32, #tpu.memory_space<vmem>> -> memref<1x80x128xf32, #tpu.memory_space<vmem>>
          %dma_wait3A_132 = tpu.memref_squeeze %dma_wait3A_131 : memref<1x80x128xf32, #tpu.memory_space<vmem>> -> memref<80x128xf32, #tpu.memory_space<vmem>>
          %dma_wait3A_133 = arith.constant 0 : i32
          %dma_wait3A_134 = tpu.memref_slice %arg5[%run_scoped3A_110, %dma_wait3A_133] : memref<2x80xi32, #tpu.memory_space<vmem>> -> memref<1x80xi32, #tpu.memory_space<vmem>>
          %dma_wait3A_135 = tpu.memref_squeeze %dma_wait3A_134 : memref<1x80xi32, #tpu.memory_space<vmem>> -> memref<80xi32, #tpu.memory_space<vmem>>
          %dma_wait3A_136 = arith.constant 0 : i32
          %dma_wait3A_137 = arith.constant 0 : i32
          %dma_wait3A_138 = tpu.memref_slice %arg7[%dma_wait3A_136, %dma_wait3A_137] : memref<10240x128xf32, #tpu.memory_space<vmem_shared>> -> memref<10240x128xf32, #tpu.memory_space<vmem_shared>>
          tpu.wait_indirect_dma semaphore(%run_scoped3A_118 : memref<!tpu.dma_semaphore, #tpu.memory_space<semaphore_mem>>) src(%dma_wait3A_132 : memref<80x128xf32, #tpu.memory_space<vmem>>) dst(%dma_wait3A_138 : memref<10240x128xf32, #tpu.memory_space<vmem_shared>>)
          tpu.yield
        }) : () -> ()
        %add3A_111 = arith.constant 2 : i32
        %add3A_112 = arith.addi %add3A_80, %add3A_111 : i32
        %lt3A_113 = arith.constant 125 : i32
        %lt3A_114 = arith.cmpi slt, %add3A_112, %lt3A_113 : i32
        %convert_element_type3A_115 = arith.extui %lt3A_114 : i1 to i32
        %cond3A_116 = arith.constant 0 : i32
        %cond3A_117 = arith.cmpi ne, %convert_element_type3A_115, %cond3A_116 : i32
        scf.if %cond3A_117 {
          %add3A_118 = arith.constant 2 : i32
          %add3A_119 = arith.addi %add3A_80, %add3A_118 : i32
          %mul3A_120 = arith.constant 80 : i32
          %mul3A_121 = arith.muli %add3A_119, %mul3A_120 : i32
          %add3A_122 = arith.addi %mul3A_13, %mul3A_121 : i32
          %dma_start3A_123 = arith.constant 1 : i32
          %dma_start3A_124 = arith.constant 0 : i32
          %dma_start3A_125 = tpu.memref_slice %arg5[%dma_start3A_123, %dma_start3A_124] : memref<2x80xi32, #tpu.memory_space<vmem>> -> memref<1x80xi32, #tpu.memory_space<vmem>>
          %dma_start3A_126 = tpu.memref_squeeze %dma_start3A_125 : memref<1x80xi32, #tpu.memory_space<vmem>> -> memref<80xi32, #tpu.memory_space<vmem>>
          %dma_start3A_127 = tpu.memref_slice %arg3[%add3A_122] : memref<320000xi32, #tpu.memory_space<hbm>> -> memref<80xi32, #tpu.memory_space<hbm>>
          %dma_start3A_128 = arith.constant 0 : i32
          %dma_start3A_129 = tpu.memref_slice %arg5[%dma_start3A_123, %dma_start3A_128] : memref<2x80xi32, #tpu.memory_space<vmem>> -> memref<1x80xi32, #tpu.memory_space<vmem>>
          %dma_start3A_130 = tpu.memref_squeeze %dma_start3A_129 : memref<1x80xi32, #tpu.memory_space<vmem>> -> memref<80xi32, #tpu.memory_space<vmem>>
          %dma_start3A_131 = tpu.memref_slice %arg3[%add3A_122] : memref<320000xi32, #tpu.memory_space<hbm>> -> memref<80xi32, #tpu.memory_space<hbm>>
          tpu.enqueue_dma source(%dma_start3A_131 : memref<80xi32, #tpu.memory_space<hbm>>) target(%dma_start3A_130 : memref<80xi32, #tpu.memory_space<vmem>>) target_semaphore(%arg9 : memref<!tpu.dma_semaphore, #tpu.memory_space<semaphore_mem>>)
          %dma_start3A_132 = arith.constant 1 : i32
          %dma_start3A_133 = arith.constant 0 : i32
          %dma_start3A_134 = arith.constant 0 : i32
          %dma_start3A_135 = tpu.memref_slice %arg6[%dma_start3A_132, %dma_start3A_133, %dma_start3A_134] : memref<2x80x128xf32, #tpu.memory_space<vmem>> -> memref<1x80x128xf32, #tpu.memory_space<vmem>>
          %dma_start3A_136 = tpu.memref_squeeze %dma_start3A_135 : memref<1x80x128xf32, #tpu.memory_space<vmem>> -> memref<80x128xf32, #tpu.memory_space<vmem>>
          %dma_start3A_137 = arith.constant 0 : i32
          %dma_start3A_138 = tpu.memref_slice %arg2[%add3A_122, %dma_start3A_137] : memref<320000x128xf32, #tpu.memory_space<hbm>> -> memref<80x128xf32, #tpu.memory_space<hbm>>
          %dma_start3A_139 = arith.constant 0 : i32
          %dma_start3A_140 = arith.constant 0 : i32
          %dma_start3A_141 = tpu.memref_slice %arg6[%dma_start3A_132, %dma_start3A_139, %dma_start3A_140] : memref<2x80x128xf32, #tpu.memory_space<vmem>> -> memref<1x80x128xf32, #tpu.memory_space<vmem>>
          %dma_start3A_142 = tpu.memref_squeeze %dma_start3A_141 : memref<1x80x128xf32, #tpu.memory_space<vmem>> -> memref<80x128xf32, #tpu.memory_space<vmem>>
          %dma_start3A_143 = arith.constant 0 : i32
          %dma_start3A_144 = tpu.memref_slice %arg2[%add3A_122, %dma_start3A_143] : memref<320000x128xf32, #tpu.memory_space<hbm>> -> memref<80x128xf32, #tpu.memory_space<hbm>>
          tpu.enqueue_dma source(%dma_start3A_144 : memref<80x128xf32, #tpu.memory_space<hbm>>) target(%dma_start3A_142 : memref<80x128xf32, #tpu.memory_space<vmem>>) target_semaphore(%arg11 : memref<!tpu.dma_semaphore, #tpu.memory_space<semaphore_mem>>)
        } else {
        }
      } else {
      }
    }
    %scan3A_66 = arith.constant 63 : i32
    %barrier3A_67 = arith.constant 0 : index
    tpu.barrier barrier_id(%barrier3A_67)
    %mul3A_68 = arith.constant 640 : i32
    %mul3A_69 = arith.muli %arg1, %mul3A_68 : i32
    %mul3A_70 = arith.constant 640 : i32
    %mul3A_71 = arith.muli %arg1, %mul3A_70 : i32
    "tpu.region"() ({
      %run_scoped3A = tpu.sem_alloc : memref<!tpu.dma_semaphore, #tpu.memory_space<semaphore_mem>>
      %dma_start3A_72 = arith.constant 0 : i32
      %dma_start3A_73 = tpu.memref_slice %arg4[%arg0, %mul3A_71, %dma_start3A_72] : memref<2x10240x128xf32, #tpu.memory_space<hbm>> -> memref<1x640x128xf32, #tpu.memory_space<hbm>>
      %dma_start3A_74 = tpu.memref_squeeze %dma_start3A_73 : memref<1x640x128xf32, #tpu.memory_space<hbm>> -> memref<640x128xf32, #tpu.memory_space<hbm>>
      %dma_start3A_75 = arith.constant 0 : i32
      %dma_start3A_76 = tpu.memref_slice %arg7[%mul3A_69, %dma_start3A_75] : memref<10240x128xf32, #tpu.memory_space<vmem_shared>> -> memref<640x128xf32, #tpu.memory_space<vmem_shared>>
      tpu.enqueue_dma source(%dma_start3A_76 : memref<640x128xf32, #tpu.memory_space<vmem_shared>>) target(%dma_start3A_74 : memref<640x128xf32, #tpu.memory_space<hbm>>) target_semaphore(%run_scoped3A : memref<!tpu.dma_semaphore, #tpu.memory_space<semaphore_mem>>)
      %dma_wait3A = arith.constant 0 : i32
      %dma_wait3A_77 = tpu.memref_slice %arg4[%arg0, %mul3A_71, %dma_wait3A] : memref<2x10240x128xf32, #tpu.memory_space<hbm>> -> memref<1x640x128xf32, #tpu.memory_space<hbm>>
      %dma_wait3A_78 = tpu.memref_squeeze %dma_wait3A_77 : memref<1x640x128xf32, #tpu.memory_space<hbm>> -> memref<640x128xf32, #tpu.memory_space<hbm>>
      %dma_wait3A_79 = arith.constant 0 : i32
      %dma_wait3A_80 = tpu.memref_slice %arg7[%mul3A_69, %dma_wait3A_79] : memref<10240x128xf32, #tpu.memory_space<vmem_shared>> -> memref<640x128xf32, #tpu.memory_space<vmem_shared>>
      tpu.wait_dma2 semaphore(%run_scoped3A : memref<!tpu.dma_semaphore, #tpu.memory_space<semaphore_mem>>) src(%dma_wait3A_80 : memref<640x128xf32, #tpu.memory_space<vmem_shared>>) dst(%dma_wait3A_78 : memref<640x128xf32, #tpu.memory_space<hbm>>)
      tpu.yield
    }) : () -> ()
    return
  }
}

#map = affine_map<(d0, d1) -> (0, 0)>
#map1 = affine_map<(d0, d1) -> (0)>
#map2 = affine_map<(d0, d1) -> (0, 0, 0)>
module attributes {stable_mosaic.version = 14 : i64} {
  func.func @k(%arg0: i32, %arg1: i32, %arg2: memref<320000x128xf32, #tpu.memory_space<hbm>>, %arg3: memref<320000xi32, #tpu.memory_space<hbm>>, %arg4: memref<2x10240x128xf32, #tpu.memory_space<hbm>>, %arg5: memref<2x80xi32, #tpu.memory_space<vmem>>, %arg6: memref<2x80x128xf32, #tpu.memory_space<vmem>>, %arg7: memref<10240x128xf32, #tpu.memory_space<vmem_shared>>, %arg8: memref<!tpu.dma_semaphore, #tpu.memory_space<semaphore_mem>>, %arg9: memref<!tpu.dma_semaphore, #tpu.memory_space<semaphore_mem>>, %arg10: memref<!tpu.dma_semaphore, #tpu.memory_space<semaphore_mem>>, %arg11: memref<!tpu.dma_semaphore, #tpu.memory_space<semaphore_mem>>) attributes {dimension_semantics = [#tpu.dimension_semantics<core_parallel>, #tpu.dimension_semantics<subcore_parallel>], iteration_bounds = array<i64: 2, 16>, scalar_prefetch = 0 : i64, scratch_operands = 7 : i64, tpu.core_type = #tpu.core_type<sc_vector_subcore>, window_params = [{transform_indices = #map}, {transform_indices = #map1}, {transform_indices = #map2}]} {
    %mul3A = arith.constant 2 : i32
    %mul3A_0 = arith.muli %arg1, %mul3A : i32
    %add3A = arith.addi %mul3A_0, %arg0 : i32
    %scan3A = arith.constant 0 : i32
    %scan3A_1 = arith.constant 0 : i32
    %scan3A_2 = arith.constant 80 : i32
    %scan3A_3 = arith.addi %scan3A_1, %scan3A_2 : i32
    %scan3A_4 = arith.constant 1 : i32
    scf.for %scan3A_72 = %scan3A_1 to %scan3A_3 step %scan3A_4  : i32 {
      %broadcast_in_dim3A = arith.constant 0.000000e+00 : f32
      %broadcast_in_dim3A_73 = vector.broadcast %broadcast_in_dim3A : f32 to vector<16xf32>
      %swap3A = arith.constant 0 : i32
      %swap3A_74 = arith.index_cast %swap3A : i32 to index
      %swap3A_75 = arith.index_cast %scan3A_72 : i32 to index
      %swap3A_76 = arith.constant 0 : index
      %swap3A_77 = tpu.vector_load %arg6[%swap3A_74, %swap3A_75, %swap3A_76] {strides = array<i32>} : memref<2x80x128xf32, #tpu.memory_space<vmem>>, vector<1x1x16xf32>,
      %swap3A_78 = vector.shape_cast %swap3A_77 : vector<1x1x16xf32> to vector<16xf32>
      %swap3A_79 = vector.shape_cast %broadcast_in_dim3A_73 : vector<16xf32> to vector<1x1x16xf32>
      tpu.vector_store %arg6[%swap3A_74, %swap3A_75, %swap3A_76], %swap3A_79 {strides = array<i32>} : memref<2x80x128xf32, #tpu.memory_space<vmem>>, vector<1x1x16xf32>,
      %broadcast_in_dim3A_80 = arith.constant 0.000000e+00 : f32
      %broadcast_in_dim3A_81 = vector.broadcast %broadcast_in_dim3A_80 : f32 to vector<16xf32>
      %swap3A_82 = arith.constant 0 : i32
      %swap3A_83 = arith.index_cast %swap3A_82 : i32 to index
      %swap3A_84 = arith.index_cast %scan3A_72 : i32 to index
      %swap3A_85 = arith.constant 16 : index
      %swap3A_86 = tpu.vector_load %arg6[%swap3A_83, %swap3A_84, %swap3A_85] {strides = array<i32>} : memref<2x80x128xf32, #tpu.memory_space<vmem>>, vector<1x1x16xf32>,
      %swap3A_87 = vector.shape_cast %swap3A_86 : vector<1x1x16xf32> to vector<16xf32>
      %swap3A_88 = vector.shape_cast %broadcast_in_dim3A_81 : vector<16xf32> to vector<1x1x16xf32>
      tpu.vector_store %arg6[%swap3A_83, %swap3A_84, %swap3A_85], %swap3A_88 {strides = array<i32>} : memref<2x80x128xf32, #tpu.memory_space<vmem>>, vector<1x1x16xf32>,
      %broadcast_in_dim3A_89 = arith.constant 0.000000e+00 : f32
      %broadcast_in_dim3A_90 = vector.broadcast %broadcast_in_dim3A_89 : f32 to vector<16xf32>
      %swap3A_91 = arith.constant 0 : i32
      %swap3A_92 = arith.index_cast %swap3A_91 : i32 to index
      %swap3A_93 = arith.index_cast %scan3A_72 : i32 to index
      %swap3A_94 = arith.constant 32 : index
      %swap3A_95 = tpu.vector_load %arg6[%swap3A_92, %swap3A_93, %swap3A_94] {strides = array<i32>} : memref<2x80x128xf32, #tpu.memory_space<vmem>>, vector<1x1x16xf32>,
      %swap3A_96 = vector.shape_cast %swap3A_95 : vector<1x1x16xf32> to vector<16xf32>
      %swap3A_97 = vector.shape_cast %broadcast_in_dim3A_90 : vector<16xf32> to vector<1x1x16xf32>
      tpu.vector_store %arg6[%swap3A_92, %swap3A_93, %swap3A_94], %swap3A_97 {strides = array<i32>} : memref<2x80x128xf32, #tpu.memory_space<vmem>>, vector<1x1x16xf32>,
      %broadcast_in_dim3A_98 = arith.constant 0.000000e+00 : f32
      %broadcast_in_dim3A_99 = vector.broadcast %broadcast_in_dim3A_98 : f32 to vector<16xf32>
      %swap3A_100 = arith.constant 0 : i32
      %swap3A_101 = arith.index_cast %swap3A_100 : i32 to index
      %swap3A_102 = arith.index_cast %scan3A_72 : i32 to index
      %swap3A_103 = arith.constant 48 : index
      %swap3A_104 = tpu.vector_load %arg6[%swap3A_101, %swap3A_102, %swap3A_103] {strides = array<i32>} : memref<2x80x128xf32, #tpu.memory_space<vmem>>, vector<1x1x16xf32>,
      %swap3A_105 = vector.shape_cast %swap3A_104 : vector<1x1x16xf32> to vector<16xf32>
      %swap3A_106 = vector.shape_cast %broadcast_in_dim3A_99 : vector<16xf32> to vector<1x1x16xf32>
      tpu.vector_store %arg6[%swap3A_101, %swap3A_102, %swap3A_103], %swap3A_106 {strides = array<i32>} : memref<2x80x128xf32, #tpu.memory_space<vmem>>, vector<1x1x16xf32>,
      %broadcast_in_dim3A_107 = arith.constant 0.000000e+00 : f32
      %broadcast_in_dim3A_108 = vector.broadcast %broadcast_in_dim3A_107 : f32 to vector<16xf32>
      %swap3A_109 = arith.constant 0 : i32
      %swap3A_110 = arith.index_cast %swap3A_109 : i32 to index
      %swap3A_111 = arith.index_cast %scan3A_72 : i32 to index
      %swap3A_112 = arith.constant 64 : index
      %swap3A_113 = tpu.vector_load %arg6[%swap3A_110, %swap3A_111, %swap3A_112] {strides = array<i32>} : memref<2x80x128xf32, #tpu.memory_space<vmem>>, vector<1x1x16xf32>,
      %swap3A_114 = vector.shape_cast %swap3A_113 : vector<1x1x16xf32> to vector<16xf32>
      %swap3A_115 = vector.shape_cast %broadcast_in_dim3A_108 : vector<16xf32> to vector<1x1x16xf32>
      tpu.vector_store %arg6[%swap3A_110, %swap3A_111, %swap3A_112], %swap3A_115 {strides = array<i32>} : memref<2x80x128xf32, #tpu.memory_space<vmem>>, vector<1x1x16xf32>,
      %broadcast_in_dim3A_116 = arith.constant 0.000000e+00 : f32
      %broadcast_in_dim3A_117 = vector.broadcast %broadcast_in_dim3A_116 : f32 to vector<16xf32>
      %swap3A_118 = arith.constant 0 : i32
      %swap3A_119 = arith.index_cast %swap3A_118 : i32 to index
      %swap3A_120 = arith.index_cast %scan3A_72 : i32 to index
      %swap3A_121 = arith.constant 80 : index
      %swap3A_122 = tpu.vector_load %arg6[%swap3A_119, %swap3A_120, %swap3A_121] {strides = array<i32>} : memref<2x80x128xf32, #tpu.memory_space<vmem>>, vector<1x1x16xf32>,
      %swap3A_123 = vector.shape_cast %swap3A_122 : vector<1x1x16xf32> to vector<16xf32>
      %swap3A_124 = vector.shape_cast %broadcast_in_dim3A_117 : vector<16xf32> to vector<1x1x16xf32>
      tpu.vector_store %arg6[%swap3A_119, %swap3A_120, %swap3A_121], %swap3A_124 {strides = array<i32>} : memref<2x80x128xf32, #tpu.memory_space<vmem>>, vector<1x1x16xf32>,
      %broadcast_in_dim3A_125 = arith.constant 0.000000e+00 : f32
      %broadcast_in_dim3A_126 = vector.broadcast %broadcast_in_dim3A_125 : f32 to vector<16xf32>
      %swap3A_127 = arith.constant 0 : i32
      %swap3A_128 = arith.index_cast %swap3A_127 : i32 to index
      %swap3A_129 = arith.index_cast %scan3A_72 : i32 to index
      %swap3A_130 = arith.constant 96 : index
      %swap3A_131 = tpu.vector_load %arg6[%swap3A_128, %swap3A_129, %swap3A_130] {strides = array<i32>} : memref<2x80x128xf32, #tpu.memory_space<vmem>>, vector<1x1x16xf32>,
      %swap3A_132 = vector.shape_cast %swap3A_131 : vector<1x1x16xf32> to vector<16xf32>
      %swap3A_133 = vector.shape_cast %broadcast_in_dim3A_126 : vector<16xf32> to vector<1x1x16xf32>
      tpu.vector_store %arg6[%swap3A_128, %swap3A_129, %swap3A_130], %swap3A_133 {strides = array<i32>} : memref<2x80x128xf32, #tpu.memory_space<vmem>>, vector<1x1x16xf32>,
      %broadcast_in_dim3A_134 = arith.constant 0.000000e+00 : f32
      %broadcast_in_dim3A_135 = vector.broadcast %broadcast_in_dim3A_134 : f32 to vector<16xf32>
      %swap3A_136 = arith.constant 0 : i32
      %swap3A_137 = arith.index_cast %swap3A_136 : i32 to index
      %swap3A_138 = arith.index_cast %scan3A_72 : i32 to index
      %swap3A_139 = arith.constant 112 : index
      %swap3A_140 = tpu.vector_load %arg6[%swap3A_137, %swap3A_138, %swap3A_139] {strides = array<i32>} : memref<2x80x128xf32, #tpu.memory_space<vmem>>, vector<1x1x16xf32>,
      %swap3A_141 = vector.shape_cast %swap3A_140 : vector<1x1x16xf32> to vector<16xf32>
      %swap3A_142 = vector.shape_cast %broadcast_in_dim3A_135 : vector<16xf32> to vector<1x1x16xf32>
      tpu.vector_store %arg6[%swap3A_137, %swap3A_138, %swap3A_139], %swap3A_142 {strides = array<i32>} : memref<2x80x128xf32, #tpu.memory_space<vmem>>, vector<1x1x16xf32>,
    }
    %scan3A_5 = arith.constant 80 : i32
    %scan3A_6 = arith.constant 0 : i32
    %scan3A_7 = arith.constant 0 : i32
    %scan3A_8 = arith.constant 8 : i32
    %scan3A_9 = arith.addi %scan3A_7, %scan3A_8 : i32
    %scan3A_10 = arith.constant 1 : i32
    scf.for %scan3A_72 = %scan3A_7 to %scan3A_9 step %scan3A_10  : i32 {
      %mul3A_73 = arith.constant 640 : i32
      %mul3A_74 = arith.muli %arg1, %mul3A_73 : i32
      %mul3A_75 = arith.constant 80 : i32
      %mul3A_76 = arith.muli %scan3A_72, %mul3A_75 : i32
      %add3A_77 = arith.addi %mul3A_74, %mul3A_76 : i32
      %run_scoped3A = arith.constant 0 : i32
      "tpu.region"() ({
        %run_scoped3A_78 = tpu.sem_alloc : memref<!tpu.dma_semaphore, #tpu.memory_space<semaphore_mem>>
        %dma_start3A_79 = arith.constant 0 : i32
        %dma_start3A_80 = arith.constant 0 : i32
        %dma_start3A_81 = tpu.memref_slice %arg6[%run_scoped3A, %dma_start3A_79, %dma_start3A_80] : memref<2x80x128xf32, #tpu.memory_space<vmem>> -> memref<1x80x128xf32, #tpu.memory_space<vmem>>
        %dma_start3A_82 = tpu.memref_squeeze %dma_start3A_81 : memref<1x80x128xf32, #tpu.memory_space<vmem>> -> memref<80x128xf32, #tpu.memory_space<vmem>>
        %dma_start3A_83 = arith.constant 0 : i32
        %dma_start3A_84 = tpu.memref_slice %arg7[%add3A_77, %dma_start3A_83] : memref<10240x128xf32, #tpu.memory_space<vmem_shared>> -> memref<80x128xf32, #tpu.memory_space<vmem_shared>>
        %dma_start3A_85 = arith.constant 0 : i32
        %dma_start3A_86 = tpu.memref_slice %arg7[%add3A_77, %dma_start3A_85] : memref<10240x128xf32, #tpu.memory_space<vmem_shared>> -> memref<80x128xf32, #tpu.memory_space<vmem_shared>>
        %dma_start3A_87 = arith.constant 0 : i32
        %dma_start3A_88 = arith.constant 0 : i32
        %dma_start3A_89 = tpu.memref_slice %arg6[%run_scoped3A, %dma_start3A_87, %dma_start3A_88] : memref<2x80x128xf32, #tpu.memory_space<vmem>> -> memref<1x80x128xf32, #tpu.memory_space<vmem>>
        %dma_start3A_90 = tpu.memref_squeeze %dma_start3A_89 : memref<1x80x128xf32, #tpu.memory_space<vmem>> -> memref<80x128xf32, #tpu.memory_space<vmem>>
        tpu.enqueue_dma source(%dma_start3A_90 : memref<80x128xf32, #tpu.memory_space<vmem>>) target(%dma_start3A_86 : memref<80x128xf32, #tpu.memory_space<vmem_shared>>) target_semaphore(%run_scoped3A_78 : memref<!tpu.dma_semaphore, #tpu.memory_space<semaphore_mem>>)
        %dma_wait3A = arith.constant 0 : i32
        %dma_wait3A_91 = arith.constant 0 : i32
        %dma_wait3A_92 = tpu.memref_slice %arg6[%run_scoped3A, %dma_wait3A, %dma_wait3A_91] : memref<2x80x128xf32, #tpu.memory_space<vmem>> -> memref<1x80x128xf32, #tpu.memory_space<vmem>>
        %dma_wait3A_93 = tpu.memref_squeeze %dma_wait3A_92 : memref<1x80x128xf32, #tpu.memory_space<vmem>> -> memref<80x128xf32, #tpu.memory_space<vmem>>
        %dma_wait3A_94 = arith.constant 0 : i32
        %dma_wait3A_95 = tpu.memref_slice %arg7[%add3A_77, %dma_wait3A_94] : memref<10240x128xf32, #tpu.memory_space<vmem_shared>> -> memref<80x128xf32, #tpu.memory_space<vmem_shared>>
        %dma_wait3A_96 = arith.constant 0 : i32
        %dma_wait3A_97 = tpu.memref_slice %arg7[%add3A_77, %dma_wait3A_96] : memref<10240x128xf32, #tpu.memory_space<vmem_shared>> -> memref<80x128xf32, #tpu.memory_space<vmem_shared>>
        %dma_wait3A_98 = arith.constant 0 : i32
        %dma_wait3A_99 = arith.constant 0 : i32
        %dma_wait3A_100 = tpu.memref_slice %arg6[%run_scoped3A, %dma_wait3A_98, %dma_wait3A_99] : memref<2x80x128xf32, #tpu.memory_space<vmem>> -> memref<1x80x128xf32, #tpu.memory_space<vmem>>
        %dma_wait3A_101 = tpu.memref_squeeze %dma_wait3A_100 : memref<1x80x128xf32, #tpu.memory_space<vmem>> -> memref<80x128xf32, #tpu.memory_space<vmem>>
        tpu.wait_dma2 semaphore(%run_scoped3A_78 : memref<!tpu.dma_semaphore, #tpu.memory_space<semaphore_mem>>) src(%dma_wait3A_101 : memref<80x128xf32, #tpu.memory_space<vmem>>) dst(%dma_wait3A_97 : memref<80x128xf32, #tpu.memory_space<vmem_shared>>)
        tpu.yield
      }) : () -> ()
    }
    %scan3A_11 = arith.constant 8 : i32
    %barrier3A = arith.constant 0 : index
    tpu.barrier barrier_id(%barrier3A)
    %mul3A_12 = arith.constant 10000 : i32
    %mul3A_13 = arith.muli %add3A, %mul3A_12 : i32
    %add3A_14 = arith.constant 0 : i32
    %add3A_15 = arith.addi %mul3A_13, %add3A_14 : i32
    %dma_start3A = arith.constant 0 : i32
    %dma_start3A_16 = arith.constant 0 : i32
    %dma_start3A_17 = tpu.memref_slice %arg5[%dma_start3A, %dma_start3A_16] : memref<2x80xi32, #tpu.memory_space<vmem>> -> memref<1x80xi32, #tpu.memory_space<vmem>>
    %dma_start3A_18 = tpu.memref_squeeze %dma_start3A_17 : memref<1x80xi32, #tpu.memory_space<vmem>> -> memref<80xi32, #tpu.memory_space<vmem>>
    %dma_start3A_19 = tpu.memref_slice %arg3[%add3A_15] : memref<320000xi32, #tpu.memory_space<hbm>> -> memref<80xi32, #tpu.memory_space<hbm>>
    %dma_start3A_20 = arith.constant 0 : i32
    %dma_start3A_21 = tpu.memref_slice %arg5[%dma_start3A, %dma_start3A_20] : memref<2x80xi32, #tpu.memory_space<vmem>> -> memref<1x80xi32, #tpu.memory_space<vmem>>
    %dma_start3A_22 = tpu.memref_squeeze %dma_start3A_21 : memref<1x80xi32, #tpu.memory_space<vmem>> -> memref<80xi32, #tpu.memory_space<vmem>>
    %dma_start3A_23 = tpu.memref_slice %arg3[%add3A_15] : memref<320000xi32, #tpu.memory_space<hbm>> -> memref<80xi32, #tpu.memory_space<hbm>>
    tpu.enqueue_dma source(%dma_start3A_23 : memref<80xi32, #tpu.memory_space<hbm>>) target(%dma_start3A_22 : memref<80xi32, #tpu.memory_space<vmem>>) target_semaphore(%arg8 : memref<!tpu.dma_semaphore, #tpu.memory_space<semaphore_mem>>)
    %dma_start3A_24 = arith.constant 0 : i32
    %dma_start3A_25 = arith.constant 0 : i32
    %dma_start3A_26 = arith.constant 0 : i32
    %dma_start3A_27 = tpu.memref_slice %arg6[%dma_start3A_24, %dma_start3A_25, %dma_start3A_26] : memref<2x80x128xf32, #tpu.memory_space<vmem>> -> memref<1x80x128xf32, #tpu.memory_space<vmem>>
    %dma_start3A_28 = tpu.memref_squeeze %dma_start3A_27 : memref<1x80x128xf32, #tpu.memory_space<vmem>> -> memref<80x128xf32, #tpu.memory_space<vmem>>
    %dma_start3A_29 = arith.constant 0 : i32
    %dma_start3A_30 = tpu.memref_slice %arg2[%add3A_15, %dma_start3A_29] : memref<320000x128xf32, #tpu.memory_space<hbm>> -> memref<80x128xf32, #tpu.memory_space<hbm>>
    %dma_start3A_31 = arith.constant 0 : i32
    %dma_start3A_32 = arith.constant 0 : i32
    %dma_start3A_33 = tpu.memref_slice %arg6[%dma_start3A_24, %dma_start3A_31, %dma_start3A_32] : memref<2x80x128xf32, #tpu.memory_space<vmem>> -> memref<1x80x128xf32, #tpu.memory_space<vmem>>
    %dma_start3A_34 = tpu.memref_squeeze %dma_start3A_33 : memref<1x80x128xf32, #tpu.memory_space<vmem>> -> memref<80x128xf32, #tpu.memory_space<vmem>>
    %dma_start3A_35 = arith.constant 0 : i32
    %dma_start3A_36 = tpu.memref_slice %arg2[%add3A_15, %dma_start3A_35] : memref<320000x128xf32, #tpu.memory_space<hbm>> -> memref<80x128xf32, #tpu.memory_space<hbm>>
    tpu.enqueue_dma source(%dma_start3A_36 : memref<80x128xf32, #tpu.memory_space<hbm>>) target(%dma_start3A_34 : memref<80x128xf32, #tpu.memory_space<vmem>>) target_semaphore(%arg10 : memref<!tpu.dma_semaphore, #tpu.memory_space<semaphore_mem>>)
    %add3A_37 = arith.constant 80 : i32
    %add3A_38 = arith.addi %mul3A_13, %add3A_37 : i32
    %dma_start3A_39 = arith.constant 1 : i32
    %dma_start3A_40 = arith.constant 0 : i32
    %dma_start3A_41 = tpu.memref_slice %arg5[%dma_start3A_39, %dma_start3A_40] : memref<2x80xi32, #tpu.memory_space<vmem>> -> memref<1x80xi32, #tpu.memory_space<vmem>>
    %dma_start3A_42 = tpu.memref_squeeze %dma_start3A_41 : memref<1x80xi32, #tpu.memory_space<vmem>> -> memref<80xi32, #tpu.memory_space<vmem>>
    %dma_start3A_43 = tpu.memref_slice %arg3[%add3A_38] : memref<320000xi32, #tpu.memory_space<hbm>> -> memref<80xi32, #tpu.memory_space<hbm>>
    %dma_start3A_44 = arith.constant 0 : i32
    %dma_start3A_45 = tpu.memref_slice %arg5[%dma_start3A_39, %dma_start3A_44] : memref<2x80xi32, #tpu.memory_space<vmem>> -> memref<1x80xi32, #tpu.memory_space<vmem>>
    %dma_start3A_46 = tpu.memref_squeeze %dma_start3A_45 : memref<1x80xi32, #tpu.memory_space<vmem>> -> memref<80xi32, #tpu.memory_space<vmem>>
    %dma_start3A_47 = tpu.memref_slice %arg3[%add3A_38] : memref<320000xi32, #tpu.memory_space<hbm>> -> memref<80xi32, #tpu.memory_space<hbm>>
    tpu.enqueue_dma source(%dma_start3A_47 : memref<80xi32, #tpu.memory_space<hbm>>) target(%dma_start3A_46 : memref<80xi32, #tpu.memory_space<vmem>>) target_semaphore(%arg9 : memref<!tpu.dma_semaphore, #tpu.memory_space<semaphore_mem>>)
    %dma_start3A_48 = arith.constant 1 : i32
    %dma_start3A_49 = arith.constant 0 : i32
    %dma_start3A_50 = arith.constant 0 : i32
    %dma_start3A_51 = tpu.memref_slice %arg6[%dma_start3A_48, %dma_start3A_49, %dma_start3A_50] : memref<2x80x128xf32, #tpu.memory_space<vmem>> -> memref<1x80x128xf32, #tpu.memory_space<vmem>>
    %dma_start3A_52 = tpu.memref_squeeze %dma_start3A_51 : memref<1x80x128xf32, #tpu.memory_space<vmem>> -> memref<80x128xf32, #tpu.memory_space<vmem>>
    %dma_start3A_53 = arith.constant 0 : i32
    %dma_start3A_54 = tpu.memref_slice %arg2[%add3A_38, %dma_start3A_53] : memref<320000x128xf32, #tpu.memory_space<hbm>> -> memref<80x128xf32, #tpu.memory_space<hbm>>
    %dma_start3A_55 = arith.constant 0 : i32
    %dma_start3A_56 = arith.constant 0 : i32
    %dma_start3A_57 = tpu.memref_slice %arg6[%dma_start3A_48, %dma_start3A_55, %dma_start3A_56] : memref<2x80x128xf32, #tpu.memory_space<vmem>> -> memref<1x80x128xf32, #tpu.memory_space<vmem>>
    %dma_start3A_58 = tpu.memref_squeeze %dma_start3A_57 : memref<1x80x128xf32, #tpu.memory_space<vmem>> -> memref<80x128xf32, #tpu.memory_space<vmem>>
    %dma_start3A_59 = arith.constant 0 : i32
    %dma_start3A_60 = tpu.memref_slice %arg2[%add3A_38, %dma_start3A_59] : memref<320000x128xf32, #tpu.memory_space<hbm>> -> memref<80x128xf32, #tpu.memory_space<hbm>>
    tpu.enqueue_dma source(%dma_start3A_60 : memref<80x128xf32, #tpu.memory_space<hbm>>) target(%dma_start3A_58 : memref<80x128xf32, #tpu.memory_space<vmem>>) target_semaphore(%arg11 : memref<!tpu.dma_semaphore, #tpu.memory_space<semaphore_mem>>)
    %scan3A_61 = arith.constant 0 : i32
    %scan3A_62 = arith.constant 0 : i32
    %scan3A_63 = arith.constant 63 : i32
    %scan3A_64 = arith.addi %scan3A_62, %scan3A_63 : i32
    %scan3A_65 = arith.constant 1 : i32
    scf.for %scan3A_72 = %scan3A_62 to %scan3A_64 step %scan3A_65  : i32 {
      %mul3A_73 = arith.constant 2 : i32
      %mul3A_74 = arith.muli %mul3A_73, %scan3A_72 : i32
      %lt3A = arith.constant 125 : i32
      %lt3A_75 = arith.cmpi slt, %mul3A_74, %lt3A : i32
      %convert_element_type3A = arith.extui %lt3A_75 : i1 to i32
      %cond3A = arith.constant 0 : i32
      %cond3A_76 = arith.cmpi ne, %convert_element_type3A, %cond3A : i32
      scf.if %cond3A_76 {
        %mul3A_86 = arith.constant 80 : i32
        %mul3A_87 = arith.muli %mul3A_74, %mul3A_86 : i32
        %add3A_88 = arith.addi %mul3A_13, %mul3A_87 : i32
        %dma_wait3A = arith.constant 0 : i32
        %dma_wait3A_89 = arith.constant 0 : i32
        %dma_wait3A_90 = tpu.memref_slice %arg5[%dma_wait3A, %dma_wait3A_89] : memref<2x80xi32, #tpu.memory_space<vmem>> -> memref<1x80xi32, #tpu.memory_space<vmem>>
        %dma_wait3A_91 = tpu.memref_squeeze %dma_wait3A_90 : memref<1x80xi32, #tpu.memory_space<vmem>> -> memref<80xi32, #tpu.memory_space<vmem>>
        %dma_wait3A_92 = tpu.memref_slice %arg3[%add3A_88] : memref<320000xi32, #tpu.memory_space<hbm>> -> memref<80xi32, #tpu.memory_space<hbm>>
        %dma_wait3A_93 = arith.constant 0 : i32
        %dma_wait3A_94 = tpu.memref_slice %arg5[%dma_wait3A, %dma_wait3A_93] : memref<2x80xi32, #tpu.memory_space<vmem>> -> memref<1x80xi32, #tpu.memory_space<vmem>>
        %dma_wait3A_95 = tpu.memref_squeeze %dma_wait3A_94 : memref<1x80xi32, #tpu.memory_space<vmem>> -> memref<80xi32, #tpu.memory_space<vmem>>
        %dma_wait3A_96 = tpu.memref_slice %arg3[%add3A_88] : memref<320000xi32, #tpu.memory_space<hbm>> -> memref<80xi32, #tpu.memory_space<hbm>>
        tpu.wait_dma2 semaphore(%arg8 : memref<!tpu.dma_semaphore, #tpu.memory_space<semaphore_mem>>) src(%dma_wait3A_96 : memref<80xi32, #tpu.memory_space<hbm>>) dst(%dma_wait3A_95 : memref<80xi32, #tpu.memory_space<vmem>>)
        %dma_wait3A_97 = arith.constant 0 : i32
        %dma_wait3A_98 = arith.constant 0 : i32
        %dma_wait3A_99 = arith.constant 0 : i32
        %dma_wait3A_100 = tpu.memref_slice %arg6[%dma_wait3A_97, %dma_wait3A_98, %dma_wait3A_99] : memref<2x80x128xf32, #tpu.memory_space<vmem>> -> memref<1x80x128xf32, #tpu.memory_space<vmem>>
        %dma_wait3A_101 = tpu.memref_squeeze %dma_wait3A_100 : memref<1x80x128xf32, #tpu.memory_space<vmem>> -> memref<80x128xf32, #tpu.memory_space<vmem>>
        %dma_wait3A_102 = arith.constant 0 : i32
        %dma_wait3A_103 = tpu.memref_slice %arg2[%add3A_88, %dma_wait3A_102] : memref<320000x128xf32, #tpu.memory_space<hbm>> -> memref<80x128xf32, #tpu.memory_space<hbm>>
        %dma_wait3A_104 = arith.constant 0 : i32
        %dma_wait3A_105 = arith.constant 0 : i32
        %dma_wait3A_106 = tpu.memref_slice %arg6[%dma_wait3A_97, %dma_wait3A_104, %dma_wait3A_105] : memref<2x80x128xf32, #tpu.memory_space<vmem>> -> memref<1x80x128xf32, #tpu.memory_space<vmem>>
        %dma_wait3A_107 = tpu.memref_squeeze %dma_wait3A_106 : memref<1x80x128xf32, #tpu.memory_space<vmem>> -> memref<80x128xf32, #tpu.memory_space<vmem>>
        %dma_wait3A_108 = arith.constant 0 : i32
        %dma_wait3A_109 = tpu.memref_slice %arg2[%add3A_88, %dma_wait3A_108] : memref<320000x128xf32, #tpu.memory_space<hbm>> -> memref<80x128xf32, #tpu.memory_space<hbm>>
        tpu.wait_dma2 semaphore(%arg10 : memref<!tpu.dma_semaphore, #tpu.memory_space<semaphore_mem>>) src(%dma_wait3A_109 : memref<80x128xf32, #tpu.memory_space<hbm>>) dst(%dma_wait3A_107 : memref<80x128xf32, #tpu.memory_space<vmem>>)
        %run_scoped3A = arith.constant 0 : i32
        %run_scoped3A_110 = arith.constant 0 : i32
        "tpu.region"() ({
          %run_scoped3A_118 = tpu.sem_alloc : memref<!tpu.dma_semaphore, #tpu.memory_space<semaphore_mem>>
          %dma_start3A_119 = arith.constant 0 : i32
          %dma_start3A_120 = arith.constant 0 : i32
          %dma_start3A_121 = tpu.memref_slice %arg6[%run_scoped3A, %dma_start3A_119, %dma_start3A_120] : memref<2x80x128xf32, #tpu.memory_space<vmem>> -> memref<1x80x128xf32, #tpu.memory_space<vmem>>
          %dma_start3A_122 = tpu.memref_squeeze %dma_start3A_121 : memref<1x80x128xf32, #tpu.memory_space<vmem>> -> memref<80x128xf32, #tpu.memory_space<vmem>>
          %dma_start3A_123 = arith.constant 0 : i32
          %dma_start3A_124 = tpu.memref_slice %arg5[%run_scoped3A_110, %dma_start3A_123] : memref<2x80xi32, #tpu.memory_space<vmem>> -> memref<1x80xi32, #tpu.memory_space<vmem>>
          %dma_start3A_125 = tpu.memref_squeeze %dma_start3A_124 : memref<1x80xi32, #tpu.memory_space<vmem>> -> memref<80xi32, #tpu.memory_space<vmem>>
          %dma_start3A_126 = arith.constant 0 : i32
          %dma_start3A_127 = arith.constant 0 : i32
          %dma_start3A_128 = tpu.memref_slice %arg7[%dma_start3A_126, %dma_start3A_127] : memref<10240x128xf32, #tpu.memory_space<vmem_shared>> -> memref<10240x128xf32, #tpu.memory_space<vmem_shared>>
          tpu.enqueue_indirect_dma source(%dma_start3A_122 : memref<80x128xf32, #tpu.memory_space<vmem>>) target(%dma_start3A_128 : memref<10240x128xf32, #tpu.memory_space<vmem_shared>>) offsets(%dma_start3A_125 : memref<80xi32, #tpu.memory_space<vmem>>) semaphore(%run_scoped3A_118 : memref<!tpu.dma_semaphore, #tpu.memory_space<semaphore_mem>>) {add = true}
          %dma_wait3A_129 = arith.constant 0 : i32
          %dma_wait3A_130 = arith.constant 0 : i32
          %dma_wait3A_131 = tpu.memref_slice %arg6[%run_scoped3A, %dma_wait3A_129, %dma_wait3A_130] : memref<2x80x128xf32, #tpu.memory_space<vmem>> -> memref<1x80x128xf32, #tpu.memory_space<vmem>>
          %dma_wait3A_132 = tpu.memref_squeeze %dma_wait3A_131 : memref<1x80x128xf32, #tpu.memory_space<vmem>> -> memref<80x128xf32, #tpu.memory_space<vmem>>
          %dma_wait3A_133 = arith.constant 0 : i32
          %dma_wait3A_134 = tpu.memref_slice %arg5[%run_scoped3A_110, %dma_wait3A_133] : memref<2x80xi32, #tpu.memory_space<vmem>> -> memref<1x80xi32, #tpu.memory_space<vmem>>
          %dma_wait3A_135 = tpu.memref_squeeze %dma_wait3A_134 : memref<1x80xi32, #tpu.memory_space<vmem>> -> memref<80xi32, #tpu.memory_space<vmem>>
          %dma_wait3A_136 = arith.constant 0 : i32
          %dma_wait3A_137 = arith.constant 0 : i32
          %dma_wait3A_138 = tpu.memref_slice %arg7[%dma_wait3A_136, %dma_wait3A_137] : memref<10240x128xf32, #tpu.memory_space<vmem_shared>> -> memref<10240x128xf32, #tpu.memory_space<vmem_shared>>
          tpu.wait_indirect_dma semaphore(%run_scoped3A_118 : memref<!tpu.dma_semaphore, #tpu.memory_space<semaphore_mem>>) src(%dma_wait3A_132 : memref<80x128xf32, #tpu.memory_space<vmem>>) dst(%dma_wait3A_138 : memref<10240x128xf32, #tpu.memory_space<vmem_shared>>)
          tpu.yield
        }) : () -> ()
        %add3A_111 = arith.constant 2 : i32
        %add3A_112 = arith.addi %mul3A_74, %add3A_111 : i32
        %lt3A_113 = arith.constant 125 : i32
        %lt3A_114 = arith.cmpi slt, %add3A_112, %lt3A_113 : i32
        %convert_element_type3A_115 = arith.extui %lt3A_114 : i1 to i32
        %cond3A_116 = arith.constant 0 : i32
        %cond3A_117 = arith.cmpi ne, %convert_element_type3A_115, %cond3A_116 : i32
        scf.if %cond3A_117 {
          %add3A_118 = arith.constant 2 : i32
          %add3A_119 = arith.addi %mul3A_74, %add3A_118 : i32
          %mul3A_120 = arith.constant 80 : i32
          %mul3A_121 = arith.muli %add3A_119, %mul3A_120 : i32
          %add3A_122 = arith.addi %mul3A_13, %mul3A_121 : i32
          %dma_start3A_123 = arith.constant 0 : i32
          %dma_start3A_124 = arith.constant 0 : i32
          %dma_start3A_125 = tpu.memref_slice %arg5[%dma_start3A_123, %dma_start3A_124] : memref<2x80xi32, #tpu.memory_space<vmem>> -> memref<1x80xi32, #tpu.memory_space<vmem>>
          %dma_start3A_126 = tpu.memref_squeeze %dma_start3A_125 : memref<1x80xi32, #tpu.memory_space<vmem>> -> memref<80xi32, #tpu.memory_space<vmem>>
          %dma_start3A_127 = tpu.memref_slice %arg3[%add3A_122] : memref<320000xi32, #tpu.memory_space<hbm>> -> memref<80xi32, #tpu.memory_space<hbm>>
          %dma_start3A_128 = arith.constant 0 : i32
          %dma_start3A_129 = tpu.memref_slice %arg5[%dma_start3A_123, %dma_start3A_128] : memref<2x80xi32, #tpu.memory_space<vmem>> -> memref<1x80xi32, #tpu.memory_space<vmem>>
          %dma_start3A_130 = tpu.memref_squeeze %dma_start3A_129 : memref<1x80xi32, #tpu.memory_space<vmem>> -> memref<80xi32, #tpu.memory_space<vmem>>
          %dma_start3A_131 = tpu.memref_slice %arg3[%add3A_122] : memref<320000xi32, #tpu.memory_space<hbm>> -> memref<80xi32, #tpu.memory_space<hbm>>
          tpu.enqueue_dma source(%dma_start3A_131 : memref<80xi32, #tpu.memory_space<hbm>>) target(%dma_start3A_130 : memref<80xi32, #tpu.memory_space<vmem>>) target_semaphore(%arg8 : memref<!tpu.dma_semaphore, #tpu.memory_space<semaphore_mem>>)
          %dma_start3A_132 = arith.constant 0 : i32
          %dma_start3A_133 = arith.constant 0 : i32
          %dma_start3A_134 = arith.constant 0 : i32
          %dma_start3A_135 = tpu.memref_slice %arg6[%dma_start3A_132, %dma_start3A_133, %dma_start3A_134] : memref<2x80x128xf32, #tpu.memory_space<vmem>> -> memref<1x80x128xf32, #tpu.memory_space<vmem>>
          %dma_start3A_136 = tpu.memref_squeeze %dma_start3A_135 : memref<1x80x128xf32, #tpu.memory_space<vmem>> -> memref<80x128xf32, #tpu.memory_space<vmem>>
          %dma_start3A_137 = arith.constant 0 : i32
          %dma_start3A_138 = tpu.memref_slice %arg2[%add3A_122, %dma_start3A_137] : memref<320000x128xf32, #tpu.memory_space<hbm>> -> memref<80x128xf32, #tpu.memory_space<hbm>>
          %dma_start3A_139 = arith.constant 0 : i32
          %dma_start3A_140 = arith.constant 0 : i32
          %dma_start3A_141 = tpu.memref_slice %arg6[%dma_start3A_132, %dma_start3A_139, %dma_start3A_140] : memref<2x80x128xf32, #tpu.memory_space<vmem>> -> memref<1x80x128xf32, #tpu.memory_space<vmem>>
          %dma_start3A_142 = tpu.memref_squeeze %dma_start3A_141 : memref<1x80x128xf32, #tpu.memory_space<vmem>> -> memref<80x128xf32, #tpu.memory_space<vmem>>
          %dma_start3A_143 = arith.constant 0 : i32
          %dma_start3A_144 = tpu.memref_slice %arg2[%add3A_122, %dma_start3A_143] : memref<320000x128xf32, #tpu.memory_space<hbm>> -> memref<80x128xf32, #tpu.memory_space<hbm>>
          tpu.enqueue_dma source(%dma_start3A_144 : memref<80x128xf32, #tpu.memory_space<hbm>>) target(%dma_start3A_142 : memref<80x128xf32, #tpu.memory_space<vmem>>) target_semaphore(%arg10 : memref<!tpu.dma_semaphore, #tpu.memory_space<semaphore_mem>>)
        } else {
        }
      } else {
      }
      %mul3A_77 = arith.constant 2 : i32
      %mul3A_78 = arith.muli %mul3A_77, %scan3A_72 : i32
      %add3A_79 = arith.constant 1 : i32
      %add3A_80 = arith.addi %mul3A_78, %add3A_79 : i32
      %lt3A_81 = arith.constant 125 : i32
      %lt3A_82 = arith.cmpi slt, %add3A_80, %lt3A_81 : i32
      %convert_element_type3A_83 = arith.extui %lt3A_82 : i1 to i32
      %cond3A_84 = arith.constant 0 : i32
      %cond3A_85 = arith.cmpi ne, %convert_element_type3A_83, %cond3A_84 : i32
      scf.if %cond3A_85 {
        %mul3A_86 = arith.constant 80 : i32
        %mul3A_87 = arith.muli %add3A_80, %mul3A_86 : i32
        %add3A_88 = arith.addi %mul3A_13, %mul3A_87 : i32
        %dma_wait3A = arith.constant 1 : i32
        %dma_wait3A_89 = arith.constant 0 : i32
        %dma_wait3A_90 = tpu.memref_slice %arg5[%dma_wait3A, %dma_wait3A_89] : memref<2x80xi32, #tpu.memory_space<vmem>> -> memref<1x80xi32, #tpu.memory_space<vmem>>
        %dma_wait3A_91 = tpu.memref_squeeze %dma_wait3A_90 : memref<1x80xi32, #tpu.memory_space<vmem>> -> memref<80xi32, #tpu.memory_space<vmem>>
        %dma_wait3A_92 = tpu.memref_slice %arg3[%add3A_88] : memref<320000xi32, #tpu.memory_space<hbm>> -> memref<80xi32, #tpu.memory_space<hbm>>
        %dma_wait3A_93 = arith.constant 0 : i32
        %dma_wait3A_94 = tpu.memref_slice %arg5[%dma_wait3A, %dma_wait3A_93] : memref<2x80xi32, #tpu.memory_space<vmem>> -> memref<1x80xi32, #tpu.memory_space<vmem>>
        %dma_wait3A_95 = tpu.memref_squeeze %dma_wait3A_94 : memref<1x80xi32, #tpu.memory_space<vmem>> -> memref<80xi32, #tpu.memory_space<vmem>>
        %dma_wait3A_96 = tpu.memref_slice %arg3[%add3A_88] : memref<320000xi32, #tpu.memory_space<hbm>> -> memref<80xi32, #tpu.memory_space<hbm>>
        tpu.wait_dma2 semaphore(%arg9 : memref<!tpu.dma_semaphore, #tpu.memory_space<semaphore_mem>>) src(%dma_wait3A_96 : memref<80xi32, #tpu.memory_space<hbm>>) dst(%dma_wait3A_95 : memref<80xi32, #tpu.memory_space<vmem>>)
        %dma_wait3A_97 = arith.constant 1 : i32
        %dma_wait3A_98 = arith.constant 0 : i32
        %dma_wait3A_99 = arith.constant 0 : i32
        %dma_wait3A_100 = tpu.memref_slice %arg6[%dma_wait3A_97, %dma_wait3A_98, %dma_wait3A_99] : memref<2x80x128xf32, #tpu.memory_space<vmem>> -> memref<1x80x128xf32, #tpu.memory_space<vmem>>
        %dma_wait3A_101 = tpu.memref_squeeze %dma_wait3A_100 : memref<1x80x128xf32, #tpu.memory_space<vmem>> -> memref<80x128xf32, #tpu.memory_space<vmem>>
        %dma_wait3A_102 = arith.constant 0 : i32
        %dma_wait3A_103 = tpu.memref_slice %arg2[%add3A_88, %dma_wait3A_102] : memref<320000x128xf32, #tpu.memory_space<hbm>> -> memref<80x128xf32, #tpu.memory_space<hbm>>
        %dma_wait3A_104 = arith.constant 0 : i32
        %dma_wait3A_105 = arith.constant 0 : i32
        %dma_wait3A_106 = tpu.memref_slice %arg6[%dma_wait3A_97, %dma_wait3A_104, %dma_wait3A_105] : memref<2x80x128xf32, #tpu.memory_space<vmem>> -> memref<1x80x128xf32, #tpu.memory_space<vmem>>
        %dma_wait3A_107 = tpu.memref_squeeze %dma_wait3A_106 : memref<1x80x128xf32, #tpu.memory_space<vmem>> -> memref<80x128xf32, #tpu.memory_space<vmem>>
        %dma_wait3A_108 = arith.constant 0 : i32
        %dma_wait3A_109 = tpu.memref_slice %arg2[%add3A_88, %dma_wait3A_108] : memref<320000x128xf32, #tpu.memory_space<hbm>> -> memref<80x128xf32, #tpu.memory_space<hbm>>
        tpu.wait_dma2 semaphore(%arg11 : memref<!tpu.dma_semaphore, #tpu.memory_space<semaphore_mem>>) src(%dma_wait3A_109 : memref<80x128xf32, #tpu.memory_space<hbm>>) dst(%dma_wait3A_107 : memref<80x128xf32, #tpu.memory_space<vmem>>)
        %run_scoped3A = arith.constant 1 : i32
        %run_scoped3A_110 = arith.constant 1 : i32
        "tpu.region"() ({
          %run_scoped3A_118 = tpu.sem_alloc : memref<!tpu.dma_semaphore, #tpu.memory_space<semaphore_mem>>
          %dma_start3A_119 = arith.constant 0 : i32
          %dma_start3A_120 = arith.constant 0 : i32
          %dma_start3A_121 = tpu.memref_slice %arg6[%run_scoped3A, %dma_start3A_119, %dma_start3A_120] : memref<2x80x128xf32, #tpu.memory_space<vmem>> -> memref<1x80x128xf32, #tpu.memory_space<vmem>>
          %dma_start3A_122 = tpu.memref_squeeze %dma_start3A_121 : memref<1x80x128xf32, #tpu.memory_space<vmem>> -> memref<80x128xf32, #tpu.memory_space<vmem>>
          %dma_start3A_123 = arith.constant 0 : i32
          %dma_start3A_124 = tpu.memref_slice %arg5[%run_scoped3A_110, %dma_start3A_123] : memref<2x80xi32, #tpu.memory_space<vmem>> -> memref<1x80xi32, #tpu.memory_space<vmem>>
          %dma_start3A_125 = tpu.memref_squeeze %dma_start3A_124 : memref<1x80xi32, #tpu.memory_space<vmem>> -> memref<80xi32, #tpu.memory_space<vmem>>
          %dma_start3A_126 = arith.constant 0 : i32
          %dma_start3A_127 = arith.constant 0 : i32
          %dma_start3A_128 = tpu.memref_slice %arg7[%dma_start3A_126, %dma_start3A_127] : memref<10240x128xf32, #tpu.memory_space<vmem_shared>> -> memref<10240x128xf32, #tpu.memory_space<vmem_shared>>
          tpu.enqueue_indirect_dma source(%dma_start3A_122 : memref<80x128xf32, #tpu.memory_space<vmem>>) target(%dma_start3A_128 : memref<10240x128xf32, #tpu.memory_space<vmem_shared>>) offsets(%dma_start3A_125 : memref<80xi32, #tpu.memory_space<vmem>>) semaphore(%run_scoped3A_118 : memref<!tpu.dma_semaphore, #tpu.memory_space<semaphore_mem>>) {add = true}
          %dma_wait3A_129 = arith.constant 0 : i32
          %dma_wait3A_130 = arith.constant 0 : i32
          %dma_wait3A_131 = tpu.memref_slice %arg6[%run_scoped3A, %dma_wait3A_129, %dma_wait3A_130] : memref<2x80x128xf32, #tpu.memory_space<vmem>> -> memref<1x80x128xf32, #tpu.memory_space<vmem>>
          %dma_wait3A_132 = tpu.memref_squeeze %dma_wait3A_131 : memref<1x80x128xf32, #tpu.memory_space<vmem>> -> memref<80x128xf32, #tpu.memory_space<vmem>>
          %dma_wait3A_133 = arith.constant 0 : i32
          %dma_wait3A_134 = tpu.memref_slice %arg5[%run_scoped3A_110, %dma_wait3A_133] : memref<2x80xi32, #tpu.memory_space<vmem>> -> memref<1x80xi32, #tpu.memory_space<vmem>>
          %dma_wait3A_135 = tpu.memref_squeeze %dma_wait3A_134 : memref<1x80xi32, #tpu.memory_space<vmem>> -> memref<80xi32, #tpu.memory_space<vmem>>
          %dma_wait3A_136 = arith.constant 0 : i32
          %dma_wait3A_137 = arith.constant 0 : i32
          %dma_wait3A_138 = tpu.memref_slice %arg7[%dma_wait3A_136, %dma_wait3A_137] : memref<10240x128xf32, #tpu.memory_space<vmem_shared>> -> memref<10240x128xf32, #tpu.memory_space<vmem_shared>>
          tpu.wait_indirect_dma semaphore(%run_scoped3A_118 : memref<!tpu.dma_semaphore, #tpu.memory_space<semaphore_mem>>) src(%dma_wait3A_132 : memref<80x128xf32, #tpu.memory_space<vmem>>) dst(%dma_wait3A_138 : memref<10240x128xf32, #tpu.memory_space<vmem_shared>>)
          tpu.yield
        }) : () -> ()
        %add3A_111 = arith.constant 2 : i32
        %add3A_112 = arith.addi %add3A_80, %add3A_111 : i32
        %lt3A_113 = arith.constant 125 : i32
        %lt3A_114 = arith.cmpi slt, %add3A_112, %lt3A_113 : i32
        %convert_element_type3A_115 = arith.extui %lt3A_114 : i1 to i32
        %cond3A_116 = arith.constant 0 : i32
        %cond3A_117 = arith.cmpi ne, %convert_element_type3A_115, %cond3A_116 : i32
        scf.if %cond3A_117 {
          %add3A_118 = arith.constant 2 : i32
          %add3A_119 = arith.addi %add3A_80, %add3A_118 : i32
          %mul3A_120 = arith.constant 80 : i32
          %mul3A_121 = arith.muli %add3A_119, %mul3A_120 : i32
          %add3A_122 = arith.addi %mul3A_13, %mul3A_121 : i32
          %dma_start3A_123 = arith.constant 1 : i32
          %dma_start3A_124 = arith.constant 0 : i32
          %dma_start3A_125 = tpu.memref_slice %arg5[%dma_start3A_123, %dma_start3A_124] : memref<2x80xi32, #tpu.memory_space<vmem>> -> memref<1x80xi32, #tpu.memory_space<vmem>>
          %dma_start3A_126 = tpu.memref_squeeze %dma_start3A_125 : memref<1x80xi32, #tpu.memory_space<vmem>> -> memref<80xi32, #tpu.memory_space<vmem>>
          %dma_start3A_127 = tpu.memref_slice %arg3[%add3A_122] : memref<320000xi32, #tpu.memory_space<hbm>> -> memref<80xi32, #tpu.memory_space<hbm>>
          %dma_start3A_128 = arith.constant 0 : i32
          %dma_start3A_129 = tpu.memref_slice %arg5[%dma_start3A_123, %dma_start3A_128] : memref<2x80xi32, #tpu.memory_space<vmem>> -> memref<1x80xi32, #tpu.memory_space<vmem>>
          %dma_start3A_130 = tpu.memref_squeeze %dma_start3A_129 : memref<1x80xi32, #tpu.memory_space<vmem>> -> memref<80xi32, #tpu.memory_space<vmem>>
          %dma_start3A_131 = tpu.memref_slice %arg3[%add3A_122] : memref<320000xi32, #tpu.memory_space<hbm>> -> memref<80xi32, #tpu.memory_space<hbm>>
          tpu.enqueue_dma source(%dma_start3A_131 : memref<80xi32, #tpu.memory_space<hbm>>) target(%dma_start3A_130 : memref<80xi32, #tpu.memory_space<vmem>>) target_semaphore(%arg9 : memref<!tpu.dma_semaphore, #tpu.memory_space<semaphore_mem>>)
          %dma_start3A_132 = arith.constant 1 : i32
          %dma_start3A_133 = arith.constant 0 : i32
          %dma_start3A_134 = arith.constant 0 : i32
          %dma_start3A_135 = tpu.memref_slice %arg6[%dma_start3A_132, %dma_start3A_133, %dma_start3A_134] : memref<2x80x128xf32, #tpu.memory_space<vmem>> -> memref<1x80x128xf32, #tpu.memory_space<vmem>>
          %dma_start3A_136 = tpu.memref_squeeze %dma_start3A_135 : memref<1x80x128xf32, #tpu.memory_space<vmem>> -> memref<80x128xf32, #tpu.memory_space<vmem>>
          %dma_start3A_137 = arith.constant 0 : i32
          %dma_start3A_138 = tpu.memref_slice %arg2[%add3A_122, %dma_start3A_137] : memref<320000x128xf32, #tpu.memory_space<hbm>> -> memref<80x128xf32, #tpu.memory_space<hbm>>
          %dma_start3A_139 = arith.constant 0 : i32
          %dma_start3A_140 = arith.constant 0 : i32
          %dma_start3A_141 = tpu.memref_slice %arg6[%dma_start3A_132, %dma_start3A_139, %dma_start3A_140] : memref<2x80x128xf32, #tpu.memory_space<vmem>> -> memref<1x80x128xf32, #tpu.memory_space<vmem>>
          %dma_start3A_142 = tpu.memref_squeeze %dma_start3A_141 : memref<1x80x128xf32, #tpu.memory_space<vmem>> -> memref<80x128xf32, #tpu.memory_space<vmem>>
          %dma_start3A_143 = arith.constant 0 : i32
          %dma_start3A_144 = tpu.memref_slice %arg2[%add3A_122, %dma_start3A_143] : memref<320000x128xf32, #tpu.memory_space<hbm>> -> memref<80x128xf32, #tpu.memory_space<hbm>>
          tpu.enqueue_dma source(%dma_start3A_144 : memref<80x128xf32, #tpu.memory_space<hbm>>) target(%dma_start3A_142 : memref<80x128xf32, #tpu.memory_space<vmem>>) target_semaphore(%arg11 : memref<!tpu.dma_semaphore, #tpu.memory_space<semaphore_mem>>)
        } else {
        }
      } else {
      }
    }
    %scan3A_66 = arith.constant 63 : i32
    %barrier3A_67 = arith.constant 0 : index
    tpu.barrier barrier_id(%barrier3A_67)
    %mul3A_68 = arith.constant 640 : i32
    %mul3A_69 = arith.muli %arg1, %mul3A_68 : i32
    %mul3A_70 = arith.constant 640 : i32
    %mul3A_71 = arith.muli %arg1, %mul3A_70 : i32
    "tpu.region"() ({
      %run_scoped3A = tpu.sem_alloc : memref<!tpu.dma_semaphore, #tpu.memory_space<semaphore_mem>>
      %dma_start3A_72 = arith.constant 0 : i32
      %dma_start3A_73 = tpu.memref_slice %arg4[%arg0, %mul3A_71, %dma_start3A_72] : memref<2x10240x128xf32, #tpu.memory_space<hbm>> -> memref<1x640x128xf32, #tpu.memory_space<hbm>>
      %dma_start3A_74 = tpu.memref_squeeze %dma_start3A_73 : memref<1x640x128xf32, #tpu.memory_space<hbm>> -> memref<640x128xf32, #tpu.memory_space<hbm>>
      %dma_start3A_75 = arith.constant 0 : i32
      %dma_start3A_76 = tpu.memref_slice %arg7[%mul3A_69, %dma_start3A_75] : memref<10240x128xf32, #tpu.memory_space<vmem_shared>> -> memref<640x128xf32, #tpu.memory_space<vmem_shared>>
      tpu.enqueue_dma source(%dma_start3A_76 : memref<640x128xf32, #tpu.memory_space<vmem_shared>>) target(%dma_start3A_74 : memref<640x128xf32, #tpu.memory_space<hbm>>) target_semaphore(%run_scoped3A : memref<!tpu.dma_semaphore, #tpu.memory_space<semaphore_mem>>)
      %dma_wait3A = arith.constant 0 : i32
      %dma_wait3A_77 = tpu.memref_slice %arg4[%arg0, %mul3A_71, %dma_wait3A] : memref<2x10240x128xf32, #tpu.memory_space<hbm>> -> memref<1x640x128xf32, #tpu.memory_space<hbm>>
      %dma_wait3A_78 = tpu.memref_squeeze %dma_wait3A_77 : memref<1x640x128xf32, #tpu.memory_space<hbm>> -> memref<640x128xf32, #tpu.memory_space<hbm>>
      %dma_wait3A_79 = arith.constant 0 : i32
      %dma_wait3A_80 = tpu.memref_slice %arg7[%mul3A_69, %dma_wait3A_79] : memref<10240x128xf32, #tpu.memory_space<vmem_shared>> -> memref<640x128xf32, #tpu.memory_space<vmem_shared>>
      tpu.wait_dma2 semaphore(%run_scoped3A : memref<!tpu.dma_semaphore, #tpu.memory_space<semaphore_mem>>) src(%dma_wait3A_80 : memref<640x128xf32, #tpu.memory_space<vmem_shared>>) dst(%dma_wait3A_78 : memref<640x128xf32, #tpu.memory_space<hbm>>)
      tpu.yield
    }) : () -> ()
    return
  }
}

module attributes {stable_mosaic.version = 14 : i64} {
  func.func @body(%arg0: i32, %arg1: memref<512x12xf32, #tpu.memory_space<vmem>>, %arg2: memref<1x1x512xi32, #tpu.memory_space<vmem>>, %arg3: memref<12x128xf32, #tpu.memory_space<vmem>>, %arg4: memref<8x128xf32, #tpu.memory_space<vmem>>, %arg5: memref<1x128xf32, #tpu.memory_space<vmem>>, %arg6: memref<128x128xf32, #tpu.memory_space<vmem>>, %arg7: memref<1x128xf32, #tpu.memory_space<vmem>>, %arg8: memref<1x128xf32, #tpu.memory_space<vmem>>, %arg9: memref<1x128xf32, #tpu.memory_space<vmem>>, %arg10: memref<2x128xf32, #tpu.memory_space<vmem>>, %arg11: memref<1x128xf32, #tpu.memory_space<vmem>>, %arg12: memref<128x128xf32, #tpu.memory_space<vmem>>, %arg13: memref<128x128xf32, #tpu.memory_space<vmem>>, %arg14: memref<1x128xf32, #tpu.memory_space<vmem>>, %arg15: memref<512x128xf32, #tpu.memory_space<vmem>>, %arg16: memref<512x128xf32, #tpu.memory_space<vmem>>, %arg17: memref<512x128xf32, #tpu.memory_space<vmem>>, %arg18: memref<512x128xf32, #tpu.memory_space<vmem>>, %arg19: memref<512x128xf32, #tpu.memory_space<vmem>>) attributes {dimension_semantics = [#tpu.dimension_semantics<arbitrary>], iteration_bounds = array<i64: 20>, scalar_prefetch = 0 : i64, scratch_operands = 0 : i64, tpu.core_type = #tpu.core_type<tc>, window_params = [{transform_indices = @transform_0, window_bounds = array<i64: 512, 12>}, {transform_indices = @transform_1, window_bounds = array<i64: 1, 1, 512>}, {pipeline_mode = #tpu.pipeline_mode<synchronous>, transform_indices = @transform_2, window_bounds = array<i64: 12, 128>}, {pipeline_mode = #tpu.pipeline_mode<synchronous>, transform_indices = @transform_3, window_bounds = array<i64: 8, 128>}, {pipeline_mode = #tpu.pipeline_mode<synchronous>, transform_indices = @transform_4, window_bounds = array<i64: 1, 128>}, {pipeline_mode = #tpu.pipeline_mode<synchronous>, transform_indices = @transform_5, window_bounds = array<i64: 128, 128>}, {pipeline_mode = #tpu.pipeline_mode<synchronous>, transform_indices = @transform_6, window_bounds = array<i64: 1, 128>}, {pipeline_mode = #tpu.pipeline_mode<synchronous>, transform_indices = @transform_7, window_bounds = array<i64: 1, 128>}, {pipeline_mode = #tpu.pipeline_mode<synchronous>, transform_indices = @transform_8, window_bounds = array<i64: 1, 128>}, {pipeline_mode = #tpu.pipeline_mode<synchronous>, transform_indices = @transform_9, window_bounds = array<i64: 2, 128>}, {pipeline_mode = #tpu.pipeline_mode<synchronous>, transform_indices = @transform_10, window_bounds = array<i64: 1, 128>}, {pipeline_mode = #tpu.pipeline_mode<synchronous>, transform_indices = @transform_11, window_bounds = array<i64: 128, 128>}, {pipeline_mode = #tpu.pipeline_mode<synchronous>, transform_indices = @transform_12, window_bounds = array<i64: 128, 128>}, {pipeline_mode = #tpu.pipeline_mode<synchronous>, transform_indices = @transform_13, window_bounds = array<i64: 1, 128>}, {transform_indices = @transform_14, window_bounds = array<i64: 512, 128>}, {transform_indices = @transform_15, window_bounds = array<i64: 512, 128>}, {transform_indices = @transform_16, window_bounds = array<i64: 512, 128>}, {transform_indices = @transform_17, window_bounds = array<i64: 512, 128>}, {transform_indices = @transform_18, window_bounds = array<i64: 512, 128>}]} {
    %get3A = arith.constant 0 : index
    %get3A_0 = arith.constant 0 : index
    %get3A_1 = vector.load %arg1[%get3A, %get3A_0] : memref<512x12xf32, #tpu.memory_space<vmem>>, vector<512x12xf32>
    %get3A_2 = arith.constant 0 : index
    %get3A_3 = arith.constant 0 : index
    %get3A_4 = arith.constant 0 : index
    %get3A_5 = vector.load %arg2[%get3A_2, %get3A_3, %get3A_4] : memref<1x1x512xi32, #tpu.memory_space<vmem>>, vector<1x1x512xi32>
    %get3A_6 = vector.shape_cast %get3A_5 : vector<1x1x512xi32> to vector<512xi32>
    %broadcast_in_dim3A = vector.shape_cast %get3A_6 : vector<512xi32> to vector<512x1xi32>
    %iota3A = tpu.iota {dimensions = array<i32: 1>} : vector<512x8xi32>
    %eq3A = vector.broadcast %broadcast_in_dim3A : vector<512x1xi32> to vector<512x8xi32>
    %eq3A_7 = arith.cmpi eq, %eq3A, %iota3A : vector<512x8xi32>
    %convert_element_type3A = arith.extui %eq3A_7 : vector<512x8xi1> to vector<512x8xi32>
    %convert_element_type3A_8 = arith.sitofp %convert_element_type3A : vector<512x8xi32> to vector<512x8xf32>
    %get3A_9 = arith.constant 0 : index
    %get3A_10 = arith.constant 0 : index
    %get3A_11 = vector.load %arg3[%get3A_9, %get3A_10] : memref<12x128xf32, #tpu.memory_space<vmem>>, vector<12x128xf32>
    %dot_general3A = arith.constant dense<0.000000e+00> : vector<512x128xf32>
    %dot_general3A_12 = tpu.matmul %get3A_1, %get3A_11, %dot_general3A {dimension_numbers = #tpu.dot_dimension_numbers<[1], [0], [0], [1], [0, 0, 1, 1], [], []>, transpose_lhs_hint = false} : vector<512x12xf32>, vector<12x128xf32>, vector<512x128xf32> -> vector<512x128xf32>
    %get3A_13 = arith.constant 0 : index
    %get3A_14 = arith.constant 0 : index
    %get3A_15 = vector.load %arg4[%get3A_13, %get3A_14] : memref<8x128xf32, #tpu.memory_space<vmem>>, vector<8x128xf32>
    %dot_general3A_16 = arith.constant dense<0.000000e+00> : vector<512x128xf32>
    %dot_general3A_17 = tpu.matmul %convert_element_type3A_8, %get3A_15, %dot_general3A_16 {dimension_numbers = #tpu.dot_dimension_numbers<[1], [0], [0], [1], [0, 0, 1, 1], [], []>, transpose_lhs_hint = false} : vector<512x8xf32>, vector<8x128xf32>, vector<512x128xf32> -> vector<512x128xf32>
    %add3A = arith.addf %dot_general3A_12, %dot_general3A_17 : vector<512x128xf32>
    %get3A_18 = arith.constant 0 : index
    %get3A_19 = arith.constant 0 : index
    %get3A_20 = vector.load %arg5[%get3A_18, %get3A_19] : memref<1x128xf32, #tpu.memory_space<vmem>>, vector<1x128xf32>
    %add3A_21 = vector.broadcast %get3A_20 : vector<1x128xf32> to vector<512x128xf32>
    %add3A_22 = arith.addf %add3A, %add3A_21 : vector<512x128xf32>
    %max3A = arith.constant 0.000000e+00 : f32
    %max3A_23 = vector.broadcast %max3A : f32 to vector<512x128xf32>
    %max3A_24 = arith.maximumf %add3A_22, %max3A_23 : vector<512x128xf32>
    %get3A_25 = arith.constant 0 : index
    %get3A_26 = arith.constant 0 : index
    %get3A_27 = vector.load %arg6[%get3A_25, %get3A_26] : memref<128x128xf32, #tpu.memory_space<vmem>>, vector<128x128xf32>
    %dot_general3A_28 = arith.constant dense<0.000000e+00> : vector<512x128xf32>
    %dot_general3A_29 = tpu.matmul %max3A_24, %get3A_27, %dot_general3A_28 {dimension_numbers = #tpu.dot_dimension_numbers<[1], [0], [0], [1], [0, 0, 1, 1], [], []>, transpose_lhs_hint = false} : vector<512x128xf32>, vector<128x128xf32>, vector<512x128xf32> -> vector<512x128xf32>
    %get3A_30 = arith.constant 0 : index
    %get3A_31 = arith.constant 0 : index
    %get3A_32 = vector.load %arg7[%get3A_30, %get3A_31] : memref<1x128xf32, #tpu.memory_space<vmem>>, vector<1x128xf32>
    %add3A_33 = vector.broadcast %get3A_32 : vector<1x128xf32> to vector<512x128xf32>
    %add3A_34 = arith.addf %dot_general3A_29, %add3A_33 : vector<512x128xf32>
    %get3A_35 = arith.constant 0 : index
    %get3A_36 = arith.constant 0 : index
    %get3A_37 = vector.load %arg8[%get3A_35, %get3A_36] : memref<1x128xf32, #tpu.memory_space<vmem>>, vector<1x128xf32>
    %get3A_38 = arith.constant 0 : index
    %get3A_39 = arith.constant 0 : index
    %get3A_40 = vector.load %arg9[%get3A_38, %get3A_39] : memref<1x128xf32, #tpu.memory_space<vmem>>, vector<1x128xf32>
    %reduce_sum3A = arith.constant dense<0.000000e+00> : vector<512xf32>
    %reduce_sum3A_41 = vector.multi_reduction <add>, %add3A_34, %reduce_sum3A [1] : vector<512x128xf32> to vector<512xf32>
    %broadcast_in_dim3A_42 = vector.shape_cast %reduce_sum3A_41 : vector<512xf32> to vector<512x1xf32>
    %div3A = arith.constant 1.280000e+02 : f32
    %div3A_43 = vector.broadcast %div3A : f32 to vector<512x1xf32>
    %div3A_44 = arith.divf %broadcast_in_dim3A_42, %div3A_43 : vector<512x1xf32>
    %sub3A = vector.broadcast %div3A_44 : vector<512x1xf32> to vector<512x128xf32>
    %sub3A_45 = arith.subf %add3A_34, %sub3A : vector<512x128xf32>
    %integer_pow3A = arith.mulf %sub3A_45, %sub3A_45 : vector<512x128xf32>
    %reduce_sum3A_46 = arith.constant dense<0.000000e+00> : vector<512xf32>
    %reduce_sum3A_47 = vector.multi_reduction <add>, %integer_pow3A, %reduce_sum3A_46 [1] : vector<512x128xf32> to vector<512xf32>
    %broadcast_in_dim3A_48 = vector.shape_cast %reduce_sum3A_47 : vector<512xf32> to vector<512x1xf32>
    %div3A_49 = arith.constant 1.280000e+02 : f32
    %div3A_50 = vector.broadcast %div3A_49 : f32 to vector<512x1xf32>
    %div3A_51 = arith.divf %broadcast_in_dim3A_48, %div3A_50 : vector<512x1xf32>
    %sub3A_52 = vector.broadcast %div3A_44 : vector<512x1xf32> to vector<512x128xf32>
    %sub3A_53 = arith.subf %add3A_34, %sub3A_52 : vector<512x128xf32>
    %add3A_54 = arith.constant 9.99999974E-6 : f32
    %add3A_55 = vector.broadcast %add3A_54 : f32 to vector<512x1xf32>
    %add3A_56 = arith.addf %div3A_51, %add3A_55 : vector<512x1xf32>
    %rsqrt3A = math.rsqrt %add3A_56 : vector<512x1xf32>
    %mul3A = vector.broadcast %rsqrt3A : vector<512x1xf32> to vector<512x128xf32>
    %mul3A_57 = arith.mulf %sub3A_53, %mul3A : vector<512x128xf32>
    %mul3A_58 = vector.broadcast %get3A_37 : vector<1x128xf32> to vector<512x128xf32>
    %mul3A_59 = arith.mulf %mul3A_57, %mul3A_58 : vector<512x128xf32>
    %add3A_60 = vector.broadcast %get3A_40 : vector<1x128xf32> to vector<512x128xf32>
    %add3A_61 = arith.addf %mul3A_59, %add3A_60 : vector<512x128xf32>
    %swap3A = arith.constant 0 : index
    %swap3A_62 = arith.constant 0 : index
    %swap3A_63 = vector.load %arg15[%swap3A, %swap3A_62] : memref<512x128xf32, #tpu.memory_space<vmem>>, vector<512x128xf32>
    tpu.vector_store %arg15[%swap3A, %swap3A_62], %add3A_61 {strides = array<i32>} : memref<512x128xf32, #tpu.memory_space<vmem>>, vector<512x128xf32>,
    %slice3A = vector.extract_strided_slice %get3A_1 {offsets = [0, 10], sizes = [512, 2], strides = [1, 1]} : vector<512x12xf32> to vector<512x2xf32>
    %get3A_64 = arith.constant 0 : index
    %get3A_65 = arith.constant 0 : index
    %get3A_66 = vector.load %arg10[%get3A_64, %get3A_65] : memref<2x128xf32, #tpu.memory_space<vmem>>, vector<2x128xf32>
    %dot_general3A_67 = arith.constant dense<0.000000e+00> : vector<512x128xf32>
    %dot_general3A_68 = tpu.matmul %slice3A, %get3A_66, %dot_general3A_67 {dimension_numbers = #tpu.dot_dimension_numbers<[1], [0], [0], [1], [0, 0, 1, 1], [], []>, transpose_lhs_hint = false} : vector<512x2xf32>, vector<2x128xf32>, vector<512x128xf32> -> vector<512x128xf32>
    %get3A_69 = arith.constant 0 : index
    %get3A_70 = arith.constant 0 : index
    %get3A_71 = vector.load %arg11[%get3A_69, %get3A_70] : memref<1x128xf32, #tpu.memory_space<vmem>>, vector<1x128xf32>
    %add3A_72 = vector.broadcast %get3A_71 : vector<1x128xf32> to vector<512x128xf32>
    %add3A_73 = arith.addf %dot_general3A_68, %add3A_72 : vector<512x128xf32>
    %swap3A_74 = arith.constant 0 : index
    %swap3A_75 = arith.constant 0 : index
    %swap3A_76 = vector.load %arg16[%swap3A_74, %swap3A_75] : memref<512x128xf32, #tpu.memory_space<vmem>>, vector<512x128xf32>
    tpu.vector_store %arg16[%swap3A_74, %swap3A_75], %add3A_73 {strides = array<i32>} : memref<512x128xf32, #tpu.memory_space<vmem>>, vector<512x128xf32>,
    %neg3A = arith.constant 0.000000e+00 : f32
    %neg3A_77 = vector.broadcast %neg3A : f32 to vector<512x128xf32>
    %neg3A_78 = arith.subf %neg3A_77, %dot_general3A_68 : vector<512x128xf32>
    %swap3A_79 = arith.constant 0 : index
    %swap3A_80 = arith.constant 0 : index
    %swap3A_81 = vector.load %arg17[%swap3A_79, %swap3A_80] : memref<512x128xf32, #tpu.memory_space<vmem>>, vector<512x128xf32>
    tpu.vector_store %arg17[%swap3A_79, %swap3A_80], %neg3A_78 {strides = array<i32>} : memref<512x128xf32, #tpu.memory_space<vmem>>, vector<512x128xf32>,
    %get3A_82 = arith.constant 0 : index
    %get3A_83 = arith.constant 0 : index
    %get3A_84 = vector.load %arg12[%get3A_82, %get3A_83] : memref<128x128xf32, #tpu.memory_space<vmem>>, vector<128x128xf32>
    %dot_general3A_85 = arith.constant dense<0.000000e+00> : vector<512x128xf32>
    %dot_general3A_86 = tpu.matmul %add3A_61, %get3A_84, %dot_general3A_85 {dimension_numbers = #tpu.dot_dimension_numbers<[1], [0], [0], [1], [0, 0, 1, 1], [], []>, transpose_lhs_hint = false} : vector<512x128xf32>, vector<128x128xf32>, vector<512x128xf32> -> vector<512x128xf32>
    %get3A_87 = arith.constant 0 : index
    %get3A_88 = arith.constant 0 : index
    %get3A_89 = vector.load %arg14[%get3A_87, %get3A_88] : memref<1x128xf32, #tpu.memory_space<vmem>>, vector<1x128xf32>
    %add3A_90 = vector.broadcast %get3A_89 : vector<1x128xf32> to vector<512x128xf32>
    %add3A_91 = arith.addf %dot_general3A_86, %add3A_90 : vector<512x128xf32>
    %swap3A_92 = arith.constant 0 : index
    %swap3A_93 = arith.constant 0 : index
    %swap3A_94 = vector.load %arg18[%swap3A_92, %swap3A_93] : memref<512x128xf32, #tpu.memory_space<vmem>>, vector<512x128xf32>
    tpu.vector_store %arg18[%swap3A_92, %swap3A_93], %add3A_91 {strides = array<i32>} : memref<512x128xf32, #tpu.memory_space<vmem>>, vector<512x128xf32>,
    %get3A_95 = arith.constant 0 : index
    %get3A_96 = arith.constant 0 : index
    %get3A_97 = vector.load %arg13[%get3A_95, %get3A_96] : memref<128x128xf32, #tpu.memory_space<vmem>>, vector<128x128xf32>
    %dot_general3A_98 = arith.constant dense<0.000000e+00> : vector<512x128xf32>
    %dot_general3A_99 = tpu.matmul %add3A_61, %get3A_97, %dot_general3A_98 {dimension_numbers = #tpu.dot_dimension_numbers<[1], [0], [0], [1], [0, 0, 1, 1], [], []>, transpose_lhs_hint = false} : vector<512x128xf32>, vector<128x128xf32>, vector<512x128xf32> -> vector<512x128xf32>
    %swap3A_100 = arith.constant 0 : index
    %swap3A_101 = arith.constant 0 : index
    %swap3A_102 = vector.load %arg19[%swap3A_100, %swap3A_101] : memref<512x128xf32, #tpu.memory_space<vmem>>, vector<512x128xf32>
    tpu.vector_store %arg19[%swap3A_100, %swap3A_101], %dot_general3A_99 {strides = array<i32>} : memref<512x128xf32, #tpu.memory_space<vmem>>, vector<512x128xf32>,
    return
  }
  func.func @transform_0(%arg0: i32) -> (i32, i32) {
    %c0_i32 = arith.constant 0 : i32
    %c0_i32_0 = arith.constant 0 : i32
    return %arg0, %c0_i32 : i32, i32
  }
  func.func @transform_1(%arg0: i32) -> (i32, i32, i32) {
    %c0_i32 = arith.constant 0 : i32
    %c0_i32_0 = arith.constant 0 : i32
    %c0_i32_1 = arith.constant 0 : i32
    return %arg0, %c0_i32, %c0_i32_0 : i32, i32, i32
  }
  func.func @transform_2(%arg0: i32) -> (i32, i32) {
    %c0_i32 = arith.constant 0 : i32
    %c0_i32_0 = arith.constant 0 : i32
    %c0_i32_1 = arith.constant 0 : i32
    return %c0_i32, %c0_i32_0 : i32, i32
  }
  func.func @transform_3(%arg0: i32) -> (i32, i32) {
    %c0_i32 = arith.constant 0 : i32
    %c0_i32_0 = arith.constant 0 : i32
    %c0_i32_1 = arith.constant 0 : i32
    return %c0_i32, %c0_i32_0 : i32, i32
  }
  func.func @transform_4(%arg0: i32) -> (i32, i32) {
    %c0_i32 = arith.constant 0 : i32
    %c0_i32_0 = arith.constant 0 : i32
    %c0_i32_1 = arith.constant 0 : i32
    return %c0_i32, %c0_i32_0 : i32, i32
  }
  func.func @transform_5(%arg0: i32) -> (i32, i32) {
    %c0_i32 = arith.constant 0 : i32
    %c0_i32_0 = arith.constant 0 : i32
    %c0_i32_1 = arith.constant 0 : i32
    return %c0_i32, %c0_i32_0 : i32, i32
  }
  func.func @transform_6(%arg0: i32) -> (i32, i32) {
    %c0_i32 = arith.constant 0 : i32
    %c0_i32_0 = arith.constant 0 : i32
    %c0_i32_1 = arith.constant 0 : i32
    return %c0_i32, %c0_i32_0 : i32, i32
  }
  func.func @transform_7(%arg0: i32) -> (i32, i32) {
    %c0_i32 = arith.constant 0 : i32
    %c0_i32_0 = arith.constant 0 : i32
    %c0_i32_1 = arith.constant 0 : i32
    return %c0_i32, %c0_i32_0 : i32, i32
  }
  func.func @transform_8(%arg0: i32) -> (i32, i32) {
    %c0_i32 = arith.constant 0 : i32
    %c0_i32_0 = arith.constant 0 : i32
    %c0_i32_1 = arith.constant 0 : i32
    return %c0_i32, %c0_i32_0 : i32, i32
  }
  func.func @transform_9(%arg0: i32) -> (i32, i32) {
    %c0_i32 = arith.constant 0 : i32
    %c0_i32_0 = arith.constant 0 : i32
    %c0_i32_1 = arith.constant 0 : i32
    return %c0_i32, %c0_i32_0 : i32, i32
  }
  func.func @transform_10(%arg0: i32) -> (i32, i32) {
    %c0_i32 = arith.constant 0 : i32
    %c0_i32_0 = arith.constant 0 : i32
    %c0_i32_1 = arith.constant 0 : i32
    return %c0_i32, %c0_i32_0 : i32, i32
  }
  func.func @transform_11(%arg0: i32) -> (i32, i32) {
    %c0_i32 = arith.constant 0 : i32
    %c0_i32_0 = arith.constant 0 : i32
    %c0_i32_1 = arith.constant 0 : i32
    return %c0_i32, %c0_i32_0 : i32, i32
  }
  func.func @transform_12(%arg0: i32) -> (i32, i32) {
    %c0_i32 = arith.constant 0 : i32
    %c0_i32_0 = arith.constant 0 : i32
    %c0_i32_1 = arith.constant 0 : i32
    return %c0_i32, %c0_i32_0 : i32, i32
  }
  func.func @transform_13(%arg0: i32) -> (i32, i32) {
    %c0_i32 = arith.constant 0 : i32
    %c0_i32_0 = arith.constant 0 : i32
    %c0_i32_1 = arith.constant 0 : i32
    return %c0_i32, %c0_i32_0 : i32, i32
  }
  func.func @transform_14(%arg0: i32) -> (i32, i32) {
    %c0_i32 = arith.constant 0 : i32
    %c0_i32_0 = arith.constant 0 : i32
    return %arg0, %c0_i32 : i32, i32
  }
  func.func @transform_15(%arg0: i32) -> (i32, i32) {
    %c0_i32 = arith.constant 0 : i32
    %c0_i32_0 = arith.constant 0 : i32
    return %arg0, %c0_i32 : i32, i32
  }
  func.func @transform_16(%arg0: i32) -> (i32, i32) {
    %c0_i32 = arith.constant 0 : i32
    %c0_i32_0 = arith.constant 0 : i32
    return %arg0, %c0_i32 : i32, i32
  }
  func.func @transform_17(%arg0: i32) -> (i32, i32) {
    %c0_i32 = arith.constant 0 : i32
    %c0_i32_0 = arith.constant 0 : i32
    return %arg0, %c0_i32 : i32, i32
  }
  func.func @transform_18(%arg0: i32) -> (i32, i32) {
    %c0_i32 = arith.constant 0 : i32
    %c0_i32_0 = arith.constant 0 : i32
    return %arg0, %c0_i32 : i32, i32
  }
}

module attributes {stable_mosaic.version = 14 : i64} {
  func.func @body(%arg0: i32, %arg1: memref<2000x128xf32, #tpu.memory_space<vmem>>, %arg2: memref<2000x128xf32, #tpu.memory_space<vmem>>, %arg3: memref<128x2xf32, #tpu.memory_space<vmem>>, %arg4: memref<1x128xf32, #tpu.memory_space<vmem>>, %arg5: memref<1x128xf32, #tpu.memory_space<vmem>>, %arg6: memref<128x128xf32, #tpu.memory_space<vmem>>, %arg7: memref<1x128xf32, #tpu.memory_space<vmem>>, %arg8: memref<1x128xf32, #tpu.memory_space<vmem>>, %arg9: memref<1x128xf32, #tpu.memory_space<vmem>>, %arg10: memref<128x128xf32, #tpu.memory_space<vmem>>, %arg11: memref<128x128xf32, #tpu.memory_space<vmem>>, %arg12: memref<1x128xf32, #tpu.memory_space<vmem>>, %arg13: memref<1x128xf32, #tpu.memory_space<vmem>>, %arg14: memref<1x128xf32, #tpu.memory_space<vmem>>, %arg15: memref<2000x128xf32, #tpu.memory_space<vmem>>) attributes {dimension_semantics = [#tpu.dimension_semantics<arbitrary>], iteration_bounds = array<i64: 160>, scalar_prefetch = 0 : i64, scratch_operands = 0 : i64, tpu.core_type = #tpu.core_type<tc>, window_params = [{transform_indices = @transform_0, window_bounds = array<i64: 2000, 128>}, {transform_indices = @transform_1, window_bounds = array<i64: 2000, 128>}, {pipeline_mode = #tpu.pipeline_mode<synchronous>, transform_indices = @transform_2, window_bounds = array<i64: 128, 2>}, {pipeline_mode = #tpu.pipeline_mode<synchronous>, transform_indices = @transform_3, window_bounds = array<i64: 1, 128>}, {pipeline_mode = #tpu.pipeline_mode<synchronous>, transform_indices = @transform_4, window_bounds = array<i64: 1, 128>}, {pipeline_mode = #tpu.pipeline_mode<synchronous>, transform_indices = @transform_5, window_bounds = array<i64: 128, 128>}, {pipeline_mode = #tpu.pipeline_mode<synchronous>, transform_indices = @transform_6, window_bounds = array<i64: 1, 128>}, {pipeline_mode = #tpu.pipeline_mode<synchronous>, transform_indices = @transform_7, window_bounds = array<i64: 1, 128>}, {pipeline_mode = #tpu.pipeline_mode<synchronous>, transform_indices = @transform_8, window_bounds = array<i64: 1, 128>}, {pipeline_mode = #tpu.pipeline_mode<synchronous>, transform_indices = @transform_9, window_bounds = array<i64: 128, 128>}, {pipeline_mode = #tpu.pipeline_mode<synchronous>, transform_indices = @transform_10, window_bounds = array<i64: 128, 128>}, {pipeline_mode = #tpu.pipeline_mode<synchronous>, transform_indices = @transform_11, window_bounds = array<i64: 1, 128>}, {pipeline_mode = #tpu.pipeline_mode<synchronous>, transform_indices = @transform_12, window_bounds = array<i64: 1, 128>}, {pipeline_mode = #tpu.pipeline_mode<synchronous>, transform_indices = @transform_13, window_bounds = array<i64: 1, 128>}, {transform_indices = @transform_14, window_bounds = array<i64: 2000, 128>}]} {
    %get3A = arith.constant 0 : index
    %get3A_0 = arith.constant 0 : index
    %get3A_1 = vector.load %arg1[%get3A, %get3A_0] : memref<2000x128xf32, #tpu.memory_space<vmem>>, vector<2000x128xf32>
    %get3A_2 = arith.constant 0 : index
    %get3A_3 = arith.constant 0 : index
    %get3A_4 = vector.load %arg4[%get3A_2, %get3A_3] : memref<1x128xf32, #tpu.memory_space<vmem>>, vector<1x128xf32>
    %sub3A = vector.broadcast %get3A_4 : vector<1x128xf32> to vector<2000x128xf32>
    %sub3A_5 = arith.subf %get3A_1, %sub3A : vector<2000x128xf32>
    %get3A_6 = arith.constant 0 : index
    %get3A_7 = arith.constant 0 : index
    %get3A_8 = vector.load %arg3[%get3A_6, %get3A_7] : memref<128x2xf32, #tpu.memory_space<vmem>>, vector<128x2xf32>
    %dot_general3A = arith.constant dense<0.000000e+00> : vector<2000x2xf32>
    %dot_general3A_9 = tpu.matmul %sub3A_5, %get3A_8, %dot_general3A {dimension_numbers = #tpu.dot_dimension_numbers<[1], [0], [0], [1], [0, 0, 1, 1], [], []>, transpose_lhs_hint = false} : vector<2000x128xf32>, vector<128x2xf32>, vector<2000x2xf32> -> vector<2000x2xf32>
    %mul3A = arith.mulf %dot_general3A_9, %dot_general3A_9 : vector<2000x2xf32>
    %reduce_sum3A = arith.constant dense<0.000000e+00> : vector<2000xf32>
    %reduce_sum3A_10 = vector.multi_reduction <add>, %mul3A, %reduce_sum3A [1] : vector<2000x2xf32> to vector<2000xf32>
    %broadcast_in_dim3A = vector.shape_cast %reduce_sum3A_10 : vector<2000xf32> to vector<2000x1xf32>
    %sqrt3A = math.sqrt %broadcast_in_dim3A : vector<2000x1xf32>
    %get3A_11 = arith.constant 0 : index
    %get3A_12 = arith.constant 0 : index
    %get3A_13 = vector.load %arg5[%get3A_11, %get3A_12] : memref<1x128xf32, #tpu.memory_space<vmem>>, vector<1x128xf32>
    %mul3A_14 = vector.broadcast %sqrt3A : vector<2000x1xf32> to vector<2000x128xf32>
    %mul3A_15 = vector.broadcast %get3A_13 : vector<1x128xf32> to vector<2000x128xf32>
    %mul3A_16 = arith.mulf %mul3A_14, %mul3A_15 : vector<2000x128xf32>
    %add3A = arith.addf %get3A_1, %mul3A_16 : vector<2000x128xf32>
    %max3A = arith.constant 0.000000e+00 : f32
    %max3A_17 = vector.broadcast %max3A : f32 to vector<2000x128xf32>
    %max3A_18 = arith.maximumf %add3A, %max3A_17 : vector<2000x128xf32>
    %get3A_19 = arith.constant 0 : index
    %get3A_20 = arith.constant 0 : index
    %get3A_21 = vector.load %arg6[%get3A_19, %get3A_20] : memref<128x128xf32, #tpu.memory_space<vmem>>, vector<128x128xf32>
    %dot_general3A_22 = arith.constant dense<0.000000e+00> : vector<2000x128xf32>
    %dot_general3A_23 = tpu.matmul %max3A_18, %get3A_21, %dot_general3A_22 {dimension_numbers = #tpu.dot_dimension_numbers<[1], [0], [0], [1], [0, 0, 1, 1], [], []>, transpose_lhs_hint = false} : vector<2000x128xf32>, vector<128x128xf32>, vector<2000x128xf32> -> vector<2000x128xf32>
    %get3A_24 = arith.constant 0 : index
    %get3A_25 = arith.constant 0 : index
    %get3A_26 = vector.load %arg7[%get3A_24, %get3A_25] : memref<1x128xf32, #tpu.memory_space<vmem>>, vector<1x128xf32>
    %add3A_27 = vector.broadcast %get3A_26 : vector<1x128xf32> to vector<2000x128xf32>
    %add3A_28 = arith.addf %dot_general3A_23, %add3A_27 : vector<2000x128xf32>
    %get3A_29 = arith.constant 0 : index
    %get3A_30 = arith.constant 0 : index
    %get3A_31 = vector.load %arg8[%get3A_29, %get3A_30] : memref<1x128xf32, #tpu.memory_space<vmem>>, vector<1x128xf32>
    %get3A_32 = arith.constant 0 : index
    %get3A_33 = arith.constant 0 : index
    %get3A_34 = vector.load %arg9[%get3A_32, %get3A_33] : memref<1x128xf32, #tpu.memory_space<vmem>>, vector<1x128xf32>
    %reduce_sum3A_35 = arith.constant dense<0.000000e+00> : vector<2000xf32>
    %reduce_sum3A_36 = vector.multi_reduction <add>, %add3A_28, %reduce_sum3A_35 [1] : vector<2000x128xf32> to vector<2000xf32>
    %broadcast_in_dim3A_37 = vector.shape_cast %reduce_sum3A_36 : vector<2000xf32> to vector<2000x1xf32>
    %div3A = arith.constant 1.280000e+02 : f32
    %div3A_38 = vector.broadcast %div3A : f32 to vector<2000x1xf32>
    %div3A_39 = arith.divf %broadcast_in_dim3A_37, %div3A_38 : vector<2000x1xf32>
    %sub3A_40 = vector.broadcast %div3A_39 : vector<2000x1xf32> to vector<2000x128xf32>
    %sub3A_41 = arith.subf %add3A_28, %sub3A_40 : vector<2000x128xf32>
    %integer_pow3A = arith.mulf %sub3A_41, %sub3A_41 : vector<2000x128xf32>
    %reduce_sum3A_42 = arith.constant dense<0.000000e+00> : vector<2000xf32>
    %reduce_sum3A_43 = vector.multi_reduction <add>, %integer_pow3A, %reduce_sum3A_42 [1] : vector<2000x128xf32> to vector<2000xf32>
    %broadcast_in_dim3A_44 = vector.shape_cast %reduce_sum3A_43 : vector<2000xf32> to vector<2000x1xf32>
    %div3A_45 = arith.constant 1.280000e+02 : f32
    %div3A_46 = vector.broadcast %div3A_45 : f32 to vector<2000x1xf32>
    %div3A_47 = arith.divf %broadcast_in_dim3A_44, %div3A_46 : vector<2000x1xf32>
    %sub3A_48 = vector.broadcast %div3A_39 : vector<2000x1xf32> to vector<2000x128xf32>
    %sub3A_49 = arith.subf %add3A_28, %sub3A_48 : vector<2000x128xf32>
    %add3A_50 = arith.constant 9.99999974E-6 : f32
    %add3A_51 = vector.broadcast %add3A_50 : f32 to vector<2000x1xf32>
    %add3A_52 = arith.addf %div3A_47, %add3A_51 : vector<2000x1xf32>
    %rsqrt3A = math.rsqrt %add3A_52 : vector<2000x1xf32>
    %mul3A_53 = vector.broadcast %rsqrt3A : vector<2000x1xf32> to vector<2000x128xf32>
    %mul3A_54 = arith.mulf %sub3A_49, %mul3A_53 : vector<2000x128xf32>
    %mul3A_55 = vector.broadcast %get3A_31 : vector<1x128xf32> to vector<2000x128xf32>
    %mul3A_56 = arith.mulf %mul3A_54, %mul3A_55 : vector<2000x128xf32>
    %add3A_57 = vector.broadcast %get3A_34 : vector<1x128xf32> to vector<2000x128xf32>
    %add3A_58 = arith.addf %mul3A_56, %add3A_57 : vector<2000x128xf32>
    %get3A_59 = arith.constant 0 : index
    %get3A_60 = arith.constant 0 : index
    %get3A_61 = vector.load %arg2[%get3A_59, %get3A_60] : memref<2000x128xf32, #tpu.memory_space<vmem>>, vector<2000x128xf32>
    %get3A_62 = arith.constant 0 : index
    %get3A_63 = arith.constant 0 : index
    %get3A_64 = vector.load %arg10[%get3A_62, %get3A_63] : memref<128x128xf32, #tpu.memory_space<vmem>>, vector<128x128xf32>
    %dot_general3A_65 = arith.constant dense<0.000000e+00> : vector<2000x128xf32>
    %dot_general3A_66 = tpu.matmul %add3A_58, %get3A_64, %dot_general3A_65 {dimension_numbers = #tpu.dot_dimension_numbers<[1], [0], [0], [1], [0, 0, 1, 1], [], []>, transpose_lhs_hint = false} : vector<2000x128xf32>, vector<128x128xf32>, vector<2000x128xf32> -> vector<2000x128xf32>
    %add3A_67 = arith.addf %get3A_61, %dot_general3A_66 : vector<2000x128xf32>
    %max3A_68 = arith.constant 0.000000e+00 : f32
    %max3A_69 = vector.broadcast %max3A_68 : f32 to vector<2000x128xf32>
    %max3A_70 = arith.maximumf %add3A_67, %max3A_69 : vector<2000x128xf32>
    %get3A_71 = arith.constant 0 : index
    %get3A_72 = arith.constant 0 : index
    %get3A_73 = vector.load %arg11[%get3A_71, %get3A_72] : memref<128x128xf32, #tpu.memory_space<vmem>>, vector<128x128xf32>
    %dot_general3A_74 = arith.constant dense<0.000000e+00> : vector<2000x128xf32>
    %dot_general3A_75 = tpu.matmul %max3A_70, %get3A_73, %dot_general3A_74 {dimension_numbers = #tpu.dot_dimension_numbers<[1], [0], [0], [1], [0, 0, 1, 1], [], []>, transpose_lhs_hint = false} : vector<2000x128xf32>, vector<128x128xf32>, vector<2000x128xf32> -> vector<2000x128xf32>
    %get3A_76 = arith.constant 0 : index
    %get3A_77 = arith.constant 0 : index
    %get3A_78 = vector.load %arg12[%get3A_76, %get3A_77] : memref<1x128xf32, #tpu.memory_space<vmem>>, vector<1x128xf32>
    %add3A_79 = vector.broadcast %get3A_78 : vector<1x128xf32> to vector<2000x128xf32>
    %add3A_80 = arith.addf %dot_general3A_75, %add3A_79 : vector<2000x128xf32>
    %get3A_81 = arith.constant 0 : index
    %get3A_82 = arith.constant 0 : index
    %get3A_83 = vector.load %arg13[%get3A_81, %get3A_82] : memref<1x128xf32, #tpu.memory_space<vmem>>, vector<1x128xf32>
    %get3A_84 = arith.constant 0 : index
    %get3A_85 = arith.constant 0 : index
    %get3A_86 = vector.load %arg14[%get3A_84, %get3A_85] : memref<1x128xf32, #tpu.memory_space<vmem>>, vector<1x128xf32>
    %reduce_sum3A_87 = arith.constant dense<0.000000e+00> : vector<2000xf32>
    %reduce_sum3A_88 = vector.multi_reduction <add>, %add3A_80, %reduce_sum3A_87 [1] : vector<2000x128xf32> to vector<2000xf32>
    %broadcast_in_dim3A_89 = vector.shape_cast %reduce_sum3A_88 : vector<2000xf32> to vector<2000x1xf32>
    %div3A_90 = arith.constant 1.280000e+02 : f32
    %div3A_91 = vector.broadcast %div3A_90 : f32 to vector<2000x1xf32>
    %div3A_92 = arith.divf %broadcast_in_dim3A_89, %div3A_91 : vector<2000x1xf32>
    %sub3A_93 = vector.broadcast %div3A_92 : vector<2000x1xf32> to vector<2000x128xf32>
    %sub3A_94 = arith.subf %add3A_80, %sub3A_93 : vector<2000x128xf32>
    %integer_pow3A_95 = arith.mulf %sub3A_94, %sub3A_94 : vector<2000x128xf32>
    %reduce_sum3A_96 = arith.constant dense<0.000000e+00> : vector<2000xf32>
    %reduce_sum3A_97 = vector.multi_reduction <add>, %integer_pow3A_95, %reduce_sum3A_96 [1] : vector<2000x128xf32> to vector<2000xf32>
    %broadcast_in_dim3A_98 = vector.shape_cast %reduce_sum3A_97 : vector<2000xf32> to vector<2000x1xf32>
    %div3A_99 = arith.constant 1.280000e+02 : f32
    %div3A_100 = vector.broadcast %div3A_99 : f32 to vector<2000x1xf32>
    %div3A_101 = arith.divf %broadcast_in_dim3A_98, %div3A_100 : vector<2000x1xf32>
    %sub3A_102 = vector.broadcast %div3A_92 : vector<2000x1xf32> to vector<2000x128xf32>
    %sub3A_103 = arith.subf %add3A_80, %sub3A_102 : vector<2000x128xf32>
    %add3A_104 = arith.constant 9.99999974E-6 : f32
    %add3A_105 = vector.broadcast %add3A_104 : f32 to vector<2000x1xf32>
    %add3A_106 = arith.addf %div3A_101, %add3A_105 : vector<2000x1xf32>
    %rsqrt3A_107 = math.rsqrt %add3A_106 : vector<2000x1xf32>
    %mul3A_108 = vector.broadcast %rsqrt3A_107 : vector<2000x1xf32> to vector<2000x128xf32>
    %mul3A_109 = arith.mulf %sub3A_103, %mul3A_108 : vector<2000x128xf32>
    %mul3A_110 = vector.broadcast %get3A_83 : vector<1x128xf32> to vector<2000x128xf32>
    %mul3A_111 = arith.mulf %mul3A_109, %mul3A_110 : vector<2000x128xf32>
    %add3A_112 = vector.broadcast %get3A_86 : vector<1x128xf32> to vector<2000x128xf32>
    %add3A_113 = arith.addf %mul3A_111, %add3A_112 : vector<2000x128xf32>
    %swap3A = arith.constant 0 : index
    %swap3A_114 = arith.constant 0 : index
    %swap3A_115 = vector.load %arg15[%swap3A, %swap3A_114] : memref<2000x128xf32, #tpu.memory_space<vmem>>, vector<2000x128xf32>
    tpu.vector_store %arg15[%swap3A, %swap3A_114], %add3A_113 {strides = array<i32>} : memref<2000x128xf32, #tpu.memory_space<vmem>>, vector<2000x128xf32>,
    return
  }
  func.func @transform_0(%arg0: i32) -> (i32, i32) {
    %c0_i32 = arith.constant 0 : i32
    %c0_i32_0 = arith.constant 0 : i32
    return %arg0, %c0_i32 : i32, i32
  }
  func.func @transform_1(%arg0: i32) -> (i32, i32) {
    %c0_i32 = arith.constant 0 : i32
    %c0_i32_0 = arith.constant 0 : i32
    return %arg0, %c0_i32 : i32, i32
  }
  func.func @transform_2(%arg0: i32) -> (i32, i32) {
    %c0_i32 = arith.constant 0 : i32
    %c0_i32_0 = arith.constant 0 : i32
    %c0_i32_1 = arith.constant 0 : i32
    return %c0_i32, %c0_i32_0 : i32, i32
  }
  func.func @transform_3(%arg0: i32) -> (i32, i32) {
    %c0_i32 = arith.constant 0 : i32
    %c0_i32_0 = arith.constant 0 : i32
    %c0_i32_1 = arith.constant 0 : i32
    return %c0_i32, %c0_i32_0 : i32, i32
  }
  func.func @transform_4(%arg0: i32) -> (i32, i32) {
    %c0_i32 = arith.constant 0 : i32
    %c0_i32_0 = arith.constant 0 : i32
    %c0_i32_1 = arith.constant 0 : i32
    return %c0_i32, %c0_i32_0 : i32, i32
  }
  func.func @transform_5(%arg0: i32) -> (i32, i32) {
    %c0_i32 = arith.constant 0 : i32
    %c0_i32_0 = arith.constant 0 : i32
    %c0_i32_1 = arith.constant 0 : i32
    return %c0_i32, %c0_i32_0 : i32, i32
  }
  func.func @transform_6(%arg0: i32) -> (i32, i32) {
    %c0_i32 = arith.constant 0 : i32
    %c0_i32_0 = arith.constant 0 : i32
    %c0_i32_1 = arith.constant 0 : i32
    return %c0_i32, %c0_i32_0 : i32, i32
  }
  func.func @transform_7(%arg0: i32) -> (i32, i32) {
    %c0_i32 = arith.constant 0 : i32
    %c0_i32_0 = arith.constant 0 : i32
    %c0_i32_1 = arith.constant 0 : i32
    return %c0_i32, %c0_i32_0 : i32, i32
  }
  func.func @transform_8(%arg0: i32) -> (i32, i32) {
    %c0_i32 = arith.constant 0 : i32
    %c0_i32_0 = arith.constant 0 : i32
    %c0_i32_1 = arith.constant 0 : i32
    return %c0_i32, %c0_i32_0 : i32, i32
  }
  func.func @transform_9(%arg0: i32) -> (i32, i32) {
    %c0_i32 = arith.constant 0 : i32
    %c0_i32_0 = arith.constant 0 : i32
    %c0_i32_1 = arith.constant 0 : i32
    return %c0_i32, %c0_i32_0 : i32, i32
  }
  func.func @transform_10(%arg0: i32) -> (i32, i32) {
    %c0_i32 = arith.constant 0 : i32
    %c0_i32_0 = arith.constant 0 : i32
    %c0_i32_1 = arith.constant 0 : i32
    return %c0_i32, %c0_i32_0 : i32, i32
  }
  func.func @transform_11(%arg0: i32) -> (i32, i32) {
    %c0_i32 = arith.constant 0 : i32
    %c0_i32_0 = arith.constant 0 : i32
    %c0_i32_1 = arith.constant 0 : i32
    return %c0_i32, %c0_i32_0 : i32, i32
  }
  func.func @transform_12(%arg0: i32) -> (i32, i32) {
    %c0_i32 = arith.constant 0 : i32
    %c0_i32_0 = arith.constant 0 : i32
    %c0_i32_1 = arith.constant 0 : i32
    return %c0_i32, %c0_i32_0 : i32, i32
  }
  func.func @transform_13(%arg0: i32) -> (i32, i32) {
    %c0_i32 = arith.constant 0 : i32
    %c0_i32_0 = arith.constant 0 : i32
    %c0_i32_1 = arith.constant 0 : i32
    return %c0_i32, %c0_i32_0 : i32, i32
  }
  func.func @transform_14(%arg0: i32) -> (i32, i32) {
    %c0_i32 = arith.constant 0 : i32
    %c0_i32_0 = arith.constant 0 : i32
    return %arg0, %c0_i32 : i32, i32
  }
}

module attributes {stable_mosaic.version = 14 : i64} {
  func.func @body(%arg0: i32, %arg1: memref<512x128xf32, #tpu.memory_space<vmem>>, %arg2: memref<2x512x128xf32, #tpu.memory_space<vmem>>, %arg3: memref<128x128xf32, #tpu.memory_space<vmem>>, %arg4: memref<128x128xf32, #tpu.memory_space<vmem>>, %arg5: memref<1x128xf32, #tpu.memory_space<vmem>>, %arg6: memref<128x128xf32, #tpu.memory_space<vmem>>, %arg7: memref<1x128xf32, #tpu.memory_space<vmem>>, %arg8: memref<1x128xf32, #tpu.memory_space<vmem>>, %arg9: memref<1x128xf32, #tpu.memory_space<vmem>>, %arg10: memref<128x128xf32, #tpu.memory_space<vmem>>, %arg11: memref<128x128xf32, #tpu.memory_space<vmem>>, %arg12: memref<1x128xf32, #tpu.memory_space<vmem>>, %arg13: memref<512x128xf32, #tpu.memory_space<vmem>>, %arg14: memref<512x128xf32, #tpu.memory_space<vmem>>, %arg15: memref<512x128xf32, #tpu.memory_space<vmem>>) attributes {dimension_semantics = [#tpu.dimension_semantics<arbitrary>], iteration_bounds = array<i64: 20>, scalar_prefetch = 0 : i64, scratch_operands = 0 : i64, tpu.core_type = #tpu.core_type<tc>, window_params = [{transform_indices = @transform_0, window_bounds = array<i64: 512, 128>}, {transform_indices = @transform_1, window_bounds = array<i64: 2, 512, 128>}, {pipeline_mode = #tpu.pipeline_mode<synchronous>, transform_indices = @transform_2, window_bounds = array<i64: 128, 128>}, {pipeline_mode = #tpu.pipeline_mode<synchronous>, transform_indices = @transform_3, window_bounds = array<i64: 128, 128>}, {pipeline_mode = #tpu.pipeline_mode<synchronous>, transform_indices = @transform_4, window_bounds = array<i64: 1, 128>}, {pipeline_mode = #tpu.pipeline_mode<synchronous>, transform_indices = @transform_5, window_bounds = array<i64: 128, 128>}, {pipeline_mode = #tpu.pipeline_mode<synchronous>, transform_indices = @transform_6, window_bounds = array<i64: 1, 128>}, {pipeline_mode = #tpu.pipeline_mode<synchronous>, transform_indices = @transform_7, window_bounds = array<i64: 1, 128>}, {pipeline_mode = #tpu.pipeline_mode<synchronous>, transform_indices = @transform_8, window_bounds = array<i64: 1, 128>}, {pipeline_mode = #tpu.pipeline_mode<synchronous>, transform_indices = @transform_9, window_bounds = array<i64: 128, 128>}, {pipeline_mode = #tpu.pipeline_mode<synchronous>, transform_indices = @transform_10, window_bounds = array<i64: 128, 128>}, {pipeline_mode = #tpu.pipeline_mode<synchronous>, transform_indices = @transform_11, window_bounds = array<i64: 1, 128>}, {transform_indices = @transform_12, window_bounds = array<i64: 512, 128>}, {transform_indices = @transform_13, window_bounds = array<i64: 512, 128>}, {transform_indices = @transform_14, window_bounds = array<i64: 512, 128>}]} {
    %get3A = arith.constant 0 : index
    %get3A_0 = arith.constant 0 : index
    %get3A_1 = vector.load %arg1[%get3A, %get3A_0] : memref<512x128xf32, #tpu.memory_space<vmem>>, vector<512x128xf32>
    %get3A_2 = arith.constant 0 : index
    %get3A_3 = arith.constant 0 : index
    %get3A_4 = arith.constant 0 : index
    %get3A_5 = vector.load %arg2[%get3A_2, %get3A_3, %get3A_4] : memref<2x512x128xf32, #tpu.memory_space<vmem>>, vector<1x512x128xf32>
    %get3A_6 = vector.shape_cast %get3A_5 : vector<1x512x128xf32> to vector<512x128xf32>
    %get3A_7 = arith.constant 1 : index
    %get3A_8 = arith.constant 0 : index
    %get3A_9 = arith.constant 0 : index
    %get3A_10 = vector.load %arg2[%get3A_7, %get3A_8, %get3A_9] : memref<2x512x128xf32, #tpu.memory_space<vmem>>, vector<1x512x128xf32>
    %get3A_11 = vector.shape_cast %get3A_10 : vector<1x512x128xf32> to vector<512x128xf32>
    %add3A = arith.addf %get3A_6, %get3A_11 : vector<512x128xf32>
    %get3A_12 = arith.constant 0 : index
    %get3A_13 = arith.constant 0 : index
    %get3A_14 = vector.load %arg3[%get3A_12, %get3A_13] : memref<128x128xf32, #tpu.memory_space<vmem>>, vector<128x128xf32>
    %dot_general3A = arith.constant dense<0.000000e+00> : vector<512x128xf32>
    %dot_general3A_15 = tpu.matmul %get3A_1, %get3A_14, %dot_general3A {dimension_numbers = #tpu.dot_dimension_numbers<[1], [0], [0], [1], [0, 0, 1, 1], [], []>, transpose_lhs_hint = false} : vector<512x128xf32>, vector<128x128xf32>, vector<512x128xf32> -> vector<512x128xf32>
    %get3A_16 = arith.constant 0 : index
    %get3A_17 = arith.constant 0 : index
    %get3A_18 = vector.load %arg4[%get3A_16, %get3A_17] : memref<128x128xf32, #tpu.memory_space<vmem>>, vector<128x128xf32>
    %dot_general3A_19 = arith.constant dense<0.000000e+00> : vector<512x128xf32>
    %dot_general3A_20 = tpu.matmul %add3A, %get3A_18, %dot_general3A_19 {dimension_numbers = #tpu.dot_dimension_numbers<[1], [0], [0], [1], [0, 0, 1, 1], [], []>, transpose_lhs_hint = false} : vector<512x128xf32>, vector<128x128xf32>, vector<512x128xf32> -> vector<512x128xf32>
    %add3A_21 = arith.addf %dot_general3A_15, %dot_general3A_20 : vector<512x128xf32>
    %get3A_22 = arith.constant 0 : index
    %get3A_23 = arith.constant 0 : index
    %get3A_24 = vector.load %arg5[%get3A_22, %get3A_23] : memref<1x128xf32, #tpu.memory_space<vmem>>, vector<1x128xf32>
    %add3A_25 = vector.broadcast %get3A_24 : vector<1x128xf32> to vector<512x128xf32>
    %add3A_26 = arith.addf %add3A_21, %add3A_25 : vector<512x128xf32>
    %max3A = arith.constant 0.000000e+00 : f32
    %max3A_27 = vector.broadcast %max3A : f32 to vector<512x128xf32>
    %max3A_28 = arith.maximumf %add3A_26, %max3A_27 : vector<512x128xf32>
    %get3A_29 = arith.constant 0 : index
    %get3A_30 = arith.constant 0 : index
    %get3A_31 = vector.load %arg6[%get3A_29, %get3A_30] : memref<128x128xf32, #tpu.memory_space<vmem>>, vector<128x128xf32>
    %dot_general3A_32 = arith.constant dense<0.000000e+00> : vector<512x128xf32>
    %dot_general3A_33 = tpu.matmul %max3A_28, %get3A_31, %dot_general3A_32 {dimension_numbers = #tpu.dot_dimension_numbers<[1], [0], [0], [1], [0, 0, 1, 1], [], []>, transpose_lhs_hint = false} : vector<512x128xf32>, vector<128x128xf32>, vector<512x128xf32> -> vector<512x128xf32>
    %get3A_34 = arith.constant 0 : index
    %get3A_35 = arith.constant 0 : index
    %get3A_36 = vector.load %arg7[%get3A_34, %get3A_35] : memref<1x128xf32, #tpu.memory_space<vmem>>, vector<1x128xf32>
    %add3A_37 = vector.broadcast %get3A_36 : vector<1x128xf32> to vector<512x128xf32>
    %add3A_38 = arith.addf %dot_general3A_33, %add3A_37 : vector<512x128xf32>
    %get3A_39 = arith.constant 0 : index
    %get3A_40 = arith.constant 0 : index
    %get3A_41 = vector.load %arg8[%get3A_39, %get3A_40] : memref<1x128xf32, #tpu.memory_space<vmem>>, vector<1x128xf32>
    %get3A_42 = arith.constant 0 : index
    %get3A_43 = arith.constant 0 : index
    %get3A_44 = vector.load %arg9[%get3A_42, %get3A_43] : memref<1x128xf32, #tpu.memory_space<vmem>>, vector<1x128xf32>
    %reduce_sum3A = arith.constant dense<0.000000e+00> : vector<512xf32>
    %reduce_sum3A_45 = vector.multi_reduction <add>, %add3A_38, %reduce_sum3A [1] : vector<512x128xf32> to vector<512xf32>
    %broadcast_in_dim3A = vector.shape_cast %reduce_sum3A_45 : vector<512xf32> to vector<512x1xf32>
    %div3A = arith.constant 1.280000e+02 : f32
    %div3A_46 = vector.broadcast %div3A : f32 to vector<512x1xf32>
    %div3A_47 = arith.divf %broadcast_in_dim3A, %div3A_46 : vector<512x1xf32>
    %sub3A = vector.broadcast %div3A_47 : vector<512x1xf32> to vector<512x128xf32>
    %sub3A_48 = arith.subf %add3A_38, %sub3A : vector<512x128xf32>
    %integer_pow3A = arith.mulf %sub3A_48, %sub3A_48 : vector<512x128xf32>
    %reduce_sum3A_49 = arith.constant dense<0.000000e+00> : vector<512xf32>
    %reduce_sum3A_50 = vector.multi_reduction <add>, %integer_pow3A, %reduce_sum3A_49 [1] : vector<512x128xf32> to vector<512xf32>
    %broadcast_in_dim3A_51 = vector.shape_cast %reduce_sum3A_50 : vector<512xf32> to vector<512x1xf32>
    %div3A_52 = arith.constant 1.280000e+02 : f32
    %div3A_53 = vector.broadcast %div3A_52 : f32 to vector<512x1xf32>
    %div3A_54 = arith.divf %broadcast_in_dim3A_51, %div3A_53 : vector<512x1xf32>
    %sub3A_55 = vector.broadcast %div3A_47 : vector<512x1xf32> to vector<512x128xf32>
    %sub3A_56 = arith.subf %add3A_38, %sub3A_55 : vector<512x128xf32>
    %add3A_57 = arith.constant 9.99999974E-6 : f32
    %add3A_58 = vector.broadcast %add3A_57 : f32 to vector<512x1xf32>
    %add3A_59 = arith.addf %div3A_54, %add3A_58 : vector<512x1xf32>
    %rsqrt3A = math.rsqrt %add3A_59 : vector<512x1xf32>
    %mul3A = vector.broadcast %rsqrt3A : vector<512x1xf32> to vector<512x128xf32>
    %mul3A_60 = arith.mulf %sub3A_56, %mul3A : vector<512x128xf32>
    %mul3A_61 = vector.broadcast %get3A_41 : vector<1x128xf32> to vector<512x128xf32>
    %mul3A_62 = arith.mulf %mul3A_60, %mul3A_61 : vector<512x128xf32>
    %add3A_63 = vector.broadcast %get3A_44 : vector<1x128xf32> to vector<512x128xf32>
    %add3A_64 = arith.addf %mul3A_62, %add3A_63 : vector<512x128xf32>
    %add3A_65 = arith.addf %get3A_1, %add3A_64 : vector<512x128xf32>
    %swap3A = arith.constant 0 : index
    %swap3A_66 = arith.constant 0 : index
    %swap3A_67 = vector.load %arg13[%swap3A, %swap3A_66] : memref<512x128xf32, #tpu.memory_space<vmem>>, vector<512x128xf32>
    tpu.vector_store %arg13[%swap3A, %swap3A_66], %add3A_65 {strides = array<i32>} : memref<512x128xf32, #tpu.memory_space<vmem>>, vector<512x128xf32>,
    %get3A_68 = arith.constant 0 : index
    %get3A_69 = arith.constant 0 : index
    %get3A_70 = vector.load %arg10[%get3A_68, %get3A_69] : memref<128x128xf32, #tpu.memory_space<vmem>>, vector<128x128xf32>
    %dot_general3A_71 = arith.constant dense<0.000000e+00> : vector<512x128xf32>
    %dot_general3A_72 = tpu.matmul %add3A_65, %get3A_70, %dot_general3A_71 {dimension_numbers = #tpu.dot_dimension_numbers<[1], [0], [0], [1], [0, 0, 1, 1], [], []>, transpose_lhs_hint = false} : vector<512x128xf32>, vector<128x128xf32>, vector<512x128xf32> -> vector<512x128xf32>
    %get3A_73 = arith.constant 0 : index
    %get3A_74 = arith.constant 0 : index
    %get3A_75 = vector.load %arg12[%get3A_73, %get3A_74] : memref<1x128xf32, #tpu.memory_space<vmem>>, vector<1x128xf32>
    %add3A_76 = vector.broadcast %get3A_75 : vector<1x128xf32> to vector<512x128xf32>
    %add3A_77 = arith.addf %dot_general3A_72, %add3A_76 : vector<512x128xf32>
    %swap3A_78 = arith.constant 0 : index
    %swap3A_79 = arith.constant 0 : index
    %swap3A_80 = vector.load %arg14[%swap3A_78, %swap3A_79] : memref<512x128xf32, #tpu.memory_space<vmem>>, vector<512x128xf32>
    tpu.vector_store %arg14[%swap3A_78, %swap3A_79], %add3A_77 {strides = array<i32>} : memref<512x128xf32, #tpu.memory_space<vmem>>, vector<512x128xf32>,
    %get3A_81 = arith.constant 0 : index
    %get3A_82 = arith.constant 0 : index
    %get3A_83 = vector.load %arg11[%get3A_81, %get3A_82] : memref<128x128xf32, #tpu.memory_space<vmem>>, vector<128x128xf32>
    %dot_general3A_84 = arith.constant dense<0.000000e+00> : vector<512x128xf32>
    %dot_general3A_85 = tpu.matmul %add3A_65, %get3A_83, %dot_general3A_84 {dimension_numbers = #tpu.dot_dimension_numbers<[1], [0], [0], [1], [0, 0, 1, 1], [], []>, transpose_lhs_hint = false} : vector<512x128xf32>, vector<128x128xf32>, vector<512x128xf32> -> vector<512x128xf32>
    %swap3A_86 = arith.constant 0 : index
    %swap3A_87 = arith.constant 0 : index
    %swap3A_88 = vector.load %arg15[%swap3A_86, %swap3A_87] : memref<512x128xf32, #tpu.memory_space<vmem>>, vector<512x128xf32>
    tpu.vector_store %arg15[%swap3A_86, %swap3A_87], %dot_general3A_85 {strides = array<i32>} : memref<512x128xf32, #tpu.memory_space<vmem>>, vector<512x128xf32>,
    return
  }
  func.func @transform_0(%arg0: i32) -> (i32, i32) {
    %c0_i32 = arith.constant 0 : i32
    %c0_i32_0 = arith.constant 0 : i32
    return %arg0, %c0_i32 : i32, i32
  }
  func.func @transform_1(%arg0: i32) -> (i32, i32, i32) {
    %c0_i32 = arith.constant 0 : i32
    %c0_i32_0 = arith.constant 0 : i32
    %c0_i32_1 = arith.constant 0 : i32
    return %c0_i32, %arg0, %c0_i32_0 : i32, i32, i32
  }
  func.func @transform_2(%arg0: i32) -> (i32, i32) {
    %c0_i32 = arith.constant 0 : i32
    %c0_i32_0 = arith.constant 0 : i32
    %c0_i32_1 = arith.constant 0 : i32
    return %c0_i32, %c0_i32_0 : i32, i32
  }
  func.func @transform_3(%arg0: i32) -> (i32, i32) {
    %c0_i32 = arith.constant 0 : i32
    %c0_i32_0 = arith.constant 0 : i32
    %c0_i32_1 = arith.constant 0 : i32
    return %c0_i32, %c0_i32_0 : i32, i32
  }
  func.func @transform_4(%arg0: i32) -> (i32, i32) {
    %c0_i32 = arith.constant 0 : i32
    %c0_i32_0 = arith.constant 0 : i32
    %c0_i32_1 = arith.constant 0 : i32
    return %c0_i32, %c0_i32_0 : i32, i32
  }
  func.func @transform_5(%arg0: i32) -> (i32, i32) {
    %c0_i32 = arith.constant 0 : i32
    %c0_i32_0 = arith.constant 0 : i32
    %c0_i32_1 = arith.constant 0 : i32
    return %c0_i32, %c0_i32_0 : i32, i32
  }
  func.func @transform_6(%arg0: i32) -> (i32, i32) {
    %c0_i32 = arith.constant 0 : i32
    %c0_i32_0 = arith.constant 0 : i32
    %c0_i32_1 = arith.constant 0 : i32
    return %c0_i32, %c0_i32_0 : i32, i32
  }
  func.func @transform_7(%arg0: i32) -> (i32, i32) {
    %c0_i32 = arith.constant 0 : i32
    %c0_i32_0 = arith.constant 0 : i32
    %c0_i32_1 = arith.constant 0 : i32
    return %c0_i32, %c0_i32_0 : i32, i32
  }
  func.func @transform_8(%arg0: i32) -> (i32, i32) {
    %c0_i32 = arith.constant 0 : i32
    %c0_i32_0 = arith.constant 0 : i32
    %c0_i32_1 = arith.constant 0 : i32
    return %c0_i32, %c0_i32_0 : i32, i32
  }
  func.func @transform_9(%arg0: i32) -> (i32, i32) {
    %c0_i32 = arith.constant 0 : i32
    %c0_i32_0 = arith.constant 0 : i32
    %c0_i32_1 = arith.constant 0 : i32
    return %c0_i32, %c0_i32_0 : i32, i32
  }
  func.func @transform_10(%arg0: i32) -> (i32, i32) {
    %c0_i32 = arith.constant 0 : i32
    %c0_i32_0 = arith.constant 0 : i32
    %c0_i32_1 = arith.constant 0 : i32
    return %c0_i32, %c0_i32_0 : i32, i32
  }
  func.func @transform_11(%arg0: i32) -> (i32, i32) {
    %c0_i32 = arith.constant 0 : i32
    %c0_i32_0 = arith.constant 0 : i32
    %c0_i32_1 = arith.constant 0 : i32
    return %c0_i32, %c0_i32_0 : i32, i32
  }
  func.func @transform_12(%arg0: i32) -> (i32, i32) {
    %c0_i32 = arith.constant 0 : i32
    %c0_i32_0 = arith.constant 0 : i32
    return %arg0, %c0_i32 : i32, i32
  }
  func.func @transform_13(%arg0: i32) -> (i32, i32) {
    %c0_i32 = arith.constant 0 : i32
    %c0_i32_0 = arith.constant 0 : i32
    return %arg0, %c0_i32 : i32, i32
  }
  func.func @transform_14(%arg0: i32) -> (i32, i32) {
    %c0_i32 = arith.constant 0 : i32
    %c0_i32_0 = arith.constant 0 : i32
    return %arg0, %c0_i32 : i32, i32
  }
}

module attributes {stable_mosaic.version = 14 : i64} {
  func.func @body(%arg0: i32, %arg1: memref<2000x128xf32, #tpu.memory_space<vmem>>, %arg2: memref<2000x128xf32, #tpu.memory_space<vmem>>, %arg3: memref<128x128xf32, #tpu.memory_space<vmem>>, %arg4: memref<128x128xf32, #tpu.memory_space<vmem>>, %arg5: memref<1x128xf32, #tpu.memory_space<vmem>>, %arg6: memref<1x128xf32, #tpu.memory_space<vmem>>, %arg7: memref<1x128xf32, #tpu.memory_space<vmem>>, %arg8: memref<2000x128xf32, #tpu.memory_space<vmem>>) attributes {dimension_semantics = [#tpu.dimension_semantics<arbitrary>], iteration_bounds = array<i64: 160>, scalar_prefetch = 0 : i64, scratch_operands = 0 : i64, tpu.core_type = #tpu.core_type<tc>, window_params = [{transform_indices = @transform_0, window_bounds = array<i64: 2000, 128>}, {transform_indices = @transform_1, window_bounds = array<i64: 2000, 128>}, {pipeline_mode = #tpu.pipeline_mode<synchronous>, transform_indices = @transform_2, window_bounds = array<i64: 128, 128>}, {pipeline_mode = #tpu.pipeline_mode<synchronous>, transform_indices = @transform_3, window_bounds = array<i64: 128, 128>}, {pipeline_mode = #tpu.pipeline_mode<synchronous>, transform_indices = @transform_4, window_bounds = array<i64: 1, 128>}, {pipeline_mode = #tpu.pipeline_mode<synchronous>, transform_indices = @transform_5, window_bounds = array<i64: 1, 128>}, {pipeline_mode = #tpu.pipeline_mode<synchronous>, transform_indices = @transform_6, window_bounds = array<i64: 1, 128>}, {transform_indices = @transform_7, window_bounds = array<i64: 2000, 128>}]} {
    %get3A = arith.constant 0 : index
    %get3A_0 = arith.constant 0 : index
    %get3A_1 = vector.load %arg1[%get3A, %get3A_0] : memref<2000x128xf32, #tpu.memory_space<vmem>>, vector<2000x128xf32>
    %get3A_2 = arith.constant 0 : index
    %get3A_3 = arith.constant 0 : index
    %get3A_4 = vector.load %arg2[%get3A_2, %get3A_3] : memref<2000x128xf32, #tpu.memory_space<vmem>>, vector<2000x128xf32>
    %get3A_5 = arith.constant 0 : index
    %get3A_6 = arith.constant 0 : index
    %get3A_7 = vector.load %arg3[%get3A_5, %get3A_6] : memref<128x128xf32, #tpu.memory_space<vmem>>, vector<128x128xf32>
    %dot_general3A = arith.constant dense<0.000000e+00> : vector<2000x128xf32>
    %dot_general3A_8 = tpu.matmul %get3A_4, %get3A_7, %dot_general3A {dimension_numbers = #tpu.dot_dimension_numbers<[1], [0], [0], [1], [0, 0, 1, 1], [], []>, transpose_lhs_hint = false} : vector<2000x128xf32>, vector<128x128xf32>, vector<2000x128xf32> -> vector<2000x128xf32>
    %add3A = arith.addf %get3A_1, %dot_general3A_8 : vector<2000x128xf32>
    %max3A = arith.constant 0.000000e+00 : f32
    %max3A_9 = vector.broadcast %max3A : f32 to vector<2000x128xf32>
    %max3A_10 = arith.maximumf %add3A, %max3A_9 : vector<2000x128xf32>
    %get3A_11 = arith.constant 0 : index
    %get3A_12 = arith.constant 0 : index
    %get3A_13 = vector.load %arg4[%get3A_11, %get3A_12] : memref<128x128xf32, #tpu.memory_space<vmem>>, vector<128x128xf32>
    %dot_general3A_14 = arith.constant dense<0.000000e+00> : vector<2000x128xf32>
    %dot_general3A_15 = tpu.matmul %max3A_10, %get3A_13, %dot_general3A_14 {dimension_numbers = #tpu.dot_dimension_numbers<[1], [0], [0], [1], [0, 0, 1, 1], [], []>, transpose_lhs_hint = false} : vector<2000x128xf32>, vector<128x128xf32>, vector<2000x128xf32> -> vector<2000x128xf32>
    %get3A_16 = arith.constant 0 : index
    %get3A_17 = arith.constant 0 : index
    %get3A_18 = vector.load %arg5[%get3A_16, %get3A_17] : memref<1x128xf32, #tpu.memory_space<vmem>>, vector<1x128xf32>
    %add3A_19 = vector.broadcast %get3A_18 : vector<1x128xf32> to vector<2000x128xf32>
    %add3A_20 = arith.addf %dot_general3A_15, %add3A_19 : vector<2000x128xf32>
    %get3A_21 = arith.constant 0 : index
    %get3A_22 = arith.constant 0 : index
    %get3A_23 = vector.load %arg6[%get3A_21, %get3A_22] : memref<1x128xf32, #tpu.memory_space<vmem>>, vector<1x128xf32>
    %get3A_24 = arith.constant 0 : index
    %get3A_25 = arith.constant 0 : index
    %get3A_26 = vector.load %arg7[%get3A_24, %get3A_25] : memref<1x128xf32, #tpu.memory_space<vmem>>, vector<1x128xf32>
    %reduce_sum3A = arith.constant dense<0.000000e+00> : vector<2000xf32>
    %reduce_sum3A_27 = vector.multi_reduction <add>, %add3A_20, %reduce_sum3A [1] : vector<2000x128xf32> to vector<2000xf32>
    %broadcast_in_dim3A = vector.shape_cast %reduce_sum3A_27 : vector<2000xf32> to vector<2000x1xf32>
    %div3A = arith.constant 1.280000e+02 : f32
    %div3A_28 = vector.broadcast %div3A : f32 to vector<2000x1xf32>
    %div3A_29 = arith.divf %broadcast_in_dim3A, %div3A_28 : vector<2000x1xf32>
    %sub3A = vector.broadcast %div3A_29 : vector<2000x1xf32> to vector<2000x128xf32>
    %sub3A_30 = arith.subf %add3A_20, %sub3A : vector<2000x128xf32>
    %integer_pow3A = arith.mulf %sub3A_30, %sub3A_30 : vector<2000x128xf32>
    %reduce_sum3A_31 = arith.constant dense<0.000000e+00> : vector<2000xf32>
    %reduce_sum3A_32 = vector.multi_reduction <add>, %integer_pow3A, %reduce_sum3A_31 [1] : vector<2000x128xf32> to vector<2000xf32>
    %broadcast_in_dim3A_33 = vector.shape_cast %reduce_sum3A_32 : vector<2000xf32> to vector<2000x1xf32>
    %div3A_34 = arith.constant 1.280000e+02 : f32
    %div3A_35 = vector.broadcast %div3A_34 : f32 to vector<2000x1xf32>
    %div3A_36 = arith.divf %broadcast_in_dim3A_33, %div3A_35 : vector<2000x1xf32>
    %sub3A_37 = vector.broadcast %div3A_29 : vector<2000x1xf32> to vector<2000x128xf32>
    %sub3A_38 = arith.subf %add3A_20, %sub3A_37 : vector<2000x128xf32>
    %add3A_39 = arith.constant 9.99999974E-6 : f32
    %add3A_40 = vector.broadcast %add3A_39 : f32 to vector<2000x1xf32>
    %add3A_41 = arith.addf %div3A_36, %add3A_40 : vector<2000x1xf32>
    %rsqrt3A = math.rsqrt %add3A_41 : vector<2000x1xf32>
    %mul3A = vector.broadcast %rsqrt3A : vector<2000x1xf32> to vector<2000x128xf32>
    %mul3A_42 = arith.mulf %sub3A_38, %mul3A : vector<2000x128xf32>
    %mul3A_43 = vector.broadcast %get3A_23 : vector<1x128xf32> to vector<2000x128xf32>
    %mul3A_44 = arith.mulf %mul3A_42, %mul3A_43 : vector<2000x128xf32>
    %add3A_45 = vector.broadcast %get3A_26 : vector<1x128xf32> to vector<2000x128xf32>
    %add3A_46 = arith.addf %mul3A_44, %add3A_45 : vector<2000x128xf32>
    %swap3A = arith.constant 0 : index
    %swap3A_47 = arith.constant 0 : index
    %swap3A_48 = vector.load %arg8[%swap3A, %swap3A_47] : memref<2000x128xf32, #tpu.memory_space<vmem>>, vector<2000x128xf32>
    tpu.vector_store %arg8[%swap3A, %swap3A_47], %add3A_46 {strides = array<i32>} : memref<2000x128xf32, #tpu.memory_space<vmem>>, vector<2000x128xf32>,
    return
  }
  func.func @transform_0(%arg0: i32) -> (i32, i32) {
    %c0_i32 = arith.constant 0 : i32
    %c0_i32_0 = arith.constant 0 : i32
    return %arg0, %c0_i32 : i32, i32
  }
  func.func @transform_1(%arg0: i32) -> (i32, i32) {
    %c0_i32 = arith.constant 0 : i32
    %c0_i32_0 = arith.constant 0 : i32
    return %arg0, %c0_i32 : i32, i32
  }
  func.func @transform_2(%arg0: i32) -> (i32, i32) {
    %c0_i32 = arith.constant 0 : i32
    %c0_i32_0 = arith.constant 0 : i32
    %c0_i32_1 = arith.constant 0 : i32
    return %c0_i32, %c0_i32_0 : i32, i32
  }
  func.func @transform_3(%arg0: i32) -> (i32, i32) {
    %c0_i32 = arith.constant 0 : i32
    %c0_i32_0 = arith.constant 0 : i32
    %c0_i32_1 = arith.constant 0 : i32
    return %c0_i32, %c0_i32_0 : i32, i32
  }
  func.func @transform_4(%arg0: i32) -> (i32, i32) {
    %c0_i32 = arith.constant 0 : i32
    %c0_i32_0 = arith.constant 0 : i32
    %c0_i32_1 = arith.constant 0 : i32
    return %c0_i32, %c0_i32_0 : i32, i32
  }
  func.func @transform_5(%arg0: i32) -> (i32, i32) {
    %c0_i32 = arith.constant 0 : i32
    %c0_i32_0 = arith.constant 0 : i32
    %c0_i32_1 = arith.constant 0 : i32
    return %c0_i32, %c0_i32_0 : i32, i32
  }
  func.func @transform_6(%arg0: i32) -> (i32, i32) {
    %c0_i32 = arith.constant 0 : i32
    %c0_i32_0 = arith.constant 0 : i32
    %c0_i32_1 = arith.constant 0 : i32
    return %c0_i32, %c0_i32_0 : i32, i32
  }
  func.func @transform_7(%arg0: i32) -> (i32, i32) {
    %c0_i32 = arith.constant 0 : i32
    %c0_i32_0 = arith.constant 0 : i32
    return %arg0, %c0_i32 : i32, i32
  }
}

module attributes {stable_mosaic.version = 14 : i64} {
  func.func @body(%arg0: i32, %arg1: memref<512x128xf32, #tpu.memory_space<vmem>>, %arg2: memref<2x512x128xf32, #tpu.memory_space<vmem>>, %arg3: memref<128x128xf32, #tpu.memory_space<vmem>>, %arg4: memref<128x128xf32, #tpu.memory_space<vmem>>, %arg5: memref<1x128xf32, #tpu.memory_space<vmem>>, %arg6: memref<128x128xf32, #tpu.memory_space<vmem>>, %arg7: memref<1x128xf32, #tpu.memory_space<vmem>>, %arg8: memref<1x128xf32, #tpu.memory_space<vmem>>, %arg9: memref<1x128xf32, #tpu.memory_space<vmem>>, %arg10: memref<128x128xf32, #tpu.memory_space<vmem>>, %arg11: memref<1x128xf32, #tpu.memory_space<vmem>>, %arg12: memref<128x2xf32, #tpu.memory_space<vmem>>, %arg13: memref<1x2xf32, #tpu.memory_space<vmem>>, %arg14: memref<128x128xf32, #tpu.memory_space<vmem>>, %arg15: memref<1x128xf32, #tpu.memory_space<vmem>>, %arg16: memref<128x2xf32, #tpu.memory_space<vmem>>, %arg17: memref<1x2xf32, #tpu.memory_space<vmem>>, %arg18: memref<512x2xf32, #tpu.memory_space<vmem>>, %arg19: memref<1x1xf32, #tpu.memory_space<vmem>>) attributes {dimension_semantics = [#tpu.dimension_semantics<arbitrary>], iteration_bounds = array<i64: 20>, scalar_prefetch = 0 : i64, scratch_operands = 0 : i64, tpu.core_type = #tpu.core_type<tc>, window_params = [{transform_indices = @transform_0, window_bounds = array<i64: 512, 128>}, {transform_indices = @transform_1, window_bounds = array<i64: 2, 512, 128>}, {pipeline_mode = #tpu.pipeline_mode<synchronous>, transform_indices = @transform_2, window_bounds = array<i64: 128, 128>}, {pipeline_mode = #tpu.pipeline_mode<synchronous>, transform_indices = @transform_3, window_bounds = array<i64: 128, 128>}, {pipeline_mode = #tpu.pipeline_mode<synchronous>, transform_indices = @transform_4, window_bounds = array<i64: 1, 128>}, {pipeline_mode = #tpu.pipeline_mode<synchronous>, transform_indices = @transform_5, window_bounds = array<i64: 128, 128>}, {pipeline_mode = #tpu.pipeline_mode<synchronous>, transform_indices = @transform_6, window_bounds = array<i64: 1, 128>}, {pipeline_mode = #tpu.pipeline_mode<synchronous>, transform_indices = @transform_7, window_bounds = array<i64: 1, 128>}, {pipeline_mode = #tpu.pipeline_mode<synchronous>, transform_indices = @transform_8, window_bounds = array<i64: 1, 128>}, {pipeline_mode = #tpu.pipeline_mode<synchronous>, transform_indices = @transform_9, window_bounds = array<i64: 128, 128>}, {pipeline_mode = #tpu.pipeline_mode<synchronous>, transform_indices = @transform_10, window_bounds = array<i64: 1, 128>}, {pipeline_mode = #tpu.pipeline_mode<synchronous>, transform_indices = @transform_11, window_bounds = array<i64: 128, 2>}, {pipeline_mode = #tpu.pipeline_mode<synchronous>, transform_indices = @transform_12, window_bounds = array<i64: 1, 2>}, {pipeline_mode = #tpu.pipeline_mode<synchronous>, transform_indices = @transform_13, window_bounds = array<i64: 128, 128>}, {pipeline_mode = #tpu.pipeline_mode<synchronous>, transform_indices = @transform_14, window_bounds = array<i64: 1, 128>}, {pipeline_mode = #tpu.pipeline_mode<synchronous>, transform_indices = @transform_15, window_bounds = array<i64: 128, 2>}, {pipeline_mode = #tpu.pipeline_mode<synchronous>, transform_indices = @transform_16, window_bounds = array<i64: 1, 2>}, {transform_indices = @transform_17, window_bounds = array<i64: 512, 2>}, {pipeline_mode = #tpu.pipeline_mode<synchronous>, transform_indices = @transform_18, window_bounds = array<i64: 1, 1>}]} {
    %get3A = arith.constant 0 : index
    %get3A_0 = arith.constant 0 : index
    %get3A_1 = vector.load %arg1[%get3A, %get3A_0] : memref<512x128xf32, #tpu.memory_space<vmem>>, vector<512x128xf32>
    %get3A_2 = arith.constant 0 : index
    %get3A_3 = arith.constant 0 : index
    %get3A_4 = arith.constant 0 : index
    %get3A_5 = vector.load %arg2[%get3A_2, %get3A_3, %get3A_4] : memref<2x512x128xf32, #tpu.memory_space<vmem>>, vector<1x512x128xf32>
    %get3A_6 = vector.shape_cast %get3A_5 : vector<1x512x128xf32> to vector<512x128xf32>
    %get3A_7 = arith.constant 1 : index
    %get3A_8 = arith.constant 0 : index
    %get3A_9 = arith.constant 0 : index
    %get3A_10 = vector.load %arg2[%get3A_7, %get3A_8, %get3A_9] : memref<2x512x128xf32, #tpu.memory_space<vmem>>, vector<1x512x128xf32>
    %get3A_11 = vector.shape_cast %get3A_10 : vector<1x512x128xf32> to vector<512x128xf32>
    %add3A = arith.addf %get3A_6, %get3A_11 : vector<512x128xf32>
    %get3A_12 = arith.constant 0 : index
    %get3A_13 = arith.constant 0 : index
    %get3A_14 = vector.load %arg3[%get3A_12, %get3A_13] : memref<128x128xf32, #tpu.memory_space<vmem>>, vector<128x128xf32>
    %dot_general3A = arith.constant dense<0.000000e+00> : vector<512x128xf32>
    %dot_general3A_15 = tpu.matmul %get3A_1, %get3A_14, %dot_general3A {dimension_numbers = #tpu.dot_dimension_numbers<[1], [0], [0], [1], [0, 0, 1, 1], [], []>, transpose_lhs_hint = false} : vector<512x128xf32>, vector<128x128xf32>, vector<512x128xf32> -> vector<512x128xf32>
    %get3A_16 = arith.constant 0 : index
    %get3A_17 = arith.constant 0 : index
    %get3A_18 = vector.load %arg4[%get3A_16, %get3A_17] : memref<128x128xf32, #tpu.memory_space<vmem>>, vector<128x128xf32>
    %dot_general3A_19 = arith.constant dense<0.000000e+00> : vector<512x128xf32>
    %dot_general3A_20 = tpu.matmul %add3A, %get3A_18, %dot_general3A_19 {dimension_numbers = #tpu.dot_dimension_numbers<[1], [0], [0], [1], [0, 0, 1, 1], [], []>, transpose_lhs_hint = false} : vector<512x128xf32>, vector<128x128xf32>, vector<512x128xf32> -> vector<512x128xf32>
    %add3A_21 = arith.addf %dot_general3A_15, %dot_general3A_20 : vector<512x128xf32>
    %get3A_22 = arith.constant 0 : index
    %get3A_23 = arith.constant 0 : index
    %get3A_24 = vector.load %arg5[%get3A_22, %get3A_23] : memref<1x128xf32, #tpu.memory_space<vmem>>, vector<1x128xf32>
    %add3A_25 = vector.broadcast %get3A_24 : vector<1x128xf32> to vector<512x128xf32>
    %add3A_26 = arith.addf %add3A_21, %add3A_25 : vector<512x128xf32>
    %max3A = arith.constant 0.000000e+00 : f32
    %max3A_27 = vector.broadcast %max3A : f32 to vector<512x128xf32>
    %max3A_28 = arith.maximumf %add3A_26, %max3A_27 : vector<512x128xf32>
    %get3A_29 = arith.constant 0 : index
    %get3A_30 = arith.constant 0 : index
    %get3A_31 = vector.load %arg6[%get3A_29, %get3A_30] : memref<128x128xf32, #tpu.memory_space<vmem>>, vector<128x128xf32>
    %dot_general3A_32 = arith.constant dense<0.000000e+00> : vector<512x128xf32>
    %dot_general3A_33 = tpu.matmul %max3A_28, %get3A_31, %dot_general3A_32 {dimension_numbers = #tpu.dot_dimension_numbers<[1], [0], [0], [1], [0, 0, 1, 1], [], []>, transpose_lhs_hint = false} : vector<512x128xf32>, vector<128x128xf32>, vector<512x128xf32> -> vector<512x128xf32>
    %get3A_34 = arith.constant 0 : index
    %get3A_35 = arith.constant 0 : index
    %get3A_36 = vector.load %arg7[%get3A_34, %get3A_35] : memref<1x128xf32, #tpu.memory_space<vmem>>, vector<1x128xf32>
    %add3A_37 = vector.broadcast %get3A_36 : vector<1x128xf32> to vector<512x128xf32>
    %add3A_38 = arith.addf %dot_general3A_33, %add3A_37 : vector<512x128xf32>
    %get3A_39 = arith.constant 0 : index
    %get3A_40 = arith.constant 0 : index
    %get3A_41 = vector.load %arg8[%get3A_39, %get3A_40] : memref<1x128xf32, #tpu.memory_space<vmem>>, vector<1x128xf32>
    %get3A_42 = arith.constant 0 : index
    %get3A_43 = arith.constant 0 : index
    %get3A_44 = vector.load %arg9[%get3A_42, %get3A_43] : memref<1x128xf32, #tpu.memory_space<vmem>>, vector<1x128xf32>
    %reduce_sum3A = arith.constant dense<0.000000e+00> : vector<512xf32>
    %reduce_sum3A_45 = vector.multi_reduction <add>, %add3A_38, %reduce_sum3A [1] : vector<512x128xf32> to vector<512xf32>
    %broadcast_in_dim3A = vector.shape_cast %reduce_sum3A_45 : vector<512xf32> to vector<512x1xf32>
    %div3A = arith.constant 1.280000e+02 : f32
    %div3A_46 = vector.broadcast %div3A : f32 to vector<512x1xf32>
    %div3A_47 = arith.divf %broadcast_in_dim3A, %div3A_46 : vector<512x1xf32>
    %sub3A = vector.broadcast %div3A_47 : vector<512x1xf32> to vector<512x128xf32>
    %sub3A_48 = arith.subf %add3A_38, %sub3A : vector<512x128xf32>
    %integer_pow3A = arith.mulf %sub3A_48, %sub3A_48 : vector<512x128xf32>
    %reduce_sum3A_49 = arith.constant dense<0.000000e+00> : vector<512xf32>
    %reduce_sum3A_50 = vector.multi_reduction <add>, %integer_pow3A, %reduce_sum3A_49 [1] : vector<512x128xf32> to vector<512xf32>
    %broadcast_in_dim3A_51 = vector.shape_cast %reduce_sum3A_50 : vector<512xf32> to vector<512x1xf32>
    %div3A_52 = arith.constant 1.280000e+02 : f32
    %div3A_53 = vector.broadcast %div3A_52 : f32 to vector<512x1xf32>
    %div3A_54 = arith.divf %broadcast_in_dim3A_51, %div3A_53 : vector<512x1xf32>
    %sub3A_55 = vector.broadcast %div3A_47 : vector<512x1xf32> to vector<512x128xf32>
    %sub3A_56 = arith.subf %add3A_38, %sub3A_55 : vector<512x128xf32>
    %add3A_57 = arith.constant 9.99999974E-6 : f32
    %add3A_58 = vector.broadcast %add3A_57 : f32 to vector<512x1xf32>
    %add3A_59 = arith.addf %div3A_54, %add3A_58 : vector<512x1xf32>
    %rsqrt3A = math.rsqrt %add3A_59 : vector<512x1xf32>
    %mul3A = vector.broadcast %rsqrt3A : vector<512x1xf32> to vector<512x128xf32>
    %mul3A_60 = arith.mulf %sub3A_56, %mul3A : vector<512x128xf32>
    %mul3A_61 = vector.broadcast %get3A_41 : vector<1x128xf32> to vector<512x128xf32>
    %mul3A_62 = arith.mulf %mul3A_60, %mul3A_61 : vector<512x128xf32>
    %add3A_63 = vector.broadcast %get3A_44 : vector<1x128xf32> to vector<512x128xf32>
    %add3A_64 = arith.addf %mul3A_62, %add3A_63 : vector<512x128xf32>
    %add3A_65 = arith.addf %get3A_1, %add3A_64 : vector<512x128xf32>
    %get3A_66 = arith.constant 0 : index
    %get3A_67 = arith.constant 0 : index
    %get3A_68 = vector.load %arg10[%get3A_66, %get3A_67] : memref<128x128xf32, #tpu.memory_space<vmem>>, vector<128x128xf32>
    %dot_general3A_69 = arith.constant dense<0.000000e+00> : vector<512x128xf32>
    %dot_general3A_70 = tpu.matmul %add3A_65, %get3A_68, %dot_general3A_69 {dimension_numbers = #tpu.dot_dimension_numbers<[1], [0], [0], [1], [0, 0, 1, 1], [], []>, transpose_lhs_hint = false} : vector<512x128xf32>, vector<128x128xf32>, vector<512x128xf32> -> vector<512x128xf32>
    %get3A_71 = arith.constant 0 : index
    %get3A_72 = arith.constant 0 : index
    %get3A_73 = vector.load %arg11[%get3A_71, %get3A_72] : memref<1x128xf32, #tpu.memory_space<vmem>>, vector<1x128xf32>
    %add3A_74 = vector.broadcast %get3A_73 : vector<1x128xf32> to vector<512x128xf32>
    %add3A_75 = arith.addf %dot_general3A_70, %add3A_74 : vector<512x128xf32>
    %max3A_76 = arith.constant 0.000000e+00 : f32
    %max3A_77 = vector.broadcast %max3A_76 : f32 to vector<512x128xf32>
    %max3A_78 = arith.maximumf %add3A_75, %max3A_77 : vector<512x128xf32>
    %get3A_79 = arith.constant 0 : index
    %get3A_80 = arith.constant 0 : index
    %get3A_81 = vector.load %arg12[%get3A_79, %get3A_80] : memref<128x2xf32, #tpu.memory_space<vmem>>, vector<128x2xf32>
    %dot_general3A_82 = arith.constant dense<0.000000e+00> : vector<512x2xf32>
    %dot_general3A_83 = tpu.matmul %max3A_78, %get3A_81, %dot_general3A_82 {dimension_numbers = #tpu.dot_dimension_numbers<[1], [0], [0], [1], [0, 0, 1, 1], [], []>, transpose_lhs_hint = false} : vector<512x128xf32>, vector<128x2xf32>, vector<512x2xf32> -> vector<512x2xf32>
    %get3A_84 = arith.constant 0 : index
    %get3A_85 = arith.constant 0 : index
    %get3A_86 = vector.load %arg13[%get3A_84, %get3A_85] : memref<1x2xf32, #tpu.memory_space<vmem>>, vector<1x2xf32>
    %add3A_87 = vector.broadcast %get3A_86 : vector<1x2xf32> to vector<512x2xf32>
    %add3A_88 = arith.addf %dot_general3A_83, %add3A_87 : vector<512x2xf32>
    %swap3A = arith.constant 0 : index
    %swap3A_89 = arith.constant 0 : index
    %swap3A_90 = vector.load %arg18[%swap3A, %swap3A_89] : memref<512x2xf32, #tpu.memory_space<vmem>>, vector<512x2xf32>
    tpu.vector_store %arg18[%swap3A, %swap3A_89], %add3A_88 {strides = array<i32>} : memref<512x2xf32, #tpu.memory_space<vmem>>, vector<512x2xf32>,
    %get3A_91 = arith.constant 0 : index
    %get3A_92 = arith.constant 0 : index
    %get3A_93 = vector.load %arg14[%get3A_91, %get3A_92] : memref<128x128xf32, #tpu.memory_space<vmem>>, vector<128x128xf32>
    %dot_general3A_94 = arith.constant dense<0.000000e+00> : vector<512x128xf32>
    %dot_general3A_95 = tpu.matmul %add3A_65, %get3A_93, %dot_general3A_94 {dimension_numbers = #tpu.dot_dimension_numbers<[1], [0], [0], [1], [0, 0, 1, 1], [], []>, transpose_lhs_hint = false} : vector<512x128xf32>, vector<128x128xf32>, vector<512x128xf32> -> vector<512x128xf32>
    %get3A_96 = arith.constant 0 : index
    %get3A_97 = arith.constant 0 : index
    %get3A_98 = vector.load %arg15[%get3A_96, %get3A_97] : memref<1x128xf32, #tpu.memory_space<vmem>>, vector<1x128xf32>
    %add3A_99 = vector.broadcast %get3A_98 : vector<1x128xf32> to vector<512x128xf32>
    %add3A_100 = arith.addf %dot_general3A_95, %add3A_99 : vector<512x128xf32>
    %max3A_101 = arith.constant 0.000000e+00 : f32
    %max3A_102 = vector.broadcast %max3A_101 : f32 to vector<512x128xf32>
    %max3A_103 = arith.maximumf %add3A_100, %max3A_102 : vector<512x128xf32>
    %get3A_104 = arith.constant 0 : index
    %get3A_105 = arith.constant 0 : index
    %get3A_106 = vector.load %arg16[%get3A_104, %get3A_105] : memref<128x2xf32, #tpu.memory_space<vmem>>, vector<128x2xf32>
    %dot_general3A_107 = arith.constant dense<0.000000e+00> : vector<512x2xf32>
    %dot_general3A_108 = tpu.matmul %max3A_103, %get3A_106, %dot_general3A_107 {dimension_numbers = #tpu.dot_dimension_numbers<[1], [0], [0], [1], [0, 0, 1, 1], [], []>, transpose_lhs_hint = false} : vector<512x128xf32>, vector<128x2xf32>, vector<512x2xf32> -> vector<512x2xf32>
    %get3A_109 = arith.constant 0 : index
    %get3A_110 = arith.constant 0 : index
    %get3A_111 = vector.load %arg17[%get3A_109, %get3A_110] : memref<1x2xf32, #tpu.memory_space<vmem>>, vector<1x2xf32>
    %add3A_112 = vector.broadcast %get3A_111 : vector<1x2xf32> to vector<512x2xf32>
    %add3A_113 = arith.addf %dot_general3A_108, %add3A_112 : vector<512x2xf32>
    %jit3A = arith.constant -1.000000e+01 : f32
    %jit3A_114 = arith.constant 4.000000e+00 : f32
    %max3A_115 = vector.broadcast %jit3A : f32 to vector<512x2xf32>
    %max3A_116 = arith.maximumf %max3A_115, %add3A_113 : vector<512x2xf32>
    %min3A = vector.broadcast %jit3A_114 : f32 to vector<512x2xf32>
    %min3A_117 = arith.minimumf %min3A, %max3A_116 : vector<512x2xf32>
    %exp3A = math.exp %min3A_117 : vector<512x2xf32>
    %mul3A_118 = arith.mulf %add3A_88, %add3A_88 : vector<512x2xf32>
    %add3A_119 = arith.addf %mul3A_118, %exp3A : vector<512x2xf32>
    %sub3A_120 = arith.subf %add3A_119, %min3A_117 : vector<512x2xf32>
    %sub3A_121 = arith.constant 1.000000e+00 : f32
    %sub3A_122 = vector.broadcast %sub3A_121 : f32 to vector<512x2xf32>
    %sub3A_123 = arith.subf %sub3A_120, %sub3A_122 : vector<512x2xf32>
    %mul3A_124 = arith.constant 5.000000e-01 : f32
    %mul3A_125 = vector.broadcast %mul3A_124 : f32 to vector<512x2xf32>
    %mul3A_126 = arith.mulf %mul3A_125, %sub3A_123 : vector<512x2xf32>
    %reduce_sum3A_127 = arith.constant dense<0.000000e+00> : vector<512xf32>
    %reduce_sum3A_128 = vector.multi_reduction <add>, %mul3A_126, %reduce_sum3A_127 [1] : vector<512x2xf32> to vector<512xf32>
    %broadcast_in_dim3A_129 = vector.shape_cast %reduce_sum3A_128 : vector<512xf32> to vector<512x1xf32>
    %mul3A_130 = arith.constant 512 : i32
    %mul3A_131 = arith.muli %arg0, %mul3A_130 : i32
    %iota3A = tpu.iota {dimensions = array<i32: 0>} : vector<512x1xi32>
    %add3A_132 = vector.broadcast %mul3A_131 : i32 to vector<512x1xi32>
    %add3A_133 = arith.addi %add3A_132, %iota3A : vector<512x1xi32>
    %lt3A = arith.constant 10000 : i32
    %lt3A_134 = vector.broadcast %lt3A : i32 to vector<512x1xi32>
    %lt3A_135 = arith.cmpi slt, %add3A_133, %lt3A_134 : vector<512x1xi32>
    %convert_element_type3A = arith.extui %lt3A_135 : vector<512x1xi1> to vector<512x1xi32>
    %convert_element_type3A_136 = arith.sitofp %convert_element_type3A : vector<512x1xi32> to vector<512x1xf32>
    %mul3A_137 = arith.mulf %broadcast_in_dim3A_129, %convert_element_type3A_136 : vector<512x1xf32>
    %reduce_sum3A_138 = vector.shape_cast %mul3A_137 : vector<512x1xf32> to vector<1x512x1xf32>
    %reduce_sum3A_139 = arith.constant dense<0.000000e+00> : vector<1xf32>
    %reduce_sum3A_140 = vector.multi_reduction <add>, %reduce_sum3A_138, %reduce_sum3A_139 [1, 2] : vector<1x512x1xf32> to vector<1xf32>
    %reduce_sum3A_141 = vector.shape_cast %reduce_sum3A_140 : vector<1xf32> to vector<1x1x1xf32>
    %reduce_sum3A_142 = vector.extract %reduce_sum3A_141[0, 0, 0] : f32 from vector<1x1x1xf32>
    %mul3A_143 = arith.constant 9.99999974E-5 : f32
    %mul3A_144 = arith.mulf %reduce_sum3A_142, %mul3A_143 : f32
    %eq3A = arith.constant 0 : i32
    %eq3A_145 = arith.cmpi eq, %arg0, %eq3A : i32
    %convert_element_type3A_146 = arith.extui %eq3A_145 : i1 to i32
    %cond3A = arith.constant 0 : i32
    %cond3A_147 = arith.cmpi ne, %convert_element_type3A_146, %cond3A : i32
    scf.if %cond3A_147 {
      %broadcast_in_dim3A_156 = arith.constant 0.000000e+00 : f32
      %broadcast_in_dim3A_157 = vector.broadcast %broadcast_in_dim3A_156 : f32 to vector<1x1xf32>
      %swap3A_158 = arith.constant 0 : index
      %swap3A_159 = arith.constant 0 : index
      %swap3A_160 = vector.load %arg19[%swap3A_158, %swap3A_159] : memref<1x1xf32, #tpu.memory_space<vmem>>, vector<1x1xf32>
      tpu.vector_store %arg19[%swap3A_158, %swap3A_159], %broadcast_in_dim3A_157 {strides = array<i32>} : memref<1x1xf32, #tpu.memory_space<vmem>>, vector<1x1xf32>,
    } else {
    }
    %get3A_148 = arith.constant 0 : index
    %get3A_149 = arith.constant 0 : index
    %get3A_150 = vector.load %arg19[%get3A_148, %get3A_149] : memref<1x1xf32, #tpu.memory_space<vmem>>, vector<1x1xf32>
    %add3A_151 = vector.broadcast %mul3A_144 : f32 to vector<1x1xf32>
    %add3A_152 = arith.addf %get3A_150, %add3A_151 : vector<1x1xf32>
    %swap3A_153 = arith.constant 0 : index
    %swap3A_154 = arith.constant 0 : index
    %swap3A_155 = vector.load %arg19[%swap3A_153, %swap3A_154] : memref<1x1xf32, #tpu.memory_space<vmem>>, vector<1x1xf32>
    tpu.vector_store %arg19[%swap3A_153, %swap3A_154], %add3A_152 {strides = array<i32>} : memref<1x1xf32, #tpu.memory_space<vmem>>, vector<1x1xf32>,
    return
  }
  func.func @transform_0(%arg0: i32) -> (i32, i32) {
    %c0_i32 = arith.constant 0 : i32
    %c0_i32_0 = arith.constant 0 : i32
    return %arg0, %c0_i32 : i32, i32
  }
  func.func @transform_1(%arg0: i32) -> (i32, i32, i32) {
    %c0_i32 = arith.constant 0 : i32
    %c0_i32_0 = arith.constant 0 : i32
    %c0_i32_1 = arith.constant 0 : i32
    return %c0_i32, %arg0, %c0_i32_0 : i32, i32, i32
  }
  func.func @transform_2(%arg0: i32) -> (i32, i32) {
    %c0_i32 = arith.constant 0 : i32
    %c0_i32_0 = arith.constant 0 : i32
    %c0_i32_1 = arith.constant 0 : i32
    return %c0_i32, %c0_i32_0 : i32, i32
  }
  func.func @transform_3(%arg0: i32) -> (i32, i32) {
    %c0_i32 = arith.constant 0 : i32
    %c0_i32_0 = arith.constant 0 : i32
    %c0_i32_1 = arith.constant 0 : i32
    return %c0_i32, %c0_i32_0 : i32, i32
  }
  func.func @transform_4(%arg0: i32) -> (i32, i32) {
    %c0_i32 = arith.constant 0 : i32
    %c0_i32_0 = arith.constant 0 : i32
    %c0_i32_1 = arith.constant 0 : i32
    return %c0_i32, %c0_i32_0 : i32, i32
  }
  func.func @transform_5(%arg0: i32) -> (i32, i32) {
    %c0_i32 = arith.constant 0 : i32
    %c0_i32_0 = arith.constant 0 : i32
    %c0_i32_1 = arith.constant 0 : i32
    return %c0_i32, %c0_i32_0 : i32, i32
  }
  func.func @transform_6(%arg0: i32) -> (i32, i32) {
    %c0_i32 = arith.constant 0 : i32
    %c0_i32_0 = arith.constant 0 : i32
    %c0_i32_1 = arith.constant 0 : i32
    return %c0_i32, %c0_i32_0 : i32, i32
  }
  func.func @transform_7(%arg0: i32) -> (i32, i32) {
    %c0_i32 = arith.constant 0 : i32
    %c0_i32_0 = arith.constant 0 : i32
    %c0_i32_1 = arith.constant 0 : i32
    return %c0_i32, %c0_i32_0 : i32, i32
  }
  func.func @transform_8(%arg0: i32) -> (i32, i32) {
    %c0_i32 = arith.constant 0 : i32
    %c0_i32_0 = arith.constant 0 : i32
    %c0_i32_1 = arith.constant 0 : i32
    return %c0_i32, %c0_i32_0 : i32, i32
  }
  func.func @transform_9(%arg0: i32) -> (i32, i32) {
    %c0_i32 = arith.constant 0 : i32
    %c0_i32_0 = arith.constant 0 : i32
    %c0_i32_1 = arith.constant 0 : i32
    return %c0_i32, %c0_i32_0 : i32, i32
  }
  func.func @transform_10(%arg0: i32) -> (i32, i32) {
    %c0_i32 = arith.constant 0 : i32
    %c0_i32_0 = arith.constant 0 : i32
    %c0_i32_1 = arith.constant 0 : i32
    return %c0_i32, %c0_i32_0 : i32, i32
  }
  func.func @transform_11(%arg0: i32) -> (i32, i32) {
    %c0_i32 = arith.constant 0 : i32
    %c0_i32_0 = arith.constant 0 : i32
    %c0_i32_1 = arith.constant 0 : i32
    return %c0_i32, %c0_i32_0 : i32, i32
  }
  func.func @transform_12(%arg0: i32) -> (i32, i32) {
    %c0_i32 = arith.constant 0 : i32
    %c0_i32_0 = arith.constant 0 : i32
    %c0_i32_1 = arith.constant 0 : i32
    return %c0_i32, %c0_i32_0 : i32, i32
  }
  func.func @transform_13(%arg0: i32) -> (i32, i32) {
    %c0_i32 = arith.constant 0 : i32
    %c0_i32_0 = arith.constant 0 : i32
    %c0_i32_1 = arith.constant 0 : i32
    return %c0_i32, %c0_i32_0 : i32, i32
  }
  func.func @transform_14(%arg0: i32) -> (i32, i32) {
    %c0_i32 = arith.constant 0 : i32
    %c0_i32_0 = arith.constant 0 : i32
    %c0_i32_1 = arith.constant 0 : i32
    return %c0_i32, %c0_i32_0 : i32, i32
  }
  func.func @transform_15(%arg0: i32) -> (i32, i32) {
    %c0_i32 = arith.constant 0 : i32
    %c0_i32_0 = arith.constant 0 : i32
    %c0_i32_1 = arith.constant 0 : i32
    return %c0_i32, %c0_i32_0 : i32, i32
  }
  func.func @transform_16(%arg0: i32) -> (i32, i32) {
    %c0_i32 = arith.constant 0 : i32
    %c0_i32_0 = arith.constant 0 : i32
    %c0_i32_1 = arith.constant 0 : i32
    return %c0_i32, %c0_i32_0 : i32, i32
  }
  func.func @transform_17(%arg0: i32) -> (i32, i32) {
    %c0_i32 = arith.constant 0 : i32
    %c0_i32_0 = arith.constant 0 : i32
    return %arg0, %c0_i32 : i32, i32
  }
  func.func @transform_18(%arg0: i32) -> (i32, i32) {
    %c0_i32 = arith.constant 0 : i32
    %c0_i32_0 = arith.constant 0 : i32
    %c0_i32_1 = arith.constant 0 : i32
    return %c0_i32, %c0_i32_0 : i32, i32
  }
}

</mosaic_0001>

<sc_bundles>
// kernel: kernel.12.cloned.1.call-start
scs
__scs_entry_jumppad:
0x0: {  	(pc) =	sbr.rel $0x88, $3  }
0x1: {  	(tag) =	ssettag $0x0;
	lr =	simm.s32 $0x1  }
0x2: {  	[smem:$0x3F70] =	sst lr;
	_ =	strace $0xD0000000  }
0x3: {  	_ = 	snop  }
0x4: {  	_ = 	snop  }
0x5: {  	_ = 	snop  }
0x6: {  	_ = 	snop  }
0x7: {  	_ = 	snop  }
__scs_overlays_trampoline_lowered:
0x8: {  	[smem:$0x3F7F] =	sst s0  }
0x9: {  	[smem:$0x3F80] =	sst s1  }
0xa: {  	[smem:$0x3F81] =	sst s2  }
0xb: {  	[smem:$0x3F82] =	sst s3  }
0xc: {  	[smem:$0x3F83] =	sst s4  }
0xd: {  	[smem:$0x3F84] =	sst s5  }
0xe: {  	[smem:$0x3F85] =	sst s6  }
0xf: {  	[smem:$0x3F86] =	sst s7  }
0x10: {  	[smem:$0x3F87] =	sst s8  }
0x11: {  	[smem:$0x3F88] =	sst s9;
	s0 =	simm.s32 @!p0 $0x0  }
0x12: {  	s1 =	sld [smem:$0x3F6E];
	s0 =	simm.s32 @p0 $0x1  }
0x13: {  	[smem:$0x3F89] =	sst s0;
	s0 =	simm.s32 @!p1 $0x0  }
0x14: {  	s2 =	sld [smem:$0x3F6D];
	s0 =	simm.s32 @p1 $0x1  }
0x15: {  	[smem:$0x3F8A] =	sst s0;
	s0 =	simm.s32 @!p2 $0x0  }
0x16: {  	s3 =	sld [smem:$0x3FDB];
	s0 =	simm.s32 @p2 $0x1  }
0x17: {  	s4 =	simm.s32 $0x1BF5;
	[smem:$0x3F8C] =	sst s0  }
0x18: {  	s0 =	sld [smem:$0x3F6F];
	_ =	swait.ge [sflag:s4], $0x0  }
0x19: {  	s7 =	sld [smem:$0x3F70]  }
0x1a: {  	s8 =	sadd.s32 $0xFFFFE003, lr  }
0x1b: {  	s9 =	sadd.s32 $0xFFFFFEF7, lr;
	s5 =	simm.s32 $0xFFFFFFFF;
	p2 =	slt.u32 s8, $0xFFFFF086  }
0x1c: {  	p1 =	slt.u32 s9, $0xF7A;
	s5 =	simm.s32 @!p2 $0x0  }
0x1d: {  	s5 =	simm.s32 @p1 $0x1;
	p0 =	seq.s32 s7, s2  }
0x1e: {  	s7 =	smul.u32 @!p0 $0xF7A, s2;
	p2 =	seq.s32 @!p0 s5, $0x0  }
0x1f: {  	s9 =	smul.u32 $0xF7A, s1;
	s8 =	simm.s32 @!p0 $0x1BF5;
	p2 =	por !p2, p0  }
0x20: {  	[sflag:s8] =	ssyncset.s32 @!p0 $0xFFFFF086;
	s6 =	sadd.s32 @!p0 s3, s7;
	s7 =	simm.s32 @!p0 $0x108  }
0x21: {  	s3 =	sadd.s32 s3, s9;
	s6 =	sadd.s32 @!p0 $0x88, s6;
	s7 =	simm.s32 @p2 $0x1082  }
0x22: {  	[simem:s7], [sflag:s8] =	dma.local @!p0 [hbm:s6], $0xF7A  }
0x23: {  	s9 =	sor.u32 $0xD0000000, s2;
	s6 =	simm.s32 $0x108;
	_ =	swait.ge @!p0 [sflag:s8], $0x0  }
0x24: {  	s3 =	sadd.s32 $0x88, s3;
	s6 =	simm.s32 @!p1 $0x1082;
	[sflag:s4] =	ssyncset.s32 $0xFFFFF086  }
0x25: {  	[simem:s6], [sflag:s4] =	dma.local [hbm:s3], $0xF7A  }
0x26: {  	[smem:$0x3F70] =	sst s1;
	(tag) =	ssettag s2;
	_ =	strace s9  }
0x27: {  	s1 =	sld [smem:$0x3F80]  }
0x28: {  	s2 =	sld [smem:$0x3F81]  }
0x29: {  	s4 =	sld [smem:$0x3F83]  }
0x2a: {  	p0 =	seq.s32 s5, $0x0;
	s5 =	sld [smem:$0x3F84]  }
0x2b: {  	s6 =	sld [smem:$0x3F85]  }
0x2c: {  	s7 =	sld [smem:$0x3F86]  }
0x2d: {  	s3 =	simm.s32 $0x108;
	s8 =	sld [smem:$0x3F87]  }
0x2e: {  	s3 =	simm.s32 @!p0 $0x1082;
	s9 =	sld [smem:$0x3F88]  }
0x2f: {  	lr =	sadd.s32 s0, s3;
	s0 =	sld [smem:$0x3F7F]  }
0x30: {  	s3 =	sld [smem:$0x3F82]  }
0x31: {  	[smem:$0x3F8B] =	sst s10  }
0x32: {  	s10 =	sld [smem:$0x3F89];
	_ =	sdelay $0x3  }
0x33: {  	p0 =	seq.s32 s10, $0x1;
	s10 =	sld [smem:$0x3F8B];
	_ =	sdelay $0x3  }
0x34: {  	[smem:$0x3F8B] =	sst s10  }
0x35: {  	s10 =	sld [smem:$0x3F8A];
	_ =	sdelay $0x3  }
0x36: {  	p1 =	seq.s32 s10, $0x1;
	s10 =	sld [smem:$0x3F8B];
	_ =	sdelay $0x3  }
0x37: {  	[smem:$0x3F8B] =	sst s10  }
0x38: {  	s10 =	sld [smem:$0x3F8C]  }
0x39: {  	_ = 	snop;
	(pc) =	sbr.ind lr, $3  }
0x3a: {  	_ = 	snop  }
0x3b: {  	_ = 	snop  }
0x3c: {  	p2 =	seq.s32 s10, $0x1;
	s10 =	sld [smem:$0x3F8B]  }
0x3d: {  	_ =	shalt  }
0x3e: {  	_ =	shalt  }
0x3f: {  	_ =	shalt  }
0x40: {  	_ =	shalt  }
0x41: {  	_ =	shalt  }
0x42: {  	_ =	shalt  }
0x43: {  	_ =	shalt  }
0x44: {  	_ =	shalt  }
0x45: {  	_ =	shalt  }
0x46: {  	_ =	shalt  }
0x47: {  	_ =	shalt  }
0x48: {  	_ =	shalt  }
0x49: {  	_ =	shalt  }
0x4a: {  	_ =	shalt  }
0x4b: {  	_ =	shalt  }
0x4c: {  	_ =	shalt  }
0x4d: {  	_ =	shalt  }
0x4e: {  	_ =	shalt  }
0x4f: {  	_ =	shalt  }
0x50: {  	_ =	shalt  }
0x51: {  	_ =	shalt  }
0x52: {  	_ =	shalt  }
0x53: {  	_ =	shalt  }
0x54: {  	_ =	shalt  }
0x55: {  	_ =	shalt  }
0x56: {  	_ =	shalt  }
0x57: {  	_ =	shalt  }
0x58: {  	_ =	shalt  }
0x59: {  	_ =	shalt  }
0x5a: {  	_ =	shalt  }
0x5b: {  	_ =	shalt  }
0x5c: {  	_ =	shalt  }
0x5d: {  	_ =	shalt  }
0x5e: {  	_ =	shalt  }
0x5f: {  	_ =	shalt  }
0x60: {  	_ =	shalt  }
0x61: {  	_ =	shalt  }
0x62: {  	_ =	shalt  }
0x63: {  	_ =	shalt  }
0x64: {  	_ =	shalt  }
0x65: {  	_ =	shalt  }
0x66: {  	_ =	shalt  }
0x67: {  	_ =	shalt  }
0x68: {  	_ =	shalt  }
0x69: {  	_ =	shalt  }
0x6a: {  	_ =	shalt  }
0x6b: {  	_ =	shalt  }
0x6c: {  	_ =	shalt  }
0x6d: {  	_ =	shalt  }
0x6e: {  	_ =	shalt  }
0x6f: {  	_ =	shalt  }
0x70: {  	_ =	shalt  }
0x71: {  	_ =	shalt  }
0x72: {  	_ =	shalt  }
0x73: {  	_ =	shalt  }
0x74: {  	_ =	shalt  }
0x75: {  	_ =	shalt  }
0x76: {  	_ =	shalt  }
0x77: {  	_ =	shalt  }
0x78: {  	_ =	shalt  }
0x79: {  	_ =	shalt  }
0x7a: {  	_ =	shalt  }
0x7b: {  	_ =	shalt  }
0x7c: {  	_ =	shalt  }
0x7d: {  	_ =	shalt  }
0x7e: {  	_ =	shalt  }
0x7f: {  	_ =	shalt  }
0x80: {  	_ =	shalt  }
0x81: {  	_ =	shalt  }
0x82: {  	_ =	shalt  }
0x83: {  	_ =	shalt  }
0x84: {  	_ =	shalt  }
0x85: {  	_ =	shalt  }
0x86: {  	_ =	shalt  }
0x87: {  	_ =	shalt  }
.Lfunc_end0:
.L_simem_size_0:
called_computation_lowered:
.L_overlay_start_0:
0x88: {  	s2 =	sld [smem:$0x3FD9]  }
0x89: {  	s3 =	sld [smem:$0x3FFE];
	_ =	sdelay $0x1  }
0x8a: {  	s1 =	srdreg.scid  }
0x8b: {  	s0 =	sand.u32 $0x1, s1  }
0x8c: {  	s16 =	sshll.u32 s0, $0xA;
	s2 =	sadd.s32 s3, s2  }
0x8d: {  	s2 =	sadd.s32 s2, s16  }
0x8e: {  	[smem:$0x3F97] =	sst s2  }
0x8f: {  	_ = 	snop  }
0x90: {  	(tm) =	ssettm $0x1  }
0x91: {  	s17 =	sld [smem:$0x3FFB];
	_ =	sdelay $0x3  }
0x92: {  	_ =	strace s17  }
0x93: {  	s2 =	sld [smem:$0x3FFC];
	_ =	sdelay $0x3  }
0x94: {  	_ =	strace s2  }
0x95: {  	s2 =	sld [smem:$0x3FFD];
	_ =	sdelay $0x3  }
0x96: {  	_ =	strace s2  }
0x97: {  	_ =	strace $0x8FFFFFFF  }
0x98: {  	s18 =	sld [smem:$0x3FDB];
	_ =	sdelay $0x1  }
0x99: {  	s19 =	simm.s32 $_scs_section_size  }
0x9a: {  	s4 =	simm.s32 $_size__tile_overlayer_lowered;
	s5 =	simm.s32 $_tile_overlayer_lowered  }
0x9b: {  	s22 =	simm.s32 $0x1BFF;
	s21 =	sshll.u32 s5, $0x1;
	s2 =	sadd.s32 s19, s18  }
0x9c: {  	s6 =	simm.s32 $0x0;
	s20 =	sshll.u32 s4, $0x1;
	s4 =	sadd.s32 s21, s2  }
0x9d: {  	[timem:s6], [sflag:s22] =	dma.local [hbm:s4], s20  }
0x9e: {  	_ =	swait.ge [sflag:s22], s20  }
0x9f: {  	s3 =	ssub.s32 $0x0, s20;
	[sflag:s22] =	ssyncset.done $0x0  }
0xa0: {  	[sflag:s22] =	ssyncadd.s32 s3;
	_ =	sdelay $0x1  }
0xa1: {  	s23 =	simm.s32 $0x1B8B  }
0xa2: {  	_ =	swait.ge [sflag:s23], $0x1  }
0xa3: {  	[sflag:s23] =	ssyncset.done $0x0  }
0xa4: {  	s25 =	simm.s32 $0x1B8E;
	s24 =	sld [smem:$0x3FFE];
	[sflag:s23] =	ssyncadd.s32 $0xFFFFFFFF  }
0xa5: {  	s26 =	simm.s32 $execute0_lowered;
	[smem:$0x3FD2] =	sst s25  }
0xa6: {  	s4 =	sshll.u32 s26, $0x1;
	_ =	strace $0x80000046;
	[dreg:$0x1] =	wrdreg $0xFFFFFFFF  }
0xa7: {  	s28 =	simm.s32 $_size_execute0_lowered;
	s2 =	sadd.s32 s2, s4;
	[dreg:$0x0] =	wrdreg $0x0  }
0xa8: {  	s4 =	sshll.u32 s28, $0x1;
	[dreg:$0x2] =	wrdreg s2  }
0xa9: {  	[dreg:$0x3] =	wrdreg s4  }
0xaa: {  	[dreg:$0x4] =	wrdreg $0xC0  }
0xab: {  	_ =	task [dreg:s6], $0x5FFFF  }
0xac: {  	[dreg:$0x1] =	wrdreg $0xFFFFFFFF  }
0xad: {  	[dreg:$0x0] =	wrdreg $0x60  }
0xae: {  	[dreg:$0x2] =	wrdreg s24  }
0xaf: {  	[dreg:$0x3] =	wrdreg $0x9  }
0xb0: {  	_ =	task.clear_ibuf [dreg:s6], $0x4FFFF;
	_ =	strace $0x90000046  }
0xb1: {  	s29 =	simm.s32 $0x9;
	_ =	strace $0x80000048  }
0xb2: {  	_ =	swait.ge [sflag:s29], $0x1  }
0xb3: {  	[sflag:s29] =	ssyncadd.s32 $0xFFFFFFFF  }
0xb4: {  	_ =	strace $0x90000048  }
0xb5: {  	_ =	sfence  }
0xb6: {  	s30 =	sld [smem:$0x0];
	_ =	sdelay $0x2  }
0xb7: {  	s31 =	sshll.u32 s1, $0xD;
	s1 =	sshrl.u32 s1, $0x2  }
0xb8: {  	s3 =	sand.u32 $0x4000, s31;
	s1 =	sadd.s32 s1, s30  }
0xb9: {  	s0 =	sor.u32 s3, s0;
	s1 =	sshll.u32 s1, $0x11  }
0xba: {  	s0 =	sor.u32 s1, s0  }
0xbb: {  	s0 =	sadd.s32 $0x8F2B, s0  }
0xbc: {  	[sflag:s0] =	ssyncadd.remote.s32 $0x1  }
0xbd: {  	_ =	sfence.sel $0xFFFF  }
0xbe: {  	[dreg:$0x0] =	wrdreg $0xFFFFFFFF;
	(pc) =	sbr.abs _section_cstart, $3  }
0xbf: {  	[dreg:$0x1] =	wrdreg $0xFFFFFFFF  }
0xc0: {  	_ =	task.clear_ibuf [dreg:s6], $0x2FFFF;
	_ =	strace $0x9FFFFFFF  }
0xc1: {  	(tm) =	ssettm $0x7FFFFFFF  }
tec
execute0_lowered:
.L_overlay_start_1:
0x0: {  	(tag) =	ssettag $0x1  }
0x1: {  	s1 =	srdreg.scid  }
0x2: {  	s0 =	stileid.u32;
	s6 =	rddreg [dreg:$0x0];
	s2 =	simm.s32 $0x0  }
0x3: {  	s10 =	simm.s32 $0x7;
	s11 =	simm.s32 $0x2780;
	s12 =	simm.s32 $0x50  }
0x4: {  	s13 =	simm.s32 $0x4F00;
	s14 =	simm.s32 $0x9F00;
	s15 =	simm.s32 $0x1  }
0x5: {  	s16 =	simm.s32 $0x3;
	s17 =	simm.s32 $0x7700;
	s18 =	simm.s32 $0xC700  }
0x6: {  	s19 =	simm.s32 $0x2;
	s7 =	sand.u32 $0x1, s1;
	s3 =	sshll.u32 s0, $0x1  }
0x7: {  	s20 =	simm.s32 $0x4;
	s21 =	simm.s32 $0x5;
	s3 =	sor.u32 s7, s3  }
0x8: {  	s22 =	simm.s32 $0x6;
	s23 =	simm.s32 $0x0;
	s3 =	smul.u32 $0x2710, s3  }
.Ltmp0:
0x9: {  	s1 =	rddreg [dreg:$0x1];
	s7 =	ssub.s32 $0x2, s7;
	(pc) =	sbr.rel .LBB2_1-.Ltmp0, $4  }
0xa: {  	[smem:$0x7FF] =	sst s2;
	s4 =	sadd.s32 $0x1D400, s6;
	s9 =	sshrl.u32 s7, $0x1  }
0xb: {  	s5 =	sadd.s32 $0x6D400, s6;
	s9 =	ssub.s32 s7, s9;
	s8 =	sshrl.u32 s3, $0x3  }
0xc: {  	_ =	strace $0x80000047;
	s9 =	smax.u32 s9, $0x1;
	s8 =	sadd.s32 s8, s6  }
0xd: {  	s6 =	sadd.s32 $0xE5400, s6;
	s7 =	sadd.s32 $0x13600, s8;
	s8 =	sadd.s32 $0x9800, s8  }
.LBB2_9:
0xe: {  	s23 =	sadd.s32 $0x1, s23  }
0xf: {  	_ =	swait.ge [sflag:s22], $0x2800;
	p0 =	sne.s32 s23, s9  }
.Ltmp1:
0x10: {  	[sflag:s22] =	ssyncset.done $0x0;
	(pc) =	sbr.rel @!p0 .LBB2_10-.Ltmp1, $4  }
0x11: {  	[sflag:s22] =	ssyncadd.s32 $0xFFFFD800  }
0x12: {  	_ =	swait.ge [sflag:s21], $0x2800  }
0x13: {  	[sflag:s21] =	ssyncset.done $0x0  }
0x14: {  	[sflag:s21] =	ssyncadd.s32 $0xFFFFD800  }
.LBB2_1:
0x15: {  	[tilespmem:s2], [sflag:$0x7] =	stream.linear.gather [hbm4b:s7+s2], $0x2710, $0x38;
	[tilespmem:$0xEF00] =	vst v63  }
0x16: {  	_ =	swait.ge [sflag:s10], $0x2710  }
0x17: {  	[sflag:s10] =	ssyncset.done $0x0  }
0x18: {  	[sflag:s10] =	ssyncadd.s32 $0xFFFFD8F0  }
0x19: {  	[tilespmem:s11], [sflag:$0x7] =	stream.linear.gather [hbm4b:s8+s2], $0x2710, $0x38;
	[tilespmem:$0xEF00] =	vst v63  }
0x1a: {  	_ =	swait.ge [sflag:s10], $0x2710  }
.Ltmp2:
0x1b: {  	[sflag:s10] =	ssyncset.done $0x0;
	(pc) =	sbr.rel .LBB2_2-.Ltmp2, $4  }
0x1c: {  	[sflag:s10] =	ssyncadd.s32 $0xFFFFD8F0  }
0x1d: {  	[tilespmem:s13], [sflag:$0x1] =	stream.indirect.gather [hbm4b:s4+s12], $0x80, s2, s12, $0xb8;
	[tilespmem:$0xEF00] =	vst v63  }
0x1e: {  	s24 =	simm.s32 $0x0  }
0x1f: {  	[tilespmem:s14], [sflag:$0x3] =	stream.indirect.gather [hbm4b:s5+s12], $0x80, s11, s12, $0xb8;
	[tilespmem:$0xEF00] =	vst v63  }
.LBB2_8:
0x20: {  	s24 =	sadd.s32 $0x1, s24  }
0x21: {  	p0 =	sne.s32 s24, $0x3F  }
.Ltmp3:
0x22: {  	_ = 	snop;
	(pc) =	sbr.rel @!p0 .LBB2_9-.Ltmp3, $1  }
0x23: {  	_ =	sdelay $0x3  }
.LBB2_2:
0x24: {  	_ =	swait.ge [sflag:s15], $0x2800  }
0x25: {  	[sflag:s15] =	ssyncset.done $0x0  }
0x26: {  	[sflag:s15] =	ssyncadd.s32 $0xFFFFD800  }
0x27: {  	_ =	swait.ge [sflag:s16], $0x2800  }
0x28: {  	[sflag:s16] =	ssyncset.done $0x0  }
0x29: {  	s26 =	simm.s32 $0x0;
	[sflag:s16] =	ssyncadd.s32 $0xFFFFD800  }
0x2a: {  	v6 =	vld [tilespmem:s26+$0x9F00]  }
0x2b: {  	v11 =	vld [tilespmem:s26+$0x9F10]  }
0x2c: {  	v5 =	vld [tilespmem:s26+$0x9F20]  }
0x2d: {  	v4 =	vld [tilespmem:s26+$0x9F30]  }
0x2e: {  	v3 =	vld [tilespmem:s26+$0x9F40]  }
0x2f: {  	v2 =	vld [tilespmem:s26+$0x9F50]  }
0x30: {  	v1 =	vld [tilespmem:s26+$0x9F60]  }
0x31: {  	v0 =	vld [tilespmem:s26+$0x9F70]  }
0x32: {  	v12 =	vld [tilespmem:s26+$0x4F00]  }
0x33: {  	v13 =	vld [tilespmem:s26+$0x4F10]  }
0x34: {  	v10 =	vld [tilespmem:s26+$0x4F20]  }
0x35: {  	v9 =	vld [tilespmem:s26+$0x4F30]  }
0x36: {  	v8 =	vld [tilespmem:s26+$0x4F40]  }
0x37: {  	v7 =	vld [tilespmem:s26+$0x4F50];
	v12 =	vadd.f32 v6, v12  }
0x38: {  	s25 =	simm.s32 $0x200;
	v11 =	vadd.f32 v11, v13;
	v6 =	vld [tilespmem:s26+$0x4F60]  }
.LBB2_3:
0x39: {  	s28 =	sshra.s32 s25, $0x2;
	p0 =	sne.s32 s25, $0x9E00;
	[tilespmem:s26+$0x4F00] =	vst v12;
	v5 =	vadd.f32 v5, v10;
	v10 =	vld [tilespmem:s26+$0x4F70]  }
0x3a: {  	v12 =	vld [tilespmem:s28+$0x9F00];
	[tilespmem:s26+$0x4F10] =	vst v11;
	v4 =	vadd.f32 v4, v9  }
0x3b: {  	v11 =	vld [tilespmem:s28+$0x9F10];
	[tilespmem:s26+$0x4F20] =	vst v5;
	v3 =	vadd.f32 v3, v8  }
0x3c: {  	v5 =	vld [tilespmem:s28+$0x9F20];
	[tilespmem:s26+$0x4F30] =	vst v4;
	v2 =	vadd.f32 v2, v7  }
0x3d: {  	v4 =	vld [tilespmem:s28+$0x9F30];
	[tilespmem:s26+$0x4F40] =	vst v3;
	v1 =	vadd.f32 v1, v6  }
0x3e: {  	v3 =	vld [tilespmem:s28+$0x9F40];
	[tilespmem:s26+$0x4F50] =	vst v2;
	v0 =	vadd.f32 v0, v10  }
0x3f: {  	v2 =	vld [tilespmem:s28+$0x9F50];
	[tilespmem:s26+$0x4F60] =	vst v1  }
0x40: {  	v1 =	vld [tilespmem:s28+$0x9F60];
	[tilespmem:s26+$0x4F70] =	vst v0;
	s26 =	smov.u32 s28  }
0x41: {  	v0 =	vld [tilespmem:s26+$0x9F70]  }
0x42: {  	v6 =	vld [tilespmem:s26+$0x4F00]  }
0x43: {  	v13 =	vld [tilespmem:s26+$0x4F10]  }
.Ltmp4:
0x44: {  	v10 =	vld [tilespmem:s26+$0x4F20];
	(pc) =	sbr.rel @p0 .LBB2_3-.Ltmp4, $4  }
0x45: {  	v9 =	vld [tilespmem:s26+$0x4F30]  }
0x46: {  	v8 =	vld [tilespmem:s26+$0x4F40]  }
0x47: {  	v12 =	vadd.f32 v12, v6;
	v7 =	vld [tilespmem:s26+$0x4F50]  }
0x48: {  	s25 =	sadd.s32 $0x200, s25;
	v11 =	vadd.f32 v11, v13;
	v6 =	vld [tilespmem:s26+$0x4F60]  }
0x49: {  	[tilespmem:s26+$0x4F00] =	vst v12;
	v5 =	vadd.f32 v5, v10;
	v63 =	vld [tilespmem:s26+$0x4F70]  }
0x4a: {  	[tilespmem:s26+$0x4F10] =	vst v11;
	v4 =	vadd.f32 v4, v9  }
0x4b: {  	[tilespmem:s26+$0x4F20] =	vst v5;
	v3 =	vadd.f32 v3, v8  }
0x4c: {  	[tilespmem:s26+$0x4F30] =	vst v4;
	v2 =	vadd.f32 v2, v7  }
0x4d: {  	[tilespmem:s26+$0x4F40] =	vst v3;
	v1 =	vadd.f32 v1, v6  }
0x4e: {  	[tilespmem:s26+$0x4F50] =	vst v2;
	v0 =	vadd.f32 v0, v63  }
0x4f: {  	[tilespmem:s26+$0x4F60] =	vst v1  }
0x50: {  	[tilespmem:s26+$0x4F70] =	vst v0;
	s26 =	sshllo.u32 s24, $0x1  }
0x51: {  	s25 =	smul.u32 $0xA0, s24;
	p0 =	sgt.u32 s26, $0x7C  }
.Ltmp5:
0x52: {  	_ = 	snop;
	(pc) =	sbr.rel @p0 .LBB2_8-.Ltmp5, $4  }
0x53: {  	s28 =	sadd.s32 s3, s25  }
0x54: {  	s28 =	sshll.u32 s28, $0x4  }
0x55: {  	s31 =	sadd.s32 s6, s28  }
0x56: {  	[hbm4b:s31+s2] =	stream.linear.scatter [tilespmem:s13], [sflag:$0x5], $0x2800, $0x38;
	[tilespmem:$0xEF00] =	vst v63  }
0x57: {  	p0 =	seq.s32 s24, $0x0  }
0x58: {  	s28 =	simm.s32 @!p0 $0x6  }
0x59: {  	_ =	swait.ge @!p0 [sflag:s28], $0x2800  }
0x5a: {  	s26 =	smul.u32 $0x50, s26;
	[sflag:s28] =	ssyncset.done @!p0 $0x0  }
0x5b: {  	[sflag:s28] =	ssyncadd.s32 @!p0 $0xFFFFD800  }
0x5c: {  	[tilespmem:s17], [sflag:$0x2] =	stream.indirect.gather [hbm4b:s4+s12], $0x80, s26, s12, $0xb8;
	[tilespmem:$0xEF00] =	vst v63  }
0x5d: {  	s28 =	sadd.s32 $0x2780, s26  }
0x5e: {  	[tilespmem:s18], [sflag:$0x4] =	stream.indirect.gather [hbm4b:s5+s12], $0x80, s28, s12, $0xb8;
	[tilespmem:$0xEF00] =	vst v63  }
0x5f: {  	_ =	swait.ge [sflag:s19], $0x2800  }
0x60: {  	[sflag:s19] =	ssyncset.done $0x0  }
0x61: {  	[sflag:s19] =	ssyncadd.s32 $0xFFFFD800  }
0x62: {  	_ =	swait.ge [sflag:s20], $0x2800  }
0x63: {  	[sflag:s20] =	ssyncset.done $0x0  }
0x64: {  	s28 =	simm.s32 $0x0;
	[sflag:s20] =	ssyncadd.s32 $0xFFFFD800  }
0x65: {  	v7 =	vld [tilespmem:s28+$0xC700]  }
0x66: {  	v11 =	vld [tilespmem:s28+$0xC710]  }
0x67: {  	v5 =	vld [tilespmem:s28+$0xC720]  }
0x68: {  	v4 =	vld [tilespmem:s28+$0xC730]  }
0x69: {  	v3 =	vld [tilespmem:s28+$0xC740]  }
0x6a: {  	v2 =	vld [tilespmem:s28+$0xC750]  }
0x6b: {  	v1 =	vld [tilespmem:s28+$0xC760]  }
0x6c: {  	v0 =	vld [tilespmem:s28+$0xC770]  }
0x6d: {  	v12 =	vld [tilespmem:s28+$0x7700]  }
0x6e: {  	v13 =	vld [tilespmem:s28+$0x7710]  }
0x6f: {  	v10 =	vld [tilespmem:s28+$0x7720]  }
0x70: {  	v9 =	vld [tilespmem:s28+$0x7730]  }
0x71: {  	v8 =	vld [tilespmem:s28+$0x7740]  }
0x72: {  	v6 =	vld [tilespmem:s28+$0x7750];
	v12 =	vadd.f32 v7, v12  }
0x73: {  	s29 =	simm.s32 $0x200;
	v11 =	vadd.f32 v11, v13;
	v7 =	vld [tilespmem:s28+$0x7760]  }
.LBB2_6:
0x74: {  	s30 =	sshra.s32 s29, $0x2;
	p0 =	sne.s32 s29, $0x9E00;
	[tilespmem:s28+$0x7700] =	vst v12;
	v5 =	vadd.f32 v5, v10;
	v10 =	vld [tilespmem:s28+$0x7770]  }
0x75: {  	v12 =	vld [tilespmem:s30+$0xC700];
	[tilespmem:s28+$0x7710] =	vst v11;
	v4 =	vadd.f32 v4, v9  }
0x76: {  	v11 =	vld [tilespmem:s30+$0xC710];
	[tilespmem:s28+$0x7720] =	vst v5;
	v3 =	vadd.f32 v3, v8  }
0x77: {  	v5 =	vld [tilespmem:s30+$0xC720];
	[tilespmem:s28+$0x7730] =	vst v4;
	v2 =	vadd.f32 v2, v6  }
0x78: {  	v4 =	vld [tilespmem:s30+$0xC730];
	[tilespmem:s28+$0x7740] =	vst v3;
	v1 =	vadd.f32 v1, v7  }
0x79: {  	v3 =	vld [tilespmem:s30+$0xC740];
	[tilespmem:s28+$0x7750] =	vst v2;
	v0 =	vadd.f32 v0, v10  }
0x7a: {  	v2 =	vld [tilespmem:s30+$0xC750];
	[tilespmem:s28+$0x7760] =	vst v1  }
0x7b: {  	v1 =	vld [tilespmem:s30+$0xC760];
	[tilespmem:s28+$0x7770] =	vst v0;
	s28 =	smov.u32 s30  }
0x7c: {  	v0 =	vld [tilespmem:s28+$0xC770]  }
0x7d: {  	v6 =	vld [tilespmem:s28+$0x7700]  }
0x7e: {  	v7 =	vld [tilespmem:s28+$0x7710]  }
.Ltmp6:
0x7f: {  	v10 =	vld [tilespmem:s28+$0x7720];
	(pc) =	sbr.rel @p0 .LBB2_6-.Ltmp6, $4  }
0x80: {  	v9 =	vld [tilespmem:s28+$0x7730]  }
0x81: {  	v8 =	vld [tilespmem:s28+$0x7740]  }
0x82: {  	v12 =	vadd.f32 v12, v6;
	v6 =	vld [tilespmem:s28+$0x7750]  }
0x83: {  	s29 =	sadd.s32 $0x200, s29;
	v11 =	vadd.f32 v11, v7;
	v7 =	vld [tilespmem:s28+$0x7760]  }
0x84: {  	[tilespmem:s28+$0x7700] =	vst v12;
	v5 =	vadd.f32 v5, v10;
	v63 =	vld [tilespmem:s28+$0x7770]  }
0x85: {  	[tilespmem:s28+$0x7710] =	vst v11;
	v4 =	vadd.f32 v4, v9  }
0x86: {  	[tilespmem:s28+$0x7720] =	vst v5;
	v3 =	vadd.f32 v3, v8  }
0x87: {  	[tilespmem:s28+$0x7730] =	vst v4;
	v2 =	vadd.f32 v2, v6  }
0x88: {  	[tilespmem:s28+$0x7740] =	vst v3;
	v1 =	vadd.f32 v1, v7  }
0x89: {  	s26 =	sadd.s32 s3, s26;
	[tilespmem:s28+$0x7750] =	vst v2;
	v0 =	vadd.f32 v0, v63  }
0x8a: {  	s26 =	sshll.u32 s26, $0x4;
	[tilespmem:s28+$0x7760] =	vst v1  }
0x8b: {  	s26 =	sadd.s32 s6, s26;
	[tilespmem:s28+$0x7770] =	vst v0  }
0x8c: {  	[hbm4b:s26+s2] =	stream.linear.scatter [tilespmem:s17], [sflag:$0x6], $0x2800, $0x38;
	[tilespmem:$0xEF00] =	vst v63  }
0x8d: {  	_ =	swait.ge [sflag:s21], $0x2800  }
.Ltmp7:
0x8e: {  	[sflag:s21] =	ssyncset.done $0x0;
	(pc) =	sbr.rel .LBB2_8-.Ltmp7, $4  }
0x8f: {  	s30 =	sadd.s32 $0xA0, s25;
	[sflag:s21] =	ssyncadd.s32 $0xFFFFD800  }
0x90: {  	[tilespmem:s13], [sflag:$0x1] =	stream.indirect.gather [hbm4b:s4+s12], $0x80, s30, s12, $0xb8;
	[tilespmem:$0xEF00] =	vst v63  }
0x91: {  	s31 =	sadd.s32 $0x2820, s25  }
0x92: {  	[tilespmem:s14], [sflag:$0x3] =	stream.indirect.gather [hbm4b:s5+s12], $0x80, s31, s12, $0xb8;
	[tilespmem:$0xEF00] =	vst v63  }
.LBB2_10:
0x93: {  	_ =	sfence.sel $0x180000  }
0x94: {  	[bflag:$0x0] =	sbarrier.arrive $0xFFFF  }
0x95: {  	p0 =	sne.s32 s0, $0x0;
	_ =	strace $0x90000047  }
0x96: {  	s0 =	sadd.s32 @!p0 $0x100000, s1;
	[bflag:$0x2] =	sbarrier.arrive $0xFFFF  }
0x97: {  	[sflag:s0] =	ssyncadd.tile.s32 @!p0 $0x1;
	_ =	shalt  }
.Lfunc_end2:
_tile_overlayer_lowered:
.L_overlay_start_2:
0x98: {  	(tag) =	ssettag $0x2  }
0x99: {  	s0 =	rddreg [dreg:$0x0];
	s2 =	stileid.u32  }
0x9a: {  	s1 =	rddreg [dreg:$0x1];
	p0 =	sne.s32 s2, $0x0  }
0x9b: {  	s3 =	rddreg [dreg:$0x2];
	[bflag:$0x3] =	sbarrier.arrive $0xFFFF;
	s2 =	simm.s32 @!p0 $0x1C07  }
0x9c: {  	[timem:s3], [sflag:s2] =	dma.local @!p0 [hbm:s0], s1  }
0x9d: {  	s0 =	simm.s32 @!p0 $0x7  }
0x9e: {  	_ =	swait.ge @!p0 [sflag:s0], s1  }
0x9f: {  	s1 =	ssub.s32 @!p0 $0x0, s1;
	[sflag:s0] =	ssyncset.done @!p0 $0x0  }
0xa0: {  	[sflag:s0] =	ssyncadd.s32 @!p0 s1  }
0xa1: {  	[bflag:$0x3] =	sbarrier.arrive $0xFFFF  }
0xa2: {  	_ =	shalt  }

// kernel: kernel.15.cloned.1.call-start
scs
__scs_entry_jumppad:
0x0: {  	(pc) =	sbr.rel $0x88, $3  }
0x1: {  	(tag) =	ssettag $0x0;
	lr =	simm.s32 $0x1  }
0x2: {  	[smem:$0x3F70] =	sst lr;
	_ =	strace $0xD0000000  }
0x3: {  	_ = 	snop  }
0x4: {  	_ = 	snop  }
0x5: {  	_ = 	snop  }
0x6: {  	_ = 	snop  }
0x7: {  	_ = 	snop  }
__scs_overlays_trampoline_lowered:
0x8: {  	[smem:$0x3F7F] =	sst s0  }
0x9: {  	[smem:$0x3F80] =	sst s1  }
0xa: {  	[smem:$0x3F81] =	sst s2  }
0xb: {  	[smem:$0x3F82] =	sst s3  }
0xc: {  	[smem:$0x3F83] =	sst s4  }
0xd: {  	[smem:$0x3F84] =	sst s5  }
0xe: {  	[smem:$0x3F85] =	sst s6  }
0xf: {  	[smem:$0x3F86] =	sst s7  }
0x10: {  	[smem:$0x3F87] =	sst s8  }
0x11: {  	[smem:$0x3F88] =	sst s9;
	s0 =	simm.s32 @!p0 $0x0  }
0x12: {  	s1 =	sld [smem:$0x3F6E];
	s0 =	simm.s32 @p0 $0x1  }
0x13: {  	[smem:$0x3F89] =	sst s0;
	s0 =	simm.s32 @!p1 $0x0  }
0x14: {  	s2 =	sld [smem:$0x3F6D];
	s0 =	simm.s32 @p1 $0x1  }
0x15: {  	[smem:$0x3F8A] =	sst s0;
	s0 =	simm.s32 @!p2 $0x0  }
0x16: {  	s3 =	sld [smem:$0x3FDB];
	s0 =	simm.s32 @p2 $0x1  }
0x17: {  	s4 =	simm.s32 $0x1BF5;
	[smem:$0x3F8C] =	sst s0  }
0x18: {  	s0 =	sld [smem:$0x3F6F];
	_ =	swait.ge [sflag:s4], $0x0  }
0x19: {  	s7 =	sld [smem:$0x3F70]  }
0x1a: {  	s8 =	sadd.s32 $0xFFFFE003, lr  }
0x1b: {  	s9 =	sadd.s32 $0xFFFFFEF7, lr;
	s5 =	simm.s32 $0xFFFFFFFF;
	p2 =	slt.u32 s8, $0xFFFFF086  }
0x1c: {  	p1 =	slt.u32 s9, $0xF7A;
	s5 =	simm.s32 @!p2 $0x0  }
0x1d: {  	s5 =	simm.s32 @p1 $0x1;
	p0 =	seq.s32 s7, s2  }
0x1e: {  	s7 =	smul.u32 @!p0 $0xF7A, s2;
	p2 =	seq.s32 @!p0 s5, $0x0  }
0x1f: {  	s9 =	smul.u32 $0xF7A, s1;
	s8 =	simm.s32 @!p0 $0x1BF5;
	p2 =	por !p2, p0  }
0x20: {  	[sflag:s8] =	ssyncset.s32 @!p0 $0xFFFFF086;
	s6 =	sadd.s32 @!p0 s3, s7;
	s7 =	simm.s32 @!p0 $0x108  }
0x21: {  	s3 =	sadd.s32 s3, s9;
	s6 =	sadd.s32 @!p0 $0x88, s6;
	s7 =	simm.s32 @p2 $0x1082  }
0x22: {  	[simem:s7], [sflag:s8] =	dma.local @!p0 [hbm:s6], $0xF7A  }
0x23: {  	s9 =	sor.u32 $0xD0000000, s2;
	s6 =	simm.s32 $0x108;
	_ =	swait.ge @!p0 [sflag:s8], $0x0  }
0x24: {  	s3 =	sadd.s32 $0x88, s3;
	s6 =	simm.s32 @!p1 $0x1082;
	[sflag:s4] =	ssyncset.s32 $0xFFFFF086  }
0x25: {  	[simem:s6], [sflag:s4] =	dma.local [hbm:s3], $0xF7A  }
0x26: {  	[smem:$0x3F70] =	sst s1;
	(tag) =	ssettag s2;
	_ =	strace s9  }
0x27: {  	s1 =	sld [smem:$0x3F80]  }
0x28: {  	s2 =	sld [smem:$0x3F81]  }
0x29: {  	s4 =	sld [smem:$0x3F83]  }
0x2a: {  	p0 =	seq.s32 s5, $0x0;
	s5 =	sld [smem:$0x3F84]  }
0x2b: {  	s6 =	sld [smem:$0x3F85]  }
0x2c: {  	s7 =	sld [smem:$0x3F86]  }
0x2d: {  	s3 =	simm.s32 $0x108;
	s8 =	sld [smem:$0x3F87]  }
0x2e: {  	s3 =	simm.s32 @!p0 $0x1082;
	s9 =	sld [smem:$0x3F88]  }
0x2f: {  	lr =	sadd.s32 s0, s3;
	s0 =	sld [smem:$0x3F7F]  }
0x30: {  	s3 =	sld [smem:$0x3F82]  }
0x31: {  	[smem:$0x3F8B] =	sst s10  }
0x32: {  	s10 =	sld [smem:$0x3F89];
	_ =	sdelay $0x3  }
0x33: {  	p0 =	seq.s32 s10, $0x1;
	s10 =	sld [smem:$0x3F8B];
	_ =	sdelay $0x3  }
0x34: {  	[smem:$0x3F8B] =	sst s10  }
0x35: {  	s10 =	sld [smem:$0x3F8A];
	_ =	sdelay $0x3  }
0x36: {  	p1 =	seq.s32 s10, $0x1;
	s10 =	sld [smem:$0x3F8B];
	_ =	sdelay $0x3  }
0x37: {  	[smem:$0x3F8B] =	sst s10  }
0x38: {  	s10 =	sld [smem:$0x3F8C]  }
0x39: {  	_ = 	snop;
	(pc) =	sbr.ind lr, $3  }
0x3a: {  	_ = 	snop  }
0x3b: {  	_ = 	snop  }
0x3c: {  	p2 =	seq.s32 s10, $0x1;
	s10 =	sld [smem:$0x3F8B]  }
0x3d: {  	_ =	shalt  }
0x3e: {  	_ =	shalt  }
0x3f: {  	_ =	shalt  }
0x40: {  	_ =	shalt  }
0x41: {  	_ =	shalt  }
0x42: {  	_ =	shalt  }
0x43: {  	_ =	shalt  }
0x44: {  	_ =	shalt  }
0x45: {  	_ =	shalt  }
0x46: {  	_ =	shalt  }
0x47: {  	_ =	shalt  }
0x48: {  	_ =	shalt  }
0x49: {  	_ =	shalt  }
0x4a: {  	_ =	shalt  }
0x4b: {  	_ =	shalt  }
0x4c: {  	_ =	shalt  }
0x4d: {  	_ =	shalt  }
0x4e: {  	_ =	shalt  }
0x4f: {  	_ =	shalt  }
0x50: {  	_ =	shalt  }
0x51: {  	_ =	shalt  }
0x52: {  	_ =	shalt  }
0x53: {  	_ =	shalt  }
0x54: {  	_ =	shalt  }
0x55: {  	_ =	shalt  }
0x56: {  	_ =	shalt  }
0x57: {  	_ =	shalt  }
0x58: {  	_ =	shalt  }
0x59: {  	_ =	shalt  }
0x5a: {  	_ =	shalt  }
0x5b: {  	_ =	shalt  }
0x5c: {  	_ =	shalt  }
0x5d: {  	_ =	shalt  }
0x5e: {  	_ =	shalt  }
0x5f: {  	_ =	shalt  }
0x60: {  	_ =	shalt  }
0x61: {  	_ =	shalt  }
0x62: {  	_ =	shalt  }
0x63: {  	_ =	shalt  }
0x64: {  	_ =	shalt  }
0x65: {  	_ =	shalt  }
0x66: {  	_ =	shalt  }
0x67: {  	_ =	shalt  }
0x68: {  	_ =	shalt  }
0x69: {  	_ =	shalt  }
0x6a: {  	_ =	shalt  }
0x6b: {  	_ =	shalt  }
0x6c: {  	_ =	shalt  }
0x6d: {  	_ =	shalt  }
0x6e: {  	_ =	shalt  }
0x6f: {  	_ =	shalt  }
0x70: {  	_ =	shalt  }
0x71: {  	_ =	shalt  }
0x72: {  	_ =	shalt  }
0x73: {  	_ =	shalt  }
0x74: {  	_ =	shalt  }
0x75: {  	_ =	shalt  }
0x76: {  	_ =	shalt  }
0x77: {  	_ =	shalt  }
0x78: {  	_ =	shalt  }
0x79: {  	_ =	shalt  }
0x7a: {  	_ =	shalt  }
0x7b: {  	_ =	shalt  }
0x7c: {  	_ =	shalt  }
0x7d: {  	_ =	shalt  }
0x7e: {  	_ =	shalt  }
0x7f: {  	_ =	shalt  }
0x80: {  	_ =	shalt  }
0x81: {  	_ =	shalt  }
0x82: {  	_ =	shalt  }
0x83: {  	_ =	shalt  }
0x84: {  	_ =	shalt  }
0x85: {  	_ =	shalt  }
0x86: {  	_ =	shalt  }
0x87: {  	_ =	shalt  }
.Lfunc_end0:
.L_simem_size_0:
called_computation.1_lowered:
.L_overlay_start_0:
0x88: {  	s2 =	sld [smem:$0x3FD9]  }
0x89: {  	s3 =	sld [smem:$0x3FFE];
	_ =	sdelay $0x1  }
0x8a: {  	s1 =	srdreg.scid  }
0x8b: {  	s0 =	sand.u32 $0x1, s1  }
0x8c: {  	s17 =	sshll.u32 s0, $0xA;
	s2 =	sadd.s32 s3, s2  }
0x8d: {  	s2 =	sadd.s32 s2, s17  }
0x8e: {  	[smem:$0x3F97] =	sst s2  }
0x8f: {  	_ = 	snop  }
0x90: {  	(tm) =	ssettm $0x1  }
0x91: {  	s18 =	sld [smem:$0x3FFB];
	_ =	sdelay $0x3  }
0x92: {  	_ =	strace s18  }
0x93: {  	s2 =	sld [smem:$0x3FFC];
	_ =	sdelay $0x3  }
0x94: {  	_ =	strace s2  }
0x95: {  	s2 =	sld [smem:$0x3FFD];
	_ =	sdelay $0x3  }
0x96: {  	_ =	strace s2  }
0x97: {  	_ =	strace $0x8FFFFFFF  }
0x98: {  	s19 =	sld [smem:$0x3FDB];
	_ =	sdelay $0x1  }
0x99: {  	s20 =	simm.s32 $_scs_section_size  }
0x9a: {  	s4 =	simm.s32 $_size__tile_overlayer_lowered;
	s5 =	simm.s32 $_tile_overlayer_lowered  }
0x9b: {  	s6 =	simm.s32 $0x1BFF;
	s21 =	sshll.u32 s5, $0x1;
	s3 =	sadd.s32 s20, s19  }
0x9c: {  	s22 =	simm.s32 $0x0;
	s4 =	sshll.u32 s4, $0x1;
	s5 =	sadd.s32 s21, s3  }
0x9d: {  	[timem:s22], [sflag:s6] =	dma.local [hbm:s5], s4  }
0x9e: {  	_ =	swait.ge [sflag:s6], s4  }
0x9f: {  	s4 =	ssub.s32 $0x0, s4;
	[sflag:s6] =	ssyncset.done $0x0  }
0xa0: {  	[sflag:s6] =	ssyncadd.s32 s4;
	_ =	sdelay $0x1  }
0xa1: {  	s23 =	simm.s32 $0x1B8B  }
0xa2: {  	_ =	swait.ge [sflag:s23], $0x1  }
0xa3: {  	[sflag:s23] =	ssyncset.done $0x0  }
0xa4: {  	[sflag:s23] =	ssyncadd.s32 $0xFFFFFFFF  }
0xa5: {  	s4 =	sld [smem:$0x0]  }
0xa6: {  	s5 =	sand.u32 $0xFFFFFFFE, s1  }
0xa7: {  	p0 =	sne.s32 s1, s5  }
0xa8: {  	s5 =	sshll.u32 @p0 s5, $0xE  }
0xa9: {  	s5 =	sadd.s32 @p0 $0x11B8D, s5;
	s6 =	sshll.u32 @p0 s4, $0x11  }
0xaa: {  	s5 =	sor.u32 @p0 s6, s5  }
0xab: {  	[sflag:s5] =	ssyncadd.remote.s32 @p0 $0x1;
	_ =	sdelay $0x1  }
0xac: {  	s5 =	simm.s32 @p0 $0x1B8D  }
0xad: {  	_ =	swait.eq @p0 [sflag:s5], $0x1  }
0xae: {  	[sflag:s5] =	ssyncadd.s32 @p0 $0xFFFFFFFF  }
0xaf: {  	s6 =	sshll.u32 @!p0 s1, $0xE  }
0xb0: {  	s6 =	sor.u32 @!p0 $0x4000, s6;
	s5 =	simm.s32 @!p0 $0x1B8D  }
0xb1: {  	s4 =	sshll.u32 @!p0 s4, $0x11;
	s6 =	sadd.s32 @!p0 $0x11B8D, s6;
	_ =	swait.eq @!p0 [sflag:s5], $0x1  }
0xb2: {  	s4 =	sor.u32 @!p0 s4, s6;
	[sflag:s5] =	ssyncadd.s32 @!p0 $0xFFFFFFFF  }
0xb3: {  	s25 =	simm.s32 $0x1B8E;
	s24 =	sld [smem:$0x3FFE];
	[sflag:s4] =	ssyncadd.remote.s32 @!p0 $0x1  }
0xb4: {  	s26 =	simm.s32 $execute0_lowered;
	[smem:$0x3FD2] =	sst s25  }
0xb5: {  	s5 =	sshll.u32 s26, $0x1;
	_ =	strace $0x80000049;
	[dreg:$0x1] =	wrdreg $0xFFFFFFFF  }
0xb6: {  	s28 =	simm.s32 $_size_execute0_lowered;
	s3 =	sadd.s32 s3, s5;
	[dreg:$0x0] =	wrdreg $0x0  }
0xb7: {  	s5 =	sshll.u32 s28, $0x1;
	[dreg:$0x2] =	wrdreg s3  }
0xb8: {  	[dreg:$0x3] =	wrdreg s5  }
0xb9: {  	[dreg:$0x4] =	wrdreg $0xC0  }
0xba: {  	_ =	task [dreg:s22], $0x5FFFF  }
0xbb: {  	[dreg:$0x1] =	wrdreg $0xFFFFFFFF  }
0xbc: {  	[dreg:$0x0] =	wrdreg $0x60  }
0xbd: {  	[dreg:$0x2] =	wrdreg s24  }
0xbe: {  	[dreg:$0x3] =	wrdreg $0xA  }
0xbf: {  	_ =	task.clear_ibuf [dreg:s22], $0x4FFFF;
	_ =	strace $0x90000049  }
0xc0: {  	s29 =	simm.s32 $0xA;
	_ =	strace $0x8000004B  }
0xc1: {  	_ =	swait.ge [sflag:s29], $0x1  }
0xc2: {  	[sflag:s29] =	ssyncadd.s32 $0xFFFFFFFF  }
0xc3: {  	_ =	strace $0x9000004B  }
0xc4: {  	_ =	sfence  }
0xc5: {  	s30 =	sld [smem:$0x0];
	_ =	sdelay $0x2  }
0xc6: {  	s31 =	sshll.u32 s1, $0xD;
	s1 =	sshrl.u32 s1, $0x2  }
0xc7: {  	s4 =	sand.u32 $0x4000, s31;
	s1 =	sadd.s32 s1, s30  }
0xc8: {  	s0 =	sor.u32 s4, s0;
	s1 =	sshll.u32 s1, $0x11  }
0xc9: {  	s0 =	sor.u32 s1, s0  }
0xca: {  	s0 =	sadd.s32 $0x8F2B, s0  }
0xcb: {  	[sflag:s0] =	ssyncadd.remote.s32 $0x1  }
0xcc: {  	_ =	sfence.sel $0xFFFF  }
0xcd: {  	[dreg:$0x0] =	wrdreg $0xFFFFFFFF;
	(pc) =	sbr.abs _section_cstart, $3  }
0xce: {  	[dreg:$0x1] =	wrdreg $0xFFFFFFFF  }
0xcf: {  	_ =	task.clear_ibuf [dreg:s22], $0x2FFFF;
	_ =	strace $0x9FFFFFFF  }
0xd0: {  	(tm) =	ssettm $0x7FFFFFFF  }
0xd1: {  	_ =	shalt  }
tec
execute0_lowered:
.L_overlay_start_1:
0x0: {  	(tag) =	ssettag $0x1  }
0x1: {  	s1 =	srdreg.scid  }
0x2: {  	s0 =	stileid.u32;
	s6 =	rddreg [dreg:$0x0];
	s2 =	simm.s32 $0x0  }
0x3: {  	s10 =	simm.s32 $0x7;
	s11 =	simm.s32 $0x2780;
	s12 =	simm.s32 $0x50  }
0x4: {  	s13 =	simm.s32 $0x4F00;
	s14 =	simm.s32 $0x9F00;
	s15 =	simm.s32 $0x1  }
0x5: {  	s16 =	simm.s32 $0x3;
	s17 =	simm.s32 $0x7700;
	s18 =	simm.s32 $0xC700  }
0x6: {  	s19 =	simm.s32 $0x2;
	s7 =	sand.u32 $0x1, s1;
	s3 =	sshll.u32 s0, $0x1  }
0x7: {  	s20 =	simm.s32 $0x4;
	s21 =	simm.s32 $0x5;
	s3 =	sor.u32 s7, s3  }
0x8: {  	s22 =	simm.s32 $0x6;
	s23 =	simm.s32 $0x0;
	s3 =	smul.u32 $0x2710, s3  }
.Ltmp0:
0x9: {  	s1 =	rddreg [dreg:$0x1];
	s7 =	ssub.s32 $0x2, s7;
	(pc) =	sbr.rel .LBB2_1-.Ltmp0, $4  }
0xa: {  	[smem:$0x7FF] =	sst s2;
	s4 =	sadd.s32 $0x95400, s6;
	s9 =	sshrl.u32 s7, $0x1  }
0xb: {  	s5 =	sadd.s32 $0x45400, s6;
	s9 =	ssub.s32 s7, s9;
	s8 =	sshrl.u32 s3, $0x3  }
0xc: {  	_ =	strace $0x8000004A;
	s9 =	smax.u32 s9, $0x1;
	s8 =	sadd.s32 s8, s6  }
0xd: {  	s6 =	sadd.s32 $0x5C7400, s6;
	s7 =	sadd.s32 $0x13600, s8;
	s8 =	sadd.s32 $0x9800, s8  }
.LBB2_9:
0xe: {  	s23 =	sadd.s32 $0x1, s23  }
0xf: {  	_ =	swait.ge [sflag:s22], $0x2800;
	p0 =	sne.s32 s23, s9  }
.Ltmp1:
0x10: {  	[sflag:s22] =	ssyncset.done $0x0;
	(pc) =	sbr.rel @!p0 .LBB2_10-.Ltmp1, $4  }
0x11: {  	[sflag:s22] =	ssyncadd.s32 $0xFFFFD800  }
0x12: {  	_ =	swait.ge [sflag:s21], $0x2800  }
0x13: {  	[sflag:s21] =	ssyncset.done $0x0  }
0x14: {  	[sflag:s21] =	ssyncadd.s32 $0xFFFFD800  }
.LBB2_1:
0x15: {  	[tilespmem:s2], [sflag:$0x7] =	stream.linear.gather [hbm4b:s7+s2], $0x2710, $0x38;
	[tilespmem:$0xEF00] =	vst v63  }
0x16: {  	_ =	swait.ge [sflag:s10], $0x2710  }
0x17: {  	[sflag:s10] =	ssyncset.done $0x0  }
0x18: {  	[sflag:s10] =	ssyncadd.s32 $0xFFFFD8F0  }
0x19: {  	[tilespmem:s11], [sflag:$0x7] =	stream.linear.gather [hbm4b:s8+s2], $0x2710, $0x38;
	[tilespmem:$0xEF00] =	vst v63  }
0x1a: {  	_ =	swait.ge [sflag:s10], $0x2710  }
.Ltmp2:
0x1b: {  	[sflag:s10] =	ssyncset.done $0x0;
	(pc) =	sbr.rel .LBB2_2-.Ltmp2, $4  }
0x1c: {  	[sflag:s10] =	ssyncadd.s32 $0xFFFFD8F0  }
0x1d: {  	[tilespmem:s13], [sflag:$0x1] =	stream.indirect.gather [hbm4b:s4+s12], $0x80, s2, s12, $0xb8;
	[tilespmem:$0xEF00] =	vst v63  }
0x1e: {  	s24 =	simm.s32 $0x0  }
0x1f: {  	[tilespmem:s14], [sflag:$0x3] =	stream.indirect.gather [hbm4b:s5+s12], $0x80, s11, s12, $0xb8;
	[tilespmem:$0xEF00] =	vst v63  }
.LBB2_8:
0x20: {  	s24 =	sadd.s32 $0x1, s24  }
0x21: {  	p0 =	sne.s32 s24, $0x3F  }
.Ltmp3:
0x22: {  	_ = 	snop;
	(pc) =	sbr.rel @!p0 .LBB2_9-.Ltmp3, $1  }
0x23: {  	_ =	sdelay $0x3  }
.LBB2_2:
0x24: {  	_ =	swait.ge [sflag:s15], $0x2800  }
0x25: {  	[sflag:s15] =	ssyncset.done $0x0  }
0x26: {  	[sflag:s15] =	ssyncadd.s32 $0xFFFFD800  }
0x27: {  	_ =	swait.ge [sflag:s16], $0x2800  }
0x28: {  	[sflag:s16] =	ssyncset.done $0x0  }
0x29: {  	s26 =	simm.s32 $0x0;
	[sflag:s16] =	ssyncadd.s32 $0xFFFFD800  }
0x2a: {  	v6 =	vld [tilespmem:s26+$0x9F00]  }
0x2b: {  	v11 =	vld [tilespmem:s26+$0x9F10]  }
0x2c: {  	v5 =	vld [tilespmem:s26+$0x9F20]  }
0x2d: {  	v4 =	vld [tilespmem:s26+$0x9F30]  }
0x2e: {  	v3 =	vld [tilespmem:s26+$0x9F40]  }
0x2f: {  	v2 =	vld [tilespmem:s26+$0x9F50]  }
0x30: {  	v1 =	vld [tilespmem:s26+$0x9F60]  }
0x31: {  	v0 =	vld [tilespmem:s26+$0x9F70]  }
0x32: {  	v12 =	vld [tilespmem:s26+$0x4F00]  }
0x33: {  	v13 =	vld [tilespmem:s26+$0x4F10]  }
0x34: {  	v10 =	vld [tilespmem:s26+$0x4F20]  }
0x35: {  	v9 =	vld [tilespmem:s26+$0x4F30]  }
0x36: {  	v8 =	vld [tilespmem:s26+$0x4F40]  }
0x37: {  	v7 =	vld [tilespmem:s26+$0x4F50];
	v12 =	vadd.f32 v6, v12  }
0x38: {  	s25 =	simm.s32 $0x200;
	v11 =	vadd.f32 v11, v13;
	v6 =	vld [tilespmem:s26+$0x4F60]  }
.LBB2_3:
0x39: {  	s28 =	sshra.s32 s25, $0x2;
	p0 =	sne.s32 s25, $0x9E00;
	[tilespmem:s26+$0x4F00] =	vst v12;
	v5 =	vadd.f32 v5, v10;
	v10 =	vld [tilespmem:s26+$0x4F70]  }
0x3a: {  	v12 =	vld [tilespmem:s28+$0x9F00];
	[tilespmem:s26+$0x4F10] =	vst v11;
	v4 =	vadd.f32 v4, v9  }
0x3b: {  	v11 =	vld [tilespmem:s28+$0x9F10];
	[tilespmem:s26+$0x4F20] =	vst v5;
	v3 =	vadd.f32 v3, v8  }
0x3c: {  	v5 =	vld [tilespmem:s28+$0x9F20];
	[tilespmem:s26+$0x4F30] =	vst v4;
	v2 =	vadd.f32 v2, v7  }
0x3d: {  	v4 =	vld [tilespmem:s28+$0x9F30];
	[tilespmem:s26+$0x4F40] =	vst v3;
	v1 =	vadd.f32 v1, v6  }
0x3e: {  	v3 =	vld [tilespmem:s28+$0x9F40];
	[tilespmem:s26+$0x4F50] =	vst v2;
	v0 =	vadd.f32 v0, v10  }
0x3f: {  	v2 =	vld [tilespmem:s28+$0x9F50];
	[tilespmem:s26+$0x4F60] =	vst v1  }
0x40: {  	v1 =	vld [tilespmem:s28+$0x9F60];
	[tilespmem:s26+$0x4F70] =	vst v0;
	s26 =	smov.u32 s28  }
0x41: {  	v0 =	vld [tilespmem:s26+$0x9F70]  }
0x42: {  	v6 =	vld [tilespmem:s26+$0x4F00]  }
0x43: {  	v13 =	vld [tilespmem:s26+$0x4F10]  }
.Ltmp4:
0x44: {  	v10 =	vld [tilespmem:s26+$0x4F20];
	(pc) =	sbr.rel @p0 .LBB2_3-.Ltmp4, $4  }
0x45: {  	v9 =	vld [tilespmem:s26+$0x4F30]  }
0x46: {  	v8 =	vld [tilespmem:s26+$0x4F40]  }
0x47: {  	v12 =	vadd.f32 v12, v6;
	v7 =	vld [tilespmem:s26+$0x4F50]  }
0x48: {  	s25 =	sadd.s32 $0x200, s25;
	v11 =	vadd.f32 v11, v13;
	v6 =	vld [tilespmem:s26+$0x4F60]  }
0x49: {  	[tilespmem:s26+$0x4F00] =	vst v12;
	v5 =	vadd.f32 v5, v10;
	v63 =	vld [tilespmem:s26+$0x4F70]  }
0x4a: {  	[tilespmem:s26+$0x4F10] =	vst v11;
	v4 =	vadd.f32 v4, v9  }
0x4b: {  	[tilespmem:s26+$0x4F20] =	vst v5;
	v3 =	vadd.f32 v3, v8  }
0x4c: {  	[tilespmem:s26+$0x4F30] =	vst v4;
	v2 =	vadd.f32 v2, v7  }
0x4d: {  	[tilespmem:s26+$0x4F40] =	vst v3;
	v1 =	vadd.f32 v1, v6  }
0x4e: {  	[tilespmem:s26+$0x4F50] =	vst v2;
	v0 =	vadd.f32 v0, v63  }
0x4f: {  	[tilespmem:s26+$0x4F60] =	vst v1  }
0x50: {  	[tilespmem:s26+$0x4F70] =	vst v0;
	s26 =	sshllo.u32 s24, $0x1  }
0x51: {  	s25 =	smul.u32 $0xA0, s24;
	p0 =	sgt.u32 s26, $0x7C  }
.Ltmp5:
0x52: {  	_ = 	snop;
	(pc) =	sbr.rel @p0 .LBB2_8-.Ltmp5, $4  }
0x53: {  	s28 =	sadd.s32 s3, s25  }
0x54: {  	s28 =	sshll.u32 s28, $0x4  }
0x55: {  	s31 =	sadd.s32 s6, s28  }
0x56: {  	[hbm4b:s31+s2] =	stream.linear.scatter [tilespmem:s13], [sflag:$0x5], $0x2800, $0x38;
	[tilespmem:$0xEF00] =	vst v63  }
0x57: {  	p0 =	seq.s32 s24, $0x0  }
0x58: {  	s28 =	simm.s32 @!p0 $0x6  }
0x59: {  	_ =	swait.ge @!p0 [sflag:s28], $0x2800  }
0x5a: {  	s26 =	smul.u32 $0x50, s26;
	[sflag:s28] =	ssyncset.done @!p0 $0x0  }
0x5b: {  	[sflag:s28] =	ssyncadd.s32 @!p0 $0xFFFFD800  }
0x5c: {  	[tilespmem:s17], [sflag:$0x2] =	stream.indirect.gather [hbm4b:s4+s12], $0x80, s26, s12, $0xb8;
	[tilespmem:$0xEF00] =	vst v63  }
0x5d: {  	s28 =	sadd.s32 $0x2780, s26  }
0x5e: {  	[tilespmem:s18], [sflag:$0x4] =	stream.indirect.gather [hbm4b:s5+s12], $0x80, s28, s12, $0xb8;
	[tilespmem:$0xEF00] =	vst v63  }
0x5f: {  	_ =	swait.ge [sflag:s19], $0x2800  }
0x60: {  	[sflag:s19] =	ssyncset.done $0x0  }
0x61: {  	[sflag:s19] =	ssyncadd.s32 $0xFFFFD800  }
0x62: {  	_ =	swait.ge [sflag:s20], $0x2800  }
0x63: {  	[sflag:s20] =	ssyncset.done $0x0  }
0x64: {  	s28 =	simm.s32 $0x0;
	[sflag:s20] =	ssyncadd.s32 $0xFFFFD800  }
0x65: {  	v7 =	vld [tilespmem:s28+$0xC700]  }
0x66: {  	v11 =	vld [tilespmem:s28+$0xC710]  }
0x67: {  	v5 =	vld [tilespmem:s28+$0xC720]  }
0x68: {  	v4 =	vld [tilespmem:s28+$0xC730]  }
0x69: {  	v3 =	vld [tilespmem:s28+$0xC740]  }
0x6a: {  	v2 =	vld [tilespmem:s28+$0xC750]  }
0x6b: {  	v1 =	vld [tilespmem:s28+$0xC760]  }
0x6c: {  	v0 =	vld [tilespmem:s28+$0xC770]  }
0x6d: {  	v12 =	vld [tilespmem:s28+$0x7700]  }
0x6e: {  	v13 =	vld [tilespmem:s28+$0x7710]  }
0x6f: {  	v10 =	vld [tilespmem:s28+$0x7720]  }
0x70: {  	v9 =	vld [tilespmem:s28+$0x7730]  }
0x71: {  	v8 =	vld [tilespmem:s28+$0x7740]  }
0x72: {  	v6 =	vld [tilespmem:s28+$0x7750];
	v12 =	vadd.f32 v7, v12  }
0x73: {  	s29 =	simm.s32 $0x200;
	v11 =	vadd.f32 v11, v13;
	v7 =	vld [tilespmem:s28+$0x7760]  }
.LBB2_6:
0x74: {  	s30 =	sshra.s32 s29, $0x2;
	p0 =	sne.s32 s29, $0x9E00;
	[tilespmem:s28+$0x7700] =	vst v12;
	v5 =	vadd.f32 v5, v10;
	v10 =	vld [tilespmem:s28+$0x7770]  }
0x75: {  	v12 =	vld [tilespmem:s30+$0xC700];
	[tilespmem:s28+$0x7710] =	vst v11;
	v4 =	vadd.f32 v4, v9  }
0x76: {  	v11 =	vld [tilespmem:s30+$0xC710];
	[tilespmem:s28+$0x7720] =	vst v5;
	v3 =	vadd.f32 v3, v8  }
0x77: {  	v5 =	vld [tilespmem:s30+$0xC720];
	[tilespmem:s28+$0x7730] =	vst v4;
	v2 =	vadd.f32 v2, v6  }
0x78: {  	v4 =	vld [tilespmem:s30+$0xC730];
	[tilespmem:s28+$0x7740] =	vst v3;
	v1 =	vadd.f32 v1, v7  }
0x79: {  	v3 =	vld [tilespmem:s30+$0xC740];
	[tilespmem:s28+$0x7750] =	vst v2;
	v0 =	vadd.f32 v0, v10  }
0x7a: {  	v2 =	vld [tilespmem:s30+$0xC750];
	[tilespmem:s28+$0x7760] =	vst v1  }
0x7b: {  	v1 =	vld [tilespmem:s30+$0xC760];
	[tilespmem:s28+$0x7770] =	vst v0;
	s28 =	smov.u32 s30  }
0x7c: {  	v0 =	vld [tilespmem:s28+$0xC770]  }
0x7d: {  	v6 =	vld [tilespmem:s28+$0x7700]  }
0x7e: {  	v7 =	vld [tilespmem:s28+$0x7710]  }
.Ltmp6:
0x7f: {  	v10 =	vld [tilespmem:s28+$0x7720];
	(pc) =	sbr.rel @p0 .LBB2_6-.Ltmp6, $4  }
0x80: {  	v9 =	vld [tilespmem:s28+$0x7730]  }
0x81: {  	v8 =	vld [tilespmem:s28+$0x7740]  }
0x82: {  	v12 =	vadd.f32 v12, v6;
	v6 =	vld [tilespmem:s28+$0x7750]  }
0x83: {  	s29 =	sadd.s32 $0x200, s29;
	v11 =	vadd.f32 v11, v7;
	v7 =	vld [tilespmem:s28+$0x7760]  }
0x84: {  	[tilespmem:s28+$0x7700] =	vst v12;
	v5 =	vadd.f32 v5, v10;
	v63 =	vld [tilespmem:s28+$0x7770]  }
0x85: {  	[tilespmem:s28+$0x7710] =	vst v11;
	v4 =	vadd.f32 v4, v9  }
0x86: {  	[tilespmem:s28+$0x7720] =	vst v5;
	v3 =	vadd.f32 v3, v8  }
0x87: {  	[tilespmem:s28+$0x7730] =	vst v4;
	v2 =	vadd.f32 v2, v6  }
0x88: {  	[tilespmem:s28+$0x7740] =	vst v3;
	v1 =	vadd.f32 v1, v7  }
0x89: {  	s26 =	sadd.s32 s3, s26;
	[tilespmem:s28+$0x7750] =	vst v2;
	v0 =	vadd.f32 v0, v63  }
0x8a: {  	s26 =	sshll.u32 s26, $0x4;
	[tilespmem:s28+$0x7760] =	vst v1  }
0x8b: {  	s26 =	sadd.s32 s6, s26;
	[tilespmem:s28+$0x7770] =	vst v0  }
0x8c: {  	[hbm4b:s26+s2] =	stream.linear.scatter [tilespmem:s17], [sflag:$0x6], $0x2800, $0x38;
	[tilespmem:$0xEF00] =	vst v63  }
0x8d: {  	_ =	swait.ge [sflag:s21], $0x2800  }
.Ltmp7:
0x8e: {  	[sflag:s21] =	ssyncset.done $0x0;
	(pc) =	sbr.rel .LBB2_8-.Ltmp7, $4  }
0x8f: {  	s30 =	sadd.s32 $0xA0, s25;
	[sflag:s21] =	ssyncadd.s32 $0xFFFFD800  }
0x90: {  	[tilespmem:s13], [sflag:$0x1] =	stream.indirect.gather [hbm4b:s4+s12], $0x80, s30, s12, $0xb8;
	[tilespmem:$0xEF00] =	vst v63  }
0x91: {  	s31 =	sadd.s32 $0x2820, s25  }
0x92: {  	[tilespmem:s14], [sflag:$0x3] =	stream.indirect.gather [hbm4b:s5+s12], $0x80, s31, s12, $0xb8;
	[tilespmem:$0xEF00] =	vst v63  }
.LBB2_10:
0x93: {  	_ =	sfence.sel $0x180000  }
0x94: {  	[bflag:$0x0] =	sbarrier.arrive $0xFFFF  }
0x95: {  	p0 =	sne.s32 s0, $0x0;
	_ =	strace $0x9000004A  }
0x96: {  	s0 =	sadd.s32 @!p0 $0x100000, s1;
	[bflag:$0x2] =	sbarrier.arrive $0xFFFF  }
0x97: {  	[sflag:s0] =	ssyncadd.tile.s32 @!p0 $0x1;
	_ =	shalt  }
.Lfunc_end2:
_tile_overlayer_lowered:
.L_overlay_start_2:
0x98: {  	(tag) =	ssettag $0x2  }
0x99: {  	s0 =	rddreg [dreg:$0x0];
	s2 =	stileid.u32  }
0x9a: {  	s1 =	rddreg [dreg:$0x1];
	p0 =	sne.s32 s2, $0x0  }
0x9b: {  	s3 =	rddreg [dreg:$0x2];
	[bflag:$0x3] =	sbarrier.arrive $0xFFFF;
	s2 =	simm.s32 @!p0 $0x1C07  }
0x9c: {  	[timem:s3], [sflag:s2] =	dma.local @!p0 [hbm:s0], s1  }
0x9d: {  	s0 =	simm.s32 @!p0 $0x7  }
0x9e: {  	_ =	swait.ge @!p0 [sflag:s0], s1  }
0x9f: {  	s1 =	ssub.s32 @!p0 $0x0, s1;
	[sflag:s0] =	ssyncset.done @!p0 $0x0  }
0xa0: {  	[sflag:s0] =	ssyncadd.s32 @!p0 s1  }
0xa1: {  	[bflag:$0x3] =	sbarrier.arrive $0xFFFF  }
0xa2: {  	_ =	shalt  }

// kernel: kernel.18.cloned.1.call-start
scs
__scs_entry_jumppad:
0x0: {  	(pc) =	sbr.rel $0x88, $3  }
0x1: {  	(tag) =	ssettag $0x0;
	lr =	simm.s32 $0x1  }
0x2: {  	[smem:$0x3F70] =	sst lr;
	_ =	strace $0xD0000000  }
0x3: {  	_ = 	snop  }
0x4: {  	_ = 	snop  }
0x5: {  	_ = 	snop  }
0x6: {  	_ = 	snop  }
0x7: {  	_ = 	snop  }
__scs_overlays_trampoline_lowered:
0x8: {  	[smem:$0x3F7F] =	sst s0  }
0x9: {  	[smem:$0x3F80] =	sst s1  }
0xa: {  	[smem:$0x3F81] =	sst s2  }
0xb: {  	[smem:$0x3F82] =	sst s3  }
0xc: {  	[smem:$0x3F83] =	sst s4  }
0xd: {  	[smem:$0x3F84] =	sst s5  }
0xe: {  	[smem:$0x3F85] =	sst s6  }
0xf: {  	[smem:$0x3F86] =	sst s7  }
0x10: {  	[smem:$0x3F87] =	sst s8  }
0x11: {  	[smem:$0x3F88] =	sst s9;
	s0 =	simm.s32 @!p0 $0x0  }
0x12: {  	s1 =	sld [smem:$0x3F6E];
	s0 =	simm.s32 @p0 $0x1  }
0x13: {  	[smem:$0x3F89] =	sst s0;
	s0 =	simm.s32 @!p1 $0x0  }
0x14: {  	s2 =	sld [smem:$0x3F6D];
	s0 =	simm.s32 @p1 $0x1  }
0x15: {  	[smem:$0x3F8A] =	sst s0;
	s0 =	simm.s32 @!p2 $0x0  }
0x16: {  	s3 =	sld [smem:$0x3FDB];
	s0 =	simm.s32 @p2 $0x1  }
0x17: {  	s4 =	simm.s32 $0x1BF5;
	[smem:$0x3F8C] =	sst s0  }
0x18: {  	s0 =	sld [smem:$0x3F6F];
	_ =	swait.ge [sflag:s4], $0x0  }
0x19: {  	s7 =	sld [smem:$0x3F70]  }
0x1a: {  	s8 =	sadd.s32 $0xFFFFE003, lr  }
0x1b: {  	s9 =	sadd.s32 $0xFFFFFEF7, lr;
	s5 =	simm.s32 $0xFFFFFFFF;
	p2 =	slt.u32 s8, $0xFFFFF086  }
0x1c: {  	p1 =	slt.u32 s9, $0xF7A;
	s5 =	simm.s32 @!p2 $0x0  }
0x1d: {  	s5 =	simm.s32 @p1 $0x1;
	p0 =	seq.s32 s7, s2  }
0x1e: {  	s7 =	smul.u32 @!p0 $0xF7A, s2;
	p2 =	seq.s32 @!p0 s5, $0x0  }
0x1f: {  	s9 =	smul.u32 $0xF7A, s1;
	s8 =	simm.s32 @!p0 $0x1BF5;
	p2 =	por !p2, p0  }
0x20: {  	[sflag:s8] =	ssyncset.s32 @!p0 $0xFFFFF086;
	s6 =	sadd.s32 @!p0 s3, s7;
	s7 =	simm.s32 @!p0 $0x108  }
0x21: {  	s3 =	sadd.s32 s3, s9;
	s6 =	sadd.s32 @!p0 $0x88, s6;
	s7 =	simm.s32 @p2 $0x1082  }
0x22: {  	[simem:s7], [sflag:s8] =	dma.local @!p0 [hbm:s6], $0xF7A  }
0x23: {  	s9 =	sor.u32 $0xD0000000, s2;
	s6 =	simm.s32 $0x108;
	_ =	swait.ge @!p0 [sflag:s8], $0x0  }
0x24: {  	s3 =	sadd.s32 $0x88, s3;
	s6 =	simm.s32 @!p1 $0x1082;
	[sflag:s4] =	ssyncset.s32 $0xFFFFF086  }
0x25: {  	[simem:s6], [sflag:s4] =	dma.local [hbm:s3], $0xF7A  }
0x26: {  	[smem:$0x3F70] =	sst s1;
	(tag) =	ssettag s2;
	_ =	strace s9  }
0x27: {  	s1 =	sld [smem:$0x3F80]  }
0x28: {  	s2 =	sld [smem:$0x3F81]  }
0x29: {  	s4 =	sld [smem:$0x3F83]  }
0x2a: {  	p0 =	seq.s32 s5, $0x0;
	s5 =	sld [smem:$0x3F84]  }
0x2b: {  	s6 =	sld [smem:$0x3F85]  }
0x2c: {  	s7 =	sld [smem:$0x3F86]  }
0x2d: {  	s3 =	simm.s32 $0x108;
	s8 =	sld [smem:$0x3F87]  }
0x2e: {  	s3 =	simm.s32 @!p0 $0x1082;
	s9 =	sld [smem:$0x3F88]  }
0x2f: {  	lr =	sadd.s32 s0, s3;
	s0 =	sld [smem:$0x3F7F]  }
0x30: {  	s3 =	sld [smem:$0x3F82]  }
0x31: {  	[smem:$0x3F8B] =	sst s10  }
0x32: {  	s10 =	sld [smem:$0x3F89];
	_ =	sdelay $0x3  }
0x33: {  	p0 =	seq.s32 s10, $0x1;
	s10 =	sld [smem:$0x3F8B];
	_ =	sdelay $0x3  }
0x34: {  	[smem:$0x3F8B] =	sst s10  }
0x35: {  	s10 =	sld [smem:$0x3F8A];
	_ =	sdelay $0x3  }
0x36: {  	p1 =	seq.s32 s10, $0x1;
	s10 =	sld [smem:$0x3F8B];
	_ =	sdelay $0x3  }
0x37: {  	[smem:$0x3F8B] =	sst s10  }
0x38: {  	s10 =	sld [smem:$0x3F8C]  }
0x39: {  	_ = 	snop;
	(pc) =	sbr.ind lr, $3  }
0x3a: {  	_ = 	snop  }
0x3b: {  	_ = 	snop  }
0x3c: {  	p2 =	seq.s32 s10, $0x1;
	s10 =	sld [smem:$0x3F8B]  }
0x3d: {  	_ =	shalt  }
0x3e: {  	_ =	shalt  }
0x3f: {  	_ =	shalt  }
0x40: {  	_ =	shalt  }
0x41: {  	_ =	shalt  }
0x42: {  	_ =	shalt  }
0x43: {  	_ =	shalt  }
0x44: {  	_ =	shalt  }
0x45: {  	_ =	shalt  }
0x46: {  	_ =	shalt  }
0x47: {  	_ =	shalt  }
0x48: {  	_ =	shalt  }
0x49: {  	_ =	shalt  }
0x4a: {  	_ =	shalt  }
0x4b: {  	_ =	shalt  }
0x4c: {  	_ =	shalt  }
0x4d: {  	_ =	shalt  }
0x4e: {  	_ =	shalt  }
0x4f: {  	_ =	shalt  }
0x50: {  	_ =	shalt  }
0x51: {  	_ =	shalt  }
0x52: {  	_ =	shalt  }
0x53: {  	_ =	shalt  }
0x54: {  	_ =	shalt  }
0x55: {  	_ =	shalt  }
0x56: {  	_ =	shalt  }
0x57: {  	_ =	shalt  }
0x58: {  	_ =	shalt  }
0x59: {  	_ =	shalt  }
0x5a: {  	_ =	shalt  }
0x5b: {  	_ =	shalt  }
0x5c: {  	_ =	shalt  }
0x5d: {  	_ =	shalt  }
0x5e: {  	_ =	shalt  }
0x5f: {  	_ =	shalt  }
0x60: {  	_ =	shalt  }
0x61: {  	_ =	shalt  }
0x62: {  	_ =	shalt  }
0x63: {  	_ =	shalt  }
0x64: {  	_ =	shalt  }
0x65: {  	_ =	shalt  }
0x66: {  	_ =	shalt  }
0x67: {  	_ =	shalt  }
0x68: {  	_ =	shalt  }
0x69: {  	_ =	shalt  }
0x6a: {  	_ =	shalt  }
0x6b: {  	_ =	shalt  }
0x6c: {  	_ =	shalt  }
0x6d: {  	_ =	shalt  }
0x6e: {  	_ =	shalt  }
0x6f: {  	_ =	shalt  }
0x70: {  	_ =	shalt  }
0x71: {  	_ =	shalt  }
0x72: {  	_ =	shalt  }
0x73: {  	_ =	shalt  }
0x74: {  	_ =	shalt  }
0x75: {  	_ =	shalt  }
0x76: {  	_ =	shalt  }
0x77: {  	_ =	shalt  }
0x78: {  	_ =	shalt  }
0x79: {  	_ =	shalt  }
0x7a: {  	_ =	shalt  }
0x7b: {  	_ =	shalt  }
0x7c: {  	_ =	shalt  }
0x7d: {  	_ =	shalt  }
0x7e: {  	_ =	shalt  }
0x7f: {  	_ =	shalt  }
0x80: {  	_ =	shalt  }
0x81: {  	_ =	shalt  }
0x82: {  	_ =	shalt  }
0x83: {  	_ =	shalt  }
0x84: {  	_ =	shalt  }
0x85: {  	_ =	shalt  }
0x86: {  	_ =	shalt  }
0x87: {  	_ =	shalt  }
.Lfunc_end0:
.L_simem_size_0:
called_computation.2_lowered:
.L_overlay_start_0:
0x88: {  	s2 =	sld [smem:$0x3FD9]  }
0x89: {  	s3 =	sld [smem:$0x3FFE];
	_ =	sdelay $0x1  }
0x8a: {  	s1 =	srdreg.scid  }
0x8b: {  	s0 =	sand.u32 $0x1, s1  }
0x8c: {  	s16 =	sshll.u32 s0, $0xA;
	s2 =	sadd.s32 s3, s2  }
0x8d: {  	s2 =	sadd.s32 s2, s16  }
0x8e: {  	[smem:$0x3F97] =	sst s2  }
0x8f: {  	_ = 	snop  }
0x90: {  	(tm) =	ssettm $0x1  }
0x91: {  	s17 =	sld [smem:$0x3FFB];
	_ =	sdelay $0x3  }
0x92: {  	_ =	strace s17  }
0x93: {  	s2 =	sld [smem:$0x3FFC];
	_ =	sdelay $0x3  }
0x94: {  	_ =	strace s2  }
0x95: {  	s2 =	sld [smem:$0x3FFD];
	_ =	sdelay $0x3  }
0x96: {  	_ =	strace s2  }
0x97: {  	_ =	strace $0x8FFFFFFF  }
0x98: {  	s18 =	sld [smem:$0x3FDB];
	_ =	sdelay $0x1  }
0x99: {  	s19 =	simm.s32 $_scs_section_size  }
0x9a: {  	s4 =	simm.s32 $_size__tile_overlayer_lowered;
	s5 =	simm.s32 $_tile_overlayer_lowered  }
0x9b: {  	s22 =	simm.s32 $0x1BFF;
	s21 =	sshll.u32 s5, $0x1;
	s2 =	sadd.s32 s19, s18  }
0x9c: {  	s6 =	simm.s32 $0x0;
	s20 =	sshll.u32 s4, $0x1;
	s4 =	sadd.s32 s21, s2  }
0x9d: {  	[timem:s6], [sflag:s22] =	dma.local [hbm:s4], s20  }
0x9e: {  	_ =	swait.ge [sflag:s22], s20  }
0x9f: {  	s3 =	ssub.s32 $0x0, s20;
	[sflag:s22] =	ssyncset.done $0x0  }
0xa0: {  	[sflag:s22] =	ssyncadd.s32 s3;
	_ =	sdelay $0x1  }
0xa1: {  	s23 =	simm.s32 $0x1B8B  }
0xa2: {  	_ =	swait.ge [sflag:s23], $0x1  }
0xa3: {  	[sflag:s23] =	ssyncset.done $0x0  }
0xa4: {  	s25 =	simm.s32 $0x1B8E;
	s24 =	sld [smem:$0x3FFE];
	[sflag:s23] =	ssyncadd.s32 $0xFFFFFFFF  }
0xa5: {  	s26 =	simm.s32 $execute0_lowered;
	[smem:$0x3FD2] =	sst s25  }
0xa6: {  	s4 =	sshll.u32 s26, $0x1;
	_ =	strace $0x8000004C;
	[dreg:$0x1] =	wrdreg $0xFFFFFFFF  }
0xa7: {  	s28 =	simm.s32 $_size_execute0_lowered;
	s2 =	sadd.s32 s2, s4;
	[dreg:$0x0] =	wrdreg $0x0  }
0xa8: {  	s4 =	sshll.u32 s28, $0x1;
	[dreg:$0x2] =	wrdreg s2  }
0xa9: {  	[dreg:$0x3] =	wrdreg s4  }
0xaa: {  	[dreg:$0x4] =	wrdreg $0xC0  }
0xab: {  	_ =	task [dreg:s6], $0x5FFFF  }
0xac: {  	[dreg:$0x1] =	wrdreg $0xFFFFFFFF  }
0xad: {  	[dreg:$0x0] =	wrdreg $0x60  }
0xae: {  	[dreg:$0x2] =	wrdreg s24  }
0xaf: {  	[dreg:$0x3] =	wrdreg $0x51000  }
0xb0: {  	[dreg:$0x4] =	wrdreg $0x9  }
0xb1: {  	_ =	task.clear_ibuf [dreg:s6], $0x5FFFF;
	_ =	strace $0x9000004C  }
0xb2: {  	s29 =	simm.s32 $0x9;
	_ =	strace $0x8000004E  }
0xb3: {  	_ =	swait.ge [sflag:s29], $0x1  }
0xb4: {  	[sflag:s29] =	ssyncadd.s32 $0xFFFFFFFF  }
0xb5: {  	_ =	strace $0x9000004E  }
0xb6: {  	_ =	sfence  }
0xb7: {  	s30 =	sld [smem:$0x0];
	_ =	sdelay $0x2  }
0xb8: {  	s31 =	sshll.u32 s1, $0xD;
	s1 =	sshrl.u32 s1, $0x2  }
0xb9: {  	s3 =	sand.u32 $0x4000, s31;
	s1 =	sadd.s32 s1, s30  }
0xba: {  	s0 =	sor.u32 s3, s0;
	s1 =	sshll.u32 s1, $0x11  }
0xbb: {  	s0 =	sor.u32 s1, s0  }
0xbc: {  	s0 =	sadd.s32 $0x8F2B, s0  }
0xbd: {  	[sflag:s0] =	ssyncadd.remote.s32 $0x1  }
0xbe: {  	_ =	sfence.sel $0xFFFF  }
0xbf: {  	[dreg:$0x0] =	wrdreg $0xFFFFFFFF;
	(pc) =	sbr.abs _section_cstart, $3  }
0xc0: {  	[dreg:$0x1] =	wrdreg $0xFFFFFFFF  }
0xc1: {  	_ =	task.clear_ibuf [dreg:s6], $0x2FFFF;
	_ =	strace $0x9FFFFFFF  }
0xc2: {  	(tm) =	ssettm $0x7FFFFFFF  }
0xc3: {  	_ =	shalt  }
tec
execute0_lowered:
.L_overlay_start_1:
0x0: {  	(tag) =	ssettag $0x1  }
0x1: {  	s12 =	stileid.u32  }
0x2: {  	s0 =	rddreg [dreg:$0x0];
	s5 =	smul.u32 $0x14000, s12  }
0x3: {  	s1 =	rddreg [dreg:$0x1];
	s10 =	smul.u32 $0x50000, s12  }
0x4: {  	s2 =	srdreg.scid;
	s3 =	simm.s32 $0x0;
	s23 =	smul.u32 $0x4E200, s12  }
0x5: {  	s28 =	simm.s32 $0x3;
	s2 =	sand.u32 $0x1, s2;
	s24 =	smul.u32 $0x4E20, s12  }
0x6: {  	s29 =	simm.s32 $0x50;
	s30 =	simm.s32 $0x2;
	s4 =	smul.u32 $0x140000, s2  }
0x7: {  	s31 =	simm.s32 $0x4;
	s6 =	sshll.u32 s12, $0x1;
	s25 =	smul.u32 $0x2710, s2  }
0x8: {  	s6 =	sor.u32 s2, s6;
	s7 =	ssub.s32 $0x2, s2;
	s2 =	smul.u32 $0x27100, s2  }
0x9: {  	[smem:$0x7FF] =	sst s3;
	s17 =	sadd.s32 $0xAA9400, s0;
	s8 =	smul.u32 $0x2710, s6  }
0xa: {  	_ =	strace $0x8000004D;
	s9 =	sshrl.u32 s7, $0x1;
	s6 =	smul.u32 $0x27100, s6  }
0xb: {  	s22 =	sshrl.u32 s10, $0x2;
	s5 =	sadd.s32 s5, s4;
	s4 =	sadd.s32 $0x13600, s0  }
0xc: {  	s16 =	ssub.s32 s7, s9;
	s10 =	sadd.s32 s22, s1;
	s22 =	simm.s32 $0x100  }
0xd: {  	s5 =	sshrl.u32 s5, $0x3;
	s18 =	sshrl.u32 s8, $0x3;
	s19 =	sadd.s32 $0x50, s8  }
0xe: {  	s6 =	sadd.s32 s17, s6;
	s11 =	smax.u32 s16, $0x1;
	s12 =	sadd.s32 $0x2800, s10  }
0xf: {  	s13 =	sadd.s32 $0x5000, s10;
	s14 =	sadd.s32 $0x7800, s10;
	s15 =	sadd.s32 $0xA000, s10  }
0x10: {  	s16 =	sadd.s32 $0xC800, s10;
	s0 =	sadd.s32 s5, s0;
	s7 =	sadd.s32 s4, s18  }
0x11: {  	s8 =	sshrl.u32 s19, $0x3;
	s20 =	sshll.u32 s19, $0x4;
	[dreg:$0x4] =	wrdreg s6  }
0x12: {  	s6 =	sadd.s32 s23, s17;
	s18 =	sadd.s32 $0x11800, s10;
	s23 =	simm.s32 $0x5  }
0x13: {  	[dreg:$0x3] =	wrdreg s7;
	s21 =	sadd.s32 s4, s8;
	s8 =	sadd.s32 s17, s20  }
.Ltmp0:
0x14: {  	s9 =	sadd.s32 $0x1D400, s0;
	s0 =	sadd.s32 s25, s24;
	(pc) =	sbr.rel .LBB2_1-.Ltmp0, $4  }
0x15: {  	s17 =	sadd.s32 $0xF000, s10;
	s2 =	sadd.s32 s2, s6;
	s24 =	simm.s32 $0x80  }
0x16: {  	s25 =	simm.s32 $0x2900;
	[dreg:$0x5] =	wrdreg s21;
	s5 =	sadd.s32 $0xF0, s0  }
0x17: {  	s6 =	sadd.s32 $0xF00, s2;
	s26 =	sshrl.u32 s5, $0x3;
	s5 =	sadd.s32 $0xA0, s0  }
0x18: {  	v0 =	vimm.f32 $0.0e+00;
	s0 =	simm.s32 $0x0;
	s20 =	sadd.s32 s26, s4;
	s26 =	simm.s32 $0x1  }
.LBB2_6:
0x19: {  	_ =	swait.ge [sflag:s26], $0x50  }
0x1a: {  	[sflag:s26] =	ssyncset.done $0x0  }
0x1b: {  	[sflag:s26] =	ssyncadd.s32 $0xFFFFFFB0  }
0x1c: {  	_ =	swait.ge [sflag:s28], $0x2800  }
0x1d: {  	[sflag:s28] =	ssyncset.done $0x0  }
0x1e: {  	[sflag:s28] =	ssyncadd.s32 $0xFFFFD800  }
0x1f: {  	[spmem:s1] =	stream.indirect.scatter.add.f32 [tilespmem:s22], [sflag:$0x5], $0x80, s3, s29, $0xb8;
	[tilespmem:$0x19100] =	vst v63  }
0x20: {  	s2 =	stileid.u32;
	_ =	swait.ge [sflag:s23], $0x2800  }
0x21: {  	s7 =	sshrl.u32 s10, $0x3;
	s0 =	sadd.s32 $0x1, s0;
	[sflag:s23] =	ssyncset.done $0x0  }
0x22: {  	s2 =	sshll.u32 s2, $0x6;
	p0 =	sne.s32 s0, s11;
	[sflag:s23] =	ssyncadd.s32 $0xFFFFD800  }
.Ltmp1:
0x23: {  	s2 =	sor.u32 $0x1C05, s2;
	[bflag:$0x0] =	sbarrier.arrive $0xFFFF;
	(pc) =	sbr.rel @!p0 .LBB2_7-.Ltmp1, $4  }
0x24: {  	[hbm:s9], [sflag:s2] =	dma.local [spmem:s7], $0x2800  }
0x25: {  	_ =	swait.ge [sflag:s23], $0x2800  }
0x26: {  	[sflag:s23] =	ssyncset.done $0x0  }
0x27: {  	[sflag:s23] =	ssyncadd.s32 $0xFFFFD800  }
.LBB2_1:
0x28: {  	s2 =	simm.s32 $0x0;
	s19 =	simm.s32 $0x200  }
.LBB2_2:
0x29: {  	p0 =	sne.s32 s19, $0x9E00;
	[tilespmem:s2+$0x170] =	vst v0  }
0x2a: {  	[tilespmem:s2+$0x100] =	vst v0  }
0x2b: {  	[tilespmem:s2+$0x110] =	vst v0  }
.Ltmp2:
0x2c: {  	[tilespmem:s2+$0x120] =	vst v0;
	(pc) =	sbr.rel @p0 .LBB2_2-.Ltmp2, $4  }
0x2d: {  	[tilespmem:s2+$0x130] =	vst v0  }
0x2e: {  	[tilespmem:s2+$0x140] =	vst v0  }
0x2f: {  	[tilespmem:s2+$0x150] =	vst v0  }
0x30: {  	[tilespmem:s2+$0x160] =	vst v0;
	s2 =	sshra.s32 s19, $0x2;
	s19 =	sadd.s32 $0x200, s19  }
0x31: {  	[tilespmem:s2+$0x170] =	vst v0  }
0x32: {  	[tilespmem:s2+$0x100] =	vst v0  }
0x33: {  	[tilespmem:s2+$0x110] =	vst v0  }
0x34: {  	[tilespmem:s2+$0x120] =	vst v0  }
0x35: {  	[tilespmem:s2+$0x130] =	vst v0  }
0x36: {  	[tilespmem:s2+$0x140] =	vst v0  }
0x37: {  	[tilespmem:s2+$0x150] =	vst v0  }
0x38: {  	[tilespmem:s2+$0x160] =	vst v0  }
0x39: {  	[spmem:s10] =	stream.linear.scatter [tilespmem:s22], [sflag:$0x5], $0x2800, $0x38;
	[tilespmem:$0x19100] =	vst v63  }
0x3a: {  	_ =	swait.ge [sflag:s23], $0x2800  }
0x3b: {  	[sflag:s23] =	ssyncset.done $0x0  }
0x3c: {  	[sflag:s23] =	ssyncadd.s32 $0xFFFFD800  }
0x3d: {  	[spmem:s12] =	stream.linear.scatter [tilespmem:s22], [sflag:$0x5], $0x2800, $0x38;
	[tilespmem:$0x19100] =	vst v63  }
0x3e: {  	_ =	swait.ge [sflag:s23], $0x2800  }
0x3f: {  	[sflag:s23] =	ssyncset.done $0x0  }
0x40: {  	[sflag:s23] =	ssyncadd.s32 $0xFFFFD800  }
0x41: {  	[spmem:s13] =	stream.linear.scatter [tilespmem:s22], [sflag:$0x5], $0x2800, $0x38;
	[tilespmem:$0x19100] =	vst v63  }
0x42: {  	_ =	swait.ge [sflag:s23], $0x2800  }
0x43: {  	[sflag:s23] =	ssyncset.done $0x0  }
0x44: {  	[sflag:s23] =	ssyncadd.s32 $0xFFFFD800  }
0x45: {  	[spmem:s14] =	stream.linear.scatter [tilespmem:s22], [sflag:$0x5], $0x2800, $0x38;
	[tilespmem:$0x19100] =	vst v63  }
0x46: {  	_ =	swait.ge [sflag:s23], $0x2800  }
0x47: {  	[sflag:s23] =	ssyncset.done $0x0  }
0x48: {  	[sflag:s23] =	ssyncadd.s32 $0xFFFFD800  }
0x49: {  	[spmem:s15] =	stream.linear.scatter [tilespmem:s22], [sflag:$0x5], $0x2800, $0x38;
	[tilespmem:$0x19100] =	vst v63  }
0x4a: {  	_ =	swait.ge [sflag:s23], $0x2800  }
0x4b: {  	[sflag:s23] =	ssyncset.done $0x0  }
0x4c: {  	[sflag:s23] =	ssyncadd.s32 $0xFFFFD800  }
0x4d: {  	[spmem:s16] =	stream.linear.scatter [tilespmem:s22], [sflag:$0x5], $0x2800, $0x38;
	[tilespmem:$0x19100] =	vst v63  }
0x4e: {  	_ =	swait.ge [sflag:s23], $0x2800  }
0x4f: {  	[sflag:s23] =	ssyncset.done $0x0  }
0x50: {  	[sflag:s23] =	ssyncadd.s32 $0xFFFFD800  }
0x51: {  	[spmem:s17] =	stream.linear.scatter [tilespmem:s22], [sflag:$0x5], $0x2800, $0x38;
	[tilespmem:$0x19100] =	vst v63  }
0x52: {  	_ =	swait.ge [sflag:s23], $0x2800  }
0x53: {  	[sflag:s23] =	ssyncset.done $0x0  }
0x54: {  	[sflag:s23] =	ssyncadd.s32 $0xFFFFD800  }
0x55: {  	[spmem:s18] =	stream.linear.scatter [tilespmem:s22], [sflag:$0x5], $0x2800, $0x38;
	[tilespmem:$0x19100] =	vst v63  }
0x56: {  	_ =	swait.ge [sflag:s23], $0x2800  }
0x57: {  	[sflag:s23] =	ssyncset.done $0x0  }
0x58: {  	[sflag:s23] =	ssyncadd.s32 $0xFFFFD800  }
0x59: {  	[bflag:$0x0] =	sbarrier.arrive $0xFFFF  }
0x5a: {  	s2 =	simm.s32 $0x0;
	s7 =	rddreg [dreg:$0x3]  }
0x5b: {  	[tilespmem:s2], [sflag:$0x1] =	stream.linear.gather [hbm4b:s7+s2], $0x50, $0x38;
	[tilespmem:$0x19100] =	vst v63  }
0x5c: {  	s19 =	rddreg [dreg:$0x4]  }
0x5d: {  	[tilespmem:s22], [sflag:$0x3] =	stream.linear.gather [hbm4b:s19+s2], $0x2800, $0x38;
	[tilespmem:$0x19100] =	vst v63  }
0x5e: {  	s21 =	rddreg [dreg:$0x5]  }
0x5f: {  	[tilespmem:s24], [sflag:$0x2] =	stream.linear.gather [hbm4b:s21+s2], $0x50, $0x38;
	[tilespmem:$0x19100] =	vst v63  }
0x60: {  	s19 =	smov.u32 s6;
	s21 =	smov.u32 s5  }
0x61: {  	[tilespmem:s25], [sflag:$0x4] =	stream.linear.gather [hbm4b:s8+s2], $0x2800, $0x38;
	[tilespmem:$0x19100] =	vst v63  }
.LBB2_4:
0x62: {  	_ =	swait.ge [sflag:s26], $0x50  }
0x63: {  	[sflag:s26] =	ssyncset.done $0x0  }
0x64: {  	[sflag:s26] =	ssyncadd.s32 $0xFFFFFFB0  }
0x65: {  	_ =	swait.ge [sflag:s28], $0x2800  }
0x66: {  	[sflag:s28] =	ssyncset.done $0x0  }
0x67: {  	[sflag:s28] =	ssyncadd.s32 $0xFFFFD800  }
0x68: {  	[spmem:s1] =	stream.indirect.scatter.add.f32 [tilespmem:s22], [sflag:$0x5], $0x80, s3, s29, $0xb8;
	[tilespmem:$0x19100] =	vst v63  }
0x69: {  	_ =	swait.ge [sflag:s23], $0x2800  }
0x6a: {  	s7 =	sshrl.u32 s21, $0x3;
	[sflag:s23] =	ssyncset.done $0x0  }
0x6b: {  	s7 =	sadd.s32 s4, s7;
	[sflag:s23] =	ssyncadd.s32 $0xFFFFD800  }
0x6c: {  	[tilespmem:s3], [sflag:$0x1] =	stream.linear.gather [hbm4b:s7+s3], $0x50, $0x38;
	[tilespmem:$0x19100] =	vst v63  }
0x6d: {  	s7 =	sadd.s32 $0xFFFFFB00, s19  }
0x6e: {  	[tilespmem:s22], [sflag:$0x3] =	stream.linear.gather [hbm4b:s7+s3], $0x2800, $0x38;
	[tilespmem:$0x19100] =	vst v63  }
0x6f: {  	_ =	swait.ge [sflag:s30], $0x50  }
0x70: {  	[sflag:s30] =	ssyncset.done $0x0  }
0x71: {  	[sflag:s30] =	ssyncadd.s32 $0xFFFFFFB0  }
0x72: {  	_ =	swait.ge [sflag:s31], $0x2800  }
0x73: {  	p0 =	seq.s32 s2, $0x4C4;
	[sflag:s31] =	ssyncset.done $0x0  }
.Ltmp3:
0x74: {  	[sflag:s31] =	ssyncadd.s32 $0xFFFFD800;
	(pc) =	sbr.rel @p0 .LBB2_6-.Ltmp3, $4  }
0x75: {  	[spmem:s1] =	stream.indirect.scatter.add.f32 [tilespmem:s25], [sflag:$0x5], $0x80, s24, s29, $0xb8;
	[tilespmem:$0x19100] =	vst v63  }
0x76: {  	_ =	swait.ge [sflag:s23], $0x2800  }
0x77: {  	[sflag:s23] =	ssyncset.done $0x0  }
0x78: {  	[sflag:s23] =	ssyncadd.s32 $0xFFFFD800  }
.Ltmp4:
0x79: {  	s7 =	sadd.s32 s2, s20;
	(pc) =	sbr.rel .LBB2_4-.Ltmp4, $4  }
0x7a: {  	[tilespmem:s24], [sflag:$0x2] =	stream.linear.gather [hbm4b:s7+s3], $0x50, $0x38;
	[tilespmem:$0x19100] =	vst v63  }
0x7b: {  	_ = 	snop  }
0x7c: {  	[tilespmem:s25], [sflag:$0x4] =	stream.linear.gather [hbm4b:s19+s3], $0x2800, $0x38;
	[tilespmem:$0x19100] =	vst v63  }
0x7d: {  	s2 =	sadd.s32 $0x14, s2;
	s21 =	sadd.s32 $0xA0, s21;
	s19 =	sadd.s32 $0xA00, s19  }
.LBB2_7:
0x7e: {  	_ =	sfence.sel $0x180000  }
0x7f: {  	[bflag:$0x0] =	sbarrier.arrive $0xFFFF  }
0x80: {  	_ =	strace $0x9000004D  }
0x81: {  	s0 =	stileid.u32;
	[bflag:$0x2] =	sbarrier.arrive $0xFFFF  }
0x82: {  	p0 =	sne.s32 s0, $0x0;
	s0 =	rddreg [dreg:$0x2]  }
0x83: {  	s0 =	sadd.s32 @!p0 $0x100000, s0  }
0x84: {  	[sflag:s0] =	ssyncadd.tile.s32 @!p0 $0x1;
	_ =	shalt  }
.Lfunc_end2:
_tile_overlayer_lowered:
.L_overlay_start_2:
0x85: {  	(tag) =	ssettag $0x2  }
0x86: {  	s0 =	rddreg [dreg:$0x0];
	s2 =	stileid.u32  }
0x87: {  	s1 =	rddreg [dreg:$0x1];
	p0 =	sne.s32 s2, $0x0  }
0x88: {  	s3 =	rddreg [dreg:$0x2];
	[bflag:$0x3] =	sbarrier.arrive $0xFFFF;
	s2 =	simm.s32 @!p0 $0x1C05  }
0x89: {  	[timem:s3], [sflag:s2] =	dma.local @!p0 [hbm:s0], s1  }
0x8a: {  	s0 =	simm.s32 @!p0 $0x5  }
0x8b: {  	_ =	swait.ge @!p0 [sflag:s0], s1  }
0x8c: {  	s1 =	ssub.s32 @!p0 $0x0, s1;
	[sflag:s0] =	ssyncset.done @!p0 $0x0  }
0x8d: {  	[sflag:s0] =	ssyncadd.s32 @!p0 s1  }
0x8e: {  	[bflag:$0x3] =	sbarrier.arrive $0xFFFF  }
0x8f: {  	_ =	shalt  }

// kernel: kernel.21.cloned.1.call-start
scs
__scs_entry_jumppad:
0x0: {  	(pc) =	sbr.rel $0x88, $3  }
0x1: {  	(tag) =	ssettag $0x0;
	lr =	simm.s32 $0x1  }
0x2: {  	[smem:$0x3F70] =	sst lr;
	_ =	strace $0xD0000000  }
0x3: {  	_ = 	snop  }
0x4: {  	_ = 	snop  }
0x5: {  	_ = 	snop  }
0x6: {  	_ = 	snop  }
0x7: {  	_ = 	snop  }
__scs_overlays_trampoline_lowered:
0x8: {  	[smem:$0x3F7F] =	sst s0  }
0x9: {  	[smem:$0x3F80] =	sst s1  }
0xa: {  	[smem:$0x3F81] =	sst s2  }
0xb: {  	[smem:$0x3F82] =	sst s3  }
0xc: {  	[smem:$0x3F83] =	sst s4  }
0xd: {  	[smem:$0x3F84] =	sst s5  }
0xe: {  	[smem:$0x3F85] =	sst s6  }
0xf: {  	[smem:$0x3F86] =	sst s7  }
0x10: {  	[smem:$0x3F87] =	sst s8  }
0x11: {  	[smem:$0x3F88] =	sst s9;
	s0 =	simm.s32 @!p0 $0x0  }
0x12: {  	s1 =	sld [smem:$0x3F6E];
	s0 =	simm.s32 @p0 $0x1  }
0x13: {  	[smem:$0x3F89] =	sst s0;
	s0 =	simm.s32 @!p1 $0x0  }
0x14: {  	s2 =	sld [smem:$0x3F6D];
	s0 =	simm.s32 @p1 $0x1  }
0x15: {  	[smem:$0x3F8A] =	sst s0;
	s0 =	simm.s32 @!p2 $0x0  }
0x16: {  	s3 =	sld [smem:$0x3FDB];
	s0 =	simm.s32 @p2 $0x1  }
0x17: {  	s4 =	simm.s32 $0x1BF5;
	[smem:$0x3F8C] =	sst s0  }
0x18: {  	s0 =	sld [smem:$0x3F6F];
	_ =	swait.ge [sflag:s4], $0x0  }
0x19: {  	s7 =	sld [smem:$0x3F70]  }
0x1a: {  	s8 =	sadd.s32 $0xFFFFE003, lr  }
0x1b: {  	s9 =	sadd.s32 $0xFFFFFEF7, lr;
	s5 =	simm.s32 $0xFFFFFFFF;
	p2 =	slt.u32 s8, $0xFFFFF086  }
0x1c: {  	p1 =	slt.u32 s9, $0xF7A;
	s5 =	simm.s32 @!p2 $0x0  }
0x1d: {  	s5 =	simm.s32 @p1 $0x1;
	p0 =	seq.s32 s7, s2  }
0x1e: {  	s7 =	smul.u32 @!p0 $0xF7A, s2;
	p2 =	seq.s32 @!p0 s5, $0x0  }
0x1f: {  	s9 =	smul.u32 $0xF7A, s1;
	s8 =	simm.s32 @!p0 $0x1BF5;
	p2 =	por !p2, p0  }
0x20: {  	[sflag:s8] =	ssyncset.s32 @!p0 $0xFFFFF086;
	s6 =	sadd.s32 @!p0 s3, s7;
	s7 =	simm.s32 @!p0 $0x108  }
0x21: {  	s3 =	sadd.s32 s3, s9;
	s6 =	sadd.s32 @!p0 $0x88, s6;
	s7 =	simm.s32 @p2 $0x1082  }
0x22: {  	[simem:s7], [sflag:s8] =	dma.local @!p0 [hbm:s6], $0xF7A  }
0x23: {  	s9 =	sor.u32 $0xD0000000, s2;
	s6 =	simm.s32 $0x108;
	_ =	swait.ge @!p0 [sflag:s8], $0x0  }
0x24: {  	s3 =	sadd.s32 $0x88, s3;
	s6 =	simm.s32 @!p1 $0x1082;
	[sflag:s4] =	ssyncset.s32 $0xFFFFF086  }
0x25: {  	[simem:s6], [sflag:s4] =	dma.local [hbm:s3], $0xF7A  }
0x26: {  	[smem:$0x3F70] =	sst s1;
	(tag) =	ssettag s2;
	_ =	strace s9  }
0x27: {  	s1 =	sld [smem:$0x3F80]  }
0x28: {  	s2 =	sld [smem:$0x3F81]  }
0x29: {  	s4 =	sld [smem:$0x3F83]  }
0x2a: {  	p0 =	seq.s32 s5, $0x0;
	s5 =	sld [smem:$0x3F84]  }
0x2b: {  	s6 =	sld [smem:$0x3F85]  }
0x2c: {  	s7 =	sld [smem:$0x3F86]  }
0x2d: {  	s3 =	simm.s32 $0x108;
	s8 =	sld [smem:$0x3F87]  }
0x2e: {  	s3 =	simm.s32 @!p0 $0x1082;
	s9 =	sld [smem:$0x3F88]  }
0x2f: {  	lr =	sadd.s32 s0, s3;
	s0 =	sld [smem:$0x3F7F]  }
0x30: {  	s3 =	sld [smem:$0x3F82]  }
0x31: {  	[smem:$0x3F8B] =	sst s10  }
0x32: {  	s10 =	sld [smem:$0x3F89];
	_ =	sdelay $0x3  }
0x33: {  	p0 =	seq.s32 s10, $0x1;
	s10 =	sld [smem:$0x3F8B];
	_ =	sdelay $0x3  }
0x34: {  	[smem:$0x3F8B] =	sst s10  }
0x35: {  	s10 =	sld [smem:$0x3F8A];
	_ =	sdelay $0x3  }
0x36: {  	p1 =	seq.s32 s10, $0x1;
	s10 =	sld [smem:$0x3F8B];
	_ =	sdelay $0x3  }
0x37: {  	[smem:$0x3F8B] =	sst s10  }
0x38: {  	s10 =	sld [smem:$0x3F8C]  }
0x39: {  	_ = 	snop;
	(pc) =	sbr.ind lr, $3  }
0x3a: {  	_ = 	snop  }
0x3b: {  	_ = 	snop  }
0x3c: {  	p2 =	seq.s32 s10, $0x1;
	s10 =	sld [smem:$0x3F8B]  }
0x3d: {  	_ =	shalt  }
0x3e: {  	_ =	shalt  }
0x3f: {  	_ =	shalt  }
0x40: {  	_ =	shalt  }
0x41: {  	_ =	shalt  }
0x42: {  	_ =	shalt  }
0x43: {  	_ =	shalt  }
0x44: {  	_ =	shalt  }
0x45: {  	_ =	shalt  }
0x46: {  	_ =	shalt  }
0x47: {  	_ =	shalt  }
0x48: {  	_ =	shalt  }
0x49: {  	_ =	shalt  }
0x4a: {  	_ =	shalt  }
0x4b: {  	_ =	shalt  }
0x4c: {  	_ =	shalt  }
0x4d: {  	_ =	shalt  }
0x4e: {  	_ =	shalt  }
0x4f: {  	_ =	shalt  }
0x50: {  	_ =	shalt  }
0x51: {  	_ =	shalt  }
0x52: {  	_ =	shalt  }
0x53: {  	_ =	shalt  }
0x54: {  	_ =	shalt  }
0x55: {  	_ =	shalt  }
0x56: {  	_ =	shalt  }
0x57: {  	_ =	shalt  }
0x58: {  	_ =	shalt  }
0x59: {  	_ =	shalt  }
0x5a: {  	_ =	shalt  }
0x5b: {  	_ =	shalt  }
0x5c: {  	_ =	shalt  }
0x5d: {  	_ =	shalt  }
0x5e: {  	_ =	shalt  }
0x5f: {  	_ =	shalt  }
0x60: {  	_ =	shalt  }
0x61: {  	_ =	shalt  }
0x62: {  	_ =	shalt  }
0x63: {  	_ =	shalt  }
0x64: {  	_ =	shalt  }
0x65: {  	_ =	shalt  }
0x66: {  	_ =	shalt  }
0x67: {  	_ =	shalt  }
0x68: {  	_ =	shalt  }
0x69: {  	_ =	shalt  }
0x6a: {  	_ =	shalt  }
0x6b: {  	_ =	shalt  }
0x6c: {  	_ =	shalt  }
0x6d: {  	_ =	shalt  }
0x6e: {  	_ =	shalt  }
0x6f: {  	_ =	shalt  }
0x70: {  	_ =	shalt  }
0x71: {  	_ =	shalt  }
0x72: {  	_ =	shalt  }
0x73: {  	_ =	shalt  }
0x74: {  	_ =	shalt  }
0x75: {  	_ =	shalt  }
0x76: {  	_ =	shalt  }
0x77: {  	_ =	shalt  }
0x78: {  	_ =	shalt  }
0x79: {  	_ =	shalt  }
0x7a: {  	_ =	shalt  }
0x7b: {  	_ =	shalt  }
0x7c: {  	_ =	shalt  }
0x7d: {  	_ =	shalt  }
0x7e: {  	_ =	shalt  }
0x7f: {  	_ =	shalt  }
0x80: {  	_ =	shalt  }
0x81: {  	_ =	shalt  }
0x82: {  	_ =	shalt  }
0x83: {  	_ =	shalt  }
0x84: {  	_ =	shalt  }
0x85: {  	_ =	shalt  }
0x86: {  	_ =	shalt  }
0x87: {  	_ =	shalt  }
.Lfunc_end0:
.L_simem_size_0:
called_computation.3_lowered:
.L_overlay_start_0:
0x88: {  	s2 =	sld [smem:$0x3FD9]  }
0x89: {  	s3 =	sld [smem:$0x3FFE];
	_ =	sdelay $0x1  }
0x8a: {  	s1 =	srdreg.scid  }
0x8b: {  	s0 =	sand.u32 $0x1, s1  }
0x8c: {  	s16 =	sshll.u32 s0, $0xA;
	s2 =	sadd.s32 s3, s2  }
0x8d: {  	s2 =	sadd.s32 s2, s16  }
0x8e: {  	[smem:$0x3F97] =	sst s2  }
0x8f: {  	_ = 	snop  }
0x90: {  	(tm) =	ssettm $0x1  }
0x91: {  	s17 =	sld [smem:$0x3FFB];
	_ =	sdelay $0x3  }
0x92: {  	_ =	strace s17  }
0x93: {  	s2 =	sld [smem:$0x3FFC];
	_ =	sdelay $0x3  }
0x94: {  	_ =	strace s2  }
0x95: {  	s2 =	sld [smem:$0x3FFD];
	_ =	sdelay $0x3  }
0x96: {  	_ =	strace s2  }
0x97: {  	_ =	strace $0x8FFFFFFF  }
0x98: {  	s18 =	sld [smem:$0x3FDB];
	_ =	sdelay $0x1  }
0x99: {  	s19 =	simm.s32 $_scs_section_size  }
0x9a: {  	s4 =	simm.s32 $_size__tile_overlayer_lowered;
	s5 =	simm.s32 $_tile_overlayer_lowered  }
0x9b: {  	s22 =	simm.s32 $0x1BFF;
	s21 =	sshll.u32 s5, $0x1;
	s2 =	sadd.s32 s19, s18  }
0x9c: {  	s6 =	simm.s32 $0x0;
	s20 =	sshll.u32 s4, $0x1;
	s4 =	sadd.s32 s21, s2  }
0x9d: {  	[timem:s6], [sflag:s22] =	dma.local [hbm:s4], s20  }
0x9e: {  	_ =	swait.ge [sflag:s22], s20  }
0x9f: {  	s3 =	ssub.s32 $0x0, s20;
	[sflag:s22] =	ssyncset.done $0x0  }
0xa0: {  	[sflag:s22] =	ssyncadd.s32 s3;
	_ =	sdelay $0x1  }
0xa1: {  	s23 =	simm.s32 $0x1B8B  }
0xa2: {  	_ =	swait.ge [sflag:s23], $0x1  }
0xa3: {  	[sflag:s23] =	ssyncset.done $0x0  }
0xa4: {  	s25 =	simm.s32 $0x1B8E;
	s24 =	sld [smem:$0x3FFE];
	[sflag:s23] =	ssyncadd.s32 $0xFFFFFFFF  }
0xa5: {  	s26 =	simm.s32 $execute0_lowered;
	[smem:$0x3FD2] =	sst s25  }
0xa6: {  	s4 =	sshll.u32 s26, $0x1;
	_ =	strace $0x8000004F;
	[dreg:$0x1] =	wrdreg $0xFFFFFFFF  }
0xa7: {  	s28 =	simm.s32 $_size_execute0_lowered;
	s2 =	sadd.s32 s2, s4;
	[dreg:$0x0] =	wrdreg $0x0  }
0xa8: {  	s4 =	sshll.u32 s28, $0x1;
	[dreg:$0x2] =	wrdreg s2  }
0xa9: {  	[dreg:$0x3] =	wrdreg s4  }
0xaa: {  	[dreg:$0x4] =	wrdreg $0xC0  }
0xab: {  	_ =	task [dreg:s6], $0x5FFFF  }
0xac: {  	[dreg:$0x1] =	wrdreg $0xFFFFFFFF  }
0xad: {  	[dreg:$0x0] =	wrdreg $0x60  }
0xae: {  	[dreg:$0x2] =	wrdreg s24  }
0xaf: {  	[dreg:$0x3] =	wrdreg $0x9  }
0xb0: {  	_ =	task.clear_ibuf [dreg:s6], $0x4FFFF;
	_ =	strace $0x9000004F  }
0xb1: {  	s29 =	simm.s32 $0x9;
	_ =	strace $0x80000051  }
0xb2: {  	_ =	swait.ge [sflag:s29], $0x1  }
0xb3: {  	[sflag:s29] =	ssyncadd.s32 $0xFFFFFFFF  }
0xb4: {  	_ =	strace $0x90000051  }
0xb5: {  	_ =	sfence  }
0xb6: {  	s30 =	sld [smem:$0x0];
	_ =	sdelay $0x2  }
0xb7: {  	s31 =	sshll.u32 s1, $0xD;
	s1 =	sshrl.u32 s1, $0x2  }
0xb8: {  	s3 =	sand.u32 $0x4000, s31;
	s1 =	sadd.s32 s1, s30  }
0xb9: {  	s0 =	sor.u32 s3, s0;
	s1 =	sshll.u32 s1, $0x11  }
0xba: {  	s0 =	sor.u32 s1, s0  }
0xbb: {  	s0 =	sadd.s32 $0x8F2B, s0  }
0xbc: {  	[sflag:s0] =	ssyncadd.remote.s32 $0x1  }
0xbd: {  	_ =	sfence.sel $0xFFFF  }
0xbe: {  	[dreg:$0x0] =	wrdreg $0xFFFFFFFF;
	(pc) =	sbr.abs _section_cstart, $3  }
0xbf: {  	[dreg:$0x1] =	wrdreg $0xFFFFFFFF  }
0xc0: {  	_ =	task.clear_ibuf [dreg:s6], $0x2FFFF;
	_ =	strace $0x9FFFFFFF  }
0xc1: {  	(tm) =	ssettm $0x7FFFFFFF  }
tec
execute0_lowered:
.L_overlay_start_1:
0x0: {  	(tag) =	ssettag $0x1  }
0x1: {  	s1 =	srdreg.scid  }
0x2: {  	s0 =	stileid.u32;
	s6 =	rddreg [dreg:$0x0];
	s2 =	simm.s32 $0x0  }
0x3: {  	s10 =	simm.s32 $0x7;
	s11 =	simm.s32 $0x2780;
	s12 =	simm.s32 $0x50  }
0x4: {  	s13 =	simm.s32 $0x4F00;
	s14 =	simm.s32 $0x9F00;
	s15 =	simm.s32 $0x1  }
0x5: {  	s16 =	simm.s32 $0x3;
	s17 =	simm.s32 $0x7700;
	s18 =	simm.s32 $0xC700  }
0x6: {  	s19 =	simm.s32 $0x2;
	s7 =	sand.u32 $0x1, s1;
	s3 =	sshll.u32 s0, $0x1  }
0x7: {  	s20 =	simm.s32 $0x4;
	s21 =	simm.s32 $0x5;
	s3 =	sor.u32 s7, s3  }
0x8: {  	s22 =	simm.s32 $0x6;
	s23 =	simm.s32 $0x0;
	s3 =	smul.u32 $0x2710, s3  }
.Ltmp0:
0x9: {  	s1 =	rddreg [dreg:$0x1];
	s7 =	ssub.s32 $0x2, s7;
	(pc) =	sbr.rel .LBB2_1-.Ltmp0, $4  }
0xa: {  	[smem:$0x7FF] =	sst s2;
	s4 =	sadd.s32 $0x1D400, s6;
	s9 =	sshrl.u32 s7, $0x1  }
0xb: {  	s5 =	sadd.s32 $0x45400, s6;
	s9 =	ssub.s32 s7, s9;
	s8 =	sshrl.u32 s3, $0x3  }
0xc: {  	_ =	strace $0x80000050;
	s9 =	smax.u32 s9, $0x1;
	s8 =	sadd.s32 s8, s6  }
0xd: {  	s6 =	sadd.s32 $0x95400, s6;
	s7 =	sadd.s32 $0x13600, s8;
	s8 =	sadd.s32 $0x9800, s8  }
.LBB2_9:
0xe: {  	s23 =	sadd.s32 $0x1, s23  }
0xf: {  	_ =	swait.ge [sflag:s22], $0x2800;
	p0 =	sne.s32 s23, s9  }
.Ltmp1:
0x10: {  	[sflag:s22] =	ssyncset.done $0x0;
	(pc) =	sbr.rel @!p0 .LBB2_10-.Ltmp1, $4  }
0x11: {  	[sflag:s22] =	ssyncadd.s32 $0xFFFFD800  }
0x12: {  	_ =	swait.ge [sflag:s21], $0x2800  }
0x13: {  	[sflag:s21] =	ssyncset.done $0x0  }
0x14: {  	[sflag:s21] =	ssyncadd.s32 $0xFFFFD800  }
.LBB2_1:
0x15: {  	[tilespmem:s2], [sflag:$0x7] =	stream.linear.gather [hbm4b:s7+s2], $0x2710, $0x38;
	[tilespmem:$0xEF00] =	vst v63  }
0x16: {  	_ =	swait.ge [sflag:s10], $0x2710  }
0x17: {  	[sflag:s10] =	ssyncset.done $0x0  }
0x18: {  	[sflag:s10] =	ssyncadd.s32 $0xFFFFD8F0  }
0x19: {  	[tilespmem:s11], [sflag:$0x7] =	stream.linear.gather [hbm4b:s8+s2], $0x2710, $0x38;
	[tilespmem:$0xEF00] =	vst v63  }
0x1a: {  	_ =	swait.ge [sflag:s10], $0x2710  }
.Ltmp2:
0x1b: {  	[sflag:s10] =	ssyncset.done $0x0;
	(pc) =	sbr.rel .LBB2_2-.Ltmp2, $4  }
0x1c: {  	[sflag:s10] =	ssyncadd.s32 $0xFFFFD8F0  }
0x1d: {  	[tilespmem:s13], [sflag:$0x1] =	stream.indirect.gather [hbm4b:s4+s12], $0x80, s2, s12, $0xb8;
	[tilespmem:$0xEF00] =	vst v63  }
0x1e: {  	s24 =	simm.s32 $0x0  }
0x1f: {  	[tilespmem:s14], [sflag:$0x3] =	stream.indirect.gather [hbm4b:s5+s12], $0x80, s11, s12, $0xb8;
	[tilespmem:$0xEF00] =	vst v63  }
.LBB2_8:
0x20: {  	s24 =	sadd.s32 $0x1, s24  }
0x21: {  	p0 =	sne.s32 s24, $0x3F  }
.Ltmp3:
0x22: {  	_ = 	snop;
	(pc) =	sbr.rel @!p0 .LBB2_9-.Ltmp3, $1  }
0x23: {  	_ =	sdelay $0x3  }
.LBB2_2:
0x24: {  	_ =	swait.ge [sflag:s15], $0x2800  }
0x25: {  	[sflag:s15] =	ssyncset.done $0x0  }
0x26: {  	[sflag:s15] =	ssyncadd.s32 $0xFFFFD800  }
0x27: {  	_ =	swait.ge [sflag:s16], $0x2800  }
0x28: {  	[sflag:s16] =	ssyncset.done $0x0  }
0x29: {  	s26 =	simm.s32 $0x0;
	[sflag:s16] =	ssyncadd.s32 $0xFFFFD800  }
0x2a: {  	v6 =	vld [tilespmem:s26+$0x9F00]  }
0x2b: {  	v11 =	vld [tilespmem:s26+$0x9F10]  }
0x2c: {  	v5 =	vld [tilespmem:s26+$0x9F20]  }
0x2d: {  	v4 =	vld [tilespmem:s26+$0x9F30]  }
0x2e: {  	v3 =	vld [tilespmem:s26+$0x9F40]  }
0x2f: {  	v2 =	vld [tilespmem:s26+$0x9F50]  }
0x30: {  	v1 =	vld [tilespmem:s26+$0x9F60]  }
0x31: {  	v0 =	vld [tilespmem:s26+$0x9F70]  }
0x32: {  	v12 =	vld [tilespmem:s26+$0x4F00]  }
0x33: {  	v13 =	vld [tilespmem:s26+$0x4F10]  }
0x34: {  	v10 =	vld [tilespmem:s26+$0x4F20]  }
0x35: {  	v9 =	vld [tilespmem:s26+$0x4F30]  }
0x36: {  	v8 =	vld [tilespmem:s26+$0x4F40]  }
0x37: {  	v7 =	vld [tilespmem:s26+$0x4F50];
	v12 =	vadd.f32 v6, v12  }
0x38: {  	s25 =	simm.s32 $0x200;
	v11 =	vadd.f32 v11, v13;
	v6 =	vld [tilespmem:s26+$0x4F60]  }
.LBB2_3:
0x39: {  	s28 =	sshra.s32 s25, $0x2;
	p0 =	sne.s32 s25, $0x9E00;
	[tilespmem:s26+$0x4F00] =	vst v12;
	v5 =	vadd.f32 v5, v10;
	v10 =	vld [tilespmem:s26+$0x4F70]  }
0x3a: {  	v12 =	vld [tilespmem:s28+$0x9F00];
	[tilespmem:s26+$0x4F10] =	vst v11;
	v4 =	vadd.f32 v4, v9  }
0x3b: {  	v11 =	vld [tilespmem:s28+$0x9F10];
	[tilespmem:s26+$0x4F20] =	vst v5;
	v3 =	vadd.f32 v3, v8  }
0x3c: {  	v5 =	vld [tilespmem:s28+$0x9F20];
	[tilespmem:s26+$0x4F30] =	vst v4;
	v2 =	vadd.f32 v2, v7  }
0x3d: {  	v4 =	vld [tilespmem:s28+$0x9F30];
	[tilespmem:s26+$0x4F40] =	vst v3;
	v1 =	vadd.f32 v1, v6  }
0x3e: {  	v3 =	vld [tilespmem:s28+$0x9F40];
	[tilespmem:s26+$0x4F50] =	vst v2;
	v0 =	vadd.f32 v0, v10  }
0x3f: {  	v2 =	vld [tilespmem:s28+$0x9F50];
	[tilespmem:s26+$0x4F60] =	vst v1  }
0x40: {  	v1 =	vld [tilespmem:s28+$0x9F60];
	[tilespmem:s26+$0x4F70] =	vst v0;
	s26 =	smov.u32 s28  }
0x41: {  	v0 =	vld [tilespmem:s26+$0x9F70]  }
0x42: {  	v6 =	vld [tilespmem:s26+$0x4F00]  }
0x43: {  	v13 =	vld [tilespmem:s26+$0x4F10]  }
.Ltmp4:
0x44: {  	v10 =	vld [tilespmem:s26+$0x4F20];
	(pc) =	sbr.rel @p0 .LBB2_3-.Ltmp4, $4  }
0x45: {  	v9 =	vld [tilespmem:s26+$0x4F30]  }
0x46: {  	v8 =	vld [tilespmem:s26+$0x4F40]  }
0x47: {  	v12 =	vadd.f32 v12, v6;
	v7 =	vld [tilespmem:s26+$0x4F50]  }
0x48: {  	s25 =	sadd.s32 $0x200, s25;
	v11 =	vadd.f32 v11, v13;
	v6 =	vld [tilespmem:s26+$0x4F60]  }
0x49: {  	[tilespmem:s26+$0x4F00] =	vst v12;
	v5 =	vadd.f32 v5, v10;
	v63 =	vld [tilespmem:s26+$0x4F70]  }
0x4a: {  	[tilespmem:s26+$0x4F10] =	vst v11;
	v4 =	vadd.f32 v4, v9  }
0x4b: {  	[tilespmem:s26+$0x4F20] =	vst v5;
	v3 =	vadd.f32 v3, v8  }
0x4c: {  	[tilespmem:s26+$0x4F30] =	vst v4;
	v2 =	vadd.f32 v2, v7  }
0x4d: {  	[tilespmem:s26+$0x4F40] =	vst v3;
	v1 =	vadd.f32 v1, v6  }
0x4e: {  	[tilespmem:s26+$0x4F50] =	vst v2;
	v0 =	vadd.f32 v0, v63  }
0x4f: {  	[tilespmem:s26+$0x4F60] =	vst v1  }
0x50: {  	[tilespmem:s26+$0x4F70] =	vst v0;
	s26 =	sshllo.u32 s24, $0x1  }
0x51: {  	s25 =	smul.u32 $0xA0, s24;
	p0 =	sgt.u32 s26, $0x7C  }
.Ltmp5:
0x52: {  	_ = 	snop;
	(pc) =	sbr.rel @p0 .LBB2_8-.Ltmp5, $4  }
0x53: {  	s28 =	sadd.s32 s3, s25  }
0x54: {  	s28 =	sshll.u32 s28, $0x4  }
0x55: {  	s31 =	sadd.s32 s6, s28  }
0x56: {  	[hbm4b:s31+s2] =	stream.linear.scatter [tilespmem:s13], [sflag:$0x5], $0x2800, $0x38;
	[tilespmem:$0xEF00] =	vst v63  }
0x57: {  	p0 =	seq.s32 s24, $0x0  }
0x58: {  	s28 =	simm.s32 @!p0 $0x6  }
0x59: {  	_ =	swait.ge @!p0 [sflag:s28], $0x2800  }
0x5a: {  	s26 =	smul.u32 $0x50, s26;
	[sflag:s28] =	ssyncset.done @!p0 $0x0  }
0x5b: {  	[sflag:s28] =	ssyncadd.s32 @!p0 $0xFFFFD800  }
0x5c: {  	[tilespmem:s17], [sflag:$0x2] =	stream.indirect.gather [hbm4b:s4+s12], $0x80, s26, s12, $0xb8;
	[tilespmem:$0xEF00] =	vst v63  }
0x5d: {  	s28 =	sadd.s32 $0x2780, s26  }
0x5e: {  	[tilespmem:s18], [sflag:$0x4] =	stream.indirect.gather [hbm4b:s5+s12], $0x80, s28, s12, $0xb8;
	[tilespmem:$0xEF00] =	vst v63  }
0x5f: {  	_ =	swait.ge [sflag:s19], $0x2800  }
0x60: {  	[sflag:s19] =	ssyncset.done $0x0  }
0x61: {  	[sflag:s19] =	ssyncadd.s32 $0xFFFFD800  }
0x62: {  	_ =	swait.ge [sflag:s20], $0x2800  }
0x63: {  	[sflag:s20] =	ssyncset.done $0x0  }
0x64: {  	s28 =	simm.s32 $0x0;
	[sflag:s20] =	ssyncadd.s32 $0xFFFFD800  }
0x65: {  	v7 =	vld [tilespmem:s28+$0xC700]  }
0x66: {  	v11 =	vld [tilespmem:s28+$0xC710]  }
0x67: {  	v5 =	vld [tilespmem:s28+$0xC720]  }
0x68: {  	v4 =	vld [tilespmem:s28+$0xC730]  }
0x69: {  	v3 =	vld [tilespmem:s28+$0xC740]  }
0x6a: {  	v2 =	vld [tilespmem:s28+$0xC750]  }
0x6b: {  	v1 =	vld [tilespmem:s28+$0xC760]  }
0x6c: {  	v0 =	vld [tilespmem:s28+$0xC770]  }
0x6d: {  	v12 =	vld [tilespmem:s28+$0x7700]  }
0x6e: {  	v13 =	vld [tilespmem:s28+$0x7710]  }
0x6f: {  	v10 =	vld [tilespmem:s28+$0x7720]  }
0x70: {  	v9 =	vld [tilespmem:s28+$0x7730]  }
0x71: {  	v8 =	vld [tilespmem:s28+$0x7740]  }
0x72: {  	v6 =	vld [tilespmem:s28+$0x7750];
	v12 =	vadd.f32 v7, v12  }
0x73: {  	s29 =	simm.s32 $0x200;
	v11 =	vadd.f32 v11, v13;
	v7 =	vld [tilespmem:s28+$0x7760]  }
.LBB2_6:
0x74: {  	s30 =	sshra.s32 s29, $0x2;
	p0 =	sne.s32 s29, $0x9E00;
	[tilespmem:s28+$0x7700] =	vst v12;
	v5 =	vadd.f32 v5, v10;
	v10 =	vld [tilespmem:s28+$0x7770]  }
0x75: {  	v12 =	vld [tilespmem:s30+$0xC700];
	[tilespmem:s28+$0x7710] =	vst v11;
	v4 =	vadd.f32 v4, v9  }
0x76: {  	v11 =	vld [tilespmem:s30+$0xC710];
	[tilespmem:s28+$0x7720] =	vst v5;
	v3 =	vadd.f32 v3, v8  }
0x77: {  	v5 =	vld [tilespmem:s30+$0xC720];
	[tilespmem:s28+$0x7730] =	vst v4;
	v2 =	vadd.f32 v2, v6  }
0x78: {  	v4 =	vld [tilespmem:s30+$0xC730];
	[tilespmem:s28+$0x7740] =	vst v3;
	v1 =	vadd.f32 v1, v7  }
0x79: {  	v3 =	vld [tilespmem:s30+$0xC740];
	[tilespmem:s28+$0x7750] =	vst v2;
	v0 =	vadd.f32 v0, v10  }
0x7a: {  	v2 =	vld [tilespmem:s30+$0xC750];
	[tilespmem:s28+$0x7760] =	vst v1  }
0x7b: {  	v1 =	vld [tilespmem:s30+$0xC760];
	[tilespmem:s28+$0x7770] =	vst v0;
	s28 =	smov.u32 s30  }
0x7c: {  	v0 =	vld [tilespmem:s28+$0xC770]  }
0x7d: {  	v6 =	vld [tilespmem:s28+$0x7700]  }
0x7e: {  	v7 =	vld [tilespmem:s28+$0x7710]  }
.Ltmp6:
0x7f: {  	v10 =	vld [tilespmem:s28+$0x7720];
	(pc) =	sbr.rel @p0 .LBB2_6-.Ltmp6, $4  }
0x80: {  	v9 =	vld [tilespmem:s28+$0x7730]  }
0x81: {  	v8 =	vld [tilespmem:s28+$0x7740]  }
0x82: {  	v12 =	vadd.f32 v12, v6;
	v6 =	vld [tilespmem:s28+$0x7750]  }
0x83: {  	s29 =	sadd.s32 $0x200, s29;
	v11 =	vadd.f32 v11, v7;
	v7 =	vld [tilespmem:s28+$0x7760]  }
0x84: {  	[tilespmem:s28+$0x7700] =	vst v12;
	v5 =	vadd.f32 v5, v10;
	v63 =	vld [tilespmem:s28+$0x7770]  }
0x85: {  	[tilespmem:s28+$0x7710] =	vst v11;
	v4 =	vadd.f32 v4, v9  }
0x86: {  	[tilespmem:s28+$0x7720] =	vst v5;
	v3 =	vadd.f32 v3, v8  }
0x87: {  	[tilespmem:s28+$0x7730] =	vst v4;
	v2 =	vadd.f32 v2, v6  }
0x88: {  	[tilespmem:s28+$0x7740] =	vst v3;
	v1 =	vadd.f32 v1, v7  }
0x89: {  	s26 =	sadd.s32 s3, s26;
	[tilespmem:s28+$0x7750] =	vst v2;
	v0 =	vadd.f32 v0, v63  }
0x8a: {  	s26 =	sshll.u32 s26, $0x4;
	[tilespmem:s28+$0x7760] =	vst v1  }
0x8b: {  	s26 =	sadd.s32 s6, s26;
	[tilespmem:s28+$0x7770] =	vst v0  }
0x8c: {  	[hbm4b:s26+s2] =	stream.linear.scatter [tilespmem:s17], [sflag:$0x6], $0x2800, $0x38;
	[tilespmem:$0xEF00] =	vst v63  }
0x8d: {  	_ =	swait.ge [sflag:s21], $0x2800  }
.Ltmp7:
0x8e: {  	[sflag:s21] =	ssyncset.done $0x0;
	(pc) =	sbr.rel .LBB2_8-.Ltmp7, $4  }
0x8f: {  	s30 =	sadd.s32 $0xA0, s25;
	[sflag:s21] =	ssyncadd.s32 $0xFFFFD800  }
0x90: {  	[tilespmem:s13], [sflag:$0x1] =	stream.indirect.gather [hbm4b:s4+s12], $0x80, s30, s12, $0xb8;
	[tilespmem:$0xEF00] =	vst v63  }
0x91: {  	s31 =	sadd.s32 $0x2820, s25  }
0x92: {  	[tilespmem:s14], [sflag:$0x3] =	stream.indirect.gather [hbm4b:s5+s12], $0x80, s31, s12, $0xb8;
	[tilespmem:$0xEF00] =	vst v63  }
.LBB2_10:
0x93: {  	_ =	sfence.sel $0x180000  }
0x94: {  	[bflag:$0x0] =	sbarrier.arrive $0xFFFF  }
0x95: {  	p0 =	sne.s32 s0, $0x0;
	_ =	strace $0x90000050  }
0x96: {  	s0 =	sadd.s32 @!p0 $0x100000, s1;
	[bflag:$0x2] =	sbarrier.arrive $0xFFFF  }
0x97: {  	[sflag:s0] =	ssyncadd.tile.s32 @!p0 $0x1;
	_ =	shalt  }
.Lfunc_end2:
_tile_overlayer_lowered:
.L_overlay_start_2:
0x98: {  	(tag) =	ssettag $0x2  }
0x99: {  	s0 =	rddreg [dreg:$0x0];
	s2 =	stileid.u32  }
0x9a: {  	s1 =	rddreg [dreg:$0x1];
	p0 =	sne.s32 s2, $0x0  }
0x9b: {  	s3 =	rddreg [dreg:$0x2];
	[bflag:$0x3] =	sbarrier.arrive $0xFFFF;
	s2 =	simm.s32 @!p0 $0x1C07  }
0x9c: {  	[timem:s3], [sflag:s2] =	dma.local @!p0 [hbm:s0], s1  }
0x9d: {  	s0 =	simm.s32 @!p0 $0x7  }
0x9e: {  	_ =	swait.ge @!p0 [sflag:s0], s1  }
0x9f: {  	s1 =	ssub.s32 @!p0 $0x0, s1;
	[sflag:s0] =	ssyncset.done @!p0 $0x0  }
0xa0: {  	[sflag:s0] =	ssyncadd.s32 @!p0 s1  }
0xa1: {  	[bflag:$0x3] =	sbarrier.arrive $0xFFFF  }
0xa2: {  	_ =	shalt  }

// kernel: kernel.24.cloned.1.call-start
scs
__scs_entry_jumppad:
0x0: {  	(pc) =	sbr.rel $0x88, $3  }
0x1: {  	(tag) =	ssettag $0x0;
	lr =	simm.s32 $0x1  }
0x2: {  	[smem:$0x3F70] =	sst lr;
	_ =	strace $0xD0000000  }
0x3: {  	_ = 	snop  }
0x4: {  	_ = 	snop  }
0x5: {  	_ = 	snop  }
0x6: {  	_ = 	snop  }
0x7: {  	_ = 	snop  }
__scs_overlays_trampoline_lowered:
0x8: {  	[smem:$0x3F7F] =	sst s0  }
0x9: {  	[smem:$0x3F80] =	sst s1  }
0xa: {  	[smem:$0x3F81] =	sst s2  }
0xb: {  	[smem:$0x3F82] =	sst s3  }
0xc: {  	[smem:$0x3F83] =	sst s4  }
0xd: {  	[smem:$0x3F84] =	sst s5  }
0xe: {  	[smem:$0x3F85] =	sst s6  }
0xf: {  	[smem:$0x3F86] =	sst s7  }
0x10: {  	[smem:$0x3F87] =	sst s8  }
0x11: {  	[smem:$0x3F88] =	sst s9;
	s0 =	simm.s32 @!p0 $0x0  }
0x12: {  	s1 =	sld [smem:$0x3F6E];
	s0 =	simm.s32 @p0 $0x1  }
0x13: {  	[smem:$0x3F89] =	sst s0;
	s0 =	simm.s32 @!p1 $0x0  }
0x14: {  	s2 =	sld [smem:$0x3F6D];
	s0 =	simm.s32 @p1 $0x1  }
0x15: {  	[smem:$0x3F8A] =	sst s0;
	s0 =	simm.s32 @!p2 $0x0  }
0x16: {  	s3 =	sld [smem:$0x3FDB];
	s0 =	simm.s32 @p2 $0x1  }
0x17: {  	s4 =	simm.s32 $0x1BF5;
	[smem:$0x3F8C] =	sst s0  }
0x18: {  	s0 =	sld [smem:$0x3F6F];
	_ =	swait.ge [sflag:s4], $0x0  }
0x19: {  	s7 =	sld [smem:$0x3F70]  }
0x1a: {  	s8 =	sadd.s32 $0xFFFFE003, lr  }
0x1b: {  	s9 =	sadd.s32 $0xFFFFFEF7, lr;
	s5 =	simm.s32 $0xFFFFFFFF;
	p2 =	slt.u32 s8, $0xFFFFF086  }
0x1c: {  	p1 =	slt.u32 s9, $0xF7A;
	s5 =	simm.s32 @!p2 $0x0  }
0x1d: {  	s5 =	simm.s32 @p1 $0x1;
	p0 =	seq.s32 s7, s2  }
0x1e: {  	s7 =	smul.u32 @!p0 $0xF7A, s2;
	p2 =	seq.s32 @!p0 s5, $0x0  }
0x1f: {  	s9 =	smul.u32 $0xF7A, s1;
	s8 =	simm.s32 @!p0 $0x1BF5;
	p2 =	por !p2, p0  }
0x20: {  	[sflag:s8] =	ssyncset.s32 @!p0 $0xFFFFF086;
	s6 =	sadd.s32 @!p0 s3, s7;
	s7 =	simm.s32 @!p0 $0x108  }
0x21: {  	s3 =	sadd.s32 s3, s9;
	s6 =	sadd.s32 @!p0 $0x88, s6;
	s7 =	simm.s32 @p2 $0x1082  }
0x22: {  	[simem:s7], [sflag:s8] =	dma.local @!p0 [hbm:s6], $0xF7A  }
0x23: {  	s9 =	sor.u32 $0xD0000000, s2;
	s6 =	simm.s32 $0x108;
	_ =	swait.ge @!p0 [sflag:s8], $0x0  }
0x24: {  	s3 =	sadd.s32 $0x88, s3;
	s6 =	simm.s32 @!p1 $0x1082;
	[sflag:s4] =	ssyncset.s32 $0xFFFFF086  }
0x25: {  	[simem:s6], [sflag:s4] =	dma.local [hbm:s3], $0xF7A  }
0x26: {  	[smem:$0x3F70] =	sst s1;
	(tag) =	ssettag s2;
	_ =	strace s9  }
0x27: {  	s1 =	sld [smem:$0x3F80]  }
0x28: {  	s2 =	sld [smem:$0x3F81]  }
0x29: {  	s4 =	sld [smem:$0x3F83]  }
0x2a: {  	p0 =	seq.s32 s5, $0x0;
	s5 =	sld [smem:$0x3F84]  }
0x2b: {  	s6 =	sld [smem:$0x3F85]  }
0x2c: {  	s7 =	sld [smem:$0x3F86]  }
0x2d: {  	s3 =	simm.s32 $0x108;
	s8 =	sld [smem:$0x3F87]  }
0x2e: {  	s3 =	simm.s32 @!p0 $0x1082;
	s9 =	sld [smem:$0x3F88]  }
0x2f: {  	lr =	sadd.s32 s0, s3;
	s0 =	sld [smem:$0x3F7F]  }
0x30: {  	s3 =	sld [smem:$0x3F82]  }
0x31: {  	[smem:$0x3F8B] =	sst s10  }
0x32: {  	s10 =	sld [smem:$0x3F89];
	_ =	sdelay $0x3  }
0x33: {  	p0 =	seq.s32 s10, $0x1;
	s10 =	sld [smem:$0x3F8B];
	_ =	sdelay $0x3  }
0x34: {  	[smem:$0x3F8B] =	sst s10  }
0x35: {  	s10 =	sld [smem:$0x3F8A];
	_ =	sdelay $0x3  }
0x36: {  	p1 =	seq.s32 s10, $0x1;
	s10 =	sld [smem:$0x3F8B];
	_ =	sdelay $0x3  }
0x37: {  	[smem:$0x3F8B] =	sst s10  }
0x38: {  	s10 =	sld [smem:$0x3F8C]  }
0x39: {  	_ = 	snop;
	(pc) =	sbr.ind lr, $3  }
0x3a: {  	_ = 	snop  }
0x3b: {  	_ = 	snop  }
0x3c: {  	p2 =	seq.s32 s10, $0x1;
	s10 =	sld [smem:$0x3F8B]  }
0x3d: {  	_ =	shalt  }
0x3e: {  	_ =	shalt  }
0x3f: {  	_ =	shalt  }
0x40: {  	_ =	shalt  }
0x41: {  	_ =	shalt  }
0x42: {  	_ =	shalt  }
0x43: {  	_ =	shalt  }
0x44: {  	_ =	shalt  }
0x45: {  	_ =	shalt  }
0x46: {  	_ =	shalt  }
0x47: {  	_ =	shalt  }
0x48: {  	_ =	shalt  }
0x49: {  	_ =	shalt  }
0x4a: {  	_ =	shalt  }
0x4b: {  	_ =	shalt  }
0x4c: {  	_ =	shalt  }
0x4d: {  	_ =	shalt  }
0x4e: {  	_ =	shalt  }
0x4f: {  	_ =	shalt  }
0x50: {  	_ =	shalt  }
0x51: {  	_ =	shalt  }
0x52: {  	_ =	shalt  }
0x53: {  	_ =	shalt  }
0x54: {  	_ =	shalt  }
0x55: {  	_ =	shalt  }
0x56: {  	_ =	shalt  }
0x57: {  	_ =	shalt  }
0x58: {  	_ =	shalt  }
0x59: {  	_ =	shalt  }
0x5a: {  	_ =	shalt  }
0x5b: {  	_ =	shalt  }
0x5c: {  	_ =	shalt  }
0x5d: {  	_ =	shalt  }
0x5e: {  	_ =	shalt  }
0x5f: {  	_ =	shalt  }
0x60: {  	_ =	shalt  }
0x61: {  	_ =	shalt  }
0x62: {  	_ =	shalt  }
0x63: {  	_ =	shalt  }
0x64: {  	_ =	shalt  }
0x65: {  	_ =	shalt  }
0x66: {  	_ =	shalt  }
0x67: {  	_ =	shalt  }
0x68: {  	_ =	shalt  }
0x69: {  	_ =	shalt  }
0x6a: {  	_ =	shalt  }
0x6b: {  	_ =	shalt  }
0x6c: {  	_ =	shalt  }
0x6d: {  	_ =	shalt  }
0x6e: {  	_ =	shalt  }
0x6f: {  	_ =	shalt  }
0x70: {  	_ =	shalt  }
0x71: {  	_ =	shalt  }
0x72: {  	_ =	shalt  }
0x73: {  	_ =	shalt  }
0x74: {  	_ =	shalt  }
0x75: {  	_ =	shalt  }
0x76: {  	_ =	shalt  }
0x77: {  	_ =	shalt  }
0x78: {  	_ =	shalt  }
0x79: {  	_ =	shalt  }
0x7a: {  	_ =	shalt  }
0x7b: {  	_ =	shalt  }
0x7c: {  	_ =	shalt  }
0x7d: {  	_ =	shalt  }
0x7e: {  	_ =	shalt  }
0x7f: {  	_ =	shalt  }
0x80: {  	_ =	shalt  }
0x81: {  	_ =	shalt  }
0x82: {  	_ =	shalt  }
0x83: {  	_ =	shalt  }
0x84: {  	_ =	shalt  }
0x85: {  	_ =	shalt  }
0x86: {  	_ =	shalt  }
0x87: {  	_ =	shalt  }
.Lfunc_end0:
.L_simem_size_0:
called_computation.4_lowered:
.L_overlay_start_0:
0x88: {  	s2 =	sld [smem:$0x3FD9]  }
0x89: {  	s3 =	sld [smem:$0x3FFE];
	_ =	sdelay $0x1  }
0x8a: {  	s1 =	srdreg.scid  }
0x8b: {  	s0 =	sand.u32 $0x1, s1  }
0x8c: {  	s16 =	sshll.u32 s0, $0xA;
	s2 =	sadd.s32 s3, s2  }
0x8d: {  	s2 =	sadd.s32 s2, s16  }
0x8e: {  	[smem:$0x3F97] =	sst s2  }
0x8f: {  	_ = 	snop  }
0x90: {  	(tm) =	ssettm $0x1  }
0x91: {  	s17 =	sld [smem:$0x3FFB];
	_ =	sdelay $0x3  }
0x92: {  	_ =	strace s17  }
0x93: {  	s2 =	sld [smem:$0x3FFC];
	_ =	sdelay $0x3  }
0x94: {  	_ =	strace s2  }
0x95: {  	s2 =	sld [smem:$0x3FFD];
	_ =	sdelay $0x3  }
0x96: {  	_ =	strace s2  }
0x97: {  	_ =	strace $0x8FFFFFFF  }
0x98: {  	s18 =	sld [smem:$0x3FDB];
	_ =	sdelay $0x1  }
0x99: {  	s19 =	simm.s32 $_scs_section_size  }
0x9a: {  	s4 =	simm.s32 $_size__tile_overlayer_lowered;
	s5 =	simm.s32 $_tile_overlayer_lowered  }
0x9b: {  	s22 =	simm.s32 $0x1BFF;
	s21 =	sshll.u32 s5, $0x1;
	s2 =	sadd.s32 s19, s18  }
0x9c: {  	s6 =	simm.s32 $0x0;
	s20 =	sshll.u32 s4, $0x1;
	s4 =	sadd.s32 s21, s2  }
0x9d: {  	[timem:s6], [sflag:s22] =	dma.local [hbm:s4], s20  }
0x9e: {  	_ =	swait.ge [sflag:s22], s20  }
0x9f: {  	s3 =	ssub.s32 $0x0, s20;
	[sflag:s22] =	ssyncset.done $0x0  }
0xa0: {  	[sflag:s22] =	ssyncadd.s32 s3;
	_ =	sdelay $0x1  }
0xa1: {  	s23 =	simm.s32 $0x1B8B  }
0xa2: {  	_ =	swait.ge [sflag:s23], $0x1  }
0xa3: {  	[sflag:s23] =	ssyncset.done $0x0  }
0xa4: {  	s25 =	simm.s32 $0x1B8E;
	s24 =	sld [smem:$0x3FFE];
	[sflag:s23] =	ssyncadd.s32 $0xFFFFFFFF  }
0xa5: {  	s26 =	simm.s32 $execute0_lowered;
	[smem:$0x3FD2] =	sst s25  }
0xa6: {  	s4 =	sshll.u32 s26, $0x1;
	_ =	strace $0x80000052;
	[dreg:$0x1] =	wrdreg $0xFFFFFFFF  }
0xa7: {  	s28 =	simm.s32 $_size_execute0_lowered;
	s2 =	sadd.s32 s2, s4;
	[dreg:$0x0] =	wrdreg $0x0  }
0xa8: {  	s4 =	sshll.u32 s28, $0x1;
	[dreg:$0x2] =	wrdreg s2  }
0xa9: {  	[dreg:$0x3] =	wrdreg s4  }
0xaa: {  	[dreg:$0x4] =	wrdreg $0xC0  }
0xab: {  	_ =	task [dreg:s6], $0x5FFFF  }
0xac: {  	[dreg:$0x1] =	wrdreg $0xFFFFFFFF  }
0xad: {  	[dreg:$0x0] =	wrdreg $0x60  }
0xae: {  	[dreg:$0x2] =	wrdreg s24  }
0xaf: {  	[dreg:$0x3] =	wrdreg $0x51000  }
0xb0: {  	[dreg:$0x4] =	wrdreg $0x9  }
0xb1: {  	_ =	task.clear_ibuf [dreg:s6], $0x5FFFF;
	_ =	strace $0x90000052  }
0xb2: {  	s29 =	simm.s32 $0x9;
	_ =	strace $0x80000054  }
0xb3: {  	_ =	swait.ge [sflag:s29], $0x1  }
0xb4: {  	[sflag:s29] =	ssyncadd.s32 $0xFFFFFFFF  }
0xb5: {  	_ =	strace $0x90000054  }
0xb6: {  	_ =	sfence  }
0xb7: {  	s30 =	sld [smem:$0x0];
	_ =	sdelay $0x2  }
0xb8: {  	s31 =	sshll.u32 s1, $0xD;
	s1 =	sshrl.u32 s1, $0x2  }
0xb9: {  	s3 =	sand.u32 $0x4000, s31;
	s1 =	sadd.s32 s1, s30  }
0xba: {  	s0 =	sor.u32 s3, s0;
	s1 =	sshll.u32 s1, $0x11  }
0xbb: {  	s0 =	sor.u32 s1, s0  }
0xbc: {  	s0 =	sadd.s32 $0x8F2B, s0  }
0xbd: {  	[sflag:s0] =	ssyncadd.remote.s32 $0x1  }
0xbe: {  	_ =	sfence.sel $0xFFFF  }
0xbf: {  	[dreg:$0x0] =	wrdreg $0xFFFFFFFF;
	(pc) =	sbr.abs _section_cstart, $3  }
0xc0: {  	[dreg:$0x1] =	wrdreg $0xFFFFFFFF  }
0xc1: {  	_ =	task.clear_ibuf [dreg:s6], $0x2FFFF;
	_ =	strace $0x9FFFFFFF  }
0xc2: {  	(tm) =	ssettm $0x7FFFFFFF  }
0xc3: {  	_ =	shalt  }
tec
execute0_lowered:
.L_overlay_start_1:
0x0: {  	(tag) =	ssettag $0x1  }
0x1: {  	s12 =	stileid.u32  }
0x2: {  	s0 =	rddreg [dreg:$0x0];
	s5 =	smul.u32 $0x14000, s12  }
0x3: {  	s1 =	rddreg [dreg:$0x1];
	s10 =	smul.u32 $0x50000, s12  }
0x4: {  	s2 =	srdreg.scid;
	s3 =	simm.s32 $0x0;
	s23 =	smul.u32 $0x4E200, s12  }
0x5: {  	s28 =	simm.s32 $0x3;
	s2 =	sand.u32 $0x1, s2;
	s24 =	smul.u32 $0x4E20, s12  }
0x6: {  	s29 =	simm.s32 $0x50;
	s30 =	simm.s32 $0x2;
	s4 =	smul.u32 $0x140000, s2  }
0x7: {  	s31 =	simm.s32 $0x4;
	s6 =	sshll.u32 s12, $0x1;
	s25 =	smul.u32 $0x2710, s2  }
0x8: {  	s6 =	sor.u32 s2, s6;
	s7 =	ssub.s32 $0x2, s2;
	s2 =	smul.u32 $0x27100, s2  }
0x9: {  	[smem:$0x7FF] =	sst s3;
	s17 =	sadd.s32 $0x577400, s0;
	s8 =	smul.u32 $0x2710, s6  }
0xa: {  	_ =	strace $0x80000053;
	s9 =	sshrl.u32 s7, $0x1;
	s6 =	smul.u32 $0x27100, s6  }
0xb: {  	s22 =	sshrl.u32 s10, $0x2;
	s5 =	sadd.s32 s5, s4;
	s4 =	sadd.s32 $0x13600, s0  }
0xc: {  	s16 =	ssub.s32 s7, s9;
	s10 =	sadd.s32 s22, s1;
	s22 =	simm.s32 $0x100  }
0xd: {  	s5 =	sshrl.u32 s5, $0x3;
	s18 =	sshrl.u32 s8, $0x3;
	s19 =	sadd.s32 $0x50, s8  }
0xe: {  	s6 =	sadd.s32 s17, s6;
	s11 =	smax.u32 s16, $0x1;
	s12 =	sadd.s32 $0x2800, s10  }
0xf: {  	s13 =	sadd.s32 $0x5000, s10;
	s14 =	sadd.s32 $0x7800, s10;
	s15 =	sadd.s32 $0xA000, s10  }
0x10: {  	s16 =	sadd.s32 $0xC800, s10;
	s0 =	sadd.s32 s5, s0;
	s7 =	sadd.s32 s4, s18  }
0x11: {  	s8 =	sshrl.u32 s19, $0x3;
	s20 =	sshll.u32 s19, $0x4;
	[dreg:$0x4] =	wrdreg s6  }
0x12: {  	s6 =	sadd.s32 s23, s17;
	s18 =	sadd.s32 $0x11800, s10;
	s23 =	simm.s32 $0x5  }
0x13: {  	[dreg:$0x3] =	wrdreg s7;
	s21 =	sadd.s32 s4, s8;
	s8 =	sadd.s32 s17, s20  }
.Ltmp0:
0x14: {  	s9 =	sadd.s32 $0x1D400, s0;
	s0 =	sadd.s32 s25, s24;
	(pc) =	sbr.rel .LBB2_1-.Ltmp0, $4  }
0x15: {  	s17 =	sadd.s32 $0xF000, s10;
	s2 =	sadd.s32 s2, s6;
	s24 =	simm.s32 $0x80  }
0x16: {  	s25 =	simm.s32 $0x2900;
	[dreg:$0x5] =	wrdreg s21;
	s5 =	sadd.s32 $0xF0, s0  }
0x17: {  	s6 =	sadd.s32 $0xF00, s2;
	s26 =	sshrl.u32 s5, $0x3;
	s5 =	sadd.s32 $0xA0, s0  }
0x18: {  	v0 =	vimm.f32 $0.0e+00;
	s0 =	simm.s32 $0x0;
	s20 =	sadd.s32 s26, s4;
	s26 =	simm.s32 $0x1  }
.LBB2_6:
0x19: {  	_ =	swait.ge [sflag:s26], $0x50  }
0x1a: {  	[sflag:s26] =	ssyncset.done $0x0  }
0x1b: {  	[sflag:s26] =	ssyncadd.s32 $0xFFFFFFB0  }
0x1c: {  	_ =	swait.ge [sflag:s28], $0x2800  }
0x1d: {  	[sflag:s28] =	ssyncset.done $0x0  }
0x1e: {  	[sflag:s28] =	ssyncadd.s32 $0xFFFFD800  }
0x1f: {  	[spmem:s1] =	stream.indirect.scatter.add.f32 [tilespmem:s22], [sflag:$0x5], $0x80, s3, s29, $0xb8;
	[tilespmem:$0x19100] =	vst v63  }
0x20: {  	s2 =	stileid.u32;
	_ =	swait.ge [sflag:s23], $0x2800  }
0x21: {  	s7 =	sshrl.u32 s10, $0x3;
	s0 =	sadd.s32 $0x1, s0;
	[sflag:s23] =	ssyncset.done $0x0  }
0x22: {  	s2 =	sshll.u32 s2, $0x6;
	p0 =	sne.s32 s0, s11;
	[sflag:s23] =	ssyncadd.s32 $0xFFFFD800  }
.Ltmp1:
0x23: {  	s2 =	sor.u32 $0x1C05, s2;
	[bflag:$0x0] =	sbarrier.arrive $0xFFFF;
	(pc) =	sbr.rel @!p0 .LBB2_7-.Ltmp1, $4  }
0x24: {  	[hbm:s9], [sflag:s2] =	dma.local [spmem:s7], $0x2800  }
0x25: {  	_ =	swait.ge [sflag:s23], $0x2800  }
0x26: {  	[sflag:s23] =	ssyncset.done $0x0  }
0x27: {  	[sflag:s23] =	ssyncadd.s32 $0xFFFFD800  }
.LBB2_1:
0x28: {  	s2 =	simm.s32 $0x0;
	s19 =	simm.s32 $0x200  }
.LBB2_2:
0x29: {  	p0 =	sne.s32 s19, $0x9E00;
	[tilespmem:s2+$0x170] =	vst v0  }
0x2a: {  	[tilespmem:s2+$0x100] =	vst v0  }
0x2b: {  	[tilespmem:s2+$0x110] =	vst v0  }
.Ltmp2:
0x2c: {  	[tilespmem:s2+$0x120] =	vst v0;
	(pc) =	sbr.rel @p0 .LBB2_2-.Ltmp2, $4  }
0x2d: {  	[tilespmem:s2+$0x130] =	vst v0  }
0x2e: {  	[tilespmem:s2+$0x140] =	vst v0  }
0x2f: {  	[tilespmem:s2+$0x150] =	vst v0  }
0x30: {  	[tilespmem:s2+$0x160] =	vst v0;
	s2 =	sshra.s32 s19, $0x2;
	s19 =	sadd.s32 $0x200, s19  }
0x31: {  	[tilespmem:s2+$0x170] =	vst v0  }
0x32: {  	[tilespmem:s2+$0x100] =	vst v0  }
0x33: {  	[tilespmem:s2+$0x110] =	vst v0  }
0x34: {  	[tilespmem:s2+$0x120] =	vst v0  }
0x35: {  	[tilespmem:s2+$0x130] =	vst v0  }
0x36: {  	[tilespmem:s2+$0x140] =	vst v0  }
0x37: {  	[tilespmem:s2+$0x150] =	vst v0  }
0x38: {  	[tilespmem:s2+$0x160] =	vst v0  }
0x39: {  	[spmem:s10] =	stream.linear.scatter [tilespmem:s22], [sflag:$0x5], $0x2800, $0x38;
	[tilespmem:$0x19100] =	vst v63  }
0x3a: {  	_ =	swait.ge [sflag:s23], $0x2800  }
0x3b: {  	[sflag:s23] =	ssyncset.done $0x0  }
0x3c: {  	[sflag:s23] =	ssyncadd.s32 $0xFFFFD800  }
0x3d: {  	[spmem:s12] =	stream.linear.scatter [tilespmem:s22], [sflag:$0x5], $0x2800, $0x38;
	[tilespmem:$0x19100] =	vst v63  }
0x3e: {  	_ =	swait.ge [sflag:s23], $0x2800  }
0x3f: {  	[sflag:s23] =	ssyncset.done $0x0  }
0x40: {  	[sflag:s23] =	ssyncadd.s32 $0xFFFFD800  }
0x41: {  	[spmem:s13] =	stream.linear.scatter [tilespmem:s22], [sflag:$0x5], $0x2800, $0x38;
	[tilespmem:$0x19100] =	vst v63  }
0x42: {  	_ =	swait.ge [sflag:s23], $0x2800  }
0x43: {  	[sflag:s23] =	ssyncset.done $0x0  }
0x44: {  	[sflag:s23] =	ssyncadd.s32 $0xFFFFD800  }
0x45: {  	[spmem:s14] =	stream.linear.scatter [tilespmem:s22], [sflag:$0x5], $0x2800, $0x38;
	[tilespmem:$0x19100] =	vst v63  }
0x46: {  	_ =	swait.ge [sflag:s23], $0x2800  }
0x47: {  	[sflag:s23] =	ssyncset.done $0x0  }
0x48: {  	[sflag:s23] =	ssyncadd.s32 $0xFFFFD800  }
0x49: {  	[spmem:s15] =	stream.linear.scatter [tilespmem:s22], [sflag:$0x5], $0x2800, $0x38;
	[tilespmem:$0x19100] =	vst v63  }
0x4a: {  	_ =	swait.ge [sflag:s23], $0x2800  }
0x4b: {  	[sflag:s23] =	ssyncset.done $0x0  }
0x4c: {  	[sflag:s23] =	ssyncadd.s32 $0xFFFFD800  }
0x4d: {  	[spmem:s16] =	stream.linear.scatter [tilespmem:s22], [sflag:$0x5], $0x2800, $0x38;
	[tilespmem:$0x19100] =	vst v63  }
0x4e: {  	_ =	swait.ge [sflag:s23], $0x2800  }
0x4f: {  	[sflag:s23] =	ssyncset.done $0x0  }
0x50: {  	[sflag:s23] =	ssyncadd.s32 $0xFFFFD800  }
0x51: {  	[spmem:s17] =	stream.linear.scatter [tilespmem:s22], [sflag:$0x5], $0x2800, $0x38;
	[tilespmem:$0x19100] =	vst v63  }
0x52: {  	_ =	swait.ge [sflag:s23], $0x2800  }
0x53: {  	[sflag:s23] =	ssyncset.done $0x0  }
0x54: {  	[sflag:s23] =	ssyncadd.s32 $0xFFFFD800  }
0x55: {  	[spmem:s18] =	stream.linear.scatter [tilespmem:s22], [sflag:$0x5], $0x2800, $0x38;
	[tilespmem:$0x19100] =	vst v63  }
0x56: {  	_ =	swait.ge [sflag:s23], $0x2800  }
0x57: {  	[sflag:s23] =	ssyncset.done $0x0  }
0x58: {  	[sflag:s23] =	ssyncadd.s32 $0xFFFFD800  }
0x59: {  	[bflag:$0x0] =	sbarrier.arrive $0xFFFF  }
0x5a: {  	s2 =	simm.s32 $0x0;
	s7 =	rddreg [dreg:$0x3]  }
0x5b: {  	[tilespmem:s2], [sflag:$0x1] =	stream.linear.gather [hbm4b:s7+s2], $0x50, $0x38;
	[tilespmem:$0x19100] =	vst v63  }
0x5c: {  	s19 =	rddreg [dreg:$0x4]  }
0x5d: {  	[tilespmem:s22], [sflag:$0x3] =	stream.linear.gather [hbm4b:s19+s2], $0x2800, $0x38;
	[tilespmem:$0x19100] =	vst v63  }
0x5e: {  	s21 =	rddreg [dreg:$0x5]  }
0x5f: {  	[tilespmem:s24], [sflag:$0x2] =	stream.linear.gather [hbm4b:s21+s2], $0x50, $0x38;
	[tilespmem:$0x19100] =	vst v63  }
0x60: {  	s19 =	smov.u32 s6;
	s21 =	smov.u32 s5  }
0x61: {  	[tilespmem:s25], [sflag:$0x4] =	stream.linear.gather [hbm4b:s8+s2], $0x2800, $0x38;
	[tilespmem:$0x19100] =	vst v63  }
.LBB2_4:
0x62: {  	_ =	swait.ge [sflag:s26], $0x50  }
0x63: {  	[sflag:s26] =	ssyncset.done $0x0  }
0x64: {  	[sflag:s26] =	ssyncadd.s32 $0xFFFFFFB0  }
0x65: {  	_ =	swait.ge [sflag:s28], $0x2800  }
0x66: {  	[sflag:s28] =	ssyncset.done $0x0  }
0x67: {  	[sflag:s28] =	ssyncadd.s32 $0xFFFFD800  }
0x68: {  	[spmem:s1] =	stream.indirect.scatter.add.f32 [tilespmem:s22], [sflag:$0x5], $0x80, s3, s29, $0xb8;
	[tilespmem:$0x19100] =	vst v63  }
0x69: {  	_ =	swait.ge [sflag:s23], $0x2800  }
0x6a: {  	s7 =	sshrl.u32 s21, $0x3;
	[sflag:s23] =	ssyncset.done $0x0  }
0x6b: {  	s7 =	sadd.s32 s4, s7;
	[sflag:s23] =	ssyncadd.s32 $0xFFFFD800  }
0x6c: {  	[tilespmem:s3], [sflag:$0x1] =	stream.linear.gather [hbm4b:s7+s3], $0x50, $0x38;
	[tilespmem:$0x19100] =	vst v63  }
0x6d: {  	s7 =	sadd.s32 $0xFFFFFB00, s19  }
0x6e: {  	[tilespmem:s22], [sflag:$0x3] =	stream.linear.gather [hbm4b:s7+s3], $0x2800, $0x38;
	[tilespmem:$0x19100] =	vst v63  }
0x6f: {  	_ =	swait.ge [sflag:s30], $0x50  }
0x70: {  	[sflag:s30] =	ssyncset.done $0x0  }
0x71: {  	[sflag:s30] =	ssyncadd.s32 $0xFFFFFFB0  }
0x72: {  	_ =	swait.ge [sflag:s31], $0x2800  }
0x73: {  	p0 =	seq.s32 s2, $0x4C4;
	[sflag:s31] =	ssyncset.done $0x0  }
.Ltmp3:
0x74: {  	[sflag:s31] =	ssyncadd.s32 $0xFFFFD800;
	(pc) =	sbr.rel @p0 .LBB2_6-.Ltmp3, $4  }
0x75: {  	[spmem:s1] =	stream.indirect.scatter.add.f32 [tilespmem:s25], [sflag:$0x5], $0x80, s24, s29, $0xb8;
	[tilespmem:$0x19100] =	vst v63  }
0x76: {  	_ =	swait.ge [sflag:s23], $0x2800  }
0x77: {  	[sflag:s23] =	ssyncset.done $0x0  }
0x78: {  	[sflag:s23] =	ssyncadd.s32 $0xFFFFD800  }
.Ltmp4:
0x79: {  	s7 =	sadd.s32 s2, s20;
	(pc) =	sbr.rel .LBB2_4-.Ltmp4, $4  }
0x7a: {  	[tilespmem:s24], [sflag:$0x2] =	stream.linear.gather [hbm4b:s7+s3], $0x50, $0x38;
	[tilespmem:$0x19100] =	vst v63  }
0x7b: {  	_ = 	snop  }
0x7c: {  	[tilespmem:s25], [sflag:$0x4] =	stream.linear.gather [hbm4b:s19+s3], $0x2800, $0x38;
	[tilespmem:$0x19100] =	vst v63  }
0x7d: {  	s2 =	sadd.s32 $0x14, s2;
	s21 =	sadd.s32 $0xA0, s21;
	s19 =	sadd.s32 $0xA00, s19  }
.LBB2_7:
0x7e: {  	_ =	sfence.sel $0x180000  }
0x7f: {  	[bflag:$0x0] =	sbarrier.arrive $0xFFFF  }
0x80: {  	_ =	strace $0x90000053  }
0x81: {  	s0 =	stileid.u32;
	[bflag:$0x2] =	sbarrier.arrive $0xFFFF  }
0x82: {  	p0 =	sne.s32 s0, $0x0;
	s0 =	rddreg [dreg:$0x2]  }
0x83: {  	s0 =	sadd.s32 @!p0 $0x100000, s0  }
0x84: {  	[sflag:s0] =	ssyncadd.tile.s32 @!p0 $0x1;
	_ =	shalt  }
.Lfunc_end2:
_tile_overlayer_lowered:
.L_overlay_start_2:
0x85: {  	(tag) =	ssettag $0x2  }
0x86: {  	s0 =	rddreg [dreg:$0x0];
	s2 =	stileid.u32  }
0x87: {  	s1 =	rddreg [dreg:$0x1];
	p0 =	sne.s32 s2, $0x0  }
0x88: {  	s3 =	rddreg [dreg:$0x2];
	[bflag:$0x3] =	sbarrier.arrive $0xFFFF;
	s2 =	simm.s32 @!p0 $0x1C05  }
0x89: {  	[timem:s3], [sflag:s2] =	dma.local @!p0 [hbm:s0], s1  }
0x8a: {  	s0 =	simm.s32 @!p0 $0x5  }
0x8b: {  	_ =	swait.ge @!p0 [sflag:s0], s1  }
0x8c: {  	s1 =	ssub.s32 @!p0 $0x0, s1;
	[sflag:s0] =	ssyncset.done @!p0 $0x0  }
0x8d: {  	[sflag:s0] =	ssyncadd.s32 @!p0 s1  }
0x8e: {  	[bflag:$0x3] =	sbarrier.arrive $0xFFFF  }
0x8f: {  	_ =	shalt  }

</sc_bundles>
